<compile_context>
chip_gen: v7x
topology: tpu7x:2x2x1
jax: 0.10.2.dev20260603
libtpu: 0.0.44.dev20260713+nightly
codegen_flags: <defaults>
</compile_context>

<pallas_src>
import jax
import jax.numpy as jnp
from jax.experimental import pallas as pl
from jax.experimental.pallas import tpu as pltpu

_N = 4096
_D = 128
_H = 64
_Z = 16
_CAUSAL = 8
_E = 131072
_M = 2
_SIZE_COEF = 1e-4
_KL_COEF = 1.0
_VGAE_COEF = 1.0

_RT = 128
_G = _N // _RT


_CT = 512


def _combine(s, t, deg, W, relu_cols):
    n, k = s.shape
    f = W.shape[1]

    def body(s_ref, t_ref, d_ref, w_ref, o_ref):
        w = w_ref[...]
        sw = jnp.dot(s_ref[...], w, preferred_element_type=jnp.float32)
        tw = jnp.dot(t_ref[...], w, preferred_element_type=jnp.float32)
        o = sw / d_ref[...] + tw
        if relu_cols is None:
            o = jax.nn.relu(o)
        else:
            cols = jax.lax.broadcasted_iota(jnp.int32, (_CT, f), 1)
            o = jnp.where(cols < relu_cols, jax.nn.relu(o), o)
        o_ref[...] = o

    return pl.pallas_call(
        body,
        grid=(n // _CT,),
        in_specs=[
            pl.BlockSpec((_CT, k), lambda i: (i, 0)),
            pl.BlockSpec((_CT, k), lambda i: (i, 0)),
            pl.BlockSpec((_CT, 1), lambda i: (i, 0)),
            pl.BlockSpec((k, f), lambda i: (0, 0)),
        ],
        out_specs=pl.BlockSpec((_CT, f), lambda i: (i, 0)),
        out_shape=jax.ShapeDtypeStruct((n, f), jnp.float32),
    )(s, t, deg, W)


def _sweep_body(z_ref, zt_ref, ct_ref, mu_ref, lv_ref, org_ref, out_ref):
    i = pl.program_id(0)
    z = z_ref[...]
    s = jnp.dot(z, zt_ref[...], preferred_element_type=jnp.float32)
    r = jax.nn.sigmoid(s)
    log_neg = jnp.log(1.0 - r + 1e-8)
    bce_all = jnp.sum(log_neg)
    rows = jax.lax.broadcasted_iota(jnp.int32, (_RT, _N), 0) + i * _RT
    cols = jax.lax.broadcasted_iota(jnp.int32, (_RT, _N), 1)
    on = jnp.logical_or(org_ref[...] > 0.0, rows == cols)
    corr = jnp.sum(jnp.where(on, jnp.log(r + 1e-8) - log_neg, 0.0))
    c = z[:, :_CAUSAL]
    sc = jnp.dot(c, ct_ref[...], preferred_element_type=jnp.float32)
    size_sum = jnp.sum(jax.nn.sigmoid(sc))
    muv = mu_ref[...]
    lvv = lv_ref[...]
    klz_part = jnp.sum(1.0 + lvv - muv * muv - jnp.exp(lvv))
    row = jnp.concatenate([
        jnp.reshape(bce_all + corr, (1,)),
        jnp.reshape(size_sum, (1,)),
        jnp.reshape(klz_part, (1,)),
        jnp.zeros((125,), jnp.float32),
    ])[None, :]
    out_ref[pl.ds(i, 1), :] = row


def _decoder_losses(all_z, mu, logvar, org_mask):
    zt = all_z.T
    ct = all_z[:, :_CAUSAL].T
    out = pl.pallas_call(
        _sweep_body,
        grid=(_G,),
        in_specs=[
            pl.BlockSpec((_RT, _Z), lambda i: (i, 0)),
            pl.BlockSpec((_Z, _N), lambda i: (0, 0)),
            pl.BlockSpec((_CAUSAL, _N), lambda i: (0, 0)),
            pl.BlockSpec((_RT, _Z), lambda i: (i, 0)),
            pl.BlockSpec((_RT, _Z), lambda i: (i, 0)),
            pl.BlockSpec((_RT, _N), lambda i: (i, 0)),
        ],
        out_specs=pl.BlockSpec((_G, 128), lambda i: (0, 0)),
        out_shape=jax.ShapeDtypeStruct((_G, 128), jnp.float32),
    )(all_z, zt, ct, mu, logvar, org_mask)
    sums = jnp.sum(out, axis=0)
    bce = -sums[0] / (_N * _N)
    size_loss = _SIZE_COEF * sums[1] / (_N * _N)
    klz = (-0.5 / _N) * sums[2]
    return bce, size_loss, klz


def kernel(x, edge_index, eps, W1, W_mu, W_lv, Wc1, Wc2, Wout):
    src = edge_index[0]
    dst = edge_index[1]

    x_aug = jnp.concatenate([x, jnp.ones((_N, 1), jnp.float32)], axis=1)
    g_xa = jnp.take(x_aug, src, axis=0)
    s_xa = jax.ops.segment_sum(g_xa, dst, num_segments=_N)
    s_x = s_xa[:, :_D]
    deg = jnp.clip(s_xa[:, _D:], 1.0)

    hh = _combine(s_x, x, deg, jnp.concatenate([Wc1, W1], axis=1), None)
    s_cat = jax.ops.segment_sum(jnp.take(hh, src, axis=0), dst,
                                num_segments=_N)
    w_top = jnp.concatenate([Wc2, jnp.zeros((_H, 2 * _Z), jnp.float32)], axis=1)
    w_bot = jnp.concatenate([jnp.zeros((_H, _H), jnp.float32), W_mu, W_lv], axis=1)
    cat2 = _combine(s_cat, hh, deg, jnp.concatenate([w_top, w_bot], axis=0), _H)
    h2o = cat2[:, :_H]
    mu = cat2[:, _H:_H + _Z]
    logvar = cat2[:, _H + _Z:]
    orig_logits = jnp.mean(h2o, axis=0, keepdims=True) @ Wout
    all_z = mu + jnp.exp(0.5 * logvar) * eps
    caul_z = all_z[:, :_CAUSAL]

    c_both = jnp.take(caul_z, jnp.concatenate([src, dst]), axis=0)
    edge_attn = jax.nn.sigmoid(
        jnp.sum(c_both[:_E] * c_both[_E:], axis=1, keepdims=True))

    s_xw = jax.ops.segment_sum(g_xa[:, :_D] * edge_attn, dst,
                               num_segments=_N)
    h1m = _combine(s_xw, x, deg, Wc1, None)
    s_m = jax.ops.segment_sum(jnp.take(h1m, src, axis=0) * edge_attn, dst,
                              num_segments=_N)
    h2m = _combine(s_m, h1m, deg, Wc2, None)
    masked_logits = jnp.mean(h2m, axis=0, keepdims=True) @ Wout

    org_mask = jnp.zeros((_N, _N), jnp.float32).at[
        jnp.concatenate([src, dst]), jnp.concatenate([dst, src])].add(1.0)

    bce, size_loss, klz = _decoder_losses(all_z, mu, logvar, org_mask)

    logp = jax.nn.log_softmax(masked_logits, axis=1)
    p = jax.nn.softmax(orig_logits, axis=1)
    kl_loss = _KL_COEF * jnp.sum(p * (jnp.log(p + 1e-12) - logp)) / masked_logits.shape[0]
    vgae_loss = _VGAE_COEF * (bce + klz)
    loss = size_loss + kl_loss + vgae_loss
    return (loss, orig_logits, edge_attn.reshape(-1))

# --- scband reference (transcript-rebuilt; emitter-appended) ---
"""Pipeline reference for scband-orphicx-73753178407632 (READ-ONLY COPY).

The authoritative reference and input builder live on the scoring server;
editing this copy changes nothing except your own understanding.
"""

import jax, jax.numpy as jnp
import numpy as np

N = 4096
D = 128
H = 64
Z = 16
CAUSAL = 8
E = 131072
M = 2
SIZE_COEF = 1e-4
KL_COEF = 1.0
VGAE_COEF = 1.0


def setup_inputs(seed: int = 0) -> dict:
    key = jax.random.key(seed)
    ks = jax.random.split(key, 9)
    x = jax.random.normal(ks[0], (N, D), dtype=jnp.float32)
    edge_index = jax.random.randint(ks[1], (2, E), 0, N, dtype=jnp.int32)
    eps = jax.random.normal(ks[2], (N, Z), dtype=jnp.float32)
    W1 = jax.random.normal(ks[3], (D, H), dtype=jnp.float32) * 0.05
    W_mu = jax.random.normal(ks[4], (H, Z), dtype=jnp.float32) * 0.05
    W_lv = jax.random.normal(ks[5], (H, Z), dtype=jnp.float32) * 0.05
    Wc1 = jax.random.normal(ks[6], (D, H), dtype=jnp.float32) * 0.05
    Wc2 = jax.random.normal(ks[7], (H, H), dtype=jnp.float32) * 0.05
    Wout = jax.random.normal(ks[8], (H, M), dtype=jnp.float32) * 0.05
    return {"x": x, "edge_index": edge_index, "eps": eps, "W1": W1,
            "W_mu": W_mu, "W_lv": W_lv, "Wc1": Wc1, "Wc2": Wc2, "Wout": Wout}


def _deg(src, dst, n, dtype):
    d = jax.ops.segment_sum(jnp.ones((src.shape[0], 1), dtype), dst, num_segments=n)
    return jnp.clip(d, 1.0)


def _gcn_relu(x, src, dst, W, n, edge_w=None):
    h = x @ W
    m = jnp.take(h, src, axis=0)
    if edge_w is not None:
        m = m * edge_w
    agg = jax.ops.segment_sum(m, dst, num_segments=n)
    return jax.nn.relu(agg / _deg(src, dst, n, x.dtype) + h)


def _gcn_lin(x, src, dst, W, n):
    h = x @ W
    agg = jax.ops.segment_sum(jnp.take(h, src, axis=0), dst, num_segments=n)
    return agg / _deg(src, dst, n, x.dtype) + h


def _clf(x, src, dst, Wc1, Wc2, Wout, edge_w=None):
    h = _gcn_relu(x, src, dst, Wc1, N, edge_w)
    h = _gcn_relu(h, src, dst, Wc2, N, edge_w)
    g = jnp.mean(h, axis=0, keepdims=True)
    return g @ Wout


def reference(x, edge_index, eps, W1, W_mu, W_lv, Wc1, Wc2, Wout):
    src = edge_index[0]
    dst = edge_index[1]
    # original classifier logits
    orig_logits = _clf(x, src, dst, Wc1, Wc2, Wout)
    # VGAE encoder (GCN backbone + GCN mu/logvar heads)
    h = _gcn_relu(x, src, dst, W1, N)
    mu = _gcn_lin(h, src, dst, W_mu, N)
    logvar = _gcn_lin(h, src, dst, W_lv, N)
    all_z = mu + jnp.exp(0.5 * logvar) * eps
    # causal-only latent: zero spurious dims
    caul_z = jnp.zeros_like(all_z).at[:, :CAUSAL].set(all_z[:, :CAUSAL])
    # inner-product decoder -> dense NxN adjacencies
    attn_adj = jax.nn.sigmoid(caul_z @ caul_z.T)
    recovered_adj = jax.nn.sigmoid(all_z @ all_z.T)
    # org adjacency: eye + symmetric scatter of edges
    org_adj = jnp.eye(N, dtype=x.dtype).at[src, dst].set(1.0).at[dst, src].set(1.0)
    # edge attention: gather attn_adj at edge endpoints (vectorized loop)
    edge_attn = attn_adj[src, dst][:, None]
    # masked classifier
    masked_logits = _clf(x, src, dst, Wc1, Wc2, Wout, edge_w=edge_attn)
    # losses
    size_loss = SIZE_COEF * jnp.mean(attn_adj)
    logp = jax.nn.log_softmax(masked_logits, axis=1)
    p = jax.nn.softmax(orig_logits, axis=1)
    kl_loss = KL_COEF * jnp.sum(p * (jnp.log(p + 1e-12) - logp)) / masked_logits.shape[0]
    bce = -jnp.mean(org_adj * jnp.log(recovered_adj + 1e-8)
                    + (1.0 - org_adj) * jnp.log(1.0 - recovered_adj + 1e-8))
    klz = (-0.5 / N) * jnp.sum(1.0 + logvar - mu ** 2 - jnp.exp(logvar))
    vgae_loss = VGAE_COEF * (bce + klz)
    loss = size_loss + kl_loss + vgae_loss
    return (loss, orig_logits, edge_attn.reshape(-1))

if __name__ == "__main__":
    import jax
    _d = setup_inputs()
    print(jax.jit(kernel)(*tuple(_d.values())))

</pallas_src>

<mosaic_0001>
module attributes {stable_mosaic.version = 14 : i64} {
  func.func @body(%arg0: i32, %arg1: memref<512x128xf32, #tpu.memory_space<vmem>>, %arg2: memref<512x128xf32, #tpu.memory_space<vmem>>, %arg3: memref<512x1xf32, #tpu.memory_space<vmem>>, %arg4: memref<128x128xf32, #tpu.memory_space<vmem>>, %arg5: memref<512x128xf32, #tpu.memory_space<vmem>>) attributes {dimension_semantics = [#tpu.dimension_semantics<arbitrary>], iteration_bounds = array<i64: 8>, scalar_prefetch = 0 : i64, scratch_operands = 0 : i64, tpu.core_type = #tpu.core_type<tc>, window_params = [{transform_indices = @transform_0, window_bounds = array<i64: 512, 128>}, {transform_indices = @transform_1, window_bounds = array<i64: 512, 128>}, {transform_indices = @transform_2, window_bounds = array<i64: 512, 1>}, {pipeline_mode = #tpu.pipeline_mode<synchronous>, transform_indices = @transform_3, window_bounds = array<i64: 128, 128>}, {transform_indices = @transform_4, window_bounds = array<i64: 512, 128>}]} {
    %get3A = arith.constant 0 : index
    %get3A_0 = arith.constant 0 : index
    %get3A_1 = vector.load %arg4[%get3A, %get3A_0] : memref<128x128xf32, #tpu.memory_space<vmem>>, vector<128x128xf32>
    %get3A_2 = arith.constant 0 : index
    %get3A_3 = arith.constant 0 : index
    %get3A_4 = vector.load %arg1[%get3A_2, %get3A_3] : memref<512x128xf32, #tpu.memory_space<vmem>>, vector<512x128xf32>
    %dot_general3A = arith.constant dense<0.000000e+00> : vector<512x128xf32>
    %dot_general3A_5 = tpu.matmul %get3A_4, %get3A_1, %dot_general3A {dimension_numbers = #tpu.dot_dimension_numbers<[1], [0], [0], [1], [0, 0, 1, 1], [], []>, transpose_lhs_hint = false} : vector<512x128xf32>, vector<128x128xf32>, vector<512x128xf32> -> vector<512x128xf32>
    %get3A_6 = arith.constant 0 : index
    %get3A_7 = arith.constant 0 : index
    %get3A_8 = vector.load %arg2[%get3A_6, %get3A_7] : memref<512x128xf32, #tpu.memory_space<vmem>>, vector<512x128xf32>
    %dot_general3A_9 = arith.constant dense<0.000000e+00> : vector<512x128xf32>
    %dot_general3A_10 = tpu.matmul %get3A_8, %get3A_1, %dot_general3A_9 {dimension_numbers = #tpu.dot_dimension_numbers<[1], [0], [0], [1], [0, 0, 1, 1], [], []>, transpose_lhs_hint = false} : vector<512x128xf32>, vector<128x128xf32>, vector<512x128xf32> -> vector<512x128xf32>
    %get3A_11 = arith.constant 0 : index
    %get3A_12 = arith.constant 0 : index
    %get3A_13 = vector.load %arg3[%get3A_11, %get3A_12] : memref<512x1xf32, #tpu.memory_space<vmem>>, vector<512x1xf32>
    %div3A = vector.broadcast %get3A_13 : vector<512x1xf32> to vector<512x128xf32>
    %div3A_14 = arith.divf %dot_general3A_5, %div3A : vector<512x128xf32>
    %add3A = arith.addf %div3A_14, %dot_general3A_10 : vector<512x128xf32>
    %max3A = arith.constant 0.000000e+00 : f32
    %max3A_15 = vector.broadcast %max3A : f32 to vector<512x128xf32>
    %max3A_16 = arith.maximumf %add3A, %max3A_15 : vector<512x128xf32>
    %swap3A = arith.constant 0 : index
    %swap3A_17 = arith.constant 0 : index
    %swap3A_18 = vector.load %arg5[%swap3A, %swap3A_17] : memref<512x128xf32, #tpu.memory_space<vmem>>, vector<512x128xf32>
    tpu.vector_store %arg5[%swap3A, %swap3A_17], %max3A_16 {strides = array<i32>} : memref<512x128xf32, #tpu.memory_space<vmem>>, vector<512x128xf32>,
    return
  }
  func.func @transform_0(%arg0: i32) -> (i32, i32) {
    %c0_i32 = arith.constant 0 : i32
    %c0_i32_0 = arith.constant 0 : i32
    return %arg0, %c0_i32 : i32, i32
  }
  func.func @transform_1(%arg0: i32) -> (i32, i32) {
    %c0_i32 = arith.constant 0 : i32
    %c0_i32_0 = arith.constant 0 : i32
    return %arg0, %c0_i32 : i32, i32
  }
  func.func @transform_2(%arg0: i32) -> (i32, i32) {
    %c0_i32 = arith.constant 0 : i32
    %c0_i32_0 = arith.constant 0 : i32
    return %arg0, %c0_i32 : i32, i32
  }
  func.func @transform_3(%arg0: i32) -> (i32, i32) {
    %c0_i32 = arith.constant 0 : i32
    %c0_i32_0 = arith.constant 0 : i32
    %c0_i32_1 = arith.constant 0 : i32
    return %c0_i32, %c0_i32_0 : i32, i32
  }
  func.func @transform_4(%arg0: i32) -> (i32, i32) {
    %c0_i32 = arith.constant 0 : i32
    %c0_i32_0 = arith.constant 0 : i32
    return %arg0, %c0_i32 : i32, i32
  }
}

module attributes {stable_mosaic.version = 14 : i64} {
  func.func @body(%arg0: i32, %arg1: memref<512x128xf32, #tpu.memory_space<vmem>>, %arg2: memref<512x128xf32, #tpu.memory_space<vmem>>, %arg3: memref<512x1xf32, #tpu.memory_space<vmem>>, %arg4: memref<128x96xf32, #tpu.memory_space<vmem>>, %arg5: memref<512x96xf32, #tpu.memory_space<vmem>>) attributes {dimension_semantics = [#tpu.dimension_semantics<arbitrary>], iteration_bounds = array<i64: 8>, scalar_prefetch = 0 : i64, scratch_operands = 0 : i64, tpu.core_type = #tpu.core_type<tc>, window_params = [{transform_indices = @transform_0, window_bounds = array<i64: 512, 128>}, {transform_indices = @transform_1, window_bounds = array<i64: 512, 128>}, {transform_indices = @transform_2, window_bounds = array<i64: 512, 1>}, {pipeline_mode = #tpu.pipeline_mode<synchronous>, transform_indices = @transform_3, window_bounds = array<i64: 128, 96>}, {transform_indices = @transform_4, window_bounds = array<i64: 512, 96>}]} {
    %get3A = arith.constant 0 : index
    %get3A_0 = arith.constant 0 : index
    %get3A_1 = vector.load %arg4[%get3A, %get3A_0] : memref<128x96xf32, #tpu.memory_space<vmem>>, vector<128x96xf32>
    %get3A_2 = arith.constant 0 : index
    %get3A_3 = arith.constant 0 : index
    %get3A_4 = vector.load %arg1[%get3A_2, %get3A_3] : memref<512x128xf32, #tpu.memory_space<vmem>>, vector<512x128xf32>
    %dot_general3A = arith.constant dense<0.000000e+00> : vector<512x96xf32>
    %dot_general3A_5 = tpu.matmul %get3A_4, %get3A_1, %dot_general3A {dimension_numbers = #tpu.dot_dimension_numbers<[1], [0], [0], [1], [0, 0, 1, 1], [], []>, transpose_lhs_hint = false} : vector<512x128xf32>, vector<128x96xf32>, vector<512x96xf32> -> vector<512x96xf32>
    %get3A_6 = arith.constant 0 : index
    %get3A_7 = arith.constant 0 : index
    %get3A_8 = vector.load %arg2[%get3A_6, %get3A_7] : memref<512x128xf32, #tpu.memory_space<vmem>>, vector<512x128xf32>
    %dot_general3A_9 = arith.constant dense<0.000000e+00> : vector<512x96xf32>
    %dot_general3A_10 = tpu.matmul %get3A_8, %get3A_1, %dot_general3A_9 {dimension_numbers = #tpu.dot_dimension_numbers<[1], [0], [0], [1], [0, 0, 1, 1], [], []>, transpose_lhs_hint = false} : vector<512x128xf32>, vector<128x96xf32>, vector<512x96xf32> -> vector<512x96xf32>
    %get3A_11 = arith.constant 0 : index
    %get3A_12 = arith.constant 0 : index
    %get3A_13 = vector.load %arg3[%get3A_11, %get3A_12] : memref<512x1xf32, #tpu.memory_space<vmem>>, vector<512x1xf32>
    %div3A = vector.broadcast %get3A_13 : vector<512x1xf32> to vector<512x96xf32>
    %div3A_14 = arith.divf %dot_general3A_5, %div3A : vector<512x96xf32>
    %add3A = arith.addf %div3A_14, %dot_general3A_10 : vector<512x96xf32>
    %iota3A = tpu.iota {dimensions = array<i32: 1>} : vector<512x96xi32>
    %lt3A = arith.constant 64 : i32
    %lt3A_15 = vector.broadcast %lt3A : i32 to vector<512x96xi32>
    %lt3A_16 = arith.cmpi slt, %iota3A, %lt3A_15 : vector<512x96xi32>
    %max3A = arith.constant 0.000000e+00 : f32
    %max3A_17 = vector.broadcast %max3A : f32 to vector<512x96xf32>
    %max3A_18 = arith.maximumf %add3A, %max3A_17 : vector<512x96xf32>
    %select_n3A = arith.select %lt3A_16, %max3A_18, %add3A : vector<512x96xi1>, vector<512x96xf32>
    %swap3A = arith.constant 0 : index
    %swap3A_19 = arith.constant 0 : index
    %swap3A_20 = vector.load %arg5[%swap3A, %swap3A_19] : memref<512x96xf32, #tpu.memory_space<vmem>>, vector<512x96xf32>
    tpu.vector_store %arg5[%swap3A, %swap3A_19], %select_n3A {strides = array<i32>} : memref<512x96xf32, #tpu.memory_space<vmem>>, vector<512x96xf32>,
    return
  }
  func.func @transform_0(%arg0: i32) -> (i32, i32) {
    %c0_i32 = arith.constant 0 : i32
    %c0_i32_0 = arith.constant 0 : i32
    return %arg0, %c0_i32 : i32, i32
  }
  func.func @transform_1(%arg0: i32) -> (i32, i32) {
    %c0_i32 = arith.constant 0 : i32
    %c0_i32_0 = arith.constant 0 : i32
    return %arg0, %c0_i32 : i32, i32
  }
  func.func @transform_2(%arg0: i32) -> (i32, i32) {
    %c0_i32 = arith.constant 0 : i32
    %c0_i32_0 = arith.constant 0 : i32
    return %arg0, %c0_i32 : i32, i32
  }
  func.func @transform_3(%arg0: i32) -> (i32, i32) {
    %c0_i32 = arith.constant 0 : i32
    %c0_i32_0 = arith.constant 0 : i32
    %c0_i32_1 = arith.constant 0 : i32
    return %c0_i32, %c0_i32_0 : i32, i32
  }
  func.func @transform_4(%arg0: i32) -> (i32, i32) {
    %c0_i32 = arith.constant 0 : i32
    %c0_i32_0 = arith.constant 0 : i32
    return %arg0, %c0_i32 : i32, i32
  }
}

module attributes {stable_mosaic.version = 14 : i64} {
  func.func @body(%arg0: i32, %arg1: memref<512x128xf32, #tpu.memory_space<vmem>>, %arg2: memref<512x128xf32, #tpu.memory_space<vmem>>, %arg3: memref<512x1xf32, #tpu.memory_space<vmem>>, %arg4: memref<128x64xf32, #tpu.memory_space<vmem>>, %arg5: memref<512x64xf32, #tpu.memory_space<vmem>>) attributes {dimension_semantics = [#tpu.dimension_semantics<arbitrary>], iteration_bounds = array<i64: 8>, scalar_prefetch = 0 : i64, scratch_operands = 0 : i64, tpu.core_type = #tpu.core_type<tc>, window_params = [{transform_indices = @transform_0, window_bounds = array<i64: 512, 128>}, {transform_indices = @transform_1, window_bounds = array<i64: 512, 128>}, {transform_indices = @transform_2, window_bounds = array<i64: 512, 1>}, {pipeline_mode = #tpu.pipeline_mode<synchronous>, transform_indices = @transform_3, window_bounds = array<i64: 128, 64>}, {transform_indices = @transform_4, window_bounds = array<i64: 512, 64>}]} {
    %get3A = arith.constant 0 : index
    %get3A_0 = arith.constant 0 : index
    %get3A_1 = vector.load %arg4[%get3A, %get3A_0] : memref<128x64xf32, #tpu.memory_space<vmem>>, vector<128x64xf32>
    %get3A_2 = arith.constant 0 : index
    %get3A_3 = arith.constant 0 : index
    %get3A_4 = vector.load %arg1[%get3A_2, %get3A_3] : memref<512x128xf32, #tpu.memory_space<vmem>>, vector<512x128xf32>
    %dot_general3A = arith.constant dense<0.000000e+00> : vector<512x64xf32>
    %dot_general3A_5 = tpu.matmul %get3A_4, %get3A_1, %dot_general3A {dimension_numbers = #tpu.dot_dimension_numbers<[1], [0], [0], [1], [0, 0, 1, 1], [], []>, transpose_lhs_hint = false} : vector<512x128xf32>, vector<128x64xf32>, vector<512x64xf32> -> vector<512x64xf32>
    %get3A_6 = arith.constant 0 : index
    %get3A_7 = arith.constant 0 : index
    %get3A_8 = vector.load %arg2[%get3A_6, %get3A_7] : memref<512x128xf32, #tpu.memory_space<vmem>>, vector<512x128xf32>
    %dot_general3A_9 = arith.constant dense<0.000000e+00> : vector<512x64xf32>
    %dot_general3A_10 = tpu.matmul %get3A_8, %get3A_1, %dot_general3A_9 {dimension_numbers = #tpu.dot_dimension_numbers<[1], [0], [0], [1], [0, 0, 1, 1], [], []>, transpose_lhs_hint = false} : vector<512x128xf32>, vector<128x64xf32>, vector<512x64xf32> -> vector<512x64xf32>
    %get3A_11 = arith.constant 0 : index
    %get3A_12 = arith.constant 0 : index
    %get3A_13 = vector.load %arg3[%get3A_11, %get3A_12] : memref<512x1xf32, #tpu.memory_space<vmem>>, vector<512x1xf32>
    %div3A = vector.broadcast %get3A_13 : vector<512x1xf32> to vector<512x64xf32>
    %div3A_14 = arith.divf %dot_general3A_5, %div3A : vector<512x64xf32>
    %add3A = arith.addf %div3A_14, %dot_general3A_10 : vector<512x64xf32>
    %max3A = arith.constant 0.000000e+00 : f32
    %max3A_15 = vector.broadcast %max3A : f32 to vector<512x64xf32>
    %max3A_16 = arith.maximumf %add3A, %max3A_15 : vector<512x64xf32>
    %swap3A = arith.constant 0 : index
    %swap3A_17 = arith.constant 0 : index
    %swap3A_18 = vector.load %arg5[%swap3A, %swap3A_17] : memref<512x64xf32, #tpu.memory_space<vmem>>, vector<512x64xf32>
    tpu.vector_store %arg5[%swap3A, %swap3A_17], %max3A_16 {strides = array<i32>} : memref<512x64xf32, #tpu.memory_space<vmem>>, vector<512x64xf32>,
    return
  }
  func.func @transform_0(%arg0: i32) -> (i32, i32) {
    %c0_i32 = arith.constant 0 : i32
    %c0_i32_0 = arith.constant 0 : i32
    return %arg0, %c0_i32 : i32, i32
  }
  func.func @transform_1(%arg0: i32) -> (i32, i32) {
    %c0_i32 = arith.constant 0 : i32
    %c0_i32_0 = arith.constant 0 : i32
    return %arg0, %c0_i32 : i32, i32
  }
  func.func @transform_2(%arg0: i32) -> (i32, i32) {
    %c0_i32 = arith.constant 0 : i32
    %c0_i32_0 = arith.constant 0 : i32
    return %arg0, %c0_i32 : i32, i32
  }
  func.func @transform_3(%arg0: i32) -> (i32, i32) {
    %c0_i32 = arith.constant 0 : i32
    %c0_i32_0 = arith.constant 0 : i32
    %c0_i32_1 = arith.constant 0 : i32
    return %c0_i32, %c0_i32_0 : i32, i32
  }
  func.func @transform_4(%arg0: i32) -> (i32, i32) {
    %c0_i32 = arith.constant 0 : i32
    %c0_i32_0 = arith.constant 0 : i32
    return %arg0, %c0_i32 : i32, i32
  }
}

module attributes {stable_mosaic.version = 14 : i64} {
  func.func @_sweep_body(%arg0: i32, %arg1: memref<128x16xf32, #tpu.memory_space<vmem>>, %arg2: memref<16x4096xf32, #tpu.memory_space<vmem>>, %arg3: memref<8x4096xf32, #tpu.memory_space<vmem>>, %arg4: memref<128x16xf32, #tpu.memory_space<vmem>>, %arg5: memref<128x16xf32, #tpu.memory_space<vmem>>, %arg6: memref<128x4096xf32, #tpu.memory_space<vmem>>, %arg7: memref<32x128xf32, #tpu.memory_space<vmem>>) attributes {dimension_semantics = [#tpu.dimension_semantics<arbitrary>], iteration_bounds = array<i64: 32>, scalar_prefetch = 0 : i64, scratch_operands = 0 : i64, tpu.core_type = #tpu.core_type<tc>, window_params = [{transform_indices = @transform_0, window_bounds = array<i64: 128, 16>}, {pipeline_mode = #tpu.pipeline_mode<synchronous>, transform_indices = @transform_1, window_bounds = array<i64: 16, 4096>}, {pipeline_mode = #tpu.pipeline_mode<synchronous>, transform_indices = @transform_2, window_bounds = array<i64: 8, 4096>}, {transform_indices = @transform_3, window_bounds = array<i64: 128, 16>}, {transform_indices = @transform_4, window_bounds = array<i64: 128, 16>}, {transform_indices = @transform_5, window_bounds = array<i64: 128, 4096>}, {pipeline_mode = #tpu.pipeline_mode<synchronous>, transform_indices = @transform_6, window_bounds = array<i64: 32, 128>}]} {
    %get3A = arith.constant 0 : index
    %get3A_0 = arith.constant 0 : index
    %get3A_1 = vector.load %arg1[%get3A, %get3A_0] : memref<128x16xf32, #tpu.memory_space<vmem>>, vector<128x16xf32>
    %get3A_2 = arith.constant 0 : index
    %get3A_3 = arith.constant 0 : index
    %get3A_4 = vector.load %arg2[%get3A_2, %get3A_3] : memref<16x4096xf32, #tpu.memory_space<vmem>>, vector<16x4096xf32>
    %dot_general3A = arith.constant dense<0.000000e+00> : vector<128x4096xf32>
    %dot_general3A_5 = tpu.matmul %get3A_1, %get3A_4, %dot_general3A {dimension_numbers = #tpu.dot_dimension_numbers<[1], [0], [0], [1], [0, 0, 1, 1], [], []>, transpose_lhs_hint = false} : vector<128x16xf32>, vector<16x4096xf32>, vector<128x4096xf32> -> vector<128x4096xf32>
    %logistic3A = arith.negf %dot_general3A_5 : vector<128x4096xf32>
    %logistic3A_6 = math.exp %logistic3A : vector<128x4096xf32>
    %logistic3A_7 = arith.constant 1.000000e+00 : f32
    %logistic3A_8 = vector.broadcast %logistic3A_7 : f32 to vector<128x4096xf32>
    %logistic3A_9 = arith.addf %logistic3A_8, %logistic3A_6 : vector<128x4096xf32>
    %logistic3A_10 = arith.divf %logistic3A_8, %logistic3A_9 : vector<128x4096xf32>
    %sub3A = arith.constant 1.000000e+00 : f32
    %sub3A_11 = vector.broadcast %sub3A : f32 to vector<128x4096xf32>
    %sub3A_12 = arith.subf %sub3A_11, %logistic3A_10 : vector<128x4096xf32>
    %add3A = arith.constant 9.99999993E-9 : f32
    %add3A_13 = vector.broadcast %add3A : f32 to vector<128x4096xf32>
    %add3A_14 = arith.addf %sub3A_12, %add3A_13 : vector<128x4096xf32>
    %log3A = math.log %add3A_14 : vector<128x4096xf32>
    %reduce_sum3A = vector.shape_cast %log3A : vector<128x4096xf32> to vector<1x128x4096xf32>
    %reduce_sum3A_15 = arith.constant dense<0.000000e+00> : vector<1xf32>
    %reduce_sum3A_16 = vector.multi_reduction <add>, %reduce_sum3A, %reduce_sum3A_15 [1, 2] : vector<1x128x4096xf32> to vector<1xf32>
    %reduce_sum3A_17 = vector.shape_cast %reduce_sum3A_16 : vector<1xf32> to vector<1x1x1xf32>
    %reduce_sum3A_18 = vector.extract %reduce_sum3A_17[0, 0, 0] : f32 from vector<1x1x1xf32>
    %iota3A = tpu.iota {dimensions = array<i32: 0>} : vector<128x4096xi32>
    %mul3A = arith.constant 128 : i32
    %mul3A_19 = arith.muli %arg0, %mul3A : i32
    %add3A_20 = vector.broadcast %mul3A_19 : i32 to vector<128x4096xi32>
    %add3A_21 = arith.addi %iota3A, %add3A_20 : vector<128x4096xi32>
    %iota3A_22 = tpu.iota {dimensions = array<i32: 1>} : vector<128x4096xi32>
    %get3A_23 = arith.constant 0 : index
    %get3A_24 = arith.constant 0 : index
    %get3A_25 = vector.load %arg6[%get3A_23, %get3A_24] : memref<128x4096xf32, #tpu.memory_space<vmem>>, vector<128x4096xf32>
    %gt3A = arith.constant 0.000000e+00 : f32
    %gt3A_26 = vector.broadcast %gt3A : f32 to vector<128x4096xf32>
    %gt3A_27 = arith.cmpf ogt, %get3A_25, %gt3A_26 : vector<128x4096xf32>
    %eq3A = arith.cmpi eq, %add3A_21, %iota3A_22 : vector<128x4096xi32>
    %or3A = arith.ori %gt3A_27, %eq3A : vector<128x4096xi1>
    %add3A_28 = arith.constant 9.99999993E-9 : f32
    %add3A_29 = vector.broadcast %add3A_28 : f32 to vector<128x4096xf32>
    %add3A_30 = arith.addf %logistic3A_10, %add3A_29 : vector<128x4096xf32>
    %log3A_31 = math.log %add3A_30 : vector<128x4096xf32>
    %sub3A_32 = arith.subf %log3A_31, %log3A : vector<128x4096xf32>
    %jit3A = arith.constant 0.000000e+00 : f32
    %broadcast_in_dim3A = vector.broadcast %jit3A : f32 to vector<128x4096xf32>
    %select_n3A = arith.select %or3A, %sub3A_32, %broadcast_in_dim3A : vector<128x4096xi1>, vector<128x4096xf32>
    %reduce_sum3A_33 = vector.shape_cast %select_n3A : vector<128x4096xf32> to vector<1x128x4096xf32>
    %reduce_sum3A_34 = arith.constant dense<0.000000e+00> : vector<1xf32>
    %reduce_sum3A_35 = vector.multi_reduction <add>, %reduce_sum3A_33, %reduce_sum3A_34 [1, 2] : vector<1x128x4096xf32> to vector<1xf32>
    %reduce_sum3A_36 = vector.shape_cast %reduce_sum3A_35 : vector<1xf32> to vector<1x1x1xf32>
    %reduce_sum3A_37 = vector.extract %reduce_sum3A_36[0, 0, 0] : f32 from vector<1x1x1xf32>
    %slice3A = vector.extract_strided_slice %get3A_1 {offsets = [0, 0], sizes = [128, 8], strides = [1, 1]} : vector<128x16xf32> to vector<128x8xf32>
    %get3A_38 = arith.constant 0 : index
    %get3A_39 = arith.constant 0 : index
    %get3A_40 = vector.load %arg3[%get3A_38, %get3A_39] : memref<8x4096xf32, #tpu.memory_space<vmem>>, vector<8x4096xf32>
    %dot_general3A_41 = arith.constant dense<0.000000e+00> : vector<128x4096xf32>
    %dot_general3A_42 = tpu.matmul %slice3A, %get3A_40, %dot_general3A_41 {dimension_numbers = #tpu.dot_dimension_numbers<[1], [0], [0], [1], [0, 0, 1, 1], [], []>, transpose_lhs_hint = false} : vector<128x8xf32>, vector<8x4096xf32>, vector<128x4096xf32> -> vector<128x4096xf32>
    %logistic3A_43 = arith.negf %dot_general3A_42 : vector<128x4096xf32>
    %logistic3A_44 = math.exp %logistic3A_43 : vector<128x4096xf32>
    %logistic3A_45 = arith.constant 1.000000e+00 : f32
    %logistic3A_46 = vector.broadcast %logistic3A_45 : f32 to vector<128x4096xf32>
    %logistic3A_47 = arith.addf %logistic3A_46, %logistic3A_44 : vector<128x4096xf32>
    %logistic3A_48 = arith.divf %logistic3A_46, %logistic3A_47 : vector<128x4096xf32>
    %reduce_sum3A_49 = vector.shape_cast %logistic3A_48 : vector<128x4096xf32> to vector<1x128x4096xf32>
    %reduce_sum3A_50 = arith.constant dense<0.000000e+00> : vector<1xf32>
    %reduce_sum3A_51 = vector.multi_reduction <add>, %reduce_sum3A_49, %reduce_sum3A_50 [1, 2] : vector<1x128x4096xf32> to vector<1xf32>
    %reduce_sum3A_52 = vector.shape_cast %reduce_sum3A_51 : vector<1xf32> to vector<1x1x1xf32>
    %reduce_sum3A_53 = vector.extract %reduce_sum3A_52[0, 0, 0] : f32 from vector<1x1x1xf32>
    %get3A_54 = arith.constant 0 : index
    %get3A_55 = arith.constant 0 : index
    %get3A_56 = vector.load %arg4[%get3A_54, %get3A_55] : memref<128x16xf32, #tpu.memory_space<vmem>>, vector<128x16xf32>
    %get3A_57 = arith.constant 0 : index
    %get3A_58 = arith.constant 0 : index
    %get3A_59 = vector.load %arg5[%get3A_57, %get3A_58] : memref<128x16xf32, #tpu.memory_space<vmem>>, vector<128x16xf32>
    %add3A_60 = arith.constant 1.000000e+00 : f32
    %add3A_61 = vector.broadcast %add3A_60 : f32 to vector<128x16xf32>
    %add3A_62 = arith.addf %add3A_61, %get3A_59 : vector<128x16xf32>
    %mul3A_63 = arith.mulf %get3A_56, %get3A_56 : vector<128x16xf32>
    %sub3A_64 = arith.subf %add3A_62, %mul3A_63 : vector<128x16xf32>
    %exp3A = math.exp %get3A_59 : vector<128x16xf32>
    %sub3A_65 = arith.subf %sub3A_64, %exp3A : vector<128x16xf32>
    %reduce_sum3A_66 = vector.shape_cast %sub3A_65 : vector<128x16xf32> to vector<1x128x16xf32>
    %reduce_sum3A_67 = arith.constant dense<0.000000e+00> : vector<1xf32>
    %reduce_sum3A_68 = vector.multi_reduction <add>, %reduce_sum3A_66, %reduce_sum3A_67 [1, 2] : vector<1x128x16xf32> to vector<1xf32>
    %reduce_sum3A_69 = vector.shape_cast %reduce_sum3A_68 : vector<1xf32> to vector<1x1x1xf32>
    %reduce_sum3A_70 = vector.extract %reduce_sum3A_69[0, 0, 0] : f32 from vector<1x1x1xf32>
    %add3A_71 = arith.addf %reduce_sum3A_18, %reduce_sum3A_37 : f32
    %reshape3A = vector.broadcast %add3A_71 : f32 to vector<1xf32>
    %reshape3A_72 = vector.broadcast %reduce_sum3A_53 : f32 to vector<1xf32>
    %reshape3A_73 = vector.broadcast %reduce_sum3A_70 : f32 to vector<1xf32>
    %broadcast_in_dim3A_74 = arith.constant 0.000000e+00 : f32
    %broadcast_in_dim3A_75 = vector.broadcast %broadcast_in_dim3A_74 : f32 to vector<125xf32>
    %concatenate3A = tpu.concatenate %reshape3A, %reshape3A_72, %reshape3A_73, %broadcast_in_dim3A_75 in 0 : vector<1xf32>, vector<1xf32>, vector<1xf32>, vector<125xf32> -> vector<128xf32>
    %broadcast_in_dim3A_76 = vector.shape_cast %concatenate3A : vector<128xf32> to vector<1x128xf32>
    %swap3A = arith.index_cast %arg0 : i32 to index
    %swap3A_77 = arith.constant 0 : index
    %swap3A_78 = vector.load %arg7[%swap3A, %swap3A_77] : memref<32x128xf32, #tpu.memory_space<vmem>>, vector<1x128xf32>
    tpu.vector_store %arg7[%swap3A, %swap3A_77], %broadcast_in_dim3A_76 {strides = array<i32>} : memref<32x128xf32, #tpu.memory_space<vmem>>, vector<1x128xf32>,
    return
  }
  func.func @transform_0(%arg0: i32) -> (i32, i32) {
    %c0_i32 = arith.constant 0 : i32
    %c0_i32_0 = arith.constant 0 : i32
    return %arg0, %c0_i32 : i32, i32
  }
  func.func @transform_1(%arg0: i32) -> (i32, i32) {
    %c0_i32 = arith.constant 0 : i32
    %c0_i32_0 = arith.constant 0 : i32
    %c0_i32_1 = arith.constant 0 : i32
    return %c0_i32, %c0_i32_0 : i32, i32
  }
  func.func @transform_2(%arg0: i32) -> (i32, i32) {
    %c0_i32 = arith.constant 0 : i32
    %c0_i32_0 = arith.constant 0 : i32
    %c0_i32_1 = arith.constant 0 : i32
    return %c0_i32, %c0_i32_0 : i32, i32
  }
  func.func @transform_3(%arg0: i32) -> (i32, i32) {
    %c0_i32 = arith.constant 0 : i32
    %c0_i32_0 = arith.constant 0 : i32
    return %arg0, %c0_i32 : i32, i32
  }
  func.func @transform_4(%arg0: i32) -> (i32, i32) {
    %c0_i32 = arith.constant 0 : i32
    %c0_i32_0 = arith.constant 0 : i32
    return %arg0, %c0_i32 : i32, i32
  }
  func.func @transform_5(%arg0: i32) -> (i32, i32) {
    %c0_i32 = arith.constant 0 : i32
    %c0_i32_0 = arith.constant 0 : i32
    return %arg0, %c0_i32 : i32, i32
  }
  func.func @transform_6(%arg0: i32) -> (i32, i32) {
    %c0_i32 = arith.constant 0 : i32
    %c0_i32_0 = arith.constant 0 : i32
    %c0_i32_1 = arith.constant 0 : i32
    return %c0_i32, %c0_i32_0 : i32, i32
  }
}

module attributes {stable_mosaic.version = 14 : i64} {
  func.func @body(%arg0: i32, %arg1: memref<512x64xf32, #tpu.memory_space<vmem>>, %arg2: memref<512x64xf32, #tpu.memory_space<vmem>>, %arg3: memref<512x1xf32, #tpu.memory_space<vmem>>, %arg4: memref<64x64xf32, #tpu.memory_space<vmem>>, %arg5: memref<512x64xf32, #tpu.memory_space<vmem>>) attributes {dimension_semantics = [#tpu.dimension_semantics<arbitrary>], iteration_bounds = array<i64: 8>, scalar_prefetch = 0 : i64, scratch_operands = 0 : i64, tpu.core_type = #tpu.core_type<tc>, window_params = [{transform_indices = @transform_0, window_bounds = array<i64: 512, 64>}, {transform_indices = @transform_1, window_bounds = array<i64: 512, 64>}, {transform_indices = @transform_2, window_bounds = array<i64: 512, 1>}, {pipeline_mode = #tpu.pipeline_mode<synchronous>, transform_indices = @transform_3, window_bounds = array<i64: 64, 64>}, {transform_indices = @transform_4, window_bounds = array<i64: 512, 64>}]} {
    %get3A = arith.constant 0 : index
    %get3A_0 = arith.constant 0 : index
    %get3A_1 = vector.load %arg4[%get3A, %get3A_0] : memref<64x64xf32, #tpu.memory_space<vmem>>, vector<64x64xf32>
    %get3A_2 = arith.constant 0 : index
    %get3A_3 = arith.constant 0 : index
    %get3A_4 = vector.load %arg1[%get3A_2, %get3A_3] : memref<512x64xf32, #tpu.memory_space<vmem>>, vector<512x64xf32>
    %dot_general3A = arith.constant dense<0.000000e+00> : vector<512x64xf32>
    %dot_general3A_5 = tpu.matmul %get3A_4, %get3A_1, %dot_general3A {dimension_numbers = #tpu.dot_dimension_numbers<[1], [0], [0], [1], [0, 0, 1, 1], [], []>, transpose_lhs_hint = false} : vector<512x64xf32>, vector<64x64xf32>, vector<512x64xf32> -> vector<512x64xf32>
    %get3A_6 = arith.constant 0 : index
    %get3A_7 = arith.constant 0 : index
    %get3A_8 = vector.load %arg2[%get3A_6, %get3A_7] : memref<512x64xf32, #tpu.memory_space<vmem>>, vector<512x64xf32>
    %dot_general3A_9 = arith.constant dense<0.000000e+00> : vector<512x64xf32>
    %dot_general3A_10 = tpu.matmul %get3A_8, %get3A_1, %dot_general3A_9 {dimension_numbers = #tpu.dot_dimension_numbers<[1], [0], [0], [1], [0, 0, 1, 1], [], []>, transpose_lhs_hint = false} : vector<512x64xf32>, vector<64x64xf32>, vector<512x64xf32> -> vector<512x64xf32>
    %get3A_11 = arith.constant 0 : index
    %get3A_12 = arith.constant 0 : index
    %get3A_13 = vector.load %arg3[%get3A_11, %get3A_12] : memref<512x1xf32, #tpu.memory_space<vmem>>, vector<512x1xf32>
    %div3A = vector.broadcast %get3A_13 : vector<512x1xf32> to vector<512x64xf32>
    %div3A_14 = arith.divf %dot_general3A_5, %div3A : vector<512x64xf32>
    %add3A = arith.addf %div3A_14, %dot_general3A_10 : vector<512x64xf32>
    %max3A = arith.constant 0.000000e+00 : f32
    %max3A_15 = vector.broadcast %max3A : f32 to vector<512x64xf32>
    %max3A_16 = arith.maximumf %add3A, %max3A_15 : vector<512x64xf32>
    %swap3A = arith.constant 0 : index
    %swap3A_17 = arith.constant 0 : index
    %swap3A_18 = vector.load %arg5[%swap3A, %swap3A_17] : memref<512x64xf32, #tpu.memory_space<vmem>>, vector<512x64xf32>
    tpu.vector_store %arg5[%swap3A, %swap3A_17], %max3A_16 {strides = array<i32>} : memref<512x64xf32, #tpu.memory_space<vmem>>, vector<512x64xf32>,
    return
  }
  func.func @transform_0(%arg0: i32) -> (i32, i32) {
    %c0_i32 = arith.constant 0 : i32
    %c0_i32_0 = arith.constant 0 : i32
    return %arg0, %c0_i32 : i32, i32
  }
  func.func @transform_1(%arg0: i32) -> (i32, i32) {
    %c0_i32 = arith.constant 0 : i32
    %c0_i32_0 = arith.constant 0 : i32
    return %arg0, %c0_i32 : i32, i32
  }
  func.func @transform_2(%arg0: i32) -> (i32, i32) {
    %c0_i32 = arith.constant 0 : i32
    %c0_i32_0 = arith.constant 0 : i32
    return %arg0, %c0_i32 : i32, i32
  }
  func.func @transform_3(%arg0: i32) -> (i32, i32) {
    %c0_i32 = arith.constant 0 : i32
    %c0_i32_0 = arith.constant 0 : i32
    %c0_i32_1 = arith.constant 0 : i32
    return %c0_i32, %c0_i32_0 : i32, i32
  }
  func.func @transform_4(%arg0: i32) -> (i32, i32) {
    %c0_i32 = arith.constant 0 : i32
    %c0_i32_0 = arith.constant 0 : i32
    return %arg0, %c0_i32 : i32, i32
  }
}

</mosaic_0001>

<sc_bundles>
// kernel: scatter_offload_async_start.1
scs
__scs_entry_jumppad:
0x0: {  	(pc) =	sbr.rel $0x88, $3  }
0x1: {  	(tag) =	ssettag $0x0;
	lr =	simm.s32 $0x1  }
0x2: {  	[smem:$0x3F98] =	sst lr;
	_ =	strace $0xD0000000  }
0x3: {  	_ = 	snop  }
0x4: {  	_ = 	snop  }
0x5: {  	_ = 	snop  }
0x6: {  	_ = 	snop  }
0x7: {  	_ = 	snop  }
__scs_overlays_trampoline_lowered:
0x8: {  	[smem:$0x3FA7] =	sst s0  }
0x9: {  	[smem:$0x3FA8] =	sst s1  }
0xa: {  	[smem:$0x3FA9] =	sst s2  }
0xb: {  	[smem:$0x3FAA] =	sst s3  }
0xc: {  	[smem:$0x3FAB] =	sst s4  }
0xd: {  	[smem:$0x3FAC] =	sst s5  }
0xe: {  	[smem:$0x3FAD] =	sst s6  }
0xf: {  	[smem:$0x3FAE] =	sst s7  }
0x10: {  	[smem:$0x3FAF] =	sst s8  }
0x11: {  	[smem:$0x3FB0] =	sst s9;
	s0 =	simm.s32 @!p0 $0x0  }
0x12: {  	s1 =	sld [smem:$0x3F96];
	s0 =	simm.s32 @p0 $0x1  }
0x13: {  	[smem:$0x3FB1] =	sst s0;
	s0 =	simm.s32 @!p1 $0x0  }
0x14: {  	s2 =	sld [smem:$0x3F95];
	s0 =	simm.s32 @p1 $0x1  }
0x15: {  	[smem:$0x3FB2] =	sst s0;
	s0 =	simm.s32 @!p2 $0x0  }
0x16: {  	s3 =	sld [smem:$0x3FDB];
	s0 =	simm.s32 @p2 $0x1  }
0x17: {  	s4 =	simm.s32 $0x1BF5;
	[smem:$0x3FB4] =	sst s0  }
0x18: {  	s0 =	sld [smem:$0x3F97];
	_ =	swait.ge [sflag:s4], $0x0  }
0x19: {  	s7 =	sld [smem:$0x3F98]  }
0x1a: {  	s8 =	sadd.s32 $0xFFFFE003, lr  }
0x1b: {  	s9 =	sadd.s32 $0xFFFFFEF7, lr;
	s5 =	simm.s32 $0xFFFFFFFF;
	p2 =	slt.u32 s8, $0xFFFFF086  }
0x1c: {  	p1 =	slt.u32 s9, $0xF7A;
	s5 =	simm.s32 @!p2 $0x0  }
0x1d: {  	s5 =	simm.s32 @p1 $0x1;
	p0 =	seq.s32 s7, s2  }
0x1e: {  	s7 =	smul.u32 @!p0 $0xF7A, s2;
	p2 =	seq.s32 @!p0 s5, $0x0  }
0x1f: {  	s9 =	smul.u32 $0xF7A, s1;
	s8 =	simm.s32 @!p0 $0x1BF5;
	p2 =	por !p2, p0  }
0x20: {  	[sflag:s8] =	ssyncset.s32 @!p0 $0xFFFFF086;
	s6 =	sadd.s32 @!p0 s3, s7;
	s7 =	simm.s32 @!p0 $0x108  }
0x21: {  	s3 =	sadd.s32 s3, s9;
	s6 =	sadd.s32 @!p0 $0x88, s6;
	s7 =	simm.s32 @p2 $0x1082  }
0x22: {  	[simem:s7], [sflag:s8] =	dma.local @!p0 [hbm:s6], $0xF7A  }
0x23: {  	s9 =	sor.u32 $0xD0000000, s2;
	s6 =	simm.s32 $0x108;
	_ =	swait.ge @!p0 [sflag:s8], $0x0  }
0x24: {  	s3 =	sadd.s32 $0x88, s3;
	s6 =	simm.s32 @!p1 $0x1082;
	[sflag:s4] =	ssyncset.s32 $0xFFFFF086  }
0x25: {  	[simem:s6], [sflag:s4] =	dma.local [hbm:s3], $0xF7A  }
0x26: {  	[smem:$0x3F98] =	sst s1;
	(tag) =	ssettag s2;
	_ =	strace s9  }
0x27: {  	s1 =	sld [smem:$0x3FA8]  }
0x28: {  	s2 =	sld [smem:$0x3FA9]  }
0x29: {  	s4 =	sld [smem:$0x3FAB]  }
0x2a: {  	p0 =	seq.s32 s5, $0x0;
	s5 =	sld [smem:$0x3FAC]  }
0x2b: {  	s6 =	sld [smem:$0x3FAD]  }
0x2c: {  	s7 =	sld [smem:$0x3FAE]  }
0x2d: {  	s3 =	simm.s32 $0x108;
	s8 =	sld [smem:$0x3FAF]  }
0x2e: {  	s3 =	simm.s32 @!p0 $0x1082;
	s9 =	sld [smem:$0x3FB0]  }
0x2f: {  	lr =	sadd.s32 s0, s3;
	s0 =	sld [smem:$0x3FA7]  }
0x30: {  	s3 =	sld [smem:$0x3FAA]  }
0x31: {  	[smem:$0x3FB3] =	sst s10  }
0x32: {  	s10 =	sld [smem:$0x3FB1];
	_ =	sdelay $0x3  }
0x33: {  	p0 =	seq.s32 s10, $0x1;
	s10 =	sld [smem:$0x3FB3];
	_ =	sdelay $0x3  }
0x34: {  	[smem:$0x3FB3] =	sst s10  }
0x35: {  	s10 =	sld [smem:$0x3FB2];
	_ =	sdelay $0x3  }
0x36: {  	p1 =	seq.s32 s10, $0x1;
	s10 =	sld [smem:$0x3FB3];
	_ =	sdelay $0x3  }
0x37: {  	[smem:$0x3FB3] =	sst s10  }
0x38: {  	s10 =	sld [smem:$0x3FB4]  }
0x39: {  	_ = 	snop;
	(pc) =	sbr.ind lr, $3  }
0x3a: {  	_ = 	snop  }
0x3b: {  	_ = 	snop  }
0x3c: {  	p2 =	seq.s32 s10, $0x1;
	s10 =	sld [smem:$0x3FB3]  }
0x3d: {  	_ =	shalt  }
0x3e: {  	_ =	shalt  }
0x3f: {  	_ =	shalt  }
0x40: {  	_ =	shalt  }
0x41: {  	_ =	shalt  }
0x42: {  	_ =	shalt  }
0x43: {  	_ =	shalt  }
0x44: {  	_ =	shalt  }
0x45: {  	_ =	shalt  }
0x46: {  	_ =	shalt  }
0x47: {  	_ =	shalt  }
0x48: {  	_ =	shalt  }
0x49: {  	_ =	shalt  }
0x4a: {  	_ =	shalt  }
0x4b: {  	_ =	shalt  }
0x4c: {  	_ =	shalt  }
0x4d: {  	_ =	shalt  }
0x4e: {  	_ =	shalt  }
0x4f: {  	_ =	shalt  }
0x50: {  	_ =	shalt  }
0x51: {  	_ =	shalt  }
0x52: {  	_ =	shalt  }
0x53: {  	_ =	shalt  }
0x54: {  	_ =	shalt  }
0x55: {  	_ =	shalt  }
0x56: {  	_ =	shalt  }
0x57: {  	_ =	shalt  }
0x58: {  	_ =	shalt  }
0x59: {  	_ =	shalt  }
0x5a: {  	_ =	shalt  }
0x5b: {  	_ =	shalt  }
0x5c: {  	_ =	shalt  }
0x5d: {  	_ =	shalt  }
0x5e: {  	_ =	shalt  }
0x5f: {  	_ =	shalt  }
0x60: {  	_ =	shalt  }
0x61: {  	_ =	shalt  }
0x62: {  	_ =	shalt  }
0x63: {  	_ =	shalt  }
0x64: {  	_ =	shalt  }
0x65: {  	_ =	shalt  }
0x66: {  	_ =	shalt  }
0x67: {  	_ =	shalt  }
0x68: {  	_ =	shalt  }
0x69: {  	_ =	shalt  }
0x6a: {  	_ =	shalt  }
0x6b: {  	_ =	shalt  }
0x6c: {  	_ =	shalt  }
0x6d: {  	_ =	shalt  }
0x6e: {  	_ =	shalt  }
0x6f: {  	_ =	shalt  }
0x70: {  	_ =	shalt  }
0x71: {  	_ =	shalt  }
0x72: {  	_ =	shalt  }
0x73: {  	_ =	shalt  }
0x74: {  	_ =	shalt  }
0x75: {  	_ =	shalt  }
0x76: {  	_ =	shalt  }
0x77: {  	_ =	shalt  }
0x78: {  	_ =	shalt  }
0x79: {  	_ =	shalt  }
0x7a: {  	_ =	shalt  }
0x7b: {  	_ =	shalt  }
0x7c: {  	_ =	shalt  }
0x7d: {  	_ =	shalt  }
0x7e: {  	_ =	shalt  }
0x7f: {  	_ =	shalt  }
0x80: {  	_ =	shalt  }
0x81: {  	_ =	shalt  }
0x82: {  	_ =	shalt  }
0x83: {  	_ =	shalt  }
0x84: {  	_ =	shalt  }
0x85: {  	_ =	shalt  }
0x86: {  	_ =	shalt  }
0x87: {  	_ =	shalt  }
.Lfunc_end0:
.L_simem_size_0:
called_computation.1_lowered:
.L_overlay_start_0:
0x88: {  	s2 =	sld [smem:$0x3FD9]  }
0x89: {  	s3 =	sld [smem:$0x3FFE];
	_ =	sdelay $0x1  }
0x8a: {  	s1 =	srdreg.scid  }
0x8b: {  	s0 =	sand.u32 $0x1, s1  }
0x8c: {  	s15 =	sshll.u32 s0, $0xA;
	s2 =	sadd.s32 s3, s2  }
0x8d: {  	s2 =	sadd.s32 s2, s15  }
0x8e: {  	[smem:$0x3FBF] =	sst s2  }
0x8f: {  	_ = 	snop  }
0x90: {  	(tm) =	ssettm $0x1  }
0x91: {  	s16 =	sld [smem:$0x3FFB];
	_ =	sdelay $0x3  }
0x92: {  	_ =	strace s16  }
0x93: {  	s2 =	sld [smem:$0x3FFC];
	_ =	sdelay $0x3  }
0x94: {  	_ =	strace s2  }
0x95: {  	s2 =	sld [smem:$0x3FFD];
	_ =	sdelay $0x3  }
0x96: {  	_ =	strace s2  }
0x97: {  	_ =	strace $0x8FFFFFFF  }
0x98: {  	s17 =	sld [smem:$0x3FDB];
	_ =	sdelay $0x1  }
0x99: {  	s18 =	simm.s32 $_scs_section_size  }
0x9a: {  	s4 =	simm.s32 $_size__tile_overlayer_lowered;
	s5 =	simm.s32 $_tile_overlayer_lowered  }
0x9b: {  	s6 =	simm.s32 $0x1BFF;
	s19 =	sshll.u32 s5, $0x1;
	s3 =	sadd.s32 s18, s17  }
0x9c: {  	s20 =	simm.s32 $0x0;
	s4 =	sshll.u32 s4, $0x1;
	s5 =	sadd.s32 s19, s3  }
0x9d: {  	[timem:s20], [sflag:s6] =	dma.local [hbm:s5], s4  }
0x9e: {  	_ =	swait.ge [sflag:s6], s4  }
0x9f: {  	s4 =	ssub.s32 $0x0, s4;
	[sflag:s6] =	ssyncset.done $0x0  }
0xa0: {  	[sflag:s6] =	ssyncadd.s32 s4;
	_ =	sdelay $0x1  }
0xa1: {  	s21 =	simm.s32 $0x1B8B  }
0xa2: {  	_ =	swait.ge [sflag:s21], $0x1  }
0xa3: {  	[sflag:s21] =	ssyncset.done $0x0  }
0xa4: {  	s22 =	sld [smem:$0x3FFE];
	[sflag:s21] =	ssyncadd.s32 $0xFFFFFFFF  }
0xa5: {  	s24 =	simm.s32 $0x1B8E;
	s23 =	sld [smem:$0x0]  }
0xa6: {  	s25 =	simm.s32 $execute0_lowered;
	[smem:$0x3FD2] =	sst s24  }
0xa7: {  	s6 =	sshll.u32 s25, $0x1;
	_ =	strace $0x80000049;
	[dreg:$0x1] =	wrdreg $0xFFFFFFFF  }
0xa8: {  	s7 =	simm.s32 $_size_execute0_lowered;
	s6 =	sadd.s32 s3, s6;
	[dreg:$0x0] =	wrdreg $0x0  }
0xa9: {  	s7 =	sshll.u32 s7, $0x1;
	[dreg:$0x2] =	wrdreg s6  }
0xaa: {  	[dreg:$0x3] =	wrdreg s7  }
0xab: {  	[dreg:$0x4] =	wrdreg $0xC0  }
0xac: {  	s26 =	simm.s32 $execute1_lowered;
	_ =	task [dreg:s20], $0x5FFFF  }
0xad: {  	s6 =	sshll.u32 s26, $0x1;
	[dreg:$0x1] =	wrdreg $0xFFFFFFFF  }
0xae: {  	s3 =	sadd.s32 s3, s6;
	[dreg:$0x0] =	wrdreg $0x60  }
0xaf: {  	[dreg:$0x2] =	wrdreg s3  }
0xb0: {  	[dreg:$0x3] =	wrdreg s22  }
0xb1: {  	[dreg:$0x4] =	wrdreg $0x9  }
0xb2: {  	_ =	task.clear_ibuf [dreg:s20], $0x5FFFF;
	_ =	strace $0x90000049  }
0xb3: {  	s28 =	simm.s32 $0x9;
	_ =	strace $0x8000004B  }
0xb4: {  	_ =	swait.ge [sflag:s28], $0x1  }
0xb5: {  	[sflag:s28] =	ssyncadd.s32 $0xFFFFFFFF  }
0xb6: {  	_ =	strace $0x9000004B  }
0xb7: {  	s3 =	sld [smem:$0x0]  }
0xb8: {  	s6 =	sand.u32 $0xFFFFFFFE, s1  }
0xb9: {  	p0 =	sne.s32 s1, s6  }
0xba: {  	s6 =	sshll.u32 @p0 s6, $0xE  }
0xbb: {  	s6 =	sadd.s32 @p0 $0x11BF3, s6;
	s7 =	sshll.u32 @p0 s3, $0x11  }
0xbc: {  	s6 =	sor.u32 @p0 s7, s6  }
0xbd: {  	[sflag:s6] =	ssyncadd.remote.s32 @p0 $0x1;
	_ =	sdelay $0x1  }
0xbe: {  	s6 =	simm.s32 @p0 $0x1BF3  }
0xbf: {  	_ =	swait.eq @p0 [sflag:s6], $0x1  }
0xc0: {  	[sflag:s6] =	ssyncadd.s32 @p0 $0xFFFFFFFF  }
0xc1: {  	s7 =	sshll.u32 @!p0 s1, $0xE  }
0xc2: {  	s7 =	sor.u32 @!p0 $0x4000, s7;
	s6 =	simm.s32 @!p0 $0x1BF3  }
0xc3: {  	s3 =	sshll.u32 @!p0 s3, $0x11;
	s7 =	sadd.s32 @!p0 $0x11BF3, s7;
	_ =	swait.eq @!p0 [sflag:s6], $0x1  }
0xc4: {  	s3 =	sor.u32 @!p0 s3, s7;
	[sflag:s6] =	ssyncadd.s32 @!p0 $0xFFFFFFFF  }
0xc5: {  	[sflag:s3] =	ssyncadd.remote.s32 @!p0 $0x1  }
0xc6: {  	_ =	strace $0x8000004C;
	[dreg:$0x1] =	wrdreg $0xFFFFFFFF  }
0xc7: {  	[dreg:$0x0] =	wrdreg $0x2030  }
0xc8: {  	[dreg:$0x2] =	wrdreg s22  }
0xc9: {  	[dreg:$0x3] =	wrdreg s1  }
0xca: {  	[dreg:$0x4] =	wrdreg s23  }
0xcb: {  	[dreg:$0x5] =	wrdreg $0xA  }
0xcc: {  	_ =	task.clear_ibuf [dreg:s20], $0x6FFFF;
	_ =	strace $0x9000004C  }
0xcd: {  	s29 =	simm.s32 $0xA;
	_ =	strace $0x8000004E  }
0xce: {  	_ =	swait.ge [sflag:s29], $0x1  }
0xcf: {  	[sflag:s29] =	ssyncadd.s32 $0xFFFFFFFF  }
0xd0: {  	_ =	strace $0x9000004E  }
0xd1: {  	_ =	sfence  }
0xd2: {  	s30 =	sld [smem:$0x0];
	_ =	sdelay $0x2  }
0xd3: {  	s31 =	sshll.u32 s1, $0xD;
	s1 =	sshrl.u32 s1, $0x2  }
0xd4: {  	s4 =	sand.u32 $0x4000, s31;
	s1 =	sadd.s32 s1, s30  }
0xd5: {  	s0 =	sor.u32 s4, s0;
	s1 =	sshll.u32 s1, $0x11  }
0xd6: {  	s0 =	sor.u32 s1, s0  }
0xd7: {  	s0 =	sadd.s32 $0x8F2B, s0  }
0xd8: {  	[sflag:s0] =	ssyncadd.remote.s32 $0x1  }
0xd9: {  	_ =	sfence.sel $0xFFFF  }
0xda: {  	[dreg:$0x0] =	wrdreg $0xFFFFFFFF;
	(pc) =	sbr.abs _section_cstart, $3  }
0xdb: {  	[dreg:$0x1] =	wrdreg $0xFFFFFFFF  }
0xdc: {  	_ =	task.clear_ibuf [dreg:s20], $0x2FFFF;
	_ =	strace $0x9FFFFFFF  }
0xdd: {  	(tm) =	ssettm $0x7FFFFFFF  }
tec
execute0_lowered:
.L_overlay_start_1:
0x0: {  	(tag) =	ssettag $0x1  }
0x1: {  	s2 =	rddreg [dreg:$0x0]  }
0x2: {  	s4 =	rddreg [dreg:$0x1]  }
0x3: {  	s0 =	rddreg [dreg:$0x2];
	s3 =	stileid.u32;
	[bflag:$0x3] =	sbarrier.arrive $0xFFFF  }
0x4: {  	s1 =	simm.s32 $_size_execute1_lowered;
	s29 =	srdreg.scid;
	p0 =	sne.s32 s3, $0x0  }
0x5: {  	s1 =	sshll.u32 s1, $0x1;
	s5 =	simm.s32 @!p0 $0x1C3F;
	s6 =	simm.s32 @!p0 $0x4060  }
0x6: {  	[timem:s6], [sflag:s5] =	dma.local @!p0 [hbm:s2], s1  }
0x7: {  	s8 =	simm.s32 $0x2;
	s2 =	sshll.u32 s29, $0x7  }
0x8: {  	s9 =	simm.s32 $0x0;
	s3 =	sshll.u32 s3, $0x8;
	s2 =	sand.u32 $0x80, s2  }
0x9: {  	s11 =	simm.s32 $0x0;
	s10 =	simm.s32 $0x0;
	s2 =	sor.u32 s3, s2  }
0xa: {  	_ =	strace $0x8000004A;
	s3 =	sshll.u32 s2, $0x4;
	s30 =	ssub.s32 $0x1000, s2  }
.Ltmp0:
0xb: {  	s31 =	sadd.s32 s3, s4;
	s7 =	sand.u32 $0xF80, s30;
	(pc) =	sbr.rel .LBB2_1-.Ltmp0, $4  }
0xc: {  	s3 =	simm.s32 $0x1;
	p1 =	sne.s32 s7, $0x0;
	s7 =	simm.s32 $0x1  }
0xd: {  	s5 =	sshrl.u32 s30, $0xC;
	s4 =	sadd.s32 $0x4AC00, s4;
	s7 =	simm.s32 @!p1 $0x0  }
0xe: {  	[sflag:s3] =	ssyncpa.u1 $0x0;
	s6 =	sadd.s32 $0x2A400, s31;
	s5 =	sadd.s32 s7, s5  }
0xf: {  	[sflag:s8] =	ssyncpa.u1 $0x0;
	s8 =	simm.s32 $0x0;
	s7 =	sadd.s32 $0x1, s5  }
.LBB2_4:
0x10: {  	_ =	sdelay $0x3  }
0x11: {  	[tilespmem:v0+s13+$0xFFFFFFA0 ss:$0x1] =	vst.idx.msk $0xffff, v6  }
0x12: {  	v56 =	vld.idx.msk [tilespmem:v1+s14+$0x30 ss:$0x1], $0xffff;
	[tilespmem:v0+s13+$0xFFFFFFB0 ss:$0x1] =	vst.idx.msk $0xffff, v4  }
0x13: {  	v57 =	vld.idx.msk [tilespmem:v1+s14+$0xFFFFFFC0 ss:$0x1], $0xffff;
	[tilespmem:v0+s13+$0xFFFFFFC0 ss:$0x1] =	vst.idx.msk $0xffff, v2  }
0x14: {  	v58 =	vld.idx.msk [tilespmem:v1+s14+$0xFFFFFFD0 ss:$0x1], $0xffff;
	[tilespmem:v0+s13+$0xFFFFFFD0 ss:$0x1] =	vst.idx.msk $0xffff, v3  }
0x15: {  	v59 =	vld.idx.msk [tilespmem:v1+s14+$0xFFFFFFE0 ss:$0x1], $0xffff;
	[tilespmem:v0+s13+$0xFFFFFFE0 ss:$0x1] =	vst.idx.msk $0xffff, v5  }
0x16: {  	v60 =	vld.idx.msk [tilespmem:v1+s14+$0xFFFFFFF0 ss:$0x1], $0xffff;
	[tilespmem:v0+s13+$0xFFFFFFF0 ss:$0x1] =	vst.idx.msk $0xffff, v7  }
0x17: {  	v61 =	vld.idx.msk [tilespmem:v1+s14+$0x0 ss:$0x1], $0xffff;
	[tilespmem:v0+s14+$0x0 ss:$0x1] =	vst.idx.msk $0xffff, v56  }
0x18: {  	v62 =	vld.idx.msk [tilespmem:v1+s14+$0x10 ss:$0x1], $0xffff;
	[tilespmem:v0+s14+$0xFFFFFF90 ss:$0x1] =	vst.idx.msk $0xffff, v57  }
0x19: {  	v63 =	vld.idx.msk [tilespmem:v1+s14+$0x20 ss:$0x1], $0xffff;
	[tilespmem:v0+s14+$0xFFFFFFA0 ss:$0x1] =	vst.idx.msk $0xffff, v58  }
0x1a: {  	[tilespmem:v0+s14+$0xFFFFFFB0 ss:$0x1] =	vst.idx.msk $0xffff, v59  }
0x1b: {  	[tilespmem:v0+s14+$0xFFFFFFC0 ss:$0x1] =	vst.idx.msk $0xffff, v60  }
0x1c: {  	s11 =	sshll.u32 s11, $0x4;
	[tilespmem:v0+s14+$0xFFFFFFD0 ss:$0x1] =	vst.idx.msk $0xffff, v61  }
0x1d: {  	s11 =	sand.u32 $0xFFF0, s11;
	[tilespmem:v0+s14+$0xFFFFFFE0 ss:$0x1] =	vst.idx.msk $0xffff, v62  }
0x1e: {  	s11 =	sadd.s32 s4, s11;
	[tilespmem:v0+s14+$0xFFFFFFF0 ss:$0x1] =	vst.idx.msk $0xffff, v63  }
0x1f: {  	[hbm4b:s11+s8] =	stream.linear.scatter [tilespmem:s12], [sflag:$0x2], $0x4000, $0x38;
	[tilespmem:$0x10000] =	vst v63  }
.LBB2_5:
0x20: {  	p2 =	sne.s32 s10, s7  }
.Ltmp1:
0x21: {  	p1 =	slt.u32 s10, $0x2;
	(pc) =	sbr.rel @!p2 .LBB2_6-.Ltmp1, $4  }
0x22: {  	s11 =	simm.s32 @!p1 $0x2  }
0x23: {  	_ =	swait.ge @!p1 [sflag:s11], $0x4000  }
0x24: {  	s12 =	sadd.s32 $0x1, s10;
	s9 =	sadd.s32 $0x4000, s9;
	[sflag:s11] =	ssyncset.done @!p1 $0x0  }
0x25: {  	s10 =	smov.u32 s12;
	[sflag:s11] =	ssyncadd.s32 @!p1 $0xFFFFC000;
	s11 =	smov.u32 s2  }
.LBB2_1:
0x26: {  	p1 =	sge.u32 s10, s5  }
0x27: {  	s12 =	sxor.u32 @!p1 $0xFFFFFFFF, s10  }
0x28: {  	s12 =	sshll.u32 @!p1 s12, $0xE  }
0x29: {  	s31 =	sadd.s32 $0xFFFFFFFF, s10;
	s13 =	simm.s32 @!p1 $0x0;
	s12 =	sand.u32 @!p1 $0x4000, s12  }
0x2a: {  	[tilespmem:s12], [sflag:$0x1] =	stream.linear.gather @!p1 [hbm4b:s6+s13], $0x4000, $0x38;
	[tilespmem:$0x10000] =	vst v63  }
0x2b: {  	p1 =	sge.u32 s31, s5  }
.Ltmp2:
0x2c: {  	_ = 	snop;
	(pc) =	sbr.rel @p1 .LBB2_5-.Ltmp2, $1  }
0x2d: {  	_ =	sdelay $0x3  }
0x2e: {  	s12 =	sand.u32 $0x4000, s9  }
0x2f: {  	s13 =	sor.u32 $0x40, s12  }
0x30: {  	v1 =	vmov s13;
	_ =	sdelay $0x1  }
0x31: {  	_ =	swait.ge [sflag:s3], $0x4000  }
0x32: {  	[sflag:s3] =	ssyncset.done $0x0  }
0x33: {  	[sflag:s3] =	ssyncadd.s32 $0xFFFFC000;
	s13 =	simm.s32 $0x0  }
0x34: {  	s12 =	sor.u32 $0x8070, s12;
	v7 =	vld.idx.msk [tilespmem:v1+s13+$0x30 ss:$0x1], $0xffff  }
0x35: {  	v0 =	vmov s12;
	v8 =	vld.idx.msk [tilespmem:v1+s13+$0xFFFFFFC0 ss:$0x1], $0xffff  }
0x36: {  	v6 =	vld.idx.msk [tilespmem:v1+s13+$0xFFFFFFD0 ss:$0x1], $0xffff  }
0x37: {  	v4 =	vld.idx.msk [tilespmem:v1+s13+$0xFFFFFFE0 ss:$0x1], $0xffff  }
0x38: {  	v2 =	vld.idx.msk [tilespmem:v1+s13+$0xFFFFFFF0 ss:$0x1], $0xffff  }
0x39: {  	s31 =	sshll.u32 s10, $0xE;
	v3 =	vld.idx.msk [tilespmem:v1+s13+$0x0 ss:$0x1], $0xffff  }
0x3a: {  	s12 =	sand.u32 $0x4000, s31;
	v5 =	vld.idx.msk [tilespmem:v1+s13+$0x10 ss:$0x1], $0xffff;
	[tilespmem:v0+s13+$0x0 ss:$0x1] =	vst.idx.msk $0xffff, v7  }
0x3b: {  	s14 =	simm.s32 $0x80;
	s15 =	simm.s32 $0x400;
	s12 =	sor.u32 $0x8000, s12;
	[tilespmem:v0+s13+$0xFFFFFF90 ss:$0x1] =	vst.idx.msk $0xffff, v8;
	v7 =	vld.idx.msk [tilespmem:v1+s13+$0x20 ss:$0x1], $0xffff  }
.LBB2_3:
0x3c: {  	p1 =	sne.s32 s15, $0xFE00;
	v8 =	vld.idx.msk [tilespmem:v1+s14+$0x30 ss:$0x1], $0xffff;
	[tilespmem:v0+s13+$0xFFFFFFA0 ss:$0x1] =	vst.idx.msk $0xffff, v6  }
0x3d: {  	v9 =	vld.idx.msk [tilespmem:v1+s14+$0xFFFFFFC0 ss:$0x1], $0xffff;
	[tilespmem:v0+s13+$0xFFFFFFB0 ss:$0x1] =	vst.idx.msk $0xffff, v4  }
0x3e: {  	v6 =	vld.idx.msk [tilespmem:v1+s14+$0xFFFFFFD0 ss:$0x1], $0xffff;
	[tilespmem:v0+s13+$0xFFFFFFC0 ss:$0x1] =	vst.idx.msk $0xffff, v2  }
.Ltmp3:
0x3f: {  	v4 =	vld.idx.msk [tilespmem:v1+s14+$0xFFFFFFE0 ss:$0x1], $0xffff;
	[tilespmem:v0+s13+$0xFFFFFFD0 ss:$0x1] =	vst.idx.msk $0xffff, v3;
	(pc) =	sbr.rel @p1 .LBB2_3-.Ltmp3, $4  }
0x40: {  	v2 =	vld.idx.msk [tilespmem:v1+s14+$0xFFFFFFF0 ss:$0x1], $0xffff;
	[tilespmem:v0+s13+$0xFFFFFFE0 ss:$0x1] =	vst.idx.msk $0xffff, v5  }
0x41: {  	v3 =	vld.idx.msk [tilespmem:v1+s14+$0x0 ss:$0x1], $0xffff;
	[tilespmem:v0+s13+$0xFFFFFFF0 ss:$0x1] =	vst.idx.msk $0xffff, v7;
	s13 =	smov.u32 s14  }
0x42: {  	v5 =	vld.idx.msk [tilespmem:v1+s13+$0x10 ss:$0x1], $0xffff;
	[tilespmem:v0+s13+$0x0 ss:$0x1] =	vst.idx.msk $0xffff, v8  }
0x43: {  	s14 =	sshra.s32 s15, $0x2;
	s15 =	sadd.s32 $0x200, s15;
	[tilespmem:v0+s13+$0xFFFFFF90 ss:$0x1] =	vst.idx.msk $0xffff, v9;
	v7 =	vld.idx.msk [tilespmem:v1+s13+$0x20 ss:$0x1], $0xffff  }
.Ltmp4:
0x44: {  	_ = 	snop;
	(pc) =	sbr.rel .LBB2_4-.Ltmp4, $1  }
0x45: {  	_ =	sdelay $0x3  }
.LBB2_6:
0x46: {  	_ =	sfence.sel $0x180000  }
0x47: {  	s2 =	simm.s32 $0x1;
	[bflag:$0x0] =	sbarrier.arrive $0xFFFF  }
0x48: {  	s31 =	simm.s32 $0x2;
	[sflag:s2] =	ssyncpa.u1 $0x1  }
0x49: {  	[sflag:s31] =	ssyncpa.u1 $0x1  }
0x4a: {  	_ =	strace $0x9000004A  }
0x4b: {  	s0 =	sadd.s32 @!p0 $0x100000, s0;
	[bflag:$0x2] =	sbarrier.arrive $0xFFFF  }
0x4c: {  	[sflag:s0] =	ssyncadd.tile.s32 @!p0 $0x1;
	s0 =	simm.s32 @!p0 $0x3F  }
0x4d: {  	_ =	swait.ge @!p0 [sflag:s0], s1  }
0x4e: {  	s1 =	ssub.s32 @!p0 $0x0, s1;
	[sflag:s0] =	ssyncset.done @!p0 $0x0  }
0x4f: {  	[sflag:s0] =	ssyncadd.s32 @!p0 s1  }
0x50: {  	[bflag:$0x3] =	sbarrier.arrive $0xFFFF  }
0x51: {  	_ =	shalt  }
.Lfunc_end2:
execute1_lowered:
.L_overlay_start_2:
0x52: {  	(tag) =	ssettag $0x2  }
0x53: {  	s0 =	rddreg [dreg:$0x0]  }
0x54: {  	s2 =	rddreg [dreg:$0x1];
	_ =	strace $0x8000004D;
	s1 =	simm.s32 $0x1  }
0x55: {  	s9 =	simm.s32 $0x108;
	v0 =	vimm.s32 $0x0;
	[sflag:s1] =	ssyncpa.u1 $0x0  }
0x56: {  	[tilespmem:s9+$0x70] =	vst v0  }
0x57: {  	[tilespmem:s9+$0x60] =	vst v0  }
0x58: {  	[tilespmem:s9+$0x50] =	vst v0  }
0x59: {  	[tilespmem:s9+$0x40] =	vst v0  }
0x5a: {  	s1 =	sadd.s32 $0x4AC00, s0;
	s15 =	sadd.s32 $0x12400, s0;
	[tilespmem:s9+$0x30] =	vst v0  }
0x5b: {  	s6 =	sadd.s32 $0x61A400, s0;
	s2 =	sand.u32 $0x1, s2;
	s14 =	sadd.s32 $0x16400, s0;
	[tilespmem:s9+$0x20] =	vst v0  }
0x5c: {  	s0 =	simm.s32 $0x40;
	[dreg:$0x4] =	wrdreg s2;
	s16 =	sshll.u32 s2, $0xD;
	[tilespmem:s9+$0x10] =	vst v0  }
.LBB3_1:
0x5d: {  	s0 =	sadd.s32 $0x40, s0;
	[tilespmem:s9+$0x0] =	vst v0;
	s9 =	sadd.s32 $0x80, s9  }
0x5e: {  	p0 =	slt.u32 s0, $0x3C40;
	[tilespmem:s9+$0x70] =	vst v0  }
0x5f: {  	[tilespmem:s9+$0x60] =	vst v0  }
.Ltmp5:
0x60: {  	[tilespmem:s9+$0x50] =	vst v0;
	(pc) =	sbr.rel @p0 .LBB3_1-.Ltmp5, $4  }
0x61: {  	[tilespmem:s9+$0x40] =	vst v0  }
0x62: {  	[tilespmem:s9+$0x30] =	vst v0  }
0x63: {  	[tilespmem:s9+$0x20] =	vst v0  }
0x64: {  	[tilespmem:s9+$0x10] =	vst v0  }
0x65: {  	s5 =	stileid.u32  }
0x66: {  	s0 =	smul.u32 $0x11, s5  }
0x67: {  	s2 =	smin.u32 s5, $0x2  }
0x68: {  	s0 =	sadd.s32 s2, s0  }
0x69: {  	p0 =	slt.u32 s5, $0x2;
	s7 =	smul.u32 $0xF0, s0;
	s0 =	simm.s32 $0x10E0  }
0x6a: {  	s0 =	simm.s32 @!p0 $0xFF0  }
0x6b: {  	s0 =	sadd.s32 s0, s7  }
0x6c: {  	s8 =	smin.u32 s0, $0x10000  }
0x6d: {  	s0 =	ssub.s32 s8, s7  }
0x6e: {  	p0 =	sgt.s32 s0, $0x0  }
0x6f: {  	s0 =	simm.s32 @!p0 $0x0  }
0x70: {  	s3 =	simm.s32 $0x2;
	s10 =	simm.s32 $0x9;
	s30 =	smulhi.u32 $0x88888889, s0  }
0x71: {  	s4 =	simm.s32 $0xA;
	s11 =	simm.s32 $0xB;
	s12 =	simm.s32 $0x1  }
0x72: {  	s14 =	sadd.s32 s16, s14;
	s15 =	sadd.s32 s16, s15;
	s2 =	sshrl.u32 s30, $0x7  }
0x73: {  	s22 =	simm.s32 $0x0;
	s18 =	simm.s32 $0xC;
	s31 =	smul.u32 $0xF0, s2  }
.Ltmp6:
0x74: {  	[tilespmem:s9+$0x0] =	vst v0;
	v0 =	vimm.s32 $0xFFFFFFFF;
	s20 =	simm.s32 $0x0;
	[sflag:s3] =	ssyncpa.u1 $0x0;
	(pc) =	sbr.rel .LBB3_3-.Ltmp6, $4  }
0x75: {  	[tilespmem:$0xF208] =	vst v0;
	[sflag:s10] =	ssyncpa.u1 $0x0;
	p0 =	sne.s32 s0, s31;
	s0 =	simm.s32 $0x1  }
0x76: {  	s21 =	simm.s32 $0x0;
	[sflag:s4] =	ssyncpa.u1 $0x0;
	s0 =	simm.s32 @!p0 $0x0  }
0x77: {  	s16 =	sshll.u32 s5, $0x8;
	[sflag:s11] =	ssyncpa.u1 $0x0;
	s13 =	sadd.s32 s0, s2  }
0x78: {  	v0 =	vlaneseq.u32;
	s19 =	smov.u32 s7;
	p0 =	por $0x0, $0x0;
	s17 =	sadd.s32 $0x1, s13  }
.LBB3_18:
0x79: {  	s0 =	sshrl.u32 s31, $0x2  }
.LBB3_20:
0x7a: {  	_ =	swait.ge [sflag:s18], s0  }
0x7b: {  	s31 =	ssub.s32 $0x0, s0;
	v1 =	vmov s24;
	vm0 =	veq.s32 v0, $0x0;
	[sflag:s18] =	ssyncset.done $0x0  }
0x7c: {  	vm15 =	veq.s32 v0, $0x2;
	v1 =	vsel vm0, s30, v1;
	[sflag:s18] =	ssyncadd.s32 s31  }
0x7d: {  	v1 =	vsel vm15, s22, v1;
	[sflag:s18] =	ssyncpa.u1 $0x1  }
0x7e: {  	[tilespmem:$0xF208] =	vst v1  }
.LBB3_21:
0x7f: {  	s0 =	sadd.s32 $0xF0, s19  }
0x80: {  	s2 =	smov.u32 s7;
	p1 =	slt.s32 s0, s8  }
0x81: {  	s2 =	smov.u32 @p1 s0;
	p1 =	sne.s32 s21, s17  }
.Ltmp7:
0x82: {  	_ = 	snop;
	(pc) =	sbr.rel @!p1 .LBB3_22-.Ltmp7, $3  }
0x83: {  	_ =	sdelay $0x1  }
0x84: {  	s22 =	smov.u32 s20;
	s31 =	sadd.s32 $0x1, s21;
	s20 =	smov.u32 s19  }
0x85: {  	p0 =	por !p0, !p0;
	s21 =	smov.u32 s31;
	s19 =	smov.u32 s2  }
.LBB3_3:
0x86: {  	p1 =	sge.u32 s21, s13  }
0x87: {  	s0 =	smulhi.u32 @!p1 $0xAAAAAAAB, s21  }
0x88: {  	s2 =	smov.u32 s19;
	p2 =	sgt.s32 @!p1 s19, $0xFF10  }
0x89: {  	s3 =	sshra.s32 @!p1 s19, $0x1F;
	p2 =	por !p2, p1;
	s0 =	sshrl.u32 @!p1 s0, $0x1  }
0x8a: {  	s3 =	sand.u32 @!p1 s3, s19;
	s2 =	simm.s32 @p2 $0xFF10;
	s0 =	smul.u32 @!p1 $0x3, s0  }
0x8b: {  	s2 =	ssub.s32 @!p1 s2, s3  }
0x8c: {  	s2 =	sadd.s32 @!p1 $0xFFFF00F0, s2;
	s0 =	ssub.s32 @!p1 s21, s0  }
0x8d: {  	s3 =	sshll.u32 @!p1 s2, $0x2;
	p2 =	sgt.s32 @!p1 s2, $0xEF;
	s0 =	smul.u32 @!p1 $0x3C0, s0  }
0x8e: {  	s4 =	sand.u32 @!p1 $0x7, s19;
	s2 =	ssub.s32 @!p1 $0x3C0, s3;
	p2 =	por !p2, p1  }
0x8f: {  	s3 =	sshrl.u32 @!p1 s19, $0x3;
	s2 =	sshrl.u32 @!p1 s2, $0x2;
	s0 =	sshrl.u32 @!p1 s0, $0x2  }
0x90: {  	s3 =	sadd.s32 @!p1 s3, s14;
	s2 =	simm.s32 @!p2 $0x0;
	s0 =	sadd.s32 @!p1 $0x10248, s0  }
0x91: {  	[tilespmem:s0], [sflag:$0xA] =	stream.linear.gather @!p1 [hbm4b:s3+s4], s2, $0x38;
	[tilespmem:$0x1F6F8] =	vst v63  }
0x92: {  	s0 =	sadd.s32 $0xFFFFFFFF, s21  }
0x93: {  	p1 =	sge.u32 s0, s13  }
0x94: {  	p2 =	sgt.s32 @!p1 s20, $0xFF10  }
0x95: {  	s2 =	smov.u32 s20;
	s3 =	sshra.s32 @!p1 s20, $0x1F;
	p2 =	por !p2, p1  }
0x96: {  	s3 =	sand.u32 @!p1 s3, s20;
	s2 =	simm.s32 @p2 $0xFF10  }
0x97: {  	s2 =	ssub.s32 @!p1 s2, s3  }
0x98: {  	s2 =	sadd.s32 @!p1 $0xFFFF00F0, s2  }
0x99: {  	s4 =	sand.u32 @!p1 $0x1, s0;
	s3 =	sshll.u32 @!p1 s2, $0x2  }
0x9a: {  	p2 =	sgt.s32 @!p1 s2, $0xEF;
	s2 =	ssub.s32 @!p1 $0x3C0, s3;
	s3 =	smulhi.u32 @!p1 $0xAAAAAAAB, s0  }
0x9b: {  	s23 =	smul.u32 @!p1 $0x3C0, s4;
	p2 =	por !p2, p1;
	s2 =	sshrl.u32 @!p1 s2, $0x2  }
0x9c: {  	s5 =	simm.s32 @!p1 $0xA;
	s2 =	simm.s32 @!p2 $0x0;
	s3 =	sshrl.u32 @!p1 s3, $0x1  }
0x9d: {  	s23 =	sshrl.u32 @!p1 s23, $0x2;
	_ =	swait.ge @!p1 [sflag:s5], s2;
	s3 =	smul.u32 @!p1 $0x3, s3  }
0x9e: {  	s23 =	sadd.s32 @!p1 $0x10518, s23;
	s24 =	ssub.s32 @!p1 $0x0, s2;
	[sflag:s5] =	ssyncset.done @!p1 $0x0  }
0x9f: {  	[sflag:s5] =	ssyncadd.s32 @!p1 s24;
	s5 =	sshrl.u32 @!p1 s20, $0x3;
	s0 =	ssub.s32 @!p1 s0, s3  }
0xa0: {  	s24 =	sand.u32 @!p1 $0x7, s20;
	s5 =	sadd.s32 @!p1 s5, s15;
	s0 =	smul.u32 @!p1 $0x3C0, s0  }
0xa1: {  	[tilespmem:s23], [sflag:$0xB] =	stream.linear.gather @!p1 [hbm4b:s5+s24], s2, $0x38;
	[tilespmem:$0x1F6F8] =	vst v63  }
0xa2: {  	s3 =	ssub.s32 @!p1 $0x10000, s20;
	s2 =	smul.u32 @!p1 $0x1E000, s4  }
0xa3: {  	p2 =	slt.s32 @!p1 s3, $0xF0  }
0xa4: {  	p2 =	por !p2, p1;
	s0 =	sshrl.u32 @!p1 s0, $0x2;
	s2 =	sshrl.u32 @!p1 s2, $0x2  }
0xa5: {  	s3 =	simm.s32 @p2 $0xF0;
	s0 =	sadd.s32 @!p1 $0x10248, s0;
	s2 =	sor.u32 @!p1 $0x106F8, s2  }
0xa6: {  	[tilespmem:s2], [sflag:$0x9] =	stream.indirect.gather @!p1 [hbm4b:s6+s3], $0x80, s0, s3, $0xb8;
	[tilespmem:$0x1F6F8] =	vst v63  }
0xa7: {  	p1 =	slt.u32 s21, $0x2  }
.Ltmp8:
0xa8: {  	_ = 	snop;
	(pc) =	sbr.rel @p1 .LBB3_21-.Ltmp8, $1  }
0xa9: {  	_ =	sdelay $0x3  }
0xaa: {  	p1 =	sgt.s32 s22, $0xFF10  }
0xab: {  	s0 =	smov.u32 s22;
	s2 =	sshra.s32 s22, $0x1F;
	s3 =	ssub.s32 $0x10000, s22  }
0xac: {  	s0 =	simm.s32 @!p1 $0xFF10;
	s2 =	sand.u32 s2, s22;
	p1 =	slt.s32 s3, $0xF0  }
0xad: {  	s0 =	ssub.s32 s0, s2;
	s3 =	simm.s32 @!p1 $0xF0  }
0xae: {  	s0 =	sadd.s32 $0xFFFF00F0, s0;
	s25 =	sshll.u32 s3, $0x7  }
0xaf: {  	s26 =	sshll.u32 s0, $0x2;
	s2 =	sand.u32 $0x3FFFFF80, s25  }
0xb0: {  	p1 =	sgt.s32 s0, $0xEF;
	s29 =	ssub.s32 $0x3C0, s26;
	_ =	swait.ge [sflag:s10], s2  }
0xb1: {  	s2 =	ssub.s32 $0x0, s2;
	[sflag:s10] =	ssyncset.done $0x0;
	s0 =	sshrl.u32 s29, $0x2  }
0xb2: {  	[sflag:s10] =	ssyncadd.s32 s2;
	s0 =	simm.s32 @p1 $0x0  }
0xb3: {  	_ =	swait.ge [sflag:s11], s0  }
0xb4: {  	s0 =	ssub.s32 $0x0, s0;
	[sflag:s11] =	ssyncset.done $0x0  }
0xb5: {  	[sflag:s11] =	ssyncadd.s32 s0  }
0xb6: {  	v1 =	vld [tilespmem:$0xF208];
	_ =	sdelay $0x4  }
0xb7: {  	(v2sf) =	vpush v1, $0x0  }
0xb8: {  	(v2sf) =	vpush v1, $0x1  }
0xb9: {  	(v2sf) =	vpush v1, $0x2;
	_ =	sdelay $0x3  }
0xba: {  	s0 =	sadd.s32 $0xF0, s22  }
0xbb: {  	s2 =	ssub.s32 $0x20000, s22;
	p1 =	slt.s32 s8, s0  }
0xbc: {  	s0 =	smov.u32 @p1 s8;
	p1 =	sgt.s32 s2, $0x0  }
0xbd: {  	s26 =	ssub.s32 s0, s22;
	s2 =	simm.s32 @!p1 $0x0  }
0xbe: {  	p1 =	slt.s32 s2, s26  }
0xbf: {  	s26 =	smov.u32 @p1 s2  }
0xc0: {  	s25 =	simm.s32 $0x1;
	p1 =	slt.s32 s26, $0x1  }
.Ltmp9:
0xc1: {  	s25 =	simm.s32 @!p0 $0x0;
	(pc) =	sbr.rel @p1 .LBB3_8-.Ltmp9, $4  }
0xc2: {  	s31 =	smul.u32 $0x3C0, s25  }
0xc3: {  	s28 =	spop (v2sf)  }
0xc4: {  	s0 =	sshrl.u32 s31, $0x2;
	s30 =	spop (v2sf)  }
0xc5: {  	s23 =	sadd.s32 $0x10518, s0;
	s22 =	spop (v2sf)  }
0xc6: {  	s0 =	smin.u32 s26, $0x10  }
0xc7: {  	v1 =	vmov s0  }
0xc8: {  	p2 =	sgt.s32 s26, $0x10;
	vm1 =	vgt.u32 v1, v0  }
.Ltmp10:
0xc9: {  	_ = 	snop;
	(pc) =	sbr.rel @!p2 .LBB3_7-.Ltmp10, $2  }
0xca: {  	_ =	sdelay $0x2  }
0xcb: {  	s4 =	simm.s32 $0x10;
	s24 =	sadd.s32 $0xFFFFFFF0, s26;
	s0 =	smov.u32 s23;
	vm0 =	vmmov vm1  }
.LBB3_6:
0xcc: {  	s2 =	smin.u32 s24, $0x10;
	s4 =	sadd.s32 $0x10, s4;
	v1 =	vld.msk [tilespmem:s0+$0x0 ss:$0x1], vm1  }
0xcd: {  	v2 =	vmov s2;
	p2 =	slt.s32 s4, s26  }
0xce: {  	vm1 =	vgt.u32 v2, v0  }
.Ltmp11:
0xcf: {  	(pc) =	sbr.rel @p2 .LBB3_6-.Ltmp11, $3  }
0xd0: {  	_ =	sdelay $0x1  }
0xd1: {  	v1 =	vshll.u32 v1, $0x4  }
0xd2: {  	s24 =	sadd.s32 $0xFFFFFFF0, s24;
	[tilespmem:s0+$0x0] =	vst.msk vm0, v1;
	s0 =	sadd.s32 $0x10, s0;
	vm0 =	vmmov vm1  }
.LBB3_7:
0xd3: {  	_ =	sdelay $0x4  }
0xd4: {  	v1 =	vld.msk [tilespmem:s0+$0x0 ss:$0x1], vm1;
	_ =	sdelay $0x4  }
0xd5: {  	v1 =	vshll.u32 v1, $0x4  }
0xd6: {  	[tilespmem:s0+$0x0] =	vst.msk vm0, v1  }
.LBB3_8:
0xd7: {  	s0 =	sand.u32 $0x1, s21  }
0xd8: {  	s0 =	smul.u32 $0xF0, s0  }
0xd9: {  	p2 =	sne.s32 s30, $0xFFFFFFFF  }
0xda: {  	v1 =	vld.msk @!p2 [tilespmem:s0+$0x10518], $0x1;
	_ =	sdelay $0x4  }
0xdb: {  	(v2sf) =	vpush @!p2 v1, $0x0;
	_ =	sdelay $0xc  }
.Ltmp12:
0xdc: {  	_ = 	snop;
	(pc) =	sbr.rel @p1 .LBB3_19-.Ltmp12, $4  }
0xdd: {  	_ = 	snop  }
0xde: {  	s29 =	spop @!p2 (v2sf)  }
0xdf: {  	s22 =	simm.s32 @!p2 $0x0;
	s24 =	smov.u32 s29  }
0xe0: {  	[sflag:s18] =	ssyncpa.u1 $0x0;
	s29 =	smov.u32 @p2 s28;
	s24 =	smov.u32 @p2 s30  }
0xe1: {  	v1 =	vld.msk [tilespmem:s23+$0x0], $0x1;
	_ =	sdelay $0x4  }
0xe2: {  	(v2sf) =	vpush v1, $0x0;
	_ =	sdelay $0xe  }
0xe3: {  	s2 =	smul.u32 $0x1E000, s25;
	s0 =	spop (v2sf)  }
0xe4: {  	s26 =	ssub.s32 $0x0, s26;
	p1 =	seq.s32 s29, s0  }
0xe5: {  	s30 =	sadd.s32 $0x1, s26;
	s2 =	sshrl.u32 s2, $0x2;
	p2 =	sgt.s32 @!p1 s29, $0x0  }
0xe6: {  	s25 =	sor.u32 $0x10738, s2;
	s2 =	smov.u32 s29;
	p2 =	por !p2, p1  }
0xe7: {  	s2 =	simm.s32 @p2 $0x0;
	p2 =	seq.s32 s30, $0x0  }
.Ltmp13:
0xe8: {  	_ = 	snop;
	(pc) =	sbr.rel @p2 .LBB3_11-.Ltmp13, $4  }
0xe9: {  	_ = 	snop  }
0xea: {  	s28 =	simm.s32 $0x0;
	s31 =	sadd.s32 $0x1, s23;
	s2 =	smin.u32 @!p1 s2, $0xFFF0  }
0xeb: {  	s4 =	simm.s32 @!p1 $0x1;
	s5 =	simm.s32 @!p1 $0x7988;
	s3 =	sand.u32 @!p1 $0xFFF8, s2  }
0xec: {  	s4 =	smov.u32 @p1 s28;
	s2 =	sand.u32 @!p1 $0x7, s2;
	s3 =	sadd.s32 @!p1 s1, s3  }
.LBB3_10:
0xed: {  	s9 =	smov.u32 s4  }
0xee: {  	[tilespmem:s5], [sflag:$0x2] =	stream.linear.gather @!p1 [hbm4b:s3+s2], $0x80, $0x38;
	[tilespmem:$0x1F6F8] =	vst v63  }
0xef: {  	s30 =	sadd.s32 $0x1, s30;
	s2 =	smov.u32 s0;
	v1 =	vld.msk [tilespmem:s31+$0x0], $0x1  }
0xf0: {  	p2 =	seq.s32 s30, $0x0;
	_ =	sdelay $0x3  }
0xf1: {  	(v2sf) =	vpush v1, $0x0;
	_ =	sdelay $0xe  }
0xf2: {  	s0 =	spop (v2sf)  }
0xf3: {  	p1 =	seq.s32 s2, s0  }
0xf4: {  	p3 =	sgt.s32 @!p1 s2, $0x0;
	s3 =	sshll.u32 @!p1 s4, $0x9;
	s4 =	sadd.s32 @!p1 $0x1, s4  }
.Ltmp14:
0xf5: {  	p3 =	por !p3, p1;
	s3 =	sshra.s32 @!p1 s3, $0x2;
	(pc) =	sbr.rel @!p2 .LBB3_10-.Ltmp14, $4  }
0xf6: {  	s4 =	smov.u32 @p1 s9;
	s2 =	simm.s32 @p3 $0x0;
	s5 =	sadd.s32 @!p1 $0x7988, s3  }
0xf7: {  	s2 =	smin.u32 @!p1 s2, $0xFFF0  }
0xf8: {  	s3 =	sand.u32 @!p1 $0xFFF8, s2;
	s2 =	sand.u32 @!p1 $0x7, s2  }
0xf9: {  	s31 =	sadd.s32 $0x1, s31;
	s3 =	sadd.s32 @!p1 s1, s3  }
.LBB3_11:
0xfa: {  	[tilespmem:s5], [sflag:$0x2] =	stream.linear.gather @!p1 [hbm4b:s3+s2], $0x80, $0x38;
	[tilespmem:$0x1F6F8] =	vst v63  }
.Ltmp15:
0xfb: {  	s0 =	sshll.u32 s4, $0x7;
	(pc) =	sbr.rel .LBB3_12-.Ltmp15, $4  }
0xfc: {  	s30 =	simm.s32 $0x2;
	s0 =	sand.u32 $0x3FFFFF80, s0  }
0xfd: {  	_ =	swait.ge [sflag:s30], s0  }
0xfe: {  	s0 =	ssub.s32 $0x0, s0;
	[sflag:s30] =	ssyncset.done $0x0  }
0xff: {  	s31 =	simm.s32 $0x0;
	[sflag:s30] =	ssyncadd.s32 s0  }
.LBB3_13:
0x100: {  	v1 =	vld [tilespmem:s25+$0xFFFFFFC0];
	_ =	sdelay $0x3  }
0x101: {  	s0 =	sshra.s32 s0, $0x2  }
0x102: {  	[tilespmem:s0+$0x108] =	vst.add.f32.msk $0xffff, v1  }
0x103: {  	v1 =	vld [tilespmem:s25+$0xFFFFFFD0];
	_ =	sdelay $0x4  }
0x104: {  	[tilespmem:s0+$0x118] =	vst.add.f32.msk $0xffff, v1  }
0x105: {  	v1 =	vld [tilespmem:s25+$0xFFFFFFE0];
	_ =	sdelay $0x4  }
0x106: {  	[tilespmem:s0+$0x128] =	vst.add.f32.msk $0xffff, v1  }
0x107: {  	v1 =	vld [tilespmem:s25+$0xFFFFFFF0];
	_ =	sdelay $0x4  }
0x108: {  	[tilespmem:s0+$0x138] =	vst.add.f32.msk $0xffff, v1  }
0x109: {  	v1 =	vld [tilespmem:s25+$0x0];
	_ =	sdelay $0x4  }
0x10a: {  	[tilespmem:s0+$0x148] =	vst.add.f32.msk $0xffff, v1  }
0x10b: {  	v1 =	vld [tilespmem:s25+$0x10];
	_ =	sdelay $0x4  }
0x10c: {  	[tilespmem:s0+$0x158] =	vst.add.f32.msk $0xffff, v1  }
0x10d: {  	v1 =	vld [tilespmem:s25+$0x20];
	_ =	sdelay $0x4  }
0x10e: {  	[tilespmem:s0+$0x168] =	vst.add.f32.msk $0xffff, v1  }
0x10f: {  	v1 =	vld [tilespmem:s25+$0x30];
	_ =	sdelay $0x4  }
0x110: {  	[tilespmem:s0+$0x178] =	vst.add.f32.msk $0xffff, v1  }
.LBB3_17:
0x111: {  	s26 =	sadd.s32 $0x1, s26  }
0x112: {  	p1 =	seq.s32 s26, $0x0  }
.Ltmp16:
0x113: {  	_ = 	snop;
	(pc) =	sbr.rel @p1 .LBB3_18-.Ltmp16, $2  }
0x114: {  	_ =	sdelay $0x2  }
0x115: {  	s23 =	sadd.s32 $0x1, s23;
	s25 =	sadd.s32 $0x80, s25;
	s29 =	smov.u32 s30  }
.LBB3_12:
0x116: {  	v1 =	vld.msk [tilespmem:s23+$0x0], $0x1;
	_ =	sdelay $0x4  }
0x117: {  	(v2sf) =	vpush v1, $0x0;
	_ =	sdelay $0xe  }
0x118: {  	s30 =	spop (v2sf)  }
0x119: {  	p1 =	sne.s32 s29, s30  }
.Ltmp17:
0x11a: {  	_ = 	snop;
	(pc) =	sbr.rel @!p1 .LBB3_13-.Ltmp17, $2  }
0x11b: {  	_ =	sdelay $0x2  }
0x11c: {  	s0 =	sshll.u32 s22, $0x9  }
0x11d: {  	p1 =	seq.s32 s29, s24  }
.Ltmp18:
0x11e: {  	_ = 	snop;
	(pc) =	sbr.rel @!p1 .LBB3_15-.Ltmp18, $1  }
0x11f: {  	_ =	sdelay $0x3  }
0x120: {  	s0 =	sshra.s32 s0, $0x2  }
.Ltmp19:
0x121: {  	s0 =	sadd.s32 $0x108, s0;
	(pc) =	sbr.rel .LBB3_16-.Ltmp19, $4  }
0x122: {  	[spmem:s16] =	stream.linear.scatter [tilespmem:s0], [sflag:$0x1], $0x80, $0x38;
	[tilespmem:$0x1F6F8] =	vst v63  }
0x123: {  	_ =	swait.ge [sflag:s12], $0x80  }
0x124: {  	[sflag:s12] =	ssyncset.done $0x0  }
0x125: {  	[sflag:s12] =	ssyncadd.s32 $0xFFFFFF80  }
.LBB3_15:
0x126: {  	s2 =	sshll.u32 s28, $0x9  }
0x127: {  	s2 =	sshra.s32 s2, $0x2  }
0x128: {  	v1 =	vld [tilespmem:s2+$0x7988];
	_ =	sdelay $0x3  }
0x129: {  	s0 =	sshra.s32 s0, $0x2  }
0x12a: {  	[tilespmem:s0+$0x108] =	vst.add.f32.msk $0xffff, v1  }
0x12b: {  	v1 =	vld [tilespmem:s2+$0x7998];
	_ =	sdelay $0x4  }
0x12c: {  	[tilespmem:s0+$0x118] =	vst.add.f32.msk $0xffff, v1  }
0x12d: {  	v1 =	vld [tilespmem:s2+$0x79A8];
	_ =	sdelay $0x4  }
0x12e: {  	[tilespmem:s0+$0x128] =	vst.add.f32.msk $0xffff, v1  }
0x12f: {  	v1 =	vld [tilespmem:s2+$0x79B8];
	_ =	sdelay $0x4  }
0x130: {  	[tilespmem:s0+$0x138] =	vst.add.f32.msk $0xffff, v1  }
0x131: {  	v1 =	vld [tilespmem:s2+$0x79C8];
	_ =	sdelay $0x4  }
0x132: {  	[tilespmem:s0+$0x148] =	vst.add.f32.msk $0xffff, v1  }
0x133: {  	v1 =	vld [tilespmem:s2+$0x79D8];
	_ =	sdelay $0x4  }
0x134: {  	[tilespmem:s0+$0x158] =	vst.add.f32.msk $0xffff, v1  }
0x135: {  	v1 =	vld [tilespmem:s2+$0x79E8];
	_ =	sdelay $0x4  }
0x136: {  	[tilespmem:s0+$0x168] =	vst.add.f32.msk $0xffff, v1  }
0x137: {  	v1 =	vld [tilespmem:s2+$0x79F8];
	_ =	sdelay $0x2  }
0x138: {  	p1 =	sgt.u32 s29, $0xFFF0  }
0x139: {  	s2 =	sand.u32 @!p1 $0xFFF8, s29  }
0x13a: {  	s3 =	sadd.s32 $0x108, s0;
	[tilespmem:s0+$0x178] =	vst.add.f32.msk $0xffff, v1;
	s0 =	sadd.s32 @!p1 s1, s2;
	s2 =	sand.u32 @!p1 $0x7, s29  }
0x13b: {  	[hbm4b:s0+s2] =	stream.linear.scatter @!p1 [tilespmem:s3], [sflag:$0xC], $0x80, $0x38;
	[tilespmem:$0x1F6F8] =	vst v63  }
0x13c: {  	s0 =	simm.s32 $0x0  }
0x13d: {  	s0 =	simm.s32 @!p1 $0x200  }
0x13e: {  	s31 =	sadd.s32 s0, s31  }
.LBB3_16:
0x13f: {  	s0 =	sadd.s32 $0x1, s22  }
0x140: {  	s2 =	smulhi.u32 $0x88888889, s0;
	_ =	sdelay $0x1  }
0x141: {  	v1 =	vld [tilespmem:s25+$0xFFFFFFC0];
	s2 =	sshrl.u32 s2, $0x7  }
0x142: {  	s2 =	smul.u32 $0xF0, s2;
	_ =	sdelay $0x1  }
0x143: {  	s22 =	ssub.s32 s0, s2  }
0x144: {  	s0 =	sshll.u32 s22, $0x7  }
0x145: {  	[tilespmem:s0+$0x108] =	vst v1  }
0x146: {  	v1 =	vld [tilespmem:s25+$0xFFFFFFD0];
	_ =	sdelay $0x4  }
0x147: {  	[tilespmem:s0+$0x118] =	vst v1  }
0x148: {  	v1 =	vld [tilespmem:s25+$0xFFFFFFE0];
	_ =	sdelay $0x4  }
0x149: {  	[tilespmem:s0+$0x128] =	vst v1  }
0x14a: {  	v1 =	vld [tilespmem:s25+$0xFFFFFFF0];
	_ =	sdelay $0x4  }
0x14b: {  	[tilespmem:s0+$0x138] =	vst v1  }
0x14c: {  	v1 =	vld [tilespmem:s25+$0x0];
	_ =	sdelay $0x4  }
0x14d: {  	[tilespmem:s0+$0x148] =	vst v1  }
0x14e: {  	v1 =	vld [tilespmem:s25+$0x10];
	_ =	sdelay $0x4  }
0x14f: {  	[tilespmem:s0+$0x158] =	vst v1  }
0x150: {  	v1 =	vld [tilespmem:s25+$0x20];
	_ =	sdelay $0x4  }
0x151: {  	[tilespmem:s0+$0x168] =	vst v1  }
0x152: {  	v1 =	vld [tilespmem:s25+$0x30]  }
.Ltmp20:
0x153: {  	_ = 	snop;
	(pc) =	sbr.rel .LBB3_17-.Ltmp20, $2  }
0x154: {  	_ =	sdelay $0x2  }
0x155: {  	s28 =	sadd.s32 $0x1, s28;
	[tilespmem:s0+$0x178] =	vst v1  }
.LBB3_19:
.Ltmp21:
0x156: {  	(pc) =	sbr.rel .LBB3_20-.Ltmp21, $4  }
0x157: {  	_ = 	snop  }
0x158: {  	s0 =	simm.s32 $0x2  }
0x159: {  	_ =	swait.ge [sflag:s0], $0x0  }
0x15a: {  	s30 =	smov.u32 s29;
	[sflag:s0] =	ssyncset.done $0x0;
	s0 =	simm.s32 $0x0  }
.LBB3_22:
0x15b: {  	_ =	sfence.sel $0x180000  }
0x15c: {  	s0 =	simm.s32 $0x9;
	[bflag:$0x0] =	sbarrier.arrive $0xFFFF  }
0x15d: {  	s24 =	simm.s32 $0xA;
	[sflag:s0] =	ssyncpa.u1 $0x1  }
0x15e: {  	s25 =	simm.s32 $0xB;
	[sflag:s24] =	ssyncpa.u1 $0x1  }
0x15f: {  	s26 =	simm.s32 $0x2;
	[sflag:s25] =	ssyncpa.u1 $0x1  }
0x160: {  	[sflag:s26] =	ssyncpa.u1 $0x1  }
0x161: {  	v0 =	vld [tilespmem:$0xF208];
	_ =	sdelay $0x4  }
0x162: {  	(v2sf) =	vpush v0, $0x0  }
0x163: {  	(v2sf) =	vpush v0, $0x1;
	_ =	sdelay $0x1  }
0x164: {  	(v2sf) =	vpush v0, $0x2;
	_ =	sdelay $0xb  }
0x165: {  	s0 =	spop (v2sf)  }
0x166: {  	s2 =	spop (v2sf)  }
0x167: {  	s3 =	smov.u32 s0;
	p0 =	sne.s32 s0, s2  }
0x168: {  	s4 =	spop (v2sf);
	s3 =	simm.s32 @!p0 $0xFFFFFFFF  }
0x169: {  	v2 =	vimm.s32 $0x1;
	v3 =	vlaneseq.u32;
	p0 =	seq.s32 s4, $0xFFFFFFFF;
	v1 =	vmov s3  }
0x16a: {  	s16 =	stileid.u32;
	v0 =	vperm.xlane v0, v2;
	p1 =	sne.s32 @!p0 s0, s2;
	v1 =	vperm.xlane v1, v3  }
0x16b: {  	vm0 =	vcmask $0x3F04;
	s6 =	simm.s32 $0xF208;
	s0 =	simm.s32 @!p0 $0x1;
	p1 =	por !p1, p0  }
0x16c: {  	s3 =	sshll.u32 s16, $0x1;
	s2 =	sshll.u32 @!p0 s4, $0x9;
	s0 =	simm.s32 @p1 $0x0;
	v0 =	vsel vm0, v1, v0  }
0x16d: {  	s5 =	sor.u32 $0x1000, s3;
	s2 =	sshra.s32 @!p0 s2, $0x2;
	s0 =	sor.u32 @!p0 s0, s3;
	[tilespmem:$0xF208] =	vst v0  }
0x16e: {  	[spmem:s5] =	stream.linear.scatter [tilespmem:s6], [sflag:$0x1], $0x2, $0x38;
	[tilespmem:$0x1F6F8] =	vst v63  }
0x16f: {  	s2 =	sadd.s32 @!p0 $0x108, s2;
	s0 =	sshll.u32 @!p0 s0, $0x7  }
0x170: {  	[spmem:s0] =	stream.linear.scatter @!p0 [tilespmem:s2], [sflag:$0x1], $0x80, $0x38;
	[tilespmem:$0x1F6F8] =	vst v63  }
0x171: {  	s0 =	simm.s32 @!p0 $0x82  }
0x172: {  	s28 =	simm.s32 $0x1;
	s0 =	simm.s32 @p0 $0x2  }
0x173: {  	_ =	swait.ge [sflag:s28], s0  }
0x174: {  	s0 =	ssub.s32 $0x0, s0;
	[sflag:s28] =	ssyncset.done $0x0  }
0x175: {  	p0 =	sne.s32 s16, $0x0;
	[sflag:s28] =	ssyncadd.s32 s0  }
.Ltmp22:
0x176: {  	_ =	sfence.stream.spmem;
	(pc) =	sbr.rel @p0 .LBB3_39-.Ltmp22, $4  }
0x177: {  	s29 =	simm.s32 $0x3;
	[bflag:$0x0] =	sbarrier.arrive $0xFFFF  }
0x178: {  	s30 =	simm.s32 $0x4;
	[sflag:s29] =	ssyncpa.u1 $0x1  }
0x179: {  	s31 =	simm.s32 $0x3C;
	[sflag:s30] =	ssyncpa.u1 $0x1  }
0x17a: {  	s15 =	rddreg [dreg:$0x4];
	[sflag:s31] =	ssyncpa.u1 $0x1  }
0x17b: {  	_ =	sfence.stream.spmem;
	s0 =	simm.s32 $0x5  }
0x17c: {  	s2 =	simm.s32 $0x1000;
	s3 =	simm.s32 $0xF218;
	[sflag:s0] =	ssyncpa.u1 $0x0  }
0x17d: {  	[tilespmem:s3], [sflag:$0x5] =	stream.linear.gather [spmem:s2], $0x20, $0x38;
	[tilespmem:$0x1F6F8] =	vst v63  }
0x17e: {  	s26 =	simm.s32 $0x0;
	s28 =	simm.s32 $0xF238  }
0x17f: {  	[tilespmem:s28], [sflag:$0x5] =	stream.linear.gather [spmem:s26], $0x1000, $0x38;
	[tilespmem:$0x1F6F8] =	vst v63  }
0x180: {  	_ =	swait.ge [sflag:s0], $0x1020  }
0x181: {  	[sflag:s0] =	ssyncset.done $0x0  }
0x182: {  	s29 =	simm.s32 $0x0;
	[sflag:s0] =	ssyncadd.s32 $0xFFFFEFE0  }
0x183: {  	v0 =	vld.msk [tilespmem:s29+$0xF218], $0x1;
	_ =	sdelay $0x1  }
0x184: {  	s30 =	simm.s32 $0x1  }
0x185: {  	v1 =	vld.msk [tilespmem:s30+$0xF218], $0x1;
	_ =	sdelay $0x1  }
0x186: {  	(v2sf) =	vpush v0, $0x0;
	_ =	sdelay $0x2  }
0x187: {  	(v2sf) =	vpush v1, $0x0;
	_ =	sdelay $0x2  }
0x188: {  	s31 =	simm.s32 $0x2  }
0x189: {  	v0 =	vld.msk [tilespmem:s31+$0xF218], $0x1;
	_ =	sdelay $0x2  }
0x18a: {  	s4 =	simm.s32 $0xFFFFFFFF;
	s5 =	simm.s32 $0xFFFFFFFF;
	s0 =	simm.s32 $0xC  }
.LBB3_24:
0x18b: {  	s2 =	smov.u32 s5;
	s3 =	smov.u32 s4  }
0x18c: {  	s4 =	sshra.s32 s0, $0x2;
	p1 =	sne.s32 s0, $0x7C;
	s0 =	sadd.s32 $0x4, s0;
	(v2sf) =	vpush v0, $0x0  }
0x18d: {  	v0 =	vld.msk [tilespmem:s4+$0xF218], $0x1  }
.Ltmp23:
0x18e: {  	(pc) =	sbr.rel @p1 .LBB3_24-.Ltmp23, $4  }
0x18f: {  	s5 =	spop (v2sf)  }
0x190: {  	p2 =	sne.s32 s3, $0xFFFFFFFF;
	s4 =	smov.u32 s5  }
0x191: {  	p3 =	seq.s32 s5, $0xFFFFFFFF;
	s4 =	smov.u32 @p2 s3  }
0x192: {  	s5 =	smov.u32 @p3 s2;
	s4 =	smov.u32 @p3 s3  }
0x193: {  	(v2sf) =	vpush v0, $0x0;
	_ =	sdelay $0x8  }
0x194: {  	s0 =	spop (v2sf)  }
0x195: {  	p1 =	sne.s32 s4, $0xFFFFFFFF;
	s2 =	smov.u32 s0  }
0x196: {  	s9 =	simm.s32 $0x6;
	p2 =	seq.s32 s0, $0xFFFFFFFF;
	s2 =	smov.u32 @p1 s4  }
0x197: {  	s6 =	simm.s32 $0x0;
	s2 =	smov.u32 @p2 s4;
	s3 =	spop (v2sf)  }
0x198: {  	s0 =	smov.u32 @p2 s5;
	p1 =	sne.s32 s2, $0xFFFFFFFF;
	s4 =	smov.u32 s3  }
.Ltmp24:
0x199: {  	p2 =	seq.s32 s3, $0xFFFFFFFF;
	s4 =	smov.u32 @p1 s2;
	(pc) =	sbr.rel .LBB3_26-.Ltmp24, $4  }
0x19a: {  	s10 =	simm.s32 $0xF188;
	s4 =	smov.u32 @p2 s2;
	s7 =	spop (v2sf)  }
0x19b: {  	s11 =	simm.s32 $0x0;
	p1 =	sne.s32 s4, $0xFFFFFFFF;
	s8 =	smov.u32 s7  }
0x19c: {  	s3 =	smov.u32 @p2 s0;
	p2 =	seq.s32 s7, $0xFFFFFFFF;
	s8 =	smov.u32 @p1 s4  }
0x19d: {  	[sflag:s9] =	ssyncpa.u1 $0x0;
	s7 =	smov.u32 @p2 s3;
	s8 =	smov.u32 @p2 s4  }
.LBB3_32:
0x19e: {  	p1 =	sgt.u32 s12, $0xFFF0  }
0x19f: {  	p2 =	seq.s32 @!p1 s12, s8  }
0x1a0: {  	p1 =	por p1, p2  }
0x1a1: {  	p2 =	sne.s32 @!p1 s12, s7  }
0x1a2: {  	p1 =	por p1, !p2  }
0x1a3: {  	s0 =	sshll.u32 @p1 s11, $0x9  }
0x1a4: {  	s0 =	sand.u32 @!p1 $0xFFF8, s12  }
0x1a5: {  	s2 =	sand.u32 @!p1 $0x7, s12;
	s0 =	sadd.s32 @!p1 s1, s0  }
0x1a6: {  	[tilespmem:s10], [sflag:$0x6] =	stream.linear.gather @!p1 [hbm4b:s0+s2], $0x80, $0x38;
	[tilespmem:$0x1F6F8] =	vst v63  }
0x1a7: {  	_ =	swait.ge @!p1 [sflag:s9], $0x80  }
0x1a8: {  	[sflag:s9] =	ssyncset.done @!p1 $0x0  }
0x1a9: {  	[sflag:s9] =	ssyncadd.s32 @!p1 $0xFFFFFF80  }
0x1aa: {  	v1 =	vld @!p1 [tilespmem:$0xF188];
	_ =	sdelay $0x2  }
0x1ab: {  	s0 =	sshll.u32 @!p1 s11, $0x9  }
0x1ac: {  	s2 =	sshrl.u32 @!p1 s0, $0x2  }
0x1ad: {  	[tilespmem:s2+$0xF238] =	vst.add.f32.msk @!p1 $0xffff, v1  }
0x1ae: {  	v1 =	vld @!p1 [tilespmem:$0xF198];
	_ =	sdelay $0x4  }
0x1af: {  	[tilespmem:s2+$0xF248] =	vst.add.f32.msk @!p1 $0xffff, v1  }
0x1b0: {  	v1 =	vld @!p1 [tilespmem:$0xF1A8];
	_ =	sdelay $0x4  }
0x1b1: {  	[tilespmem:s2+$0xF258] =	vst.add.f32.msk @!p1 $0xffff, v1  }
0x1b2: {  	v1 =	vld @!p1 [tilespmem:$0xF1B8];
	_ =	sdelay $0x4  }
0x1b3: {  	[tilespmem:s2+$0xF268] =	vst.add.f32.msk @!p1 $0xffff, v1  }
0x1b4: {  	v1 =	vld @!p1 [tilespmem:$0xF1C8];
	_ =	sdelay $0x4  }
0x1b5: {  	[tilespmem:s2+$0xF278] =	vst.add.f32.msk @!p1 $0xffff, v1  }
0x1b6: {  	v1 =	vld @!p1 [tilespmem:$0xF1D8];
	_ =	sdelay $0x4  }
0x1b7: {  	[tilespmem:s2+$0xF288] =	vst.add.f32.msk @!p1 $0xffff, v1  }
0x1b8: {  	v1 =	vld @!p1 [tilespmem:$0xF1E8];
	_ =	sdelay $0x4  }
0x1b9: {  	[tilespmem:s2+$0xF298] =	vst.add.f32.msk @!p1 $0xffff, v1  }
0x1ba: {  	v1 =	vld @!p1 [tilespmem:$0xF1F8];
	_ =	sdelay $0x4  }
0x1bb: {  	[tilespmem:s2+$0xF2A8] =	vst.add.f32.msk @!p1 $0xffff, v1  }
0x1bc: {  	s0 =	sshrl.u32 s0, $0x2;
	[tilespmem:s6+$0xF218] =	vst.msk $0x1, v0  }
0x1bd: {  	v0 =	vld [tilespmem:s0+$0xF238];
	_ =	sdelay $0x2  }
0x1be: {  	s31 =	sshll.u32 s6, $0x9  }
0x1bf: {  	s2 =	sshra.s32 s31, $0x2  }
0x1c0: {  	[tilespmem:s2+$0xF238] =	vst v0  }
0x1c1: {  	v0 =	vld [tilespmem:s0+$0xF248];
	_ =	sdelay $0x4  }
0x1c2: {  	[tilespmem:s2+$0xF248] =	vst v0  }
0x1c3: {  	v0 =	vld [tilespmem:s0+$0xF258];
	_ =	sdelay $0x4  }
0x1c4: {  	[tilespmem:s2+$0xF258] =	vst v0  }
0x1c5: {  	v0 =	vld [tilespmem:s0+$0xF268];
	_ =	sdelay $0x4  }
0x1c6: {  	[tilespmem:s2+$0xF268] =	vst v0  }
0x1c7: {  	v0 =	vld [tilespmem:s0+$0xF278];
	_ =	sdelay $0x4  }
0x1c8: {  	[tilespmem:s2+$0xF278] =	vst v0  }
0x1c9: {  	v0 =	vld [tilespmem:s0+$0xF288];
	_ =	sdelay $0x4  }
0x1ca: {  	[tilespmem:s2+$0xF288] =	vst v0  }
0x1cb: {  	v0 =	vld [tilespmem:s0+$0xF298];
	_ =	sdelay $0x4  }
0x1cc: {  	[tilespmem:s2+$0xF298] =	vst v0  }
0x1cd: {  	v0 =	vld [tilespmem:s0+$0xF2A8];
	_ =	sdelay $0x4  }
0x1ce: {  	s6 =	sadd.s32 $0x1, s6;
	[tilespmem:s2+$0xF2A8] =	vst v0  }
.LBB3_33:
0x1cf: {  	s11 =	sadd.s32 $0x1, s11  }
0x1d0: {  	p1 =	sne.s32 s11, $0x20  }
.Ltmp25:
0x1d1: {  	_ = 	snop;
	(pc) =	sbr.rel @!p1 .LBB3_34-.Ltmp25, $1  }
0x1d2: {  	_ =	sdelay $0x3  }
.LBB3_26:
0x1d3: {  	v0 =	vld.msk [tilespmem:s11+$0xF218], $0x1;
	_ =	sdelay $0x4  }
0x1d4: {  	(v2sf) =	vpush v0, $0x0;
	_ =	sdelay $0xe  }
0x1d5: {  	s12 =	spop (v2sf)  }
0x1d6: {  	p1 =	seq.s32 s12, $0xFFFFFFFF  }
.Ltmp26:
0x1d7: {  	_ = 	snop;
	(pc) =	sbr.rel @p1 .LBB3_33-.Ltmp26, $1  }
0x1d8: {  	_ =	sdelay $0x3  }
0x1d9: {  	p1 =	slt.s32 s6, $0x1  }
.Ltmp27:
0x1da: {  	_ = 	snop;
	(pc) =	sbr.rel @p1 .LBB3_32-.Ltmp27, $1  }
0x1db: {  	_ =	sdelay $0x3  }
0x1dc: {  	s13 =	simm.s32 $0xF218;
	p1 =	por $0x0, $0x0  }
0x1dd: {  	v1 =	vld.msk @!p1 [tilespmem:s13+$0x0], $0x1;
	_ =	sdelay $0x4  }
0x1de: {  	(v2sf) =	vpush @!p1 v1, $0x0;
	_ =	sdelay $0xd  }
0x1df: {  	p3 =	sne.s32 s6, $0x1  }
.Ltmp28:
0x1e0: {  	s0 =	spop @!p1 (v2sf);
	(pc) =	sbr.rel @!p3 .LBB3_30-.Ltmp28, $4  }
0x1e1: {  	p2 =	seq.s32 @!p1 s12, s0  }
0x1e2: {  	s14 =	simm.s32 $0x0;
	p2 =	por !p2, p1  }
0x1e3: {  	s2 =	simm.s32 $0xFFFFFFFF;
	s14 =	simm.s32 @p2 $0xFFFFFFFF  }
0x1e4: {  	s0 =	simm.s32 $0x1;
	s14 =	smov.u32 @p1 s2  }
.LBB3_29:
0x1e5: {  	s2 =	smov.u32 s14;
	p1 =	sne.s32 s14, $0xFFFFFFFF  }
0x1e6: {  	s13 =	sadd.s32 $0x1, s13;
	s14 =	smov.u32 s0;
	s0 =	sadd.s32 $0x1, s0  }
0x1e7: {  	p2 =	sne.s32 s6, s0;
	v1 =	vld.msk @!p1 [tilespmem:s13+$0x0], $0x1;
	_ =	sdelay $0x4  }
0x1e8: {  	(v2sf) =	vpush @!p1 v1, $0x0;
	_ =	sdelay $0xe  }
.Ltmp29:
0x1e9: {  	s3 =	spop @!p1 (v2sf);
	(pc) =	sbr.rel @p2 .LBB3_29-.Ltmp29, $4  }
0x1ea: {  	p3 =	seq.s32 @!p1 s12, s3  }
0x1eb: {  	p3 =	por !p3, p1  }
0x1ec: {  	s14 =	simm.s32 @p3 $0xFFFFFFFF  }
0x1ed: {  	s14 =	smov.u32 @p1 s2  }
.LBB3_30:
0x1ee: {  	p1 =	seq.s32 s14, $0xFFFFFFFF  }
.Ltmp30:
0x1ef: {  	_ = 	snop;
	(pc) =	sbr.rel @p1 .LBB3_32-.Ltmp30, $1  }
0x1f0: {  	_ =	sdelay $0x3  }
0x1f1: {  	s0 =	sshll.u32 s11, $0x7  }
0x1f2: {  	s0 =	sand.u32 $0x3FFFFF80, s0  }
0x1f3: {  	v0 =	vld [tilespmem:s0+$0xF238];
	_ =	sdelay $0x2  }
0x1f4: {  	s2 =	sshll.u32 s14, $0x9  }
0x1f5: {  	s2 =	sshra.s32 s2, $0x2  }
0x1f6: {  	[tilespmem:s2+$0xF238] =	vst.add.f32.msk $0xffff, v0  }
0x1f7: {  	v0 =	vld [tilespmem:s0+$0xF248];
	_ =	sdelay $0x4  }
0x1f8: {  	[tilespmem:s2+$0xF248] =	vst.add.f32.msk $0xffff, v0  }
0x1f9: {  	v0 =	vld [tilespmem:s0+$0xF258];
	_ =	sdelay $0x4  }
0x1fa: {  	[tilespmem:s2+$0xF258] =	vst.add.f32.msk $0xffff, v0  }
0x1fb: {  	v0 =	vld [tilespmem:s0+$0xF268];
	_ =	sdelay $0x4  }
0x1fc: {  	[tilespmem:s2+$0xF268] =	vst.add.f32.msk $0xffff, v0  }
0x1fd: {  	v0 =	vld [tilespmem:s0+$0xF278];
	_ =	sdelay $0x4  }
0x1fe: {  	[tilespmem:s2+$0xF278] =	vst.add.f32.msk $0xffff, v0  }
0x1ff: {  	v0 =	vld [tilespmem:s0+$0xF288];
	_ =	sdelay $0x4  }
0x200: {  	[tilespmem:s2+$0xF288] =	vst.add.f32.msk $0xffff, v0  }
0x201: {  	v0 =	vld [tilespmem:s0+$0xF298];
	_ =	sdelay $0x4  }
0x202: {  	[tilespmem:s2+$0xF298] =	vst.add.f32.msk $0xffff, v0  }
0x203: {  	v0 =	vld [tilespmem:s0+$0xF2A8]  }
.Ltmp31:
0x204: {  	_ = 	snop;
	(pc) =	sbr.rel .LBB3_33-.Ltmp31, $2  }
0x205: {  	_ =	sdelay $0x2  }
0x206: {  	[tilespmem:s2+$0xF2A8] =	vst.add.f32.msk $0xffff, v0  }
.LBB3_34:
0x207: {  	s0 =	simm.s32 $0x6;
	p1 =	seq.s32 s6, $0x0  }
0x208: {  	[sflag:s0] =	ssyncpa.u1 $0x1;
	v0 =	vimm.s32 @p1 $0xFFFFFFFF  }
0x209: {  	s9 =	sadd.s32 $0xFFFFFFFF, s6;
	[tilespmem:$0x10238] =	vst @p1 v0  }
0x20a: {  	v0 =	vld.msk @!p1 [tilespmem:s9+$0xF218], $0x1;
	_ =	sdelay $0x1  }
0x20b: {  	v1 =	vld.msk @!p1 [tilespmem:$0xF218], $0x1;
	_ =	sdelay $0x2  }
0x20c: {  	p2 =	seq.s32 @!p1 s9, $0x0;
	v0 =	vbroadcast @!p1 v0, $0x0  }
0x20d: {  	vm0 =	vmmov @!p1 $0x1;
	p2 =	por !p2, p1  }
0x20e: {  	v1 =	vnsel @!p1 vm0, $0xFFFFFFFF, v1;
	vm0 =	vcmask @!p1 $0x308;
	v0 =	vpsel !p2, $0xFFFFFFFF, v0  }
0x20f: {  	p2 =	sne.s32 @!p1 s8, s7;
	v0 =	vsel @!p1 vm0, v1, v0  }
0x210: {  	s0 =	simm.s32 @!p1 $0xF238;
	s2 =	simm.s32 @!p1 $0x0;
	p3 =	por !p2, p1;
	[tilespmem:$0x10238] =	vst @!p1 v0  }
0x211: {  	[spmem:s2] =	stream.linear.scatter @!p1 [tilespmem:s0], [sflag:$0x1], $0x80, $0x38;
	[tilespmem:$0x1F6F8] =	vst v63  }
0x212: {  	s0 =	sshll.u32 @!p3 s9, $0x9  }
0x213: {  	s0 =	sshra.s32 @!p3 s0, $0x2  }
0x214: {  	s2 =	simm.s32 @!p3 $0x80;
	s0 =	sadd.s32 @!p3 $0xF238, s0  }
0x215: {  	[spmem:s2] =	stream.linear.scatter @!p3 [tilespmem:s0], [sflag:$0x1], $0x80, $0x38;
	[tilespmem:$0x1F6F8] =	vst v63  }
0x216: {  	s0 =	simm.s32 @!p3 $0x1  }
0x217: {  	_ =	swait.ge @!p3 [sflag:s0], $0x100  }
0x218: {  	p1 =	por p2, p1;
	[sflag:s0] =	ssyncset.done @!p3 $0x0  }
0x219: {  	[sflag:s0] =	ssyncadd.s32 @!p3 $0xFFFFFF00;
	s0 =	simm.s32 @!p1 $0x1  }
0x21a: {  	_ =	swait.ge @!p1 [sflag:s0], $0x80  }
0x21b: {  	s29 =	simm.s32 $0x10238;
	[sflag:s0] =	ssyncset.done @!p1 $0x0  }
0x21c: {  	s30 =	simm.s32 $0x1000;
	s31 =	simm.s32 $0x1;
	[sflag:s0] =	ssyncadd.s32 @!p1 $0xFFFFFF80  }
0x21d: {  	[spmem:s30] =	stream.linear.scatter [tilespmem:s29], [sflag:$0x1], $0x10, $0x38;
	[tilespmem:$0x1F6F8] =	vst v63  }
0x21e: {  	_ =	swait.ge [sflag:s31], $0x10  }
0x21f: {  	[sflag:s31] =	ssyncset.done $0x0  }
0x220: {  	p1 =	seq.s32 s15, $0x0;
	s8 =	rddreg [dreg:$0x1];
	[sflag:s31] =	ssyncadd.s32 $0xFFFFFFF0  }
0x221: {  	s2 =	sshll.u32 @p1 s8, $0xE;
	s7 =	rddreg [dreg:$0x2]  }
0x222: {  	s0 =	sadd.s32 @p1 $0x15C3C, s2;
	s2 =	sshll.u32 @p1 s7, $0x11  }
0x223: {  	_ =	sfence.stream.spmem;
	s0 =	sor.u32 @p1 s2, s0  }
0x224: {  	[sflag:s0] =	ssyncadd.remote.s32 @p1 $0x1;
	s0 =	simm.s32 @p1 $0x4  }
0x225: {  	s3 =	simm.s32 @!p1 $0x3C;
	s2 =	sand.u32 $0xFFFFFFFE, s8;
	_ =	swait.ge @p1 [sflag:s0], $0x22  }
0x226: {  	s4 =	simm.s32 @!p1 $0x0;
	s2 =	sadd.s32 @!p1 $0x4, s2;
	[sflag:s0] =	ssyncset.done @p1 $0x0  }
0x227: {  	s5 =	simm.s32 @!p1 $0x100;
	[sflag:s0] =	ssyncadd.s32 @p1 $0xFFFFFFDE;
	s0 =	sshll.u32 @!p1 s2, $0x1A  }
0x228: {  	s2 =	sshll.u32 @!p1 s2, $0xD;
	s0 =	sor.u32 @!p1 s0, s7;
	_ =	swait.eq @!p1 [sflag:s3], $0x1  }
0x229: {  	s2 =	sor.u32 @!p1 $0x1C04, s2;
	s3 =	simm.s32 @!p1 $0x1C03;
	s0 =	sor.u32 @!p1 $0x80004000, s0  }
0x22a: {  	[spmem:s5], [sflag:s2] =	dma.general @!p1 [spmem:s4], [sflag:s3], length:$0x20, [dreg:$0x0], stride_count:$0x0, ici_dest:s0, dma_misc:DstOpCode:WRITE  }
0x22b: {  	p2 =	slt.s32 s9, $0x2;
	s4 =	simm.s32 @!p1 $0x200;
	s5 =	simm.s32 @!p1 $0x202  }
0x22c: {  	[spmem:s5], [sflag:s2] =	dma.general @!p1 [spmem:s4], [sflag:s3], length:$0x2, [dreg:$0x0], stride_count:$0x0, ici_dest:s0, dma_misc:DstOpCode:WRITE  }
.Ltmp32:
0x22d: {  	s0 =	simm.s32 @!p1 $0x3;
	(pc) =	sbr.rel @p2 .LBB3_38-.Ltmp32, $4  }
0x22e: {  	s2 =	sshll.u32 @!p1 s8, $0xE;
	_ =	swait.ge @!p1 [sflag:s0], $0x22  }
0x22f: {  	s3 =	sshll.u32 @!p1 s7, $0x11;
	s2 =	sadd.s32 @!p1 $0x11C3C, s2;
	[sflag:s0] =	ssyncset.done @!p1 $0x0  }
0x230: {  	[sflag:s0] =	ssyncadd.s32 @!p1 $0xFFFFFFDE;
	s0 =	sor.u32 @!p1 s3, s2  }
0x231: {  	[sflag:s0] =	ssyncadd.remote.s32 @!p1 $0xFFFFFFFF;
	s0 =	simm.s32 $0x0  }
0x232: {  	s0 =	simm.s32 $0xF219  }
0x233: {  	v0 =	vld.msk [tilespmem:s0+$0x0], $0x1;
	_ =	sdelay $0x4  }
0x234: {  	(v2sf) =	vpush v0, $0x0;
	_ =	sdelay $0xb  }
0x235: {  	s31 =	sadd.s32 $0xFFFFFFFE, s6  }
0x236: {  	s0 =	sadd.s32 $0xFFFFFFFF, s31  }
0x237: {  	p2 =	sne.s32 s0, $0x0  }
.Ltmp33:
0x238: {  	s2 =	spop (v2sf);
	(pc) =	sbr.rel @!p2 .LBB3_37-.Ltmp33, $4  }
0x239: {  	s4 =	simm.s32 $0xF2B8;
	s7 =	simm.s32 $0x0;
	p1 =	sgt.u32 s2, $0xFFF0  }
0x23a: {  	s5 =	simm.s32 $0x0;
	s6 =	simm.s32 $0xF21A;
	s3 =	sand.u32 @!p1 $0xFFF8, s2  }
0x23b: {  	s2 =	sand.u32 @!p1 $0x7, s2;
	s7 =	simm.s32 @!p1 $0x200;
	s3 =	sadd.s32 @!p1 s1, s3  }
0x23c: {  	[hbm4b:s3+s2] =	stream.linear.scatter @!p1 [tilespmem:s4], [sflag:$0x5], $0x80, $0x38;
	[tilespmem:$0x1F6F8] =	vst v63  }
.LBB3_36:
0x23d: {  	v0 =	vld.msk [tilespmem:s6+$0x0], $0x1;
	s0 =	sadd.s32 $0xFFFFFFFF, s0;
	s5 =	sadd.s32 s5, s7  }
0x23e: {  	p1 =	sne.s32 s0, $0x0;
	_ =	sdelay $0x3  }
0x23f: {  	(v2sf) =	vpush v0, $0x0;
	_ =	sdelay $0xe  }
.Ltmp34:
0x240: {  	s2 =	spop (v2sf);
	(pc) =	sbr.rel @p1 .LBB3_36-.Ltmp34, $4  }
0x241: {  	s7 =	simm.s32 $0x0;
	p2 =	sgt.u32 s2, $0xFFF0  }
0x242: {  	s4 =	sadd.s32 $0x80, s4;
	s7 =	simm.s32 @!p2 $0x200;
	s3 =	sand.u32 @!p2 $0xFFF8, s2  }
0x243: {  	s6 =	sadd.s32 $0x1, s6;
	s2 =	sand.u32 @!p2 $0x7, s2;
	s3 =	sadd.s32 @!p2 s1, s3  }
0x244: {  	[hbm4b:s3+s2] =	stream.linear.scatter @!p2 [tilespmem:s4], [sflag:$0x5], $0x80, $0x38;
	[tilespmem:$0x1F6F8] =	vst v63  }
.LBB3_37:
0x245: {  	s0 =	sadd.s32 s5, s7  }
0x246: {  	s0 =	sshrl.u32 s0, $0x2  }
.LBB3_38:
0x247: {  	s2 =	simm.s32 $0x5  }
0x248: {  	_ =	swait.ge [sflag:s2], s0  }
0x249: {  	s31 =	ssub.s32 $0x0, s0;
	[sflag:s2] =	ssyncset.done $0x0  }
0x24a: {  	[sflag:s2] =	ssyncadd.s32 s31  }
0x24b: {  	[sflag:s2] =	ssyncpa.u1 $0x1  }
.LBB3_39:
0x24c: {  	s0 =	sor.u32 s15, s16  }
0x24d: {  	p1 =	sne.s32 s0, $0x0  }
.Ltmp35:
0x24e: {  	_ = 	snop;
	(pc) =	sbr.rel @p1 .LBB3_54-.Ltmp35, $3  }
0x24f: {  	_ =	sdelay $0x1  }
0x250: {  	[bflag:$0x0] =	sbarrier.arrive $0xFFFF  }
0x251: {  	_ =	sfence  }
0x252: {  	s0 =	simm.s32 $0x7  }
0x253: {  	s2 =	simm.s32 $0x1000;
	s3 =	simm.s32 $0xF218;
	[sflag:s0] =	ssyncpa.u1 $0x0  }
0x254: {  	[tilespmem:s3], [sflag:$0x7] =	stream.linear.gather [spmem:s2], $0x20, $0x38;
	[tilespmem:$0x1F6F8] =	vst v63  }
0x255: {  	s30 =	simm.s32 $0xF238;
	s2 =	simm.s32 $0x0  }
0x256: {  	[tilespmem:s30], [sflag:$0x7] =	stream.linear.gather [spmem:s2], $0x1000, $0x38;
	[tilespmem:$0x1F6F8] =	vst v63  }
.Ltmp36:
0x257: {  	_ = 	snop;
	(pc) =	sbr.rel .LBB3_41-.Ltmp36, $4  }
0x258: {  	_ =	swait.ge [sflag:s0], $0x1020  }
0x259: {  	[sflag:s0] =	ssyncset.done $0x0  }
0x25a: {  	s31 =	simm.s32 $0x8;
	[sflag:s0] =	ssyncadd.s32 $0xFFFFEFE0  }
0x25b: {  	s3 =	simm.s32 $0x0;
	[sflag:s31] =	ssyncpa.u1 $0x0  }
.LBB3_47:
0x25c: {  	p1 =	slt.u32 s4, $0xFFF1  }
0x25d: {  	s0 =	sand.u32 @p1 $0xFFF8, s4  }
0x25e: {  	s4 =	sand.u32 @p1 $0x7, s4;
	s5 =	simm.s32 @p1 $0xF188;
	s0 =	sadd.s32 @p1 s1, s0  }
0x25f: {  	[tilespmem:s5], [sflag:$0x8] =	stream.linear.gather @p1 [hbm4b:s0+s4], $0x80, $0x38;
	[tilespmem:$0x1F6F8] =	vst v63  }
0x260: {  	s0 =	simm.s32 @p1 $0x8  }
0x261: {  	_ =	swait.ge @p1 [sflag:s0], $0x80  }
0x262: {  	[sflag:s0] =	ssyncset.done @p1 $0x0  }
0x263: {  	[sflag:s0] =	ssyncadd.s32 @p1 $0xFFFFFF80  }
0x264: {  	v1 =	vld @p1 [tilespmem:$0xF188];
	_ =	sdelay $0x2  }
0x265: {  	s0 =	sshll.u32 @p1 s3, $0x9  }
0x266: {  	s4 =	sshrl.u32 @p1 s0, $0x2  }
0x267: {  	[tilespmem:s4+$0xF238] =	vst.add.f32.msk @p1 $0xffff, v1  }
0x268: {  	v1 =	vld @p1 [tilespmem:$0xF198];
	_ =	sdelay $0x4  }
0x269: {  	[tilespmem:s4+$0xF248] =	vst.add.f32.msk @p1 $0xffff, v1  }
0x26a: {  	v1 =	vld @p1 [tilespmem:$0xF1A8];
	_ =	sdelay $0x4  }
0x26b: {  	[tilespmem:s4+$0xF258] =	vst.add.f32.msk @p1 $0xffff, v1  }
0x26c: {  	v1 =	vld @p1 [tilespmem:$0xF1B8];
	_ =	sdelay $0x4  }
0x26d: {  	[tilespmem:s4+$0xF268] =	vst.add.f32.msk @p1 $0xffff, v1  }
0x26e: {  	v1 =	vld @p1 [tilespmem:$0xF1C8];
	_ =	sdelay $0x4  }
0x26f: {  	[tilespmem:s4+$0xF278] =	vst.add.f32.msk @p1 $0xffff, v1  }
0x270: {  	v1 =	vld @p1 [tilespmem:$0xF1D8];
	_ =	sdelay $0x4  }
0x271: {  	[tilespmem:s4+$0xF288] =	vst.add.f32.msk @p1 $0xffff, v1  }
0x272: {  	v1 =	vld @p1 [tilespmem:$0xF1E8];
	_ =	sdelay $0x4  }
0x273: {  	[tilespmem:s4+$0xF298] =	vst.add.f32.msk @p1 $0xffff, v1  }
0x274: {  	v1 =	vld @p1 [tilespmem:$0xF1F8];
	_ =	sdelay $0x3  }
0x275: {  	s5 =	sshll.u32 @!p1 s3, $0x9  }
0x276: {  	s5 =	smov.u32 @p1 s0;
	[tilespmem:s4+$0xF2A8] =	vst.add.f32.msk @p1 $0xffff, v1  }
0x277: {  	s0 =	sshrl.u32 s5, $0x2;
	[tilespmem:s2+$0xF218] =	vst.msk $0x1, v0  }
0x278: {  	v0 =	vld [tilespmem:s0+$0xF238];
	_ =	sdelay $0x2  }
0x279: {  	s31 =	sshll.u32 s2, $0x9  }
0x27a: {  	s4 =	sshra.s32 s31, $0x2  }
0x27b: {  	[tilespmem:s4+$0xF238] =	vst v0  }
0x27c: {  	v0 =	vld [tilespmem:s0+$0xF248];
	_ =	sdelay $0x4  }
0x27d: {  	[tilespmem:s4+$0xF248] =	vst v0  }
0x27e: {  	v0 =	vld [tilespmem:s0+$0xF258];
	_ =	sdelay $0x4  }
0x27f: {  	[tilespmem:s4+$0xF258] =	vst v0  }
0x280: {  	v0 =	vld [tilespmem:s0+$0xF268];
	_ =	sdelay $0x4  }
0x281: {  	[tilespmem:s4+$0xF268] =	vst v0  }
0x282: {  	v0 =	vld [tilespmem:s0+$0xF278];
	_ =	sdelay $0x4  }
0x283: {  	[tilespmem:s4+$0xF278] =	vst v0  }
0x284: {  	v0 =	vld [tilespmem:s0+$0xF288];
	_ =	sdelay $0x4  }
0x285: {  	[tilespmem:s4+$0xF288] =	vst v0  }
0x286: {  	v0 =	vld [tilespmem:s0+$0xF298];
	_ =	sdelay $0x4  }
0x287: {  	[tilespmem:s4+$0xF298] =	vst v0  }
0x288: {  	v0 =	vld [tilespmem:s0+$0xF2A8];
	_ =	sdelay $0x4  }
0x289: {  	s2 =	sadd.s32 $0x1, s2;
	[tilespmem:s4+$0xF2A8] =	vst v0  }
.LBB3_48:
0x28a: {  	s3 =	sadd.s32 $0x1, s3  }
0x28b: {  	p1 =	sne.s32 s3, $0x20  }
.Ltmp37:
0x28c: {  	_ = 	snop;
	(pc) =	sbr.rel @!p1 .LBB3_49-.Ltmp37, $1  }
0x28d: {  	_ =	sdelay $0x3  }
.LBB3_41:
0x28e: {  	v0 =	vld.msk [tilespmem:s3+$0xF218], $0x1;
	_ =	sdelay $0x4  }
0x28f: {  	(v2sf) =	vpush v0, $0x0;
	_ =	sdelay $0xe  }
0x290: {  	s4 =	spop (v2sf)  }
0x291: {  	p1 =	seq.s32 s4, $0xFFFFFFFF  }
.Ltmp38:
0x292: {  	_ = 	snop;
	(pc) =	sbr.rel @p1 .LBB3_48-.Ltmp38, $1  }
0x293: {  	_ =	sdelay $0x3  }
0x294: {  	p1 =	slt.s32 s2, $0x1  }
.Ltmp39:
0x295: {  	_ = 	snop;
	(pc) =	sbr.rel @p1 .LBB3_47-.Ltmp39, $1  }
0x296: {  	_ =	sdelay $0x3  }
0x297: {  	s5 =	simm.s32 $0xF218;
	p1 =	por $0x0, $0x0  }
0x298: {  	v1 =	vld.msk @!p1 [tilespmem:s5+$0x0], $0x1;
	_ =	sdelay $0x4  }
0x299: {  	(v2sf) =	vpush @!p1 v1, $0x0;
	_ =	sdelay $0xd  }
0x29a: {  	p3 =	sne.s32 s2, $0x1  }
.Ltmp40:
0x29b: {  	s0 =	spop @!p1 (v2sf);
	(pc) =	sbr.rel @!p3 .LBB3_45-.Ltmp40, $4  }
0x29c: {  	p2 =	seq.s32 @!p1 s4, s0  }
0x29d: {  	s6 =	simm.s32 $0x0;
	p2 =	por !p2, p1  }
0x29e: {  	s7 =	simm.s32 $0xFFFFFFFF;
	s6 =	simm.s32 @p2 $0xFFFFFFFF  }
0x29f: {  	s0 =	simm.s32 $0x1;
	s6 =	smov.u32 @p1 s7  }
.LBB3_44:
0x2a0: {  	s7 =	smov.u32 s6;
	p1 =	sne.s32 s6, $0xFFFFFFFF  }
0x2a1: {  	s5 =	sadd.s32 $0x1, s5;
	s6 =	smov.u32 s0;
	s0 =	sadd.s32 $0x1, s0  }
0x2a2: {  	p2 =	sne.s32 s2, s0;
	v1 =	vld.msk @!p1 [tilespmem:s5+$0x0], $0x1;
	_ =	sdelay $0x4  }
0x2a3: {  	(v2sf) =	vpush @!p1 v1, $0x0;
	_ =	sdelay $0xe  }
.Ltmp41:
0x2a4: {  	s8 =	spop @!p1 (v2sf);
	(pc) =	sbr.rel @p2 .LBB3_44-.Ltmp41, $4  }
0x2a5: {  	p3 =	seq.s32 @!p1 s4, s8  }
0x2a6: {  	p3 =	por !p3, p1  }
0x2a7: {  	s6 =	simm.s32 @p3 $0xFFFFFFFF  }
0x2a8: {  	s6 =	smov.u32 @p1 s7  }
.LBB3_45:
0x2a9: {  	p1 =	seq.s32 s6, $0xFFFFFFFF  }
.Ltmp42:
0x2aa: {  	_ = 	snop;
	(pc) =	sbr.rel @p1 .LBB3_47-.Ltmp42, $1  }
0x2ab: {  	_ =	sdelay $0x3  }
0x2ac: {  	s0 =	sshll.u32 s3, $0x7  }
0x2ad: {  	s0 =	sand.u32 $0x3FFFFF80, s0  }
0x2ae: {  	v0 =	vld [tilespmem:s0+$0xF238];
	_ =	sdelay $0x2  }
0x2af: {  	s4 =	sshll.u32 s6, $0x9  }
0x2b0: {  	s4 =	sshra.s32 s4, $0x2  }
0x2b1: {  	[tilespmem:s4+$0xF238] =	vst.add.f32.msk $0xffff, v0  }
0x2b2: {  	v0 =	vld [tilespmem:s0+$0xF248];
	_ =	sdelay $0x4  }
0x2b3: {  	[tilespmem:s4+$0xF248] =	vst.add.f32.msk $0xffff, v0  }
0x2b4: {  	v0 =	vld [tilespmem:s0+$0xF258];
	_ =	sdelay $0x4  }
0x2b5: {  	[tilespmem:s4+$0xF258] =	vst.add.f32.msk $0xffff, v0  }
0x2b6: {  	v0 =	vld [tilespmem:s0+$0xF268];
	_ =	sdelay $0x4  }
0x2b7: {  	[tilespmem:s4+$0xF268] =	vst.add.f32.msk $0xffff, v0  }
0x2b8: {  	v0 =	vld [tilespmem:s0+$0xF278];
	_ =	sdelay $0x4  }
0x2b9: {  	[tilespmem:s4+$0xF278] =	vst.add.f32.msk $0xffff, v0  }
0x2ba: {  	v0 =	vld [tilespmem:s0+$0xF288];
	_ =	sdelay $0x4  }
0x2bb: {  	[tilespmem:s4+$0xF288] =	vst.add.f32.msk $0xffff, v0  }
0x2bc: {  	v0 =	vld [tilespmem:s0+$0xF298];
	_ =	sdelay $0x4  }
0x2bd: {  	[tilespmem:s4+$0xF298] =	vst.add.f32.msk $0xffff, v0  }
0x2be: {  	v0 =	vld [tilespmem:s0+$0xF2A8]  }
.Ltmp43:
0x2bf: {  	_ = 	snop;
	(pc) =	sbr.rel .LBB3_48-.Ltmp43, $2  }
0x2c0: {  	_ =	sdelay $0x2  }
0x2c1: {  	[tilespmem:s4+$0xF2A8] =	vst.add.f32.msk $0xffff, v0  }
.LBB3_49:
0x2c2: {  	p1 =	slt.s32 s2, $0x1  }
.Ltmp44:
0x2c3: {  	_ = 	snop;
	(pc) =	sbr.rel @p1 .LBB3_53-.Ltmp44, $3  }
0x2c4: {  	_ =	sdelay $0x1  }
0x2c5: {  	s0 =	simm.s32 $0x8  }
0x2c6: {  	s3 =	simm.s32 $0x0;
	[sflag:s0] =	ssyncpa.u1 $0x1  }
0x2c7: {  	s0 =	simm.s32 $0xF218  }
0x2c8: {  	v0 =	vld.msk [tilespmem:s0+$0x0], $0x1;
	_ =	sdelay $0x4  }
0x2c9: {  	(v2sf) =	vpush v0, $0x0;
	_ =	sdelay $0xe  }
0x2ca: {  	s0 =	sadd.s32 $0xFFFFFFFF, s2;
	s5 =	spop (v2sf)  }
0x2cb: {  	p2 =	sne.s32 s0, $0x0;
	p1 =	sgt.u32 s5, $0xFFF0  }
.Ltmp45:
0x2cc: {  	s6 =	sand.u32 @!p1 $0xFFF8, s5;
	(pc) =	sbr.rel @!p2 .LBB3_52-.Ltmp45, $4  }
0x2cd: {  	s4 =	simm.s32 $0xF238;
	s5 =	sand.u32 @!p1 $0x7, s5;
	s2 =	sadd.s32 @!p1 s1, s6  }
0x2ce: {  	[hbm4b:s2+s5] =	stream.linear.scatter @!p1 [tilespmem:s4], [sflag:$0x7], $0x80, $0x38;
	[tilespmem:$0x1F6F8] =	vst v63  }
0x2cf: {  	s5 =	simm.s32 $0x0  }
0x2d0: {  	s2 =	simm.s32 $0xF219;
	s5 =	simm.s32 @!p1 $0x200  }
.LBB3_51:
0x2d1: {  	v0 =	vld.msk [tilespmem:s2+$0x0], $0x1;
	s0 =	sadd.s32 $0xFFFFFFFF, s0;
	s3 =	sadd.s32 s3, s5  }
0x2d2: {  	p1 =	sne.s32 s0, $0x0;
	_ =	sdelay $0x3  }
0x2d3: {  	(v2sf) =	vpush v0, $0x0;
	_ =	sdelay $0xe  }
.Ltmp46:
0x2d4: {  	s6 =	spop (v2sf);
	(pc) =	sbr.rel @p1 .LBB3_51-.Ltmp46, $4  }
0x2d5: {  	s5 =	simm.s32 $0x0;
	p2 =	sgt.u32 s6, $0xFFF0  }
0x2d6: {  	s4 =	sadd.s32 $0x80, s4;
	s5 =	simm.s32 @!p2 $0x200;
	s7 =	sand.u32 @!p2 $0xFFF8, s6  }
0x2d7: {  	s2 =	sadd.s32 $0x1, s2;
	s6 =	sand.u32 @!p2 $0x7, s6;
	s7 =	sadd.s32 @!p2 s1, s7  }
0x2d8: {  	[hbm4b:s7+s6] =	stream.linear.scatter @!p2 [tilespmem:s4], [sflag:$0x7], $0x80, $0x38;
	[tilespmem:$0x1F6F8] =	vst v63  }
.LBB3_52:
0x2d9: {  	s0 =	sadd.s32 s3, s5  }
0x2da: {  	s3 =	sshrl.u32 s0, $0x2  }
.LBB3_53:
0x2db: {  	s0 =	simm.s32 $0x7  }
0x2dc: {  	_ =	swait.ge [sflag:s0], s3  }
0x2dd: {  	s1 =	ssub.s32 $0x0, s3;
	[sflag:s0] =	ssyncset.done $0x0  }
0x2de: {  	[sflag:s0] =	ssyncadd.s32 s1  }
0x2df: {  	[sflag:s0] =	ssyncpa.u1 $0x1  }
.LBB3_54:
0x2e0: {  	_ =	sfence;
	s0 =	simm.s32 $0x1  }
0x2e1: {  	[sflag:s0] =	ssyncpa.u1 $0x1  }
0x2e2: {  	_ =	strace $0x9000004D  }
0x2e3: {  	[bflag:$0x2] =	sbarrier.arrive $0xFFFF  }
0x2e4: {  	s0 =	rddreg [dreg:$0x3]  }
0x2e5: {  	s0 =	sadd.s32 @!p0 $0x100000, s0  }
0x2e6: {  	[sflag:s0] =	ssyncadd.tile.s32 @!p0 $0x1;
	_ =	shalt  }
.Lfunc_end3:
_tile_overlayer_lowered:
.L_overlay_start_3:
0x2e7: {  	(tag) =	ssettag $0x3  }
0x2e8: {  	s0 =	rddreg [dreg:$0x0];
	s2 =	stileid.u32  }
0x2e9: {  	s1 =	rddreg [dreg:$0x1];
	p0 =	sne.s32 s2, $0x0  }
0x2ea: {  	s3 =	rddreg [dreg:$0x2];
	[bflag:$0x3] =	sbarrier.arrive $0xFFFF;
	s2 =	simm.s32 @!p0 $0x1C01  }
0x2eb: {  	[timem:s3], [sflag:s2] =	dma.local @!p0 [hbm:s0], s1  }
0x2ec: {  	s0 =	simm.s32 @!p0 $0x1  }
0x2ed: {  	_ =	swait.ge @!p0 [sflag:s0], s1  }
0x2ee: {  	s1 =	ssub.s32 @!p0 $0x0, s1;
	[sflag:s0] =	ssyncset.done @!p0 $0x0  }
0x2ef: {  	[sflag:s0] =	ssyncadd.s32 @!p0 s1  }
0x2f0: {  	[bflag:$0x3] =	sbarrier.arrive $0xFFFF  }
0x2f1: {  	_ =	shalt  }

// kernel: scatter_offload_async_start.2
scs
__scs_entry_jumppad:
0x0: {  	(pc) =	sbr.rel $0x88, $3  }
0x1: {  	(tag) =	ssettag $0x0;
	lr =	simm.s32 $0x1  }
0x2: {  	[smem:$0x3F98] =	sst lr;
	_ =	strace $0xD0000000  }
0x3: {  	_ = 	snop  }
0x4: {  	_ = 	snop  }
0x5: {  	_ = 	snop  }
0x6: {  	_ = 	snop  }
0x7: {  	_ = 	snop  }
__scs_overlays_trampoline_lowered:
0x8: {  	[smem:$0x3FA7] =	sst s0  }
0x9: {  	[smem:$0x3FA8] =	sst s1  }
0xa: {  	[smem:$0x3FA9] =	sst s2  }
0xb: {  	[smem:$0x3FAA] =	sst s3  }
0xc: {  	[smem:$0x3FAB] =	sst s4  }
0xd: {  	[smem:$0x3FAC] =	sst s5  }
0xe: {  	[smem:$0x3FAD] =	sst s6  }
0xf: {  	[smem:$0x3FAE] =	sst s7  }
0x10: {  	[smem:$0x3FAF] =	sst s8  }
0x11: {  	[smem:$0x3FB0] =	sst s9;
	s0 =	simm.s32 @!p0 $0x0  }
0x12: {  	s1 =	sld [smem:$0x3F96];
	s0 =	simm.s32 @p0 $0x1  }
0x13: {  	[smem:$0x3FB1] =	sst s0;
	s0 =	simm.s32 @!p1 $0x0  }
0x14: {  	s2 =	sld [smem:$0x3F95];
	s0 =	simm.s32 @p1 $0x1  }
0x15: {  	[smem:$0x3FB2] =	sst s0;
	s0 =	simm.s32 @!p2 $0x0  }
0x16: {  	s3 =	sld [smem:$0x3FDB];
	s0 =	simm.s32 @p2 $0x1  }
0x17: {  	s4 =	simm.s32 $0x1BF5;
	[smem:$0x3FB4] =	sst s0  }
0x18: {  	s0 =	sld [smem:$0x3F97];
	_ =	swait.ge [sflag:s4], $0x0  }
0x19: {  	s7 =	sld [smem:$0x3F98]  }
0x1a: {  	s8 =	sadd.s32 $0xFFFFE003, lr  }
0x1b: {  	s9 =	sadd.s32 $0xFFFFFEF7, lr;
	s5 =	simm.s32 $0xFFFFFFFF;
	p2 =	slt.u32 s8, $0xFFFFF086  }
0x1c: {  	p1 =	slt.u32 s9, $0xF7A;
	s5 =	simm.s32 @!p2 $0x0  }
0x1d: {  	s5 =	simm.s32 @p1 $0x1;
	p0 =	seq.s32 s7, s2  }
0x1e: {  	s7 =	smul.u32 @!p0 $0xF7A, s2;
	p2 =	seq.s32 @!p0 s5, $0x0  }
0x1f: {  	s9 =	smul.u32 $0xF7A, s1;
	s8 =	simm.s32 @!p0 $0x1BF5;
	p2 =	por !p2, p0  }
0x20: {  	[sflag:s8] =	ssyncset.s32 @!p0 $0xFFFFF086;
	s6 =	sadd.s32 @!p0 s3, s7;
	s7 =	simm.s32 @!p0 $0x108  }
0x21: {  	s3 =	sadd.s32 s3, s9;
	s6 =	sadd.s32 @!p0 $0x88, s6;
	s7 =	simm.s32 @p2 $0x1082  }
0x22: {  	[simem:s7], [sflag:s8] =	dma.local @!p0 [hbm:s6], $0xF7A  }
0x23: {  	s9 =	sor.u32 $0xD0000000, s2;
	s6 =	simm.s32 $0x108;
	_ =	swait.ge @!p0 [sflag:s8], $0x0  }
0x24: {  	s3 =	sadd.s32 $0x88, s3;
	s6 =	simm.s32 @!p1 $0x1082;
	[sflag:s4] =	ssyncset.s32 $0xFFFFF086  }
0x25: {  	[simem:s6], [sflag:s4] =	dma.local [hbm:s3], $0xF7A  }
0x26: {  	[smem:$0x3F98] =	sst s1;
	(tag) =	ssettag s2;
	_ =	strace s9  }
0x27: {  	s1 =	sld [smem:$0x3FA8]  }
0x28: {  	s2 =	sld [smem:$0x3FA9]  }
0x29: {  	s4 =	sld [smem:$0x3FAB]  }
0x2a: {  	p0 =	seq.s32 s5, $0x0;
	s5 =	sld [smem:$0x3FAC]  }
0x2b: {  	s6 =	sld [smem:$0x3FAD]  }
0x2c: {  	s7 =	sld [smem:$0x3FAE]  }
0x2d: {  	s3 =	simm.s32 $0x108;
	s8 =	sld [smem:$0x3FAF]  }
0x2e: {  	s3 =	simm.s32 @!p0 $0x1082;
	s9 =	sld [smem:$0x3FB0]  }
0x2f: {  	lr =	sadd.s32 s0, s3;
	s0 =	sld [smem:$0x3FA7]  }
0x30: {  	s3 =	sld [smem:$0x3FAA]  }
0x31: {  	[smem:$0x3FB3] =	sst s10  }
0x32: {  	s10 =	sld [smem:$0x3FB1];
	_ =	sdelay $0x3  }
0x33: {  	p0 =	seq.s32 s10, $0x1;
	s10 =	sld [smem:$0x3FB3];
	_ =	sdelay $0x3  }
0x34: {  	[smem:$0x3FB3] =	sst s10  }
0x35: {  	s10 =	sld [smem:$0x3FB2];
	_ =	sdelay $0x3  }
0x36: {  	p1 =	seq.s32 s10, $0x1;
	s10 =	sld [smem:$0x3FB3];
	_ =	sdelay $0x3  }
0x37: {  	[smem:$0x3FB3] =	sst s10  }
0x38: {  	s10 =	sld [smem:$0x3FB4]  }
0x39: {  	_ = 	snop;
	(pc) =	sbr.ind lr, $3  }
0x3a: {  	_ = 	snop  }
0x3b: {  	_ = 	snop  }
0x3c: {  	p2 =	seq.s32 s10, $0x1;
	s10 =	sld [smem:$0x3FB3]  }
0x3d: {  	_ =	shalt  }
0x3e: {  	_ =	shalt  }
0x3f: {  	_ =	shalt  }
0x40: {  	_ =	shalt  }
0x41: {  	_ =	shalt  }
0x42: {  	_ =	shalt  }
0x43: {  	_ =	shalt  }
0x44: {  	_ =	shalt  }
0x45: {  	_ =	shalt  }
0x46: {  	_ =	shalt  }
0x47: {  	_ =	shalt  }
0x48: {  	_ =	shalt  }
0x49: {  	_ =	shalt  }
0x4a: {  	_ =	shalt  }
0x4b: {  	_ =	shalt  }
0x4c: {  	_ =	shalt  }
0x4d: {  	_ =	shalt  }
0x4e: {  	_ =	shalt  }
0x4f: {  	_ =	shalt  }
0x50: {  	_ =	shalt  }
0x51: {  	_ =	shalt  }
0x52: {  	_ =	shalt  }
0x53: {  	_ =	shalt  }
0x54: {  	_ =	shalt  }
0x55: {  	_ =	shalt  }
0x56: {  	_ =	shalt  }
0x57: {  	_ =	shalt  }
0x58: {  	_ =	shalt  }
0x59: {  	_ =	shalt  }
0x5a: {  	_ =	shalt  }
0x5b: {  	_ =	shalt  }
0x5c: {  	_ =	shalt  }
0x5d: {  	_ =	shalt  }
0x5e: {  	_ =	shalt  }
0x5f: {  	_ =	shalt  }
0x60: {  	_ =	shalt  }
0x61: {  	_ =	shalt  }
0x62: {  	_ =	shalt  }
0x63: {  	_ =	shalt  }
0x64: {  	_ =	shalt  }
0x65: {  	_ =	shalt  }
0x66: {  	_ =	shalt  }
0x67: {  	_ =	shalt  }
0x68: {  	_ =	shalt  }
0x69: {  	_ =	shalt  }
0x6a: {  	_ =	shalt  }
0x6b: {  	_ =	shalt  }
0x6c: {  	_ =	shalt  }
0x6d: {  	_ =	shalt  }
0x6e: {  	_ =	shalt  }
0x6f: {  	_ =	shalt  }
0x70: {  	_ =	shalt  }
0x71: {  	_ =	shalt  }
0x72: {  	_ =	shalt  }
0x73: {  	_ =	shalt  }
0x74: {  	_ =	shalt  }
0x75: {  	_ =	shalt  }
0x76: {  	_ =	shalt  }
0x77: {  	_ =	shalt  }
0x78: {  	_ =	shalt  }
0x79: {  	_ =	shalt  }
0x7a: {  	_ =	shalt  }
0x7b: {  	_ =	shalt  }
0x7c: {  	_ =	shalt  }
0x7d: {  	_ =	shalt  }
0x7e: {  	_ =	shalt  }
0x7f: {  	_ =	shalt  }
0x80: {  	_ =	shalt  }
0x81: {  	_ =	shalt  }
0x82: {  	_ =	shalt  }
0x83: {  	_ =	shalt  }
0x84: {  	_ =	shalt  }
0x85: {  	_ =	shalt  }
0x86: {  	_ =	shalt  }
0x87: {  	_ =	shalt  }
.Lfunc_end0:
.L_simem_size_0:
called_computation.2_lowered:
.L_overlay_start_0:
0x88: {  	s2 =	sld [smem:$0x3FD9]  }
0x89: {  	s3 =	sld [smem:$0x3FFE];
	_ =	sdelay $0x1  }
0x8a: {  	s1 =	srdreg.scid  }
0x8b: {  	s0 =	sand.u32 $0x1, s1  }
0x8c: {  	s15 =	sshll.u32 s0, $0xA;
	s2 =	sadd.s32 s3, s2  }
0x8d: {  	s2 =	sadd.s32 s2, s15  }
0x8e: {  	[smem:$0x3FBF] =	sst s2  }
0x8f: {  	_ = 	snop  }
0x90: {  	(tm) =	ssettm $0x1  }
0x91: {  	s16 =	sld [smem:$0x3FFB];
	_ =	sdelay $0x3  }
0x92: {  	_ =	strace s16  }
0x93: {  	s2 =	sld [smem:$0x3FFC];
	_ =	sdelay $0x3  }
0x94: {  	_ =	strace s2  }
0x95: {  	s2 =	sld [smem:$0x3FFD];
	_ =	sdelay $0x3  }
0x96: {  	_ =	strace s2  }
0x97: {  	_ =	strace $0x8FFFFFFF  }
0x98: {  	s17 =	sld [smem:$0x3FDB];
	_ =	sdelay $0x1  }
0x99: {  	s18 =	simm.s32 $_scs_section_size  }
0x9a: {  	s4 =	simm.s32 $_size__tile_overlayer_lowered;
	s5 =	simm.s32 $_tile_overlayer_lowered  }
0x9b: {  	s21 =	simm.s32 $0x1BFF;
	s20 =	sshll.u32 s5, $0x1;
	s2 =	sadd.s32 s18, s17  }
0x9c: {  	s6 =	simm.s32 $0x0;
	s19 =	sshll.u32 s4, $0x1;
	s4 =	sadd.s32 s20, s2  }
0x9d: {  	[timem:s6], [sflag:s21] =	dma.local [hbm:s4], s19  }
0x9e: {  	_ =	swait.ge [sflag:s21], s19  }
0x9f: {  	s3 =	ssub.s32 $0x0, s19;
	[sflag:s21] =	ssyncset.done $0x0  }
0xa0: {  	[sflag:s21] =	ssyncadd.s32 s3;
	_ =	sdelay $0x1  }
0xa1: {  	s22 =	simm.s32 $0x1B8B  }
0xa2: {  	_ =	swait.ge [sflag:s22], $0x1  }
0xa3: {  	[sflag:s22] =	ssyncset.done $0x0  }
0xa4: {  	s23 =	sld [smem:$0x3FFE];
	[sflag:s22] =	ssyncadd.s32 $0xFFFFFFFF  }
0xa5: {  	s25 =	simm.s32 $0x1B8E;
	s24 =	sld [smem:$0x0]  }
0xa6: {  	s26 =	simm.s32 $execute0_lowered;
	[smem:$0x3FD2] =	sst s25  }
0xa7: {  	s5 =	sshll.u32 s26, $0x1;
	_ =	strace $0x8000004F;
	[dreg:$0x1] =	wrdreg $0xFFFFFFFF  }
0xa8: {  	s28 =	simm.s32 $_size_execute0_lowered;
	s2 =	sadd.s32 s2, s5;
	[dreg:$0x0] =	wrdreg $0x0  }
0xa9: {  	s5 =	sshll.u32 s28, $0x1;
	[dreg:$0x2] =	wrdreg s2  }
0xaa: {  	[dreg:$0x3] =	wrdreg s5  }
0xab: {  	[dreg:$0x4] =	wrdreg $0xC0  }
0xac: {  	_ =	task [dreg:s6], $0x5FFFF  }
0xad: {  	[dreg:$0x1] =	wrdreg $0xFFFFFFFF  }
0xae: {  	[dreg:$0x0] =	wrdreg $0x60  }
0xaf: {  	[dreg:$0x2] =	wrdreg s23  }
0xb0: {  	[dreg:$0x3] =	wrdreg s1  }
0xb1: {  	[dreg:$0x4] =	wrdreg s24  }
0xb2: {  	[dreg:$0x5] =	wrdreg $0x9  }
0xb3: {  	_ =	task.clear_ibuf [dreg:s6], $0x6FFFF;
	_ =	strace $0x9000004F  }
0xb4: {  	s29 =	simm.s32 $0x9;
	_ =	strace $0x80000051  }
0xb5: {  	_ =	swait.ge [sflag:s29], $0x1  }
0xb6: {  	[sflag:s29] =	ssyncadd.s32 $0xFFFFFFFF  }
0xb7: {  	_ =	strace $0x90000051  }
0xb8: {  	_ =	sfence  }
0xb9: {  	s30 =	sld [smem:$0x0];
	_ =	sdelay $0x2  }
0xba: {  	s31 =	sshll.u32 s1, $0xD;
	s1 =	sshrl.u32 s1, $0x2  }
0xbb: {  	s3 =	sand.u32 $0x4000, s31;
	s1 =	sadd.s32 s1, s30  }
0xbc: {  	s0 =	sor.u32 s3, s0;
	s1 =	sshll.u32 s1, $0x11  }
0xbd: {  	s0 =	sor.u32 s1, s0  }
0xbe: {  	s0 =	sadd.s32 $0x8F2B, s0  }
0xbf: {  	[sflag:s0] =	ssyncadd.remote.s32 $0x1  }
0xc0: {  	_ =	sfence.sel $0xFFFF  }
0xc1: {  	[dreg:$0x0] =	wrdreg $0xFFFFFFFF;
	(pc) =	sbr.abs _section_cstart, $3  }
0xc2: {  	[dreg:$0x1] =	wrdreg $0xFFFFFFFF  }
0xc3: {  	_ =	task.clear_ibuf [dreg:s6], $0x2FFFF;
	_ =	strace $0x9FFFFFFF  }
0xc4: {  	(tm) =	ssettm $0x7FFFFFFF  }
0xc5: {  	_ =	shalt  }
tec
execute0_lowered:
.L_overlay_start_1:
0x0: {  	(tag) =	ssettag $0x1  }
0x1: {  	s0 =	rddreg [dreg:$0x0]  }
0x2: {  	s2 =	rddreg [dreg:$0x1];
	_ =	strace $0x80000050;
	s1 =	simm.s32 $0x1  }
0x3: {  	s9 =	simm.s32 $0x108;
	v0 =	vimm.s32 $0x0;
	[sflag:s1] =	ssyncpa.u1 $0x0  }
0x4: {  	[tilespmem:s9+$0x70] =	vst v0  }
0x5: {  	[tilespmem:s9+$0x60] =	vst v0  }
0x6: {  	[tilespmem:s9+$0x50] =	vst v0  }
0x7: {  	[tilespmem:s9+$0x40] =	vst v0  }
0x8: {  	s1 =	sadd.s32 $0x2A400, s0;
	s15 =	sadd.s32 $0x12400, s0;
	[tilespmem:s9+$0x30] =	vst v0  }
0x9: {  	s6 =	sadd.s32 $0x61A400, s0;
	s2 =	sand.u32 $0x1, s2;
	s14 =	sadd.s32 $0x16400, s0;
	[tilespmem:s9+$0x20] =	vst v0  }
0xa: {  	s0 =	simm.s32 $0x40;
	[dreg:$0x4] =	wrdreg s2;
	s16 =	sshll.u32 s2, $0xD;
	[tilespmem:s9+$0x10] =	vst v0  }
.LBB2_1:
0xb: {  	s0 =	sadd.s32 $0x40, s0;
	[tilespmem:s9+$0x0] =	vst v0;
	s9 =	sadd.s32 $0x80, s9  }
0xc: {  	p0 =	slt.u32 s0, $0x3C40;
	[tilespmem:s9+$0x70] =	vst v0  }
0xd: {  	[tilespmem:s9+$0x60] =	vst v0  }
.Ltmp0:
0xe: {  	[tilespmem:s9+$0x50] =	vst v0;
	(pc) =	sbr.rel @p0 .LBB2_1-.Ltmp0, $4  }
0xf: {  	[tilespmem:s9+$0x40] =	vst v0  }
0x10: {  	[tilespmem:s9+$0x30] =	vst v0  }
0x11: {  	[tilespmem:s9+$0x20] =	vst v0  }
0x12: {  	[tilespmem:s9+$0x10] =	vst v0  }
0x13: {  	s5 =	stileid.u32  }
0x14: {  	s0 =	smul.u32 $0x11, s5  }
0x15: {  	s2 =	smin.u32 s5, $0x2  }
0x16: {  	s0 =	sadd.s32 s2, s0  }
0x17: {  	p0 =	slt.u32 s5, $0x2;
	s7 =	smul.u32 $0xF0, s0;
	s0 =	simm.s32 $0x10E0  }
0x18: {  	s0 =	simm.s32 @!p0 $0xFF0  }
0x19: {  	s0 =	sadd.s32 s0, s7  }
0x1a: {  	s8 =	smin.u32 s0, $0x10000  }
0x1b: {  	s0 =	ssub.s32 s8, s7  }
0x1c: {  	p0 =	sgt.s32 s0, $0x0  }
0x1d: {  	s0 =	simm.s32 @!p0 $0x0  }
0x1e: {  	s3 =	simm.s32 $0x2;
	s10 =	simm.s32 $0x9;
	s30 =	smulhi.u32 $0x88888889, s0  }
0x1f: {  	s4 =	simm.s32 $0xA;
	s11 =	simm.s32 $0xB;
	s12 =	simm.s32 $0x1  }
0x20: {  	s14 =	sadd.s32 s16, s14;
	s15 =	sadd.s32 s16, s15;
	s2 =	sshrl.u32 s30, $0x7  }
0x21: {  	s22 =	simm.s32 $0x0;
	s18 =	simm.s32 $0xC;
	s31 =	smul.u32 $0xF0, s2  }
.Ltmp1:
0x22: {  	[tilespmem:s9+$0x0] =	vst v0;
	v0 =	vimm.s32 $0xFFFFFFFF;
	s20 =	simm.s32 $0x0;
	[sflag:s3] =	ssyncpa.u1 $0x0;
	(pc) =	sbr.rel .LBB2_3-.Ltmp1, $4  }
0x23: {  	[tilespmem:$0xF208] =	vst v0;
	[sflag:s10] =	ssyncpa.u1 $0x0;
	p0 =	sne.s32 s0, s31;
	s0 =	simm.s32 $0x1  }
0x24: {  	s21 =	simm.s32 $0x0;
	[sflag:s4] =	ssyncpa.u1 $0x0;
	s0 =	simm.s32 @!p0 $0x0  }
0x25: {  	s16 =	sshll.u32 s5, $0x8;
	[sflag:s11] =	ssyncpa.u1 $0x0;
	s13 =	sadd.s32 s0, s2  }
0x26: {  	v0 =	vlaneseq.u32;
	s19 =	smov.u32 s7;
	p0 =	por $0x0, $0x0;
	s17 =	sadd.s32 $0x1, s13  }
.LBB2_18:
0x27: {  	s0 =	sshrl.u32 s31, $0x2  }
.LBB2_20:
0x28: {  	_ =	swait.ge [sflag:s18], s0  }
0x29: {  	s31 =	ssub.s32 $0x0, s0;
	v1 =	vmov s24;
	vm0 =	veq.s32 v0, $0x0;
	[sflag:s18] =	ssyncset.done $0x0  }
0x2a: {  	vm15 =	veq.s32 v0, $0x2;
	v1 =	vsel vm0, s30, v1;
	[sflag:s18] =	ssyncadd.s32 s31  }
0x2b: {  	v1 =	vsel vm15, s22, v1;
	[sflag:s18] =	ssyncpa.u1 $0x1  }
0x2c: {  	[tilespmem:$0xF208] =	vst v1  }
.LBB2_21:
0x2d: {  	s0 =	sadd.s32 $0xF0, s19  }
0x2e: {  	s2 =	smov.u32 s7;
	p1 =	slt.s32 s0, s8  }
0x2f: {  	s2 =	smov.u32 @p1 s0;
	p1 =	sne.s32 s21, s17  }
.Ltmp2:
0x30: {  	_ = 	snop;
	(pc) =	sbr.rel @!p1 .LBB2_22-.Ltmp2, $3  }
0x31: {  	_ =	sdelay $0x1  }
0x32: {  	s22 =	smov.u32 s20;
	s31 =	sadd.s32 $0x1, s21;
	s20 =	smov.u32 s19  }
0x33: {  	p0 =	por !p0, !p0;
	s21 =	smov.u32 s31;
	s19 =	smov.u32 s2  }
.LBB2_3:
0x34: {  	p1 =	sge.u32 s21, s13  }
0x35: {  	s0 =	smulhi.u32 @!p1 $0xAAAAAAAB, s21  }
0x36: {  	s2 =	smov.u32 s19;
	p2 =	sgt.s32 @!p1 s19, $0xFF10  }
0x37: {  	s3 =	sshra.s32 @!p1 s19, $0x1F;
	p2 =	por !p2, p1;
	s0 =	sshrl.u32 @!p1 s0, $0x1  }
0x38: {  	s3 =	sand.u32 @!p1 s3, s19;
	s2 =	simm.s32 @p2 $0xFF10;
	s0 =	smul.u32 @!p1 $0x3, s0  }
0x39: {  	s2 =	ssub.s32 @!p1 s2, s3  }
0x3a: {  	s2 =	sadd.s32 @!p1 $0xFFFF00F0, s2;
	s0 =	ssub.s32 @!p1 s21, s0  }
0x3b: {  	s3 =	sshll.u32 @!p1 s2, $0x2;
	p2 =	sgt.s32 @!p1 s2, $0xEF;
	s0 =	smul.u32 @!p1 $0x3C0, s0  }
0x3c: {  	s4 =	sand.u32 @!p1 $0x7, s19;
	s2 =	ssub.s32 @!p1 $0x3C0, s3;
	p2 =	por !p2, p1  }
0x3d: {  	s3 =	sshrl.u32 @!p1 s19, $0x3;
	s2 =	sshrl.u32 @!p1 s2, $0x2;
	s0 =	sshrl.u32 @!p1 s0, $0x2  }
0x3e: {  	s3 =	sadd.s32 @!p1 s3, s14;
	s2 =	simm.s32 @!p2 $0x0;
	s0 =	sadd.s32 @!p1 $0x10248, s0  }
0x3f: {  	[tilespmem:s0], [sflag:$0xA] =	stream.linear.gather @!p1 [hbm4b:s3+s4], s2, $0x38;
	[tilespmem:$0x1F6F8] =	vst v63  }
0x40: {  	s0 =	sadd.s32 $0xFFFFFFFF, s21  }
0x41: {  	p1 =	sge.u32 s0, s13  }
0x42: {  	p2 =	sgt.s32 @!p1 s20, $0xFF10  }
0x43: {  	s2 =	smov.u32 s20;
	s3 =	sshra.s32 @!p1 s20, $0x1F;
	p2 =	por !p2, p1  }
0x44: {  	s3 =	sand.u32 @!p1 s3, s20;
	s2 =	simm.s32 @p2 $0xFF10  }
0x45: {  	s2 =	ssub.s32 @!p1 s2, s3  }
0x46: {  	s2 =	sadd.s32 @!p1 $0xFFFF00F0, s2  }
0x47: {  	s4 =	sand.u32 @!p1 $0x1, s0;
	s3 =	sshll.u32 @!p1 s2, $0x2  }
0x48: {  	p2 =	sgt.s32 @!p1 s2, $0xEF;
	s2 =	ssub.s32 @!p1 $0x3C0, s3;
	s3 =	smulhi.u32 @!p1 $0xAAAAAAAB, s0  }
0x49: {  	s23 =	smul.u32 @!p1 $0x3C0, s4;
	p2 =	por !p2, p1;
	s2 =	sshrl.u32 @!p1 s2, $0x2  }
0x4a: {  	s5 =	simm.s32 @!p1 $0xA;
	s2 =	simm.s32 @!p2 $0x0;
	s3 =	sshrl.u32 @!p1 s3, $0x1  }
0x4b: {  	s23 =	sshrl.u32 @!p1 s23, $0x2;
	_ =	swait.ge @!p1 [sflag:s5], s2;
	s3 =	smul.u32 @!p1 $0x3, s3  }
0x4c: {  	s23 =	sadd.s32 @!p1 $0x10518, s23;
	s24 =	ssub.s32 @!p1 $0x0, s2;
	[sflag:s5] =	ssyncset.done @!p1 $0x0  }
0x4d: {  	[sflag:s5] =	ssyncadd.s32 @!p1 s24;
	s5 =	sshrl.u32 @!p1 s20, $0x3;
	s0 =	ssub.s32 @!p1 s0, s3  }
0x4e: {  	s24 =	sand.u32 @!p1 $0x7, s20;
	s5 =	sadd.s32 @!p1 s5, s15;
	s0 =	smul.u32 @!p1 $0x3C0, s0  }
0x4f: {  	[tilespmem:s23], [sflag:$0xB] =	stream.linear.gather @!p1 [hbm4b:s5+s24], s2, $0x38;
	[tilespmem:$0x1F6F8] =	vst v63  }
0x50: {  	s3 =	ssub.s32 @!p1 $0x10000, s20;
	s2 =	smul.u32 @!p1 $0x1E000, s4  }
0x51: {  	p2 =	slt.s32 @!p1 s3, $0xF0  }
0x52: {  	p2 =	por !p2, p1;
	s0 =	sshrl.u32 @!p1 s0, $0x2;
	s2 =	sshrl.u32 @!p1 s2, $0x2  }
0x53: {  	s3 =	simm.s32 @p2 $0xF0;
	s0 =	sadd.s32 @!p1 $0x10248, s0;
	s2 =	sor.u32 @!p1 $0x106F8, s2  }
0x54: {  	[tilespmem:s2], [sflag:$0x9] =	stream.indirect.gather @!p1 [hbm4b:s6+s3], $0x80, s0, s3, $0xb8;
	[tilespmem:$0x1F6F8] =	vst v63  }
0x55: {  	p1 =	slt.u32 s21, $0x2  }
.Ltmp3:
0x56: {  	_ = 	snop;
	(pc) =	sbr.rel @p1 .LBB2_21-.Ltmp3, $1  }
0x57: {  	_ =	sdelay $0x3  }
0x58: {  	p1 =	sgt.s32 s22, $0xFF10  }
0x59: {  	s0 =	smov.u32 s22;
	s2 =	sshra.s32 s22, $0x1F;
	s3 =	ssub.s32 $0x10000, s22  }
0x5a: {  	s0 =	simm.s32 @!p1 $0xFF10;
	s2 =	sand.u32 s2, s22;
	p1 =	slt.s32 s3, $0xF0  }
0x5b: {  	s0 =	ssub.s32 s0, s2;
	s3 =	simm.s32 @!p1 $0xF0  }
0x5c: {  	s0 =	sadd.s32 $0xFFFF00F0, s0;
	s25 =	sshll.u32 s3, $0x7  }
0x5d: {  	s26 =	sshll.u32 s0, $0x2;
	s2 =	sand.u32 $0x3FFFFF80, s25  }
0x5e: {  	p1 =	sgt.s32 s0, $0xEF;
	s29 =	ssub.s32 $0x3C0, s26;
	_ =	swait.ge [sflag:s10], s2  }
0x5f: {  	s2 =	ssub.s32 $0x0, s2;
	[sflag:s10] =	ssyncset.done $0x0;
	s0 =	sshrl.u32 s29, $0x2  }
0x60: {  	[sflag:s10] =	ssyncadd.s32 s2;
	s0 =	simm.s32 @p1 $0x0  }
0x61: {  	_ =	swait.ge [sflag:s11], s0  }
0x62: {  	s0 =	ssub.s32 $0x0, s0;
	[sflag:s11] =	ssyncset.done $0x0  }
0x63: {  	[sflag:s11] =	ssyncadd.s32 s0  }
0x64: {  	v1 =	vld [tilespmem:$0xF208];
	_ =	sdelay $0x4  }
0x65: {  	(v2sf) =	vpush v1, $0x0  }
0x66: {  	(v2sf) =	vpush v1, $0x1  }
0x67: {  	(v2sf) =	vpush v1, $0x2;
	_ =	sdelay $0x3  }
0x68: {  	s0 =	sadd.s32 $0xF0, s22  }
0x69: {  	s2 =	ssub.s32 $0x20000, s22;
	p1 =	slt.s32 s8, s0  }
0x6a: {  	s0 =	smov.u32 @p1 s8;
	p1 =	sgt.s32 s2, $0x0  }
0x6b: {  	s26 =	ssub.s32 s0, s22;
	s2 =	simm.s32 @!p1 $0x0  }
0x6c: {  	p1 =	slt.s32 s2, s26  }
0x6d: {  	s26 =	smov.u32 @p1 s2  }
0x6e: {  	s25 =	simm.s32 $0x1;
	p1 =	slt.s32 s26, $0x1  }
.Ltmp4:
0x6f: {  	s25 =	simm.s32 @!p0 $0x0;
	(pc) =	sbr.rel @p1 .LBB2_8-.Ltmp4, $4  }
0x70: {  	s31 =	smul.u32 $0x3C0, s25  }
0x71: {  	s28 =	spop (v2sf)  }
0x72: {  	s0 =	sshrl.u32 s31, $0x2;
	s30 =	spop (v2sf)  }
0x73: {  	s23 =	sadd.s32 $0x10518, s0;
	s22 =	spop (v2sf)  }
0x74: {  	s0 =	smin.u32 s26, $0x10  }
0x75: {  	v1 =	vmov s0  }
0x76: {  	p2 =	sgt.s32 s26, $0x10;
	vm1 =	vgt.u32 v1, v0  }
.Ltmp5:
0x77: {  	_ = 	snop;
	(pc) =	sbr.rel @!p2 .LBB2_7-.Ltmp5, $2  }
0x78: {  	_ =	sdelay $0x2  }
0x79: {  	s4 =	simm.s32 $0x10;
	s24 =	sadd.s32 $0xFFFFFFF0, s26;
	s0 =	smov.u32 s23;
	vm0 =	vmmov vm1  }
.LBB2_6:
0x7a: {  	s2 =	smin.u32 s24, $0x10;
	s4 =	sadd.s32 $0x10, s4;
	v1 =	vld.msk [tilespmem:s0+$0x0 ss:$0x1], vm1  }
0x7b: {  	v2 =	vmov s2;
	p2 =	slt.s32 s4, s26  }
0x7c: {  	vm1 =	vgt.u32 v2, v0  }
.Ltmp6:
0x7d: {  	(pc) =	sbr.rel @p2 .LBB2_6-.Ltmp6, $3  }
0x7e: {  	_ =	sdelay $0x1  }
0x7f: {  	v1 =	vshll.u32 v1, $0x4  }
0x80: {  	s24 =	sadd.s32 $0xFFFFFFF0, s24;
	[tilespmem:s0+$0x0] =	vst.msk vm0, v1;
	s0 =	sadd.s32 $0x10, s0;
	vm0 =	vmmov vm1  }
.LBB2_7:
0x81: {  	_ =	sdelay $0x4  }
0x82: {  	v1 =	vld.msk [tilespmem:s0+$0x0 ss:$0x1], vm1;
	_ =	sdelay $0x4  }
0x83: {  	v1 =	vshll.u32 v1, $0x4  }
0x84: {  	[tilespmem:s0+$0x0] =	vst.msk vm0, v1  }
.LBB2_8:
0x85: {  	s0 =	sand.u32 $0x1, s21  }
0x86: {  	s0 =	smul.u32 $0xF0, s0  }
0x87: {  	p2 =	sne.s32 s30, $0xFFFFFFFF  }
0x88: {  	v1 =	vld.msk @!p2 [tilespmem:s0+$0x10518], $0x1;
	_ =	sdelay $0x4  }
0x89: {  	(v2sf) =	vpush @!p2 v1, $0x0;
	_ =	sdelay $0xc  }
.Ltmp7:
0x8a: {  	_ = 	snop;
	(pc) =	sbr.rel @p1 .LBB2_19-.Ltmp7, $4  }
0x8b: {  	_ = 	snop  }
0x8c: {  	s29 =	spop @!p2 (v2sf)  }
0x8d: {  	s22 =	simm.s32 @!p2 $0x0;
	s24 =	smov.u32 s29  }
0x8e: {  	[sflag:s18] =	ssyncpa.u1 $0x0;
	s29 =	smov.u32 @p2 s28;
	s24 =	smov.u32 @p2 s30  }
0x8f: {  	v1 =	vld.msk [tilespmem:s23+$0x0], $0x1;
	_ =	sdelay $0x4  }
0x90: {  	(v2sf) =	vpush v1, $0x0;
	_ =	sdelay $0xe  }
0x91: {  	s2 =	smul.u32 $0x1E000, s25;
	s0 =	spop (v2sf)  }
0x92: {  	s26 =	ssub.s32 $0x0, s26;
	p1 =	seq.s32 s29, s0  }
0x93: {  	s30 =	sadd.s32 $0x1, s26;
	s2 =	sshrl.u32 s2, $0x2;
	p2 =	sgt.s32 @!p1 s29, $0x0  }
0x94: {  	s25 =	sor.u32 $0x10738, s2;
	s2 =	smov.u32 s29;
	p2 =	por !p2, p1  }
0x95: {  	s2 =	simm.s32 @p2 $0x0;
	p2 =	seq.s32 s30, $0x0  }
.Ltmp8:
0x96: {  	_ = 	snop;
	(pc) =	sbr.rel @p2 .LBB2_11-.Ltmp8, $4  }
0x97: {  	_ = 	snop  }
0x98: {  	s28 =	simm.s32 $0x0;
	s31 =	sadd.s32 $0x1, s23;
	s2 =	smin.u32 @!p1 s2, $0xFFF0  }
0x99: {  	s4 =	simm.s32 @!p1 $0x1;
	s5 =	simm.s32 @!p1 $0x7988;
	s3 =	sand.u32 @!p1 $0xFFF8, s2  }
0x9a: {  	s4 =	smov.u32 @p1 s28;
	s2 =	sand.u32 @!p1 $0x7, s2;
	s3 =	sadd.s32 @!p1 s1, s3  }
.LBB2_10:
0x9b: {  	s9 =	smov.u32 s4  }
0x9c: {  	[tilespmem:s5], [sflag:$0x2] =	stream.linear.gather @!p1 [hbm4b:s3+s2], $0x80, $0x38;
	[tilespmem:$0x1F6F8] =	vst v63  }
0x9d: {  	s30 =	sadd.s32 $0x1, s30;
	s2 =	smov.u32 s0;
	v1 =	vld.msk [tilespmem:s31+$0x0], $0x1  }
0x9e: {  	p2 =	seq.s32 s30, $0x0;
	_ =	sdelay $0x3  }
0x9f: {  	(v2sf) =	vpush v1, $0x0;
	_ =	sdelay $0xe  }
0xa0: {  	s0 =	spop (v2sf)  }
0xa1: {  	p1 =	seq.s32 s2, s0  }
0xa2: {  	p3 =	sgt.s32 @!p1 s2, $0x0;
	s3 =	sshll.u32 @!p1 s4, $0x9;
	s4 =	sadd.s32 @!p1 $0x1, s4  }
.Ltmp9:
0xa3: {  	p3 =	por !p3, p1;
	s3 =	sshra.s32 @!p1 s3, $0x2;
	(pc) =	sbr.rel @!p2 .LBB2_10-.Ltmp9, $4  }
0xa4: {  	s4 =	smov.u32 @p1 s9;
	s2 =	simm.s32 @p3 $0x0;
	s5 =	sadd.s32 @!p1 $0x7988, s3  }
0xa5: {  	s2 =	smin.u32 @!p1 s2, $0xFFF0  }
0xa6: {  	s3 =	sand.u32 @!p1 $0xFFF8, s2;
	s2 =	sand.u32 @!p1 $0x7, s2  }
0xa7: {  	s31 =	sadd.s32 $0x1, s31;
	s3 =	sadd.s32 @!p1 s1, s3  }
.LBB2_11:
0xa8: {  	[tilespmem:s5], [sflag:$0x2] =	stream.linear.gather @!p1 [hbm4b:s3+s2], $0x80, $0x38;
	[tilespmem:$0x1F6F8] =	vst v63  }
.Ltmp10:
0xa9: {  	s0 =	sshll.u32 s4, $0x7;
	(pc) =	sbr.rel .LBB2_12-.Ltmp10, $4  }
0xaa: {  	s30 =	simm.s32 $0x2;
	s0 =	sand.u32 $0x3FFFFF80, s0  }
0xab: {  	_ =	swait.ge [sflag:s30], s0  }
0xac: {  	s0 =	ssub.s32 $0x0, s0;
	[sflag:s30] =	ssyncset.done $0x0  }
0xad: {  	s31 =	simm.s32 $0x0;
	[sflag:s30] =	ssyncadd.s32 s0  }
.LBB2_13:
0xae: {  	v1 =	vld [tilespmem:s25+$0xFFFFFFC0];
	_ =	sdelay $0x3  }
0xaf: {  	s0 =	sshra.s32 s0, $0x2  }
0xb0: {  	[tilespmem:s0+$0x108] =	vst.add.f32.msk $0xffff, v1  }
0xb1: {  	v1 =	vld [tilespmem:s25+$0xFFFFFFD0];
	_ =	sdelay $0x4  }
0xb2: {  	[tilespmem:s0+$0x118] =	vst.add.f32.msk $0xffff, v1  }
0xb3: {  	v1 =	vld [tilespmem:s25+$0xFFFFFFE0];
	_ =	sdelay $0x4  }
0xb4: {  	[tilespmem:s0+$0x128] =	vst.add.f32.msk $0xffff, v1  }
0xb5: {  	v1 =	vld [tilespmem:s25+$0xFFFFFFF0];
	_ =	sdelay $0x4  }
0xb6: {  	[tilespmem:s0+$0x138] =	vst.add.f32.msk $0xffff, v1  }
0xb7: {  	v1 =	vld [tilespmem:s25+$0x0];
	_ =	sdelay $0x4  }
0xb8: {  	[tilespmem:s0+$0x148] =	vst.add.f32.msk $0xffff, v1  }
0xb9: {  	v1 =	vld [tilespmem:s25+$0x10];
	_ =	sdelay $0x4  }
0xba: {  	[tilespmem:s0+$0x158] =	vst.add.f32.msk $0xffff, v1  }
0xbb: {  	v1 =	vld [tilespmem:s25+$0x20];
	_ =	sdelay $0x4  }
0xbc: {  	[tilespmem:s0+$0x168] =	vst.add.f32.msk $0xffff, v1  }
0xbd: {  	v1 =	vld [tilespmem:s25+$0x30];
	_ =	sdelay $0x4  }
0xbe: {  	[tilespmem:s0+$0x178] =	vst.add.f32.msk $0xffff, v1  }
.LBB2_17:
0xbf: {  	s26 =	sadd.s32 $0x1, s26  }
0xc0: {  	p1 =	seq.s32 s26, $0x0  }
.Ltmp11:
0xc1: {  	_ = 	snop;
	(pc) =	sbr.rel @p1 .LBB2_18-.Ltmp11, $2  }
0xc2: {  	_ =	sdelay $0x2  }
0xc3: {  	s23 =	sadd.s32 $0x1, s23;
	s25 =	sadd.s32 $0x80, s25;
	s29 =	smov.u32 s30  }
.LBB2_12:
0xc4: {  	v1 =	vld.msk [tilespmem:s23+$0x0], $0x1;
	_ =	sdelay $0x4  }
0xc5: {  	(v2sf) =	vpush v1, $0x0;
	_ =	sdelay $0xe  }
0xc6: {  	s30 =	spop (v2sf)  }
0xc7: {  	p1 =	sne.s32 s29, s30  }
.Ltmp12:
0xc8: {  	_ = 	snop;
	(pc) =	sbr.rel @!p1 .LBB2_13-.Ltmp12, $2  }
0xc9: {  	_ =	sdelay $0x2  }
0xca: {  	s0 =	sshll.u32 s22, $0x9  }
0xcb: {  	p1 =	seq.s32 s29, s24  }
.Ltmp13:
0xcc: {  	_ = 	snop;
	(pc) =	sbr.rel @!p1 .LBB2_15-.Ltmp13, $1  }
0xcd: {  	_ =	sdelay $0x3  }
0xce: {  	s0 =	sshra.s32 s0, $0x2  }
.Ltmp14:
0xcf: {  	s0 =	sadd.s32 $0x108, s0;
	(pc) =	sbr.rel .LBB2_16-.Ltmp14, $4  }
0xd0: {  	[spmem:s16] =	stream.linear.scatter [tilespmem:s0], [sflag:$0x1], $0x80, $0x38;
	[tilespmem:$0x1F6F8] =	vst v63  }
0xd1: {  	_ =	swait.ge [sflag:s12], $0x80  }
0xd2: {  	[sflag:s12] =	ssyncset.done $0x0  }
0xd3: {  	[sflag:s12] =	ssyncadd.s32 $0xFFFFFF80  }
.LBB2_15:
0xd4: {  	s2 =	sshll.u32 s28, $0x9  }
0xd5: {  	s2 =	sshra.s32 s2, $0x2  }
0xd6: {  	v1 =	vld [tilespmem:s2+$0x7988];
	_ =	sdelay $0x3  }
0xd7: {  	s0 =	sshra.s32 s0, $0x2  }
0xd8: {  	[tilespmem:s0+$0x108] =	vst.add.f32.msk $0xffff, v1  }
0xd9: {  	v1 =	vld [tilespmem:s2+$0x7998];
	_ =	sdelay $0x4  }
0xda: {  	[tilespmem:s0+$0x118] =	vst.add.f32.msk $0xffff, v1  }
0xdb: {  	v1 =	vld [tilespmem:s2+$0x79A8];
	_ =	sdelay $0x4  }
0xdc: {  	[tilespmem:s0+$0x128] =	vst.add.f32.msk $0xffff, v1  }
0xdd: {  	v1 =	vld [tilespmem:s2+$0x79B8];
	_ =	sdelay $0x4  }
0xde: {  	[tilespmem:s0+$0x138] =	vst.add.f32.msk $0xffff, v1  }
0xdf: {  	v1 =	vld [tilespmem:s2+$0x79C8];
	_ =	sdelay $0x4  }
0xe0: {  	[tilespmem:s0+$0x148] =	vst.add.f32.msk $0xffff, v1  }
0xe1: {  	v1 =	vld [tilespmem:s2+$0x79D8];
	_ =	sdelay $0x4  }
0xe2: {  	[tilespmem:s0+$0x158] =	vst.add.f32.msk $0xffff, v1  }
0xe3: {  	v1 =	vld [tilespmem:s2+$0x79E8];
	_ =	sdelay $0x4  }
0xe4: {  	[tilespmem:s0+$0x168] =	vst.add.f32.msk $0xffff, v1  }
0xe5: {  	v1 =	vld [tilespmem:s2+$0x79F8];
	_ =	sdelay $0x2  }
0xe6: {  	p1 =	sgt.u32 s29, $0xFFF0  }
0xe7: {  	s2 =	sand.u32 @!p1 $0xFFF8, s29  }
0xe8: {  	s3 =	sadd.s32 $0x108, s0;
	[tilespmem:s0+$0x178] =	vst.add.f32.msk $0xffff, v1;
	s0 =	sadd.s32 @!p1 s1, s2;
	s2 =	sand.u32 @!p1 $0x7, s29  }
0xe9: {  	[hbm4b:s0+s2] =	stream.linear.scatter @!p1 [tilespmem:s3], [sflag:$0xC], $0x80, $0x38;
	[tilespmem:$0x1F6F8] =	vst v63  }
0xea: {  	s0 =	simm.s32 $0x0  }
0xeb: {  	s0 =	simm.s32 @!p1 $0x200  }
0xec: {  	s31 =	sadd.s32 s0, s31  }
.LBB2_16:
0xed: {  	s0 =	sadd.s32 $0x1, s22  }
0xee: {  	s2 =	smulhi.u32 $0x88888889, s0;
	_ =	sdelay $0x1  }
0xef: {  	v1 =	vld [tilespmem:s25+$0xFFFFFFC0];
	s2 =	sshrl.u32 s2, $0x7  }
0xf0: {  	s2 =	smul.u32 $0xF0, s2;
	_ =	sdelay $0x1  }
0xf1: {  	s22 =	ssub.s32 s0, s2  }
0xf2: {  	s0 =	sshll.u32 s22, $0x7  }
0xf3: {  	[tilespmem:s0+$0x108] =	vst v1  }
0xf4: {  	v1 =	vld [tilespmem:s25+$0xFFFFFFD0];
	_ =	sdelay $0x4  }
0xf5: {  	[tilespmem:s0+$0x118] =	vst v1  }
0xf6: {  	v1 =	vld [tilespmem:s25+$0xFFFFFFE0];
	_ =	sdelay $0x4  }
0xf7: {  	[tilespmem:s0+$0x128] =	vst v1  }
0xf8: {  	v1 =	vld [tilespmem:s25+$0xFFFFFFF0];
	_ =	sdelay $0x4  }
0xf9: {  	[tilespmem:s0+$0x138] =	vst v1  }
0xfa: {  	v1 =	vld [tilespmem:s25+$0x0];
	_ =	sdelay $0x4  }
0xfb: {  	[tilespmem:s0+$0x148] =	vst v1  }
0xfc: {  	v1 =	vld [tilespmem:s25+$0x10];
	_ =	sdelay $0x4  }
0xfd: {  	[tilespmem:s0+$0x158] =	vst v1  }
0xfe: {  	v1 =	vld [tilespmem:s25+$0x20];
	_ =	sdelay $0x4  }
0xff: {  	[tilespmem:s0+$0x168] =	vst v1  }
0x100: {  	v1 =	vld [tilespmem:s25+$0x30]  }
.Ltmp15:
0x101: {  	_ = 	snop;
	(pc) =	sbr.rel .LBB2_17-.Ltmp15, $2  }
0x102: {  	_ =	sdelay $0x2  }
0x103: {  	s28 =	sadd.s32 $0x1, s28;
	[tilespmem:s0+$0x178] =	vst v1  }
.LBB2_19:
.Ltmp16:
0x104: {  	(pc) =	sbr.rel .LBB2_20-.Ltmp16, $4  }
0x105: {  	_ = 	snop  }
0x106: {  	s0 =	simm.s32 $0x2  }
0x107: {  	_ =	swait.ge [sflag:s0], $0x0  }
0x108: {  	s30 =	smov.u32 s29;
	[sflag:s0] =	ssyncset.done $0x0;
	s0 =	simm.s32 $0x0  }
.LBB2_22:
0x109: {  	_ =	sfence.sel $0x180000  }
0x10a: {  	s0 =	simm.s32 $0x9;
	[bflag:$0x0] =	sbarrier.arrive $0xFFFF  }
0x10b: {  	s24 =	simm.s32 $0xA;
	[sflag:s0] =	ssyncpa.u1 $0x1  }
0x10c: {  	s25 =	simm.s32 $0xB;
	[sflag:s24] =	ssyncpa.u1 $0x1  }
0x10d: {  	s26 =	simm.s32 $0x2;
	[sflag:s25] =	ssyncpa.u1 $0x1  }
0x10e: {  	[sflag:s26] =	ssyncpa.u1 $0x1  }
0x10f: {  	v0 =	vld [tilespmem:$0xF208];
	_ =	sdelay $0x4  }
0x110: {  	(v2sf) =	vpush v0, $0x0  }
0x111: {  	(v2sf) =	vpush v0, $0x1;
	_ =	sdelay $0x1  }
0x112: {  	(v2sf) =	vpush v0, $0x2;
	_ =	sdelay $0xb  }
0x113: {  	s0 =	spop (v2sf)  }
0x114: {  	s2 =	spop (v2sf)  }
0x115: {  	s3 =	smov.u32 s0;
	p0 =	sne.s32 s0, s2  }
0x116: {  	s4 =	spop (v2sf);
	s3 =	simm.s32 @!p0 $0xFFFFFFFF  }
0x117: {  	v2 =	vimm.s32 $0x1;
	v3 =	vlaneseq.u32;
	p0 =	seq.s32 s4, $0xFFFFFFFF;
	v1 =	vmov s3  }
0x118: {  	s16 =	stileid.u32;
	v0 =	vperm.xlane v0, v2;
	p1 =	sne.s32 @!p0 s0, s2;
	v1 =	vperm.xlane v1, v3  }
0x119: {  	vm0 =	vcmask $0x3F04;
	s6 =	simm.s32 $0xF208;
	s0 =	simm.s32 @!p0 $0x1;
	p1 =	por !p1, p0  }
0x11a: {  	s3 =	sshll.u32 s16, $0x1;
	s2 =	sshll.u32 @!p0 s4, $0x9;
	s0 =	simm.s32 @p1 $0x0;
	v0 =	vsel vm0, v1, v0  }
0x11b: {  	s5 =	sor.u32 $0x1000, s3;
	s2 =	sshra.s32 @!p0 s2, $0x2;
	s0 =	sor.u32 @!p0 s0, s3;
	[tilespmem:$0xF208] =	vst v0  }
0x11c: {  	[spmem:s5] =	stream.linear.scatter [tilespmem:s6], [sflag:$0x1], $0x2, $0x38;
	[tilespmem:$0x1F6F8] =	vst v63  }
0x11d: {  	s2 =	sadd.s32 @!p0 $0x108, s2;
	s0 =	sshll.u32 @!p0 s0, $0x7  }
0x11e: {  	[spmem:s0] =	stream.linear.scatter @!p0 [tilespmem:s2], [sflag:$0x1], $0x80, $0x38;
	[tilespmem:$0x1F6F8] =	vst v63  }
0x11f: {  	s0 =	simm.s32 @!p0 $0x82  }
0x120: {  	s28 =	simm.s32 $0x1;
	s0 =	simm.s32 @p0 $0x2  }
0x121: {  	_ =	swait.ge [sflag:s28], s0  }
0x122: {  	s0 =	ssub.s32 $0x0, s0;
	[sflag:s28] =	ssyncset.done $0x0  }
0x123: {  	p0 =	sne.s32 s16, $0x0;
	[sflag:s28] =	ssyncadd.s32 s0  }
.Ltmp17:
0x124: {  	_ =	sfence.stream.spmem;
	(pc) =	sbr.rel @p0 .LBB2_39-.Ltmp17, $4  }
0x125: {  	s29 =	simm.s32 $0x3;
	[bflag:$0x0] =	sbarrier.arrive $0xFFFF  }
0x126: {  	s30 =	simm.s32 $0x4;
	[sflag:s29] =	ssyncpa.u1 $0x1  }
0x127: {  	s31 =	simm.s32 $0x3C;
	[sflag:s30] =	ssyncpa.u1 $0x1  }
0x128: {  	s15 =	rddreg [dreg:$0x4];
	[sflag:s31] =	ssyncpa.u1 $0x1  }
0x129: {  	_ =	sfence.stream.spmem;
	s0 =	simm.s32 $0x5  }
0x12a: {  	s2 =	simm.s32 $0x1000;
	s3 =	simm.s32 $0xF218;
	[sflag:s0] =	ssyncpa.u1 $0x0  }
0x12b: {  	[tilespmem:s3], [sflag:$0x5] =	stream.linear.gather [spmem:s2], $0x20, $0x38;
	[tilespmem:$0x1F6F8] =	vst v63  }
0x12c: {  	s26 =	simm.s32 $0x0;
	s28 =	simm.s32 $0xF238  }
0x12d: {  	[tilespmem:s28], [sflag:$0x5] =	stream.linear.gather [spmem:s26], $0x1000, $0x38;
	[tilespmem:$0x1F6F8] =	vst v63  }
0x12e: {  	_ =	swait.ge [sflag:s0], $0x1020  }
0x12f: {  	[sflag:s0] =	ssyncset.done $0x0  }
0x130: {  	s29 =	simm.s32 $0x0;
	[sflag:s0] =	ssyncadd.s32 $0xFFFFEFE0  }
0x131: {  	v0 =	vld.msk [tilespmem:s29+$0xF218], $0x1;
	_ =	sdelay $0x1  }
0x132: {  	s30 =	simm.s32 $0x1  }
0x133: {  	v1 =	vld.msk [tilespmem:s30+$0xF218], $0x1;
	_ =	sdelay $0x1  }
0x134: {  	(v2sf) =	vpush v0, $0x0;
	_ =	sdelay $0x2  }
0x135: {  	(v2sf) =	vpush v1, $0x0;
	_ =	sdelay $0x2  }
0x136: {  	s31 =	simm.s32 $0x2  }
0x137: {  	v0 =	vld.msk [tilespmem:s31+$0xF218], $0x1;
	_ =	sdelay $0x2  }
0x138: {  	s4 =	simm.s32 $0xFFFFFFFF;
	s5 =	simm.s32 $0xFFFFFFFF;
	s0 =	simm.s32 $0xC  }
.LBB2_24:
0x139: {  	s2 =	smov.u32 s5;
	s3 =	smov.u32 s4  }
0x13a: {  	s4 =	sshra.s32 s0, $0x2;
	p1 =	sne.s32 s0, $0x7C;
	s0 =	sadd.s32 $0x4, s0;
	(v2sf) =	vpush v0, $0x0  }
0x13b: {  	v0 =	vld.msk [tilespmem:s4+$0xF218], $0x1  }
.Ltmp18:
0x13c: {  	(pc) =	sbr.rel @p1 .LBB2_24-.Ltmp18, $4  }
0x13d: {  	s5 =	spop (v2sf)  }
0x13e: {  	p2 =	sne.s32 s3, $0xFFFFFFFF;
	s4 =	smov.u32 s5  }
0x13f: {  	p3 =	seq.s32 s5, $0xFFFFFFFF;
	s4 =	smov.u32 @p2 s3  }
0x140: {  	s5 =	smov.u32 @p3 s2;
	s4 =	smov.u32 @p3 s3  }
0x141: {  	(v2sf) =	vpush v0, $0x0;
	_ =	sdelay $0x8  }
0x142: {  	s0 =	spop (v2sf)  }
0x143: {  	p1 =	sne.s32 s4, $0xFFFFFFFF;
	s2 =	smov.u32 s0  }
0x144: {  	s9 =	simm.s32 $0x6;
	p2 =	seq.s32 s0, $0xFFFFFFFF;
	s2 =	smov.u32 @p1 s4  }
0x145: {  	s6 =	simm.s32 $0x0;
	s2 =	smov.u32 @p2 s4;
	s3 =	spop (v2sf)  }
0x146: {  	s0 =	smov.u32 @p2 s5;
	p1 =	sne.s32 s2, $0xFFFFFFFF;
	s4 =	smov.u32 s3  }
.Ltmp19:
0x147: {  	p2 =	seq.s32 s3, $0xFFFFFFFF;
	s4 =	smov.u32 @p1 s2;
	(pc) =	sbr.rel .LBB2_26-.Ltmp19, $4  }
0x148: {  	s10 =	simm.s32 $0xF188;
	s4 =	smov.u32 @p2 s2;
	s7 =	spop (v2sf)  }
0x149: {  	s11 =	simm.s32 $0x0;
	p1 =	sne.s32 s4, $0xFFFFFFFF;
	s8 =	smov.u32 s7  }
0x14a: {  	s3 =	smov.u32 @p2 s0;
	p2 =	seq.s32 s7, $0xFFFFFFFF;
	s8 =	smov.u32 @p1 s4  }
0x14b: {  	[sflag:s9] =	ssyncpa.u1 $0x0;
	s7 =	smov.u32 @p2 s3;
	s8 =	smov.u32 @p2 s4  }
.LBB2_32:
0x14c: {  	p1 =	sgt.u32 s12, $0xFFF0  }
0x14d: {  	p2 =	seq.s32 @!p1 s12, s8  }
0x14e: {  	p1 =	por p1, p2  }
0x14f: {  	p2 =	sne.s32 @!p1 s12, s7  }
0x150: {  	p1 =	por p1, !p2  }
0x151: {  	s0 =	sshll.u32 @p1 s11, $0x9  }
0x152: {  	s0 =	sand.u32 @!p1 $0xFFF8, s12  }
0x153: {  	s2 =	sand.u32 @!p1 $0x7, s12;
	s0 =	sadd.s32 @!p1 s1, s0  }
0x154: {  	[tilespmem:s10], [sflag:$0x6] =	stream.linear.gather @!p1 [hbm4b:s0+s2], $0x80, $0x38;
	[tilespmem:$0x1F6F8] =	vst v63  }
0x155: {  	_ =	swait.ge @!p1 [sflag:s9], $0x80  }
0x156: {  	[sflag:s9] =	ssyncset.done @!p1 $0x0  }
0x157: {  	[sflag:s9] =	ssyncadd.s32 @!p1 $0xFFFFFF80  }
0x158: {  	v1 =	vld @!p1 [tilespmem:$0xF188];
	_ =	sdelay $0x2  }
0x159: {  	s0 =	sshll.u32 @!p1 s11, $0x9  }
0x15a: {  	s2 =	sshrl.u32 @!p1 s0, $0x2  }
0x15b: {  	[tilespmem:s2+$0xF238] =	vst.add.f32.msk @!p1 $0xffff, v1  }
0x15c: {  	v1 =	vld @!p1 [tilespmem:$0xF198];
	_ =	sdelay $0x4  }
0x15d: {  	[tilespmem:s2+$0xF248] =	vst.add.f32.msk @!p1 $0xffff, v1  }
0x15e: {  	v1 =	vld @!p1 [tilespmem:$0xF1A8];
	_ =	sdelay $0x4  }
0x15f: {  	[tilespmem:s2+$0xF258] =	vst.add.f32.msk @!p1 $0xffff, v1  }
0x160: {  	v1 =	vld @!p1 [tilespmem:$0xF1B8];
	_ =	sdelay $0x4  }
0x161: {  	[tilespmem:s2+$0xF268] =	vst.add.f32.msk @!p1 $0xffff, v1  }
0x162: {  	v1 =	vld @!p1 [tilespmem:$0xF1C8];
	_ =	sdelay $0x4  }
0x163: {  	[tilespmem:s2+$0xF278] =	vst.add.f32.msk @!p1 $0xffff, v1  }
0x164: {  	v1 =	vld @!p1 [tilespmem:$0xF1D8];
	_ =	sdelay $0x4  }
0x165: {  	[tilespmem:s2+$0xF288] =	vst.add.f32.msk @!p1 $0xffff, v1  }
0x166: {  	v1 =	vld @!p1 [tilespmem:$0xF1E8];
	_ =	sdelay $0x4  }
0x167: {  	[tilespmem:s2+$0xF298] =	vst.add.f32.msk @!p1 $0xffff, v1  }
0x168: {  	v1 =	vld @!p1 [tilespmem:$0xF1F8];
	_ =	sdelay $0x4  }
0x169: {  	[tilespmem:s2+$0xF2A8] =	vst.add.f32.msk @!p1 $0xffff, v1  }
0x16a: {  	s0 =	sshrl.u32 s0, $0x2;
	[tilespmem:s6+$0xF218] =	vst.msk $0x1, v0  }
0x16b: {  	v0 =	vld [tilespmem:s0+$0xF238];
	_ =	sdelay $0x2  }
0x16c: {  	s31 =	sshll.u32 s6, $0x9  }
0x16d: {  	s2 =	sshra.s32 s31, $0x2  }
0x16e: {  	[tilespmem:s2+$0xF238] =	vst v0  }
0x16f: {  	v0 =	vld [tilespmem:s0+$0xF248];
	_ =	sdelay $0x4  }
0x170: {  	[tilespmem:s2+$0xF248] =	vst v0  }
0x171: {  	v0 =	vld [tilespmem:s0+$0xF258];
	_ =	sdelay $0x4  }
0x172: {  	[tilespmem:s2+$0xF258] =	vst v0  }
0x173: {  	v0 =	vld [tilespmem:s0+$0xF268];
	_ =	sdelay $0x4  }
0x174: {  	[tilespmem:s2+$0xF268] =	vst v0  }
0x175: {  	v0 =	vld [tilespmem:s0+$0xF278];
	_ =	sdelay $0x4  }
0x176: {  	[tilespmem:s2+$0xF278] =	vst v0  }
0x177: {  	v0 =	vld [tilespmem:s0+$0xF288];
	_ =	sdelay $0x4  }
0x178: {  	[tilespmem:s2+$0xF288] =	vst v0  }
0x179: {  	v0 =	vld [tilespmem:s0+$0xF298];
	_ =	sdelay $0x4  }
0x17a: {  	[tilespmem:s2+$0xF298] =	vst v0  }
0x17b: {  	v0 =	vld [tilespmem:s0+$0xF2A8];
	_ =	sdelay $0x4  }
0x17c: {  	s6 =	sadd.s32 $0x1, s6;
	[tilespmem:s2+$0xF2A8] =	vst v0  }
.LBB2_33:
0x17d: {  	s11 =	sadd.s32 $0x1, s11  }
0x17e: {  	p1 =	sne.s32 s11, $0x20  }
.Ltmp20:
0x17f: {  	_ = 	snop;
	(pc) =	sbr.rel @!p1 .LBB2_34-.Ltmp20, $1  }
0x180: {  	_ =	sdelay $0x3  }
.LBB2_26:
0x181: {  	v0 =	vld.msk [tilespmem:s11+$0xF218], $0x1;
	_ =	sdelay $0x4  }
0x182: {  	(v2sf) =	vpush v0, $0x0;
	_ =	sdelay $0xe  }
0x183: {  	s12 =	spop (v2sf)  }
0x184: {  	p1 =	seq.s32 s12, $0xFFFFFFFF  }
.Ltmp21:
0x185: {  	_ = 	snop;
	(pc) =	sbr.rel @p1 .LBB2_33-.Ltmp21, $1  }
0x186: {  	_ =	sdelay $0x3  }
0x187: {  	p1 =	slt.s32 s6, $0x1  }
.Ltmp22:
0x188: {  	_ = 	snop;
	(pc) =	sbr.rel @p1 .LBB2_32-.Ltmp22, $1  }
0x189: {  	_ =	sdelay $0x3  }
0x18a: {  	s13 =	simm.s32 $0xF218;
	p1 =	por $0x0, $0x0  }
0x18b: {  	v1 =	vld.msk @!p1 [tilespmem:s13+$0x0], $0x1;
	_ =	sdelay $0x4  }
0x18c: {  	(v2sf) =	vpush @!p1 v1, $0x0;
	_ =	sdelay $0xd  }
0x18d: {  	p3 =	sne.s32 s6, $0x1  }
.Ltmp23:
0x18e: {  	s0 =	spop @!p1 (v2sf);
	(pc) =	sbr.rel @!p3 .LBB2_30-.Ltmp23, $4  }
0x18f: {  	p2 =	seq.s32 @!p1 s12, s0  }
0x190: {  	s14 =	simm.s32 $0x0;
	p2 =	por !p2, p1  }
0x191: {  	s2 =	simm.s32 $0xFFFFFFFF;
	s14 =	simm.s32 @p2 $0xFFFFFFFF  }
0x192: {  	s0 =	simm.s32 $0x1;
	s14 =	smov.u32 @p1 s2  }
.LBB2_29:
0x193: {  	s2 =	smov.u32 s14;
	p1 =	sne.s32 s14, $0xFFFFFFFF  }
0x194: {  	s13 =	sadd.s32 $0x1, s13;
	s14 =	smov.u32 s0;
	s0 =	sadd.s32 $0x1, s0  }
0x195: {  	p2 =	sne.s32 s6, s0;
	v1 =	vld.msk @!p1 [tilespmem:s13+$0x0], $0x1;
	_ =	sdelay $0x4  }
0x196: {  	(v2sf) =	vpush @!p1 v1, $0x0;
	_ =	sdelay $0xe  }
.Ltmp24:
0x197: {  	s3 =	spop @!p1 (v2sf);
	(pc) =	sbr.rel @p2 .LBB2_29-.Ltmp24, $4  }
0x198: {  	p3 =	seq.s32 @!p1 s12, s3  }
0x199: {  	p3 =	por !p3, p1  }
0x19a: {  	s14 =	simm.s32 @p3 $0xFFFFFFFF  }
0x19b: {  	s14 =	smov.u32 @p1 s2  }
.LBB2_30:
0x19c: {  	p1 =	seq.s32 s14, $0xFFFFFFFF  }
.Ltmp25:
0x19d: {  	_ = 	snop;
	(pc) =	sbr.rel @p1 .LBB2_32-.Ltmp25, $1  }
0x19e: {  	_ =	sdelay $0x3  }
0x19f: {  	s0 =	sshll.u32 s11, $0x7  }
0x1a0: {  	s0 =	sand.u32 $0x3FFFFF80, s0  }
0x1a1: {  	v0 =	vld [tilespmem:s0+$0xF238];
	_ =	sdelay $0x2  }
0x1a2: {  	s2 =	sshll.u32 s14, $0x9  }
0x1a3: {  	s2 =	sshra.s32 s2, $0x2  }
0x1a4: {  	[tilespmem:s2+$0xF238] =	vst.add.f32.msk $0xffff, v0  }
0x1a5: {  	v0 =	vld [tilespmem:s0+$0xF248];
	_ =	sdelay $0x4  }
0x1a6: {  	[tilespmem:s2+$0xF248] =	vst.add.f32.msk $0xffff, v0  }
0x1a7: {  	v0 =	vld [tilespmem:s0+$0xF258];
	_ =	sdelay $0x4  }
0x1a8: {  	[tilespmem:s2+$0xF258] =	vst.add.f32.msk $0xffff, v0  }
0x1a9: {  	v0 =	vld [tilespmem:s0+$0xF268];
	_ =	sdelay $0x4  }
0x1aa: {  	[tilespmem:s2+$0xF268] =	vst.add.f32.msk $0xffff, v0  }
0x1ab: {  	v0 =	vld [tilespmem:s0+$0xF278];
	_ =	sdelay $0x4  }
0x1ac: {  	[tilespmem:s2+$0xF278] =	vst.add.f32.msk $0xffff, v0  }
0x1ad: {  	v0 =	vld [tilespmem:s0+$0xF288];
	_ =	sdelay $0x4  }
0x1ae: {  	[tilespmem:s2+$0xF288] =	vst.add.f32.msk $0xffff, v0  }
0x1af: {  	v0 =	vld [tilespmem:s0+$0xF298];
	_ =	sdelay $0x4  }
0x1b0: {  	[tilespmem:s2+$0xF298] =	vst.add.f32.msk $0xffff, v0  }
0x1b1: {  	v0 =	vld [tilespmem:s0+$0xF2A8]  }
.Ltmp26:
0x1b2: {  	_ = 	snop;
	(pc) =	sbr.rel .LBB2_33-.Ltmp26, $2  }
0x1b3: {  	_ =	sdelay $0x2  }
0x1b4: {  	[tilespmem:s2+$0xF2A8] =	vst.add.f32.msk $0xffff, v0  }
.LBB2_34:
0x1b5: {  	s0 =	simm.s32 $0x6;
	p1 =	seq.s32 s6, $0x0  }
0x1b6: {  	[sflag:s0] =	ssyncpa.u1 $0x1;
	v0 =	vimm.s32 @p1 $0xFFFFFFFF  }
0x1b7: {  	s9 =	sadd.s32 $0xFFFFFFFF, s6;
	[tilespmem:$0x10238] =	vst @p1 v0  }
0x1b8: {  	v0 =	vld.msk @!p1 [tilespmem:s9+$0xF218], $0x1;
	_ =	sdelay $0x1  }
0x1b9: {  	v1 =	vld.msk @!p1 [tilespmem:$0xF218], $0x1;
	_ =	sdelay $0x2  }
0x1ba: {  	p2 =	seq.s32 @!p1 s9, $0x0;
	v0 =	vbroadcast @!p1 v0, $0x0  }
0x1bb: {  	vm0 =	vmmov @!p1 $0x1;
	p2 =	por !p2, p1  }
0x1bc: {  	v1 =	vnsel @!p1 vm0, $0xFFFFFFFF, v1;
	vm0 =	vcmask @!p1 $0x308;
	v0 =	vpsel !p2, $0xFFFFFFFF, v0  }
0x1bd: {  	p2 =	sne.s32 @!p1 s8, s7;
	v0 =	vsel @!p1 vm0, v1, v0  }
0x1be: {  	s0 =	simm.s32 @!p1 $0xF238;
	s2 =	simm.s32 @!p1 $0x0;
	p3 =	por !p2, p1;
	[tilespmem:$0x10238] =	vst @!p1 v0  }
0x1bf: {  	[spmem:s2] =	stream.linear.scatter @!p1 [tilespmem:s0], [sflag:$0x1], $0x80, $0x38;
	[tilespmem:$0x1F6F8] =	vst v63  }
0x1c0: {  	s0 =	sshll.u32 @!p3 s9, $0x9  }
0x1c1: {  	s0 =	sshra.s32 @!p3 s0, $0x2  }
0x1c2: {  	s2 =	simm.s32 @!p3 $0x80;
	s0 =	sadd.s32 @!p3 $0xF238, s0  }
0x1c3: {  	[spmem:s2] =	stream.linear.scatter @!p3 [tilespmem:s0], [sflag:$0x1], $0x80, $0x38;
	[tilespmem:$0x1F6F8] =	vst v63  }
0x1c4: {  	s0 =	simm.s32 @!p3 $0x1  }
0x1c5: {  	_ =	swait.ge @!p3 [sflag:s0], $0x100  }
0x1c6: {  	p1 =	por p2, p1;
	[sflag:s0] =	ssyncset.done @!p3 $0x0  }
0x1c7: {  	[sflag:s0] =	ssyncadd.s32 @!p3 $0xFFFFFF00;
	s0 =	simm.s32 @!p1 $0x1  }
0x1c8: {  	_ =	swait.ge @!p1 [sflag:s0], $0x80  }
0x1c9: {  	s29 =	simm.s32 $0x10238;
	[sflag:s0] =	ssyncset.done @!p1 $0x0  }
0x1ca: {  	s30 =	simm.s32 $0x1000;
	s31 =	simm.s32 $0x1;
	[sflag:s0] =	ssyncadd.s32 @!p1 $0xFFFFFF80  }
0x1cb: {  	[spmem:s30] =	stream.linear.scatter [tilespmem:s29], [sflag:$0x1], $0x10, $0x38;
	[tilespmem:$0x1F6F8] =	vst v63  }
0x1cc: {  	_ =	swait.ge [sflag:s31], $0x10  }
0x1cd: {  	[sflag:s31] =	ssyncset.done $0x0  }
0x1ce: {  	p1 =	seq.s32 s15, $0x0;
	s8 =	rddreg [dreg:$0x1];
	[sflag:s31] =	ssyncadd.s32 $0xFFFFFFF0  }
0x1cf: {  	s2 =	sshll.u32 @p1 s8, $0xE;
	s7 =	rddreg [dreg:$0x2]  }
0x1d0: {  	s0 =	sadd.s32 @p1 $0x15C3C, s2;
	s2 =	sshll.u32 @p1 s7, $0x11  }
0x1d1: {  	_ =	sfence.stream.spmem;
	s0 =	sor.u32 @p1 s2, s0  }
0x1d2: {  	[sflag:s0] =	ssyncadd.remote.s32 @p1 $0x1;
	s0 =	simm.s32 @p1 $0x4  }
0x1d3: {  	s3 =	simm.s32 @!p1 $0x3C;
	s2 =	sand.u32 $0xFFFFFFFE, s8;
	_ =	swait.ge @p1 [sflag:s0], $0x22  }
0x1d4: {  	s4 =	simm.s32 @!p1 $0x0;
	s2 =	sadd.s32 @!p1 $0x4, s2;
	[sflag:s0] =	ssyncset.done @p1 $0x0  }
0x1d5: {  	s5 =	simm.s32 @!p1 $0x100;
	[sflag:s0] =	ssyncadd.s32 @p1 $0xFFFFFFDE;
	s0 =	sshll.u32 @!p1 s2, $0x1A  }
0x1d6: {  	s2 =	sshll.u32 @!p1 s2, $0xD;
	s0 =	sor.u32 @!p1 s0, s7;
	_ =	swait.eq @!p1 [sflag:s3], $0x1  }
0x1d7: {  	s2 =	sor.u32 @!p1 $0x1C04, s2;
	s3 =	simm.s32 @!p1 $0x1C03;
	s0 =	sor.u32 @!p1 $0x80004000, s0  }
0x1d8: {  	[spmem:s5], [sflag:s2] =	dma.general @!p1 [spmem:s4], [sflag:s3], length:$0x20, [dreg:$0x0], stride_count:$0x0, ici_dest:s0, dma_misc:DstOpCode:WRITE  }
0x1d9: {  	p2 =	slt.s32 s9, $0x2;
	s4 =	simm.s32 @!p1 $0x200;
	s5 =	simm.s32 @!p1 $0x202  }
0x1da: {  	[spmem:s5], [sflag:s2] =	dma.general @!p1 [spmem:s4], [sflag:s3], length:$0x2, [dreg:$0x0], stride_count:$0x0, ici_dest:s0, dma_misc:DstOpCode:WRITE  }
.Ltmp27:
0x1db: {  	s0 =	simm.s32 @!p1 $0x3;
	(pc) =	sbr.rel @p2 .LBB2_38-.Ltmp27, $4  }
0x1dc: {  	s2 =	sshll.u32 @!p1 s8, $0xE;
	_ =	swait.ge @!p1 [sflag:s0], $0x22  }
0x1dd: {  	s3 =	sshll.u32 @!p1 s7, $0x11;
	s2 =	sadd.s32 @!p1 $0x11C3C, s2;
	[sflag:s0] =	ssyncset.done @!p1 $0x0  }
0x1de: {  	[sflag:s0] =	ssyncadd.s32 @!p1 $0xFFFFFFDE;
	s0 =	sor.u32 @!p1 s3, s2  }
0x1df: {  	[sflag:s0] =	ssyncadd.remote.s32 @!p1 $0xFFFFFFFF;
	s0 =	simm.s32 $0x0  }
0x1e0: {  	s0 =	simm.s32 $0xF219  }
0x1e1: {  	v0 =	vld.msk [tilespmem:s0+$0x0], $0x1;
	_ =	sdelay $0x4  }
0x1e2: {  	(v2sf) =	vpush v0, $0x0;
	_ =	sdelay $0xb  }
0x1e3: {  	s31 =	sadd.s32 $0xFFFFFFFE, s6  }
0x1e4: {  	s0 =	sadd.s32 $0xFFFFFFFF, s31  }
0x1e5: {  	p2 =	sne.s32 s0, $0x0  }
.Ltmp28:
0x1e6: {  	s2 =	spop (v2sf);
	(pc) =	sbr.rel @!p2 .LBB2_37-.Ltmp28, $4  }
0x1e7: {  	s4 =	simm.s32 $0xF2B8;
	s7 =	simm.s32 $0x0;
	p1 =	sgt.u32 s2, $0xFFF0  }
0x1e8: {  	s5 =	simm.s32 $0x0;
	s6 =	simm.s32 $0xF21A;
	s3 =	sand.u32 @!p1 $0xFFF8, s2  }
0x1e9: {  	s2 =	sand.u32 @!p1 $0x7, s2;
	s7 =	simm.s32 @!p1 $0x200;
	s3 =	sadd.s32 @!p1 s1, s3  }
0x1ea: {  	[hbm4b:s3+s2] =	stream.linear.scatter @!p1 [tilespmem:s4], [sflag:$0x5], $0x80, $0x38;
	[tilespmem:$0x1F6F8] =	vst v63  }
.LBB2_36:
0x1eb: {  	v0 =	vld.msk [tilespmem:s6+$0x0], $0x1;
	s0 =	sadd.s32 $0xFFFFFFFF, s0;
	s5 =	sadd.s32 s5, s7  }
0x1ec: {  	p1 =	sne.s32 s0, $0x0;
	_ =	sdelay $0x3  }
0x1ed: {  	(v2sf) =	vpush v0, $0x0;
	_ =	sdelay $0xe  }
.Ltmp29:
0x1ee: {  	s2 =	spop (v2sf);
	(pc) =	sbr.rel @p1 .LBB2_36-.Ltmp29, $4  }
0x1ef: {  	s7 =	simm.s32 $0x0;
	p2 =	sgt.u32 s2, $0xFFF0  }
0x1f0: {  	s4 =	sadd.s32 $0x80, s4;
	s7 =	simm.s32 @!p2 $0x200;
	s3 =	sand.u32 @!p2 $0xFFF8, s2  }
0x1f1: {  	s6 =	sadd.s32 $0x1, s6;
	s2 =	sand.u32 @!p2 $0x7, s2;
	s3 =	sadd.s32 @!p2 s1, s3  }
0x1f2: {  	[hbm4b:s3+s2] =	stream.linear.scatter @!p2 [tilespmem:s4], [sflag:$0x5], $0x80, $0x38;
	[tilespmem:$0x1F6F8] =	vst v63  }
.LBB2_37:
0x1f3: {  	s0 =	sadd.s32 s5, s7  }
0x1f4: {  	s0 =	sshrl.u32 s0, $0x2  }
.LBB2_38:
0x1f5: {  	s2 =	simm.s32 $0x5  }
0x1f6: {  	_ =	swait.ge [sflag:s2], s0  }
0x1f7: {  	s31 =	ssub.s32 $0x0, s0;
	[sflag:s2] =	ssyncset.done $0x0  }
0x1f8: {  	[sflag:s2] =	ssyncadd.s32 s31  }
0x1f9: {  	[sflag:s2] =	ssyncpa.u1 $0x1  }
.LBB2_39:
0x1fa: {  	s0 =	sor.u32 s15, s16  }
0x1fb: {  	p1 =	sne.s32 s0, $0x0  }
.Ltmp30:
0x1fc: {  	_ = 	snop;
	(pc) =	sbr.rel @p1 .LBB2_54-.Ltmp30, $3  }
0x1fd: {  	_ =	sdelay $0x1  }
0x1fe: {  	[bflag:$0x0] =	sbarrier.arrive $0xFFFF  }
0x1ff: {  	_ =	sfence  }
0x200: {  	s0 =	simm.s32 $0x7  }
0x201: {  	s2 =	simm.s32 $0x1000;
	s3 =	simm.s32 $0xF218;
	[sflag:s0] =	ssyncpa.u1 $0x0  }
0x202: {  	[tilespmem:s3], [sflag:$0x7] =	stream.linear.gather [spmem:s2], $0x20, $0x38;
	[tilespmem:$0x1F6F8] =	vst v63  }
0x203: {  	s30 =	simm.s32 $0xF238;
	s2 =	simm.s32 $0x0  }
0x204: {  	[tilespmem:s30], [sflag:$0x7] =	stream.linear.gather [spmem:s2], $0x1000, $0x38;
	[tilespmem:$0x1F6F8] =	vst v63  }
.Ltmp31:
0x205: {  	_ = 	snop;
	(pc) =	sbr.rel .LBB2_41-.Ltmp31, $4  }
0x206: {  	_ =	swait.ge [sflag:s0], $0x1020  }
0x207: {  	[sflag:s0] =	ssyncset.done $0x0  }
0x208: {  	s31 =	simm.s32 $0x8;
	[sflag:s0] =	ssyncadd.s32 $0xFFFFEFE0  }
0x209: {  	s3 =	simm.s32 $0x0;
	[sflag:s31] =	ssyncpa.u1 $0x0  }
.LBB2_47:
0x20a: {  	p1 =	slt.u32 s4, $0xFFF1  }
0x20b: {  	s0 =	sand.u32 @p1 $0xFFF8, s4  }
0x20c: {  	s4 =	sand.u32 @p1 $0x7, s4;
	s5 =	simm.s32 @p1 $0xF188;
	s0 =	sadd.s32 @p1 s1, s0  }
0x20d: {  	[tilespmem:s5], [sflag:$0x8] =	stream.linear.gather @p1 [hbm4b:s0+s4], $0x80, $0x38;
	[tilespmem:$0x1F6F8] =	vst v63  }
0x20e: {  	s0 =	simm.s32 @p1 $0x8  }
0x20f: {  	_ =	swait.ge @p1 [sflag:s0], $0x80  }
0x210: {  	[sflag:s0] =	ssyncset.done @p1 $0x0  }
0x211: {  	[sflag:s0] =	ssyncadd.s32 @p1 $0xFFFFFF80  }
0x212: {  	v1 =	vld @p1 [tilespmem:$0xF188];
	_ =	sdelay $0x2  }
0x213: {  	s0 =	sshll.u32 @p1 s3, $0x9  }
0x214: {  	s4 =	sshrl.u32 @p1 s0, $0x2  }
0x215: {  	[tilespmem:s4+$0xF238] =	vst.add.f32.msk @p1 $0xffff, v1  }
0x216: {  	v1 =	vld @p1 [tilespmem:$0xF198];
	_ =	sdelay $0x4  }
0x217: {  	[tilespmem:s4+$0xF248] =	vst.add.f32.msk @p1 $0xffff, v1  }
0x218: {  	v1 =	vld @p1 [tilespmem:$0xF1A8];
	_ =	sdelay $0x4  }
0x219: {  	[tilespmem:s4+$0xF258] =	vst.add.f32.msk @p1 $0xffff, v1  }
0x21a: {  	v1 =	vld @p1 [tilespmem:$0xF1B8];
	_ =	sdelay $0x4  }
0x21b: {  	[tilespmem:s4+$0xF268] =	vst.add.f32.msk @p1 $0xffff, v1  }
0x21c: {  	v1 =	vld @p1 [tilespmem:$0xF1C8];
	_ =	sdelay $0x4  }
0x21d: {  	[tilespmem:s4+$0xF278] =	vst.add.f32.msk @p1 $0xffff, v1  }
0x21e: {  	v1 =	vld @p1 [tilespmem:$0xF1D8];
	_ =	sdelay $0x4  }
0x21f: {  	[tilespmem:s4+$0xF288] =	vst.add.f32.msk @p1 $0xffff, v1  }
0x220: {  	v1 =	vld @p1 [tilespmem:$0xF1E8];
	_ =	sdelay $0x4  }
0x221: {  	[tilespmem:s4+$0xF298] =	vst.add.f32.msk @p1 $0xffff, v1  }
0x222: {  	v1 =	vld @p1 [tilespmem:$0xF1F8];
	_ =	sdelay $0x3  }
0x223: {  	s5 =	sshll.u32 @!p1 s3, $0x9  }
0x224: {  	s5 =	smov.u32 @p1 s0;
	[tilespmem:s4+$0xF2A8] =	vst.add.f32.msk @p1 $0xffff, v1  }
0x225: {  	s0 =	sshrl.u32 s5, $0x2;
	[tilespmem:s2+$0xF218] =	vst.msk $0x1, v0  }
0x226: {  	v0 =	vld [tilespmem:s0+$0xF238];
	_ =	sdelay $0x2  }
0x227: {  	s31 =	sshll.u32 s2, $0x9  }
0x228: {  	s4 =	sshra.s32 s31, $0x2  }
0x229: {  	[tilespmem:s4+$0xF238] =	vst v0  }
0x22a: {  	v0 =	vld [tilespmem:s0+$0xF248];
	_ =	sdelay $0x4  }
0x22b: {  	[tilespmem:s4+$0xF248] =	vst v0  }
0x22c: {  	v0 =	vld [tilespmem:s0+$0xF258];
	_ =	sdelay $0x4  }
0x22d: {  	[tilespmem:s4+$0xF258] =	vst v0  }
0x22e: {  	v0 =	vld [tilespmem:s0+$0xF268];
	_ =	sdelay $0x4  }
0x22f: {  	[tilespmem:s4+$0xF268] =	vst v0  }
0x230: {  	v0 =	vld [tilespmem:s0+$0xF278];
	_ =	sdelay $0x4  }
0x231: {  	[tilespmem:s4+$0xF278] =	vst v0  }
0x232: {  	v0 =	vld [tilespmem:s0+$0xF288];
	_ =	sdelay $0x4  }
0x233: {  	[tilespmem:s4+$0xF288] =	vst v0  }
0x234: {  	v0 =	vld [tilespmem:s0+$0xF298];
	_ =	sdelay $0x4  }
0x235: {  	[tilespmem:s4+$0xF298] =	vst v0  }
0x236: {  	v0 =	vld [tilespmem:s0+$0xF2A8];
	_ =	sdelay $0x4  }
0x237: {  	s2 =	sadd.s32 $0x1, s2;
	[tilespmem:s4+$0xF2A8] =	vst v0  }
.LBB2_48:
0x238: {  	s3 =	sadd.s32 $0x1, s3  }
0x239: {  	p1 =	sne.s32 s3, $0x20  }
.Ltmp32:
0x23a: {  	_ = 	snop;
	(pc) =	sbr.rel @!p1 .LBB2_49-.Ltmp32, $1  }
0x23b: {  	_ =	sdelay $0x3  }
.LBB2_41:
0x23c: {  	v0 =	vld.msk [tilespmem:s3+$0xF218], $0x1;
	_ =	sdelay $0x4  }
0x23d: {  	(v2sf) =	vpush v0, $0x0;
	_ =	sdelay $0xe  }
0x23e: {  	s4 =	spop (v2sf)  }
0x23f: {  	p1 =	seq.s32 s4, $0xFFFFFFFF  }
.Ltmp33:
0x240: {  	_ = 	snop;
	(pc) =	sbr.rel @p1 .LBB2_48-.Ltmp33, $1  }
0x241: {  	_ =	sdelay $0x3  }
0x242: {  	p1 =	slt.s32 s2, $0x1  }
.Ltmp34:
0x243: {  	_ = 	snop;
	(pc) =	sbr.rel @p1 .LBB2_47-.Ltmp34, $1  }
0x244: {  	_ =	sdelay $0x3  }
0x245: {  	s5 =	simm.s32 $0xF218;
	p1 =	por $0x0, $0x0  }
0x246: {  	v1 =	vld.msk @!p1 [tilespmem:s5+$0x0], $0x1;
	_ =	sdelay $0x4  }
0x247: {  	(v2sf) =	vpush @!p1 v1, $0x0;
	_ =	sdelay $0xd  }
0x248: {  	p3 =	sne.s32 s2, $0x1  }
.Ltmp35:
0x249: {  	s0 =	spop @!p1 (v2sf);
	(pc) =	sbr.rel @!p3 .LBB2_45-.Ltmp35, $4  }
0x24a: {  	p2 =	seq.s32 @!p1 s4, s0  }
0x24b: {  	s6 =	simm.s32 $0x0;
	p2 =	por !p2, p1  }
0x24c: {  	s7 =	simm.s32 $0xFFFFFFFF;
	s6 =	simm.s32 @p2 $0xFFFFFFFF  }
0x24d: {  	s0 =	simm.s32 $0x1;
	s6 =	smov.u32 @p1 s7  }
.LBB2_44:
0x24e: {  	s7 =	smov.u32 s6;
	p1 =	sne.s32 s6, $0xFFFFFFFF  }
0x24f: {  	s5 =	sadd.s32 $0x1, s5;
	s6 =	smov.u32 s0;
	s0 =	sadd.s32 $0x1, s0  }
0x250: {  	p2 =	sne.s32 s2, s0;
	v1 =	vld.msk @!p1 [tilespmem:s5+$0x0], $0x1;
	_ =	sdelay $0x4  }
0x251: {  	(v2sf) =	vpush @!p1 v1, $0x0;
	_ =	sdelay $0xe  }
.Ltmp36:
0x252: {  	s8 =	spop @!p1 (v2sf);
	(pc) =	sbr.rel @p2 .LBB2_44-.Ltmp36, $4  }
0x253: {  	p3 =	seq.s32 @!p1 s4, s8  }
0x254: {  	p3 =	por !p3, p1  }
0x255: {  	s6 =	simm.s32 @p3 $0xFFFFFFFF  }
0x256: {  	s6 =	smov.u32 @p1 s7  }
.LBB2_45:
0x257: {  	p1 =	seq.s32 s6, $0xFFFFFFFF  }
.Ltmp37:
0x258: {  	_ = 	snop;
	(pc) =	sbr.rel @p1 .LBB2_47-.Ltmp37, $1  }
0x259: {  	_ =	sdelay $0x3  }
0x25a: {  	s0 =	sshll.u32 s3, $0x7  }
0x25b: {  	s0 =	sand.u32 $0x3FFFFF80, s0  }
0x25c: {  	v0 =	vld [tilespmem:s0+$0xF238];
	_ =	sdelay $0x2  }
0x25d: {  	s4 =	sshll.u32 s6, $0x9  }
0x25e: {  	s4 =	sshra.s32 s4, $0x2  }
0x25f: {  	[tilespmem:s4+$0xF238] =	vst.add.f32.msk $0xffff, v0  }
0x260: {  	v0 =	vld [tilespmem:s0+$0xF248];
	_ =	sdelay $0x4  }
0x261: {  	[tilespmem:s4+$0xF248] =	vst.add.f32.msk $0xffff, v0  }
0x262: {  	v0 =	vld [tilespmem:s0+$0xF258];
	_ =	sdelay $0x4  }
0x263: {  	[tilespmem:s4+$0xF258] =	vst.add.f32.msk $0xffff, v0  }
0x264: {  	v0 =	vld [tilespmem:s0+$0xF268];
	_ =	sdelay $0x4  }
0x265: {  	[tilespmem:s4+$0xF268] =	vst.add.f32.msk $0xffff, v0  }
0x266: {  	v0 =	vld [tilespmem:s0+$0xF278];
	_ =	sdelay $0x4  }
0x267: {  	[tilespmem:s4+$0xF278] =	vst.add.f32.msk $0xffff, v0  }
0x268: {  	v0 =	vld [tilespmem:s0+$0xF288];
	_ =	sdelay $0x4  }
0x269: {  	[tilespmem:s4+$0xF288] =	vst.add.f32.msk $0xffff, v0  }
0x26a: {  	v0 =	vld [tilespmem:s0+$0xF298];
	_ =	sdelay $0x4  }
0x26b: {  	[tilespmem:s4+$0xF298] =	vst.add.f32.msk $0xffff, v0  }
0x26c: {  	v0 =	vld [tilespmem:s0+$0xF2A8]  }
.Ltmp38:
0x26d: {  	_ = 	snop;
	(pc) =	sbr.rel .LBB2_48-.Ltmp38, $2  }
0x26e: {  	_ =	sdelay $0x2  }
0x26f: {  	[tilespmem:s4+$0xF2A8] =	vst.add.f32.msk $0xffff, v0  }
.LBB2_49:
0x270: {  	p1 =	slt.s32 s2, $0x1  }
.Ltmp39:
0x271: {  	_ = 	snop;
	(pc) =	sbr.rel @p1 .LBB2_53-.Ltmp39, $3  }
0x272: {  	_ =	sdelay $0x1  }
0x273: {  	s0 =	simm.s32 $0x8  }
0x274: {  	s3 =	simm.s32 $0x0;
	[sflag:s0] =	ssyncpa.u1 $0x1  }
0x275: {  	s0 =	simm.s32 $0xF218  }
0x276: {  	v0 =	vld.msk [tilespmem:s0+$0x0], $0x1;
	_ =	sdelay $0x4  }
0x277: {  	(v2sf) =	vpush v0, $0x0;
	_ =	sdelay $0xe  }
0x278: {  	s0 =	sadd.s32 $0xFFFFFFFF, s2;
	s5 =	spop (v2sf)  }
0x279: {  	p2 =	sne.s32 s0, $0x0;
	p1 =	sgt.u32 s5, $0xFFF0  }
.Ltmp40:
0x27a: {  	s6 =	sand.u32 @!p1 $0xFFF8, s5;
	(pc) =	sbr.rel @!p2 .LBB2_52-.Ltmp40, $4  }
0x27b: {  	s4 =	simm.s32 $0xF238;
	s5 =	sand.u32 @!p1 $0x7, s5;
	s2 =	sadd.s32 @!p1 s1, s6  }
0x27c: {  	[hbm4b:s2+s5] =	stream.linear.scatter @!p1 [tilespmem:s4], [sflag:$0x7], $0x80, $0x38;
	[tilespmem:$0x1F6F8] =	vst v63  }
0x27d: {  	s5 =	simm.s32 $0x0  }
0x27e: {  	s2 =	simm.s32 $0xF219;
	s5 =	simm.s32 @!p1 $0x200  }
.LBB2_51:
0x27f: {  	v0 =	vld.msk [tilespmem:s2+$0x0], $0x1;
	s0 =	sadd.s32 $0xFFFFFFFF, s0;
	s3 =	sadd.s32 s3, s5  }
0x280: {  	p1 =	sne.s32 s0, $0x0;
	_ =	sdelay $0x3  }
0x281: {  	(v2sf) =	vpush v0, $0x0;
	_ =	sdelay $0xe  }
.Ltmp41:
0x282: {  	s6 =	spop (v2sf);
	(pc) =	sbr.rel @p1 .LBB2_51-.Ltmp41, $4  }
0x283: {  	s5 =	simm.s32 $0x0;
	p2 =	sgt.u32 s6, $0xFFF0  }
0x284: {  	s4 =	sadd.s32 $0x80, s4;
	s5 =	simm.s32 @!p2 $0x200;
	s7 =	sand.u32 @!p2 $0xFFF8, s6  }
0x285: {  	s2 =	sadd.s32 $0x1, s2;
	s6 =	sand.u32 @!p2 $0x7, s6;
	s7 =	sadd.s32 @!p2 s1, s7  }
0x286: {  	[hbm4b:s7+s6] =	stream.linear.scatter @!p2 [tilespmem:s4], [sflag:$0x7], $0x80, $0x38;
	[tilespmem:$0x1F6F8] =	vst v63  }
.LBB2_52:
0x287: {  	s0 =	sadd.s32 s3, s5  }
0x288: {  	s3 =	sshrl.u32 s0, $0x2  }
.LBB2_53:
0x289: {  	s0 =	simm.s32 $0x7  }
0x28a: {  	_ =	swait.ge [sflag:s0], s3  }
0x28b: {  	s1 =	ssub.s32 $0x0, s3;
	[sflag:s0] =	ssyncset.done $0x0  }
0x28c: {  	[sflag:s0] =	ssyncadd.s32 s1  }
0x28d: {  	[sflag:s0] =	ssyncpa.u1 $0x1  }
.LBB2_54:
0x28e: {  	_ =	sfence;
	s0 =	simm.s32 $0x1  }
0x28f: {  	[sflag:s0] =	ssyncpa.u1 $0x1  }
0x290: {  	_ =	strace $0x90000050  }
0x291: {  	[bflag:$0x2] =	sbarrier.arrive $0xFFFF  }
0x292: {  	s0 =	rddreg [dreg:$0x3]  }
0x293: {  	s0 =	sadd.s32 @!p0 $0x100000, s0  }
0x294: {  	[sflag:s0] =	ssyncadd.tile.s32 @!p0 $0x1;
	_ =	shalt  }
.Lfunc_end2:
_tile_overlayer_lowered:
.L_overlay_start_2:
0x295: {  	(tag) =	ssettag $0x2  }
0x296: {  	s0 =	rddreg [dreg:$0x0];
	s2 =	stileid.u32  }
0x297: {  	s1 =	rddreg [dreg:$0x1];
	p0 =	sne.s32 s2, $0x0  }
0x298: {  	s3 =	rddreg [dreg:$0x2];
	[bflag:$0x3] =	sbarrier.arrive $0xFFFF;
	s2 =	simm.s32 @!p0 $0x1C01  }
0x299: {  	[timem:s3], [sflag:s2] =	dma.local @!p0 [hbm:s0], s1  }
0x29a: {  	s0 =	simm.s32 @!p0 $0x1  }
0x29b: {  	_ =	swait.ge @!p0 [sflag:s0], s1  }
0x29c: {  	s1 =	ssub.s32 @!p0 $0x0, s1;
	[sflag:s0] =	ssyncset.done @!p0 $0x0  }
0x29d: {  	[sflag:s0] =	ssyncadd.s32 @!p0 s1  }
0x29e: {  	[bflag:$0x3] =	sbarrier.arrive $0xFFFF  }
0x29f: {  	_ =	shalt  }

// kernel: scatter_offload_async_start.3
scs
__scs_entry_jumppad:
0x0: {  	(pc) =	sbr.rel $0x88, $3  }
0x1: {  	(tag) =	ssettag $0x0;
	lr =	simm.s32 $0x1  }
0x2: {  	[smem:$0x3F98] =	sst lr;
	_ =	strace $0xD0000000  }
0x3: {  	_ = 	snop  }
0x4: {  	_ = 	snop  }
0x5: {  	_ = 	snop  }
0x6: {  	_ = 	snop  }
0x7: {  	_ = 	snop  }
__scs_overlays_trampoline_lowered:
0x8: {  	[smem:$0x3FA7] =	sst s0  }
0x9: {  	[smem:$0x3FA8] =	sst s1  }
0xa: {  	[smem:$0x3FA9] =	sst s2  }
0xb: {  	[smem:$0x3FAA] =	sst s3  }
0xc: {  	[smem:$0x3FAB] =	sst s4  }
0xd: {  	[smem:$0x3FAC] =	sst s5  }
0xe: {  	[smem:$0x3FAD] =	sst s6  }
0xf: {  	[smem:$0x3FAE] =	sst s7  }
0x10: {  	[smem:$0x3FAF] =	sst s8  }
0x11: {  	[smem:$0x3FB0] =	sst s9;
	s0 =	simm.s32 @!p0 $0x0  }
0x12: {  	s1 =	sld [smem:$0x3F96];
	s0 =	simm.s32 @p0 $0x1  }
0x13: {  	[smem:$0x3FB1] =	sst s0;
	s0 =	simm.s32 @!p1 $0x0  }
0x14: {  	s2 =	sld [smem:$0x3F95];
	s0 =	simm.s32 @p1 $0x1  }
0x15: {  	[smem:$0x3FB2] =	sst s0;
	s0 =	simm.s32 @!p2 $0x0  }
0x16: {  	s3 =	sld [smem:$0x3FDB];
	s0 =	simm.s32 @p2 $0x1  }
0x17: {  	s4 =	simm.s32 $0x1BF5;
	[smem:$0x3FB4] =	sst s0  }
0x18: {  	s0 =	sld [smem:$0x3F97];
	_ =	swait.ge [sflag:s4], $0x0  }
0x19: {  	s7 =	sld [smem:$0x3F98]  }
0x1a: {  	s8 =	sadd.s32 $0xFFFFE003, lr  }
0x1b: {  	s9 =	sadd.s32 $0xFFFFFEF7, lr;
	s5 =	simm.s32 $0xFFFFFFFF;
	p2 =	slt.u32 s8, $0xFFFFF086  }
0x1c: {  	p1 =	slt.u32 s9, $0xF7A;
	s5 =	simm.s32 @!p2 $0x0  }
0x1d: {  	s5 =	simm.s32 @p1 $0x1;
	p0 =	seq.s32 s7, s2  }
0x1e: {  	s7 =	smul.u32 @!p0 $0xF7A, s2;
	p2 =	seq.s32 @!p0 s5, $0x0  }
0x1f: {  	s9 =	smul.u32 $0xF7A, s1;
	s8 =	simm.s32 @!p0 $0x1BF5;
	p2 =	por !p2, p0  }
0x20: {  	[sflag:s8] =	ssyncset.s32 @!p0 $0xFFFFF086;
	s6 =	sadd.s32 @!p0 s3, s7;
	s7 =	simm.s32 @!p0 $0x108  }
0x21: {  	s3 =	sadd.s32 s3, s9;
	s6 =	sadd.s32 @!p0 $0x88, s6;
	s7 =	simm.s32 @p2 $0x1082  }
0x22: {  	[simem:s7], [sflag:s8] =	dma.local @!p0 [hbm:s6], $0xF7A  }
0x23: {  	s9 =	sor.u32 $0xD0000000, s2;
	s6 =	simm.s32 $0x108;
	_ =	swait.ge @!p0 [sflag:s8], $0x0  }
0x24: {  	s3 =	sadd.s32 $0x88, s3;
	s6 =	simm.s32 @!p1 $0x1082;
	[sflag:s4] =	ssyncset.s32 $0xFFFFF086  }
0x25: {  	[simem:s6], [sflag:s4] =	dma.local [hbm:s3], $0xF7A  }
0x26: {  	[smem:$0x3F98] =	sst s1;
	(tag) =	ssettag s2;
	_ =	strace s9  }
0x27: {  	s1 =	sld [smem:$0x3FA8]  }
0x28: {  	s2 =	sld [smem:$0x3FA9]  }
0x29: {  	s4 =	sld [smem:$0x3FAB]  }
0x2a: {  	p0 =	seq.s32 s5, $0x0;
	s5 =	sld [smem:$0x3FAC]  }
0x2b: {  	s6 =	sld [smem:$0x3FAD]  }
0x2c: {  	s7 =	sld [smem:$0x3FAE]  }
0x2d: {  	s3 =	simm.s32 $0x108;
	s8 =	sld [smem:$0x3FAF]  }
0x2e: {  	s3 =	simm.s32 @!p0 $0x1082;
	s9 =	sld [smem:$0x3FB0]  }
0x2f: {  	lr =	sadd.s32 s0, s3;
	s0 =	sld [smem:$0x3FA7]  }
0x30: {  	s3 =	sld [smem:$0x3FAA]  }
0x31: {  	[smem:$0x3FB3] =	sst s10  }
0x32: {  	s10 =	sld [smem:$0x3FB1];
	_ =	sdelay $0x3  }
0x33: {  	p0 =	seq.s32 s10, $0x1;
	s10 =	sld [smem:$0x3FB3];
	_ =	sdelay $0x3  }
0x34: {  	[smem:$0x3FB3] =	sst s10  }
0x35: {  	s10 =	sld [smem:$0x3FB2];
	_ =	sdelay $0x3  }
0x36: {  	p1 =	seq.s32 s10, $0x1;
	s10 =	sld [smem:$0x3FB3];
	_ =	sdelay $0x3  }
0x37: {  	[smem:$0x3FB3] =	sst s10  }
0x38: {  	s10 =	sld [smem:$0x3FB4]  }
0x39: {  	_ = 	snop;
	(pc) =	sbr.ind lr, $3  }
0x3a: {  	_ = 	snop  }
0x3b: {  	_ = 	snop  }
0x3c: {  	p2 =	seq.s32 s10, $0x1;
	s10 =	sld [smem:$0x3FB3]  }
0x3d: {  	_ =	shalt  }
0x3e: {  	_ =	shalt  }
0x3f: {  	_ =	shalt  }
0x40: {  	_ =	shalt  }
0x41: {  	_ =	shalt  }
0x42: {  	_ =	shalt  }
0x43: {  	_ =	shalt  }
0x44: {  	_ =	shalt  }
0x45: {  	_ =	shalt  }
0x46: {  	_ =	shalt  }
0x47: {  	_ =	shalt  }
0x48: {  	_ =	shalt  }
0x49: {  	_ =	shalt  }
0x4a: {  	_ =	shalt  }
0x4b: {  	_ =	shalt  }
0x4c: {  	_ =	shalt  }
0x4d: {  	_ =	shalt  }
0x4e: {  	_ =	shalt  }
0x4f: {  	_ =	shalt  }
0x50: {  	_ =	shalt  }
0x51: {  	_ =	shalt  }
0x52: {  	_ =	shalt  }
0x53: {  	_ =	shalt  }
0x54: {  	_ =	shalt  }
0x55: {  	_ =	shalt  }
0x56: {  	_ =	shalt  }
0x57: {  	_ =	shalt  }
0x58: {  	_ =	shalt  }
0x59: {  	_ =	shalt  }
0x5a: {  	_ =	shalt  }
0x5b: {  	_ =	shalt  }
0x5c: {  	_ =	shalt  }
0x5d: {  	_ =	shalt  }
0x5e: {  	_ =	shalt  }
0x5f: {  	_ =	shalt  }
0x60: {  	_ =	shalt  }
0x61: {  	_ =	shalt  }
0x62: {  	_ =	shalt  }
0x63: {  	_ =	shalt  }
0x64: {  	_ =	shalt  }
0x65: {  	_ =	shalt  }
0x66: {  	_ =	shalt  }
0x67: {  	_ =	shalt  }
0x68: {  	_ =	shalt  }
0x69: {  	_ =	shalt  }
0x6a: {  	_ =	shalt  }
0x6b: {  	_ =	shalt  }
0x6c: {  	_ =	shalt  }
0x6d: {  	_ =	shalt  }
0x6e: {  	_ =	shalt  }
0x6f: {  	_ =	shalt  }
0x70: {  	_ =	shalt  }
0x71: {  	_ =	shalt  }
0x72: {  	_ =	shalt  }
0x73: {  	_ =	shalt  }
0x74: {  	_ =	shalt  }
0x75: {  	_ =	shalt  }
0x76: {  	_ =	shalt  }
0x77: {  	_ =	shalt  }
0x78: {  	_ =	shalt  }
0x79: {  	_ =	shalt  }
0x7a: {  	_ =	shalt  }
0x7b: {  	_ =	shalt  }
0x7c: {  	_ =	shalt  }
0x7d: {  	_ =	shalt  }
0x7e: {  	_ =	shalt  }
0x7f: {  	_ =	shalt  }
0x80: {  	_ =	shalt  }
0x81: {  	_ =	shalt  }
0x82: {  	_ =	shalt  }
0x83: {  	_ =	shalt  }
0x84: {  	_ =	shalt  }
0x85: {  	_ =	shalt  }
0x86: {  	_ =	shalt  }
0x87: {  	_ =	shalt  }
.Lfunc_end0:
.L_simem_size_0:
called_computation.3_lowered:
.L_overlay_start_0:
0x88: {  	s2 =	sld [smem:$0x3FD9]  }
0x89: {  	s3 =	sld [smem:$0x3FFE];
	_ =	sdelay $0x1  }
0x8a: {  	s1 =	srdreg.scid  }
0x8b: {  	s0 =	sand.u32 $0x1, s1  }
0x8c: {  	s17 =	sshll.u32 s0, $0xA;
	s2 =	sadd.s32 s3, s2  }
0x8d: {  	s2 =	sadd.s32 s2, s17  }
0x8e: {  	[smem:$0x3FBF] =	sst s2  }
0x8f: {  	_ = 	snop  }
0x90: {  	(tm) =	ssettm $0x1  }
0x91: {  	s18 =	sld [smem:$0x3FFB];
	_ =	sdelay $0x3  }
0x92: {  	_ =	strace s18  }
0x93: {  	s2 =	sld [smem:$0x3FFC];
	_ =	sdelay $0x3  }
0x94: {  	_ =	strace s2  }
0x95: {  	s2 =	sld [smem:$0x3FFD];
	_ =	sdelay $0x3  }
0x96: {  	_ =	strace s2  }
0x97: {  	_ =	strace $0x8FFFFFFF  }
0x98: {  	s19 =	sld [smem:$0x3FDB];
	_ =	sdelay $0x1  }
0x99: {  	s20 =	simm.s32 $_scs_section_size  }
0x9a: {  	s4 =	simm.s32 $_size__tile_overlayer_lowered;
	s5 =	simm.s32 $_tile_overlayer_lowered  }
0x9b: {  	s6 =	simm.s32 $0x1BFF;
	s21 =	sshll.u32 s5, $0x1;
	s3 =	sadd.s32 s20, s19  }
0x9c: {  	s22 =	simm.s32 $0x0;
	s4 =	sshll.u32 s4, $0x1;
	s5 =	sadd.s32 s21, s3  }
0x9d: {  	[timem:s22], [sflag:s6] =	dma.local [hbm:s5], s4  }
0x9e: {  	_ =	swait.ge [sflag:s6], s4  }
0x9f: {  	s4 =	ssub.s32 $0x0, s4;
	[sflag:s6] =	ssyncset.done $0x0  }
0xa0: {  	[sflag:s6] =	ssyncadd.s32 s4;
	_ =	sdelay $0x1  }
0xa1: {  	s23 =	simm.s32 $0x1B8B  }
0xa2: {  	_ =	swait.ge [sflag:s23], $0x1  }
0xa3: {  	[sflag:s23] =	ssyncset.done $0x0  }
0xa4: {  	[sflag:s23] =	ssyncadd.s32 $0xFFFFFFFF  }
0xa5: {  	s4 =	sld [smem:$0x0]  }
0xa6: {  	s5 =	sand.u32 $0xFFFFFFFE, s1  }
0xa7: {  	p0 =	sne.s32 s1, s5  }
0xa8: {  	s5 =	sshll.u32 @p0 s5, $0xE  }
0xa9: {  	s5 =	sadd.s32 @p0 $0x11B8D, s5;
	s6 =	sshll.u32 @p0 s4, $0x11  }
0xaa: {  	s5 =	sor.u32 @p0 s6, s5  }
0xab: {  	[sflag:s5] =	ssyncadd.remote.s32 @p0 $0x1;
	_ =	sdelay $0x1  }
0xac: {  	s5 =	simm.s32 @p0 $0x1B8D  }
0xad: {  	_ =	swait.eq @p0 [sflag:s5], $0x1  }
0xae: {  	[sflag:s5] =	ssyncadd.s32 @p0 $0xFFFFFFFF  }
0xaf: {  	s6 =	sshll.u32 @!p0 s1, $0xE  }
0xb0: {  	s6 =	sor.u32 @!p0 $0x4000, s6;
	s5 =	simm.s32 @!p0 $0x1B8D  }
0xb1: {  	s7 =	sshll.u32 @!p0 s4, $0x11;
	s6 =	sadd.s32 @!p0 $0x11B8D, s6;
	_ =	swait.eq @!p0 [sflag:s5], $0x1  }
0xb2: {  	[sflag:s5] =	ssyncadd.s32 @!p0 $0xFFFFFFFF;
	s5 =	sor.u32 @!p0 s7, s6  }
0xb3: {  	s25 =	simm.s32 $0x1B8E;
	s24 =	sld [smem:$0x3FFE];
	[sflag:s5] =	ssyncadd.remote.s32 @!p0 $0x1  }
0xb4: {  	s26 =	simm.s32 $execute0_lowered;
	[smem:$0x3FD2] =	sst s25  }
0xb5: {  	s6 =	sshll.u32 s26, $0x1;
	_ =	strace $0x80000055;
	[dreg:$0x1] =	wrdreg $0xFFFFFFFF  }
0xb6: {  	s28 =	simm.s32 $_size_execute0_lowered;
	s3 =	sadd.s32 s3, s6;
	[dreg:$0x0] =	wrdreg $0x0  }
0xb7: {  	s6 =	sshll.u32 s28, $0x1;
	[dreg:$0x2] =	wrdreg s3  }
0xb8: {  	[dreg:$0x3] =	wrdreg s6  }
0xb9: {  	[dreg:$0x4] =	wrdreg $0xC0  }
0xba: {  	_ =	task [dreg:s22], $0x5FFFF  }
0xbb: {  	[dreg:$0x1] =	wrdreg $0xFFFFFFFF  }
0xbc: {  	[dreg:$0x0] =	wrdreg $0x60  }
0xbd: {  	[dreg:$0x2] =	wrdreg s24  }
0xbe: {  	[dreg:$0x3] =	wrdreg s1  }
0xbf: {  	[dreg:$0x4] =	wrdreg s4  }
0xc0: {  	[dreg:$0x5] =	wrdreg $0x9  }
0xc1: {  	_ =	task.clear_ibuf [dreg:s22], $0x6FFFF;
	_ =	strace $0x90000055  }
0xc2: {  	s29 =	simm.s32 $0x9;
	_ =	strace $0x80000057  }
0xc3: {  	_ =	swait.ge [sflag:s29], $0x1  }
0xc4: {  	[sflag:s29] =	ssyncadd.s32 $0xFFFFFFFF  }
0xc5: {  	_ =	strace $0x90000057  }
0xc6: {  	_ =	sfence  }
0xc7: {  	s30 =	sld [smem:$0x0];
	_ =	sdelay $0x2  }
0xc8: {  	s31 =	sshll.u32 s1, $0xD;
	s1 =	sshrl.u32 s1, $0x2  }
0xc9: {  	s4 =	sand.u32 $0x4000, s31;
	s1 =	sadd.s32 s1, s30  }
0xca: {  	s0 =	sor.u32 s4, s0;
	s1 =	sshll.u32 s1, $0x11  }
0xcb: {  	s0 =	sor.u32 s1, s0  }
0xcc: {  	s0 =	sadd.s32 $0x8F2B, s0  }
0xcd: {  	[sflag:s0] =	ssyncadd.remote.s32 $0x1  }
0xce: {  	_ =	sfence.sel $0xFFFF  }
0xcf: {  	[dreg:$0x0] =	wrdreg $0xFFFFFFFF;
	(pc) =	sbr.abs _section_cstart, $3  }
0xd0: {  	[dreg:$0x1] =	wrdreg $0xFFFFFFFF  }
0xd1: {  	_ =	task.clear_ibuf [dreg:s22], $0x2FFFF;
	_ =	strace $0x9FFFFFFF  }
0xd2: {  	(tm) =	ssettm $0x7FFFFFFF  }
0xd3: {  	_ =	shalt  }
tec
execute0_lowered:
.L_overlay_start_1:
0x0: {  	(tag) =	ssettag $0x1  }
0x1: {  	s2 =	rddreg [dreg:$0x0]  }
0x2: {  	s3 =	rddreg [dreg:$0x1];
	_ =	strace $0x80000056;
	s0 =	simm.s32 $0x1  }
0x3: {  	s4 =	simm.s32 $0x88;
	v0 =	vimm.s32 $0x0;
	[sflag:s0] =	ssyncpa.u1 $0x0  }
0x4: {  	s1 =	sadd.s32 $0x49AC00, s2;
	s0 =	sadd.s32 $0x12400, s2;
	[tilespmem:s4+$0x30] =	vst v0  }
0x5: {  	s6 =	sadd.s32 $0x9AC00, s2;
	s3 =	sand.u32 $0x1, s3;
	s14 =	sadd.s32 $0x16400, s2;
	[tilespmem:s4+$0x20] =	vst v0  }
0x6: {  	s2 =	simm.s32 $0x40;
	[dreg:$0x4] =	wrdreg s3;
	s15 =	sshll.u32 s3, $0xD;
	[tilespmem:s4+$0x10] =	vst v0  }
.LBB2_1:
0x7: {  	s2 =	sadd.s32 $0x40, s2  }
0x8: {  	[tilespmem:s4+$0x0] =	vst v0;
	s4 =	sadd.s32 $0x40, s4;
	p0 =	slt.u32 s2, $0x5040  }
.Ltmp0:
0x9: {  	(pc) =	sbr.rel @p0 .LBB2_1-.Ltmp0, $4  }
0xa: {  	_ = 	snop  }
0xb: {  	[tilespmem:s4+$0x30] =	vst v0  }
0xc: {  	[tilespmem:s4+$0x20] =	vst v0  }
0xd: {  	[tilespmem:s4+$0x10] =	vst v0  }
0xe: {  	s9 =	stileid.u32  }
0xf: {  	s2 =	smul.u32 $0xC, s9  }
0x10: {  	s3 =	smin.u32 s9, $0xD  }
0x11: {  	s2 =	sadd.s32 s3, s2  }
0x12: {  	p0 =	slt.u32 s9, $0xD;
	s7 =	smul.u32 $0x140, s2;
	s2 =	simm.s32 $0x1040  }
0x13: {  	s2 =	simm.s32 @!p0 $0xF00  }
0x14: {  	s2 =	sadd.s32 s2, s7  }
0x15: {  	s8 =	smin.u32 s2, $0x10000  }
0x16: {  	s2 =	ssub.s32 s8, s7  }
0x17: {  	p0 =	sgt.s32 s2, $0x0  }
0x18: {  	s28 =	simm.s32 $0x2;
	s30 =	simm.s32 $0x9;
	s2 =	simm.s32 @!p0 $0x0  }
0x19: {  	s31 =	simm.s32 $0xA;
	s11 =	simm.s32 $0xB;
	s29 =	smulhi.u32 $0x66666667, s2  }
0x1a: {  	s12 =	simm.s32 $0x1;
	s14 =	sadd.s32 s15, s14;
	s15 =	sadd.s32 s15, s0  }
0x1b: {  	s18 =	simm.s32 $0x0;
	p1 =	por $0x0, $0x0;
	s3 =	sshrl.u32 s29, $0x7  }
0x1c: {  	s19 =	simm.s32 $0xC;
	s23 =	simm.s32 $0x0;
	s5 =	smul.u32 $0x140, s3  }
.Ltmp1:
0x1d: {  	[tilespmem:s4+$0x0] =	vst v0;
	v0 =	vimm.s32 $0xFFFFFFFF;
	s20 =	simm.s32 $0x0;
	[sflag:s28] =	ssyncpa.u1 $0x0;
	(pc) =	sbr.rel .LBB2_3-.Ltmp1, $4  }
0x1e: {  	[tilespmem:$0xA108] =	vst v0;
	[sflag:s30] =	ssyncpa.u1 $0x0;
	p0 =	sne.s32 s2, s5;
	s2 =	simm.s32 $0x1  }
0x1f: {  	s22 =	simm.s32 $0x0;
	[sflag:s31] =	ssyncpa.u1 $0x0;
	s2 =	simm.s32 @!p0 $0x0  }
0x20: {  	s16 =	sshll.u32 s9, $0x7;
	[sflag:s11] =	ssyncpa.u1 $0x0;
	s13 =	sadd.s32 s2, s3  }
0x21: {  	v0 =	vlaneseq.u32;
	s21 =	smov.u32 s7;
	p0 =	por $0x1, $0x1;
	s17 =	sadd.s32 $0x1, s13  }
.LBB2_24:
0x22: {  	s0 =	sshrl.u32 s0, $0x2  }
.LBB2_26:
0x23: {  	_ =	swait.ge [sflag:s19], s0  }
0x24: {  	s30 =	ssub.s32 $0x0, s0;
	v1 =	vmov s25;
	vm0 =	veq.s32 v0, $0x0;
	[sflag:s19] =	ssyncset.done $0x0  }
0x25: {  	vm15 =	veq.s32 v0, $0x2;
	v1 =	vsel vm0, s31, v1;
	[sflag:s19] =	ssyncadd.s32 s30  }
0x26: {  	v1 =	vsel vm15, s23, v1;
	[sflag:s19] =	ssyncpa.u1 $0x1  }
0x27: {  	[tilespmem:$0xA108] =	vst v1  }
.LBB2_27:
0x28: {  	s0 =	sadd.s32 $0x140, s21  }
0x29: {  	s2 =	smov.u32 s7;
	p2 =	slt.s32 s0, s8  }
0x2a: {  	s2 =	smov.u32 @p2 s0;
	p2 =	sne.s32 s22, s17  }
.Ltmp2:
0x2b: {  	_ = 	snop;
	(pc) =	sbr.rel @!p2 .LBB2_28-.Ltmp2, $4  }
0x2c: {  	_ = 	snop  }
0x2d: {  	s23 =	smov.u32 s20  }
0x2e: {  	s31 =	sadd.s32 $0x1, s22;
	s20 =	smov.u32 s21;
	p0 =	por !p0, !p0  }
0x2f: {  	p1 =	por !p1, !p1;
	s22 =	smov.u32 s31;
	s21 =	smov.u32 s2  }
.LBB2_3:
0x30: {  	p2 =	sge.u32 s22, s13  }
0x31: {  	s0 =	smulhi.u32 @!p2 $0xAAAAAAAB, s22  }
0x32: {  	s2 =	smov.u32 s21;
	p3 =	sgt.s32 @!p2 s21, $0xFEC0  }
0x33: {  	s3 =	sshra.s32 @!p2 s21, $0x1F;
	p3 =	por !p3, p2;
	s0 =	sshrl.u32 @!p2 s0, $0x1  }
0x34: {  	s3 =	sand.u32 @!p2 s3, s21;
	s2 =	simm.s32 @p3 $0xFEC0;
	s0 =	smul.u32 @!p2 $0x3, s0  }
0x35: {  	s2 =	ssub.s32 @!p2 s2, s3  }
0x36: {  	s2 =	sadd.s32 @!p2 $0xFFFF0140, s2;
	s0 =	ssub.s32 @!p2 s22, s0  }
0x37: {  	s3 =	sshll.u32 @!p2 s2, $0x2;
	p3 =	sgt.s32 @!p2 s2, $0x13F;
	s0 =	smul.u32 @!p2 $0x500, s0  }
0x38: {  	s4 =	sand.u32 @!p2 $0x7, s21;
	s2 =	ssub.s32 @!p2 $0x500, s3;
	p3 =	por !p3, p2  }
0x39: {  	s3 =	sshrl.u32 @!p2 s21, $0x3;
	s2 =	sshrl.u32 @!p2 s2, $0x2;
	s0 =	sshrl.u32 @!p2 s0, $0x2  }
0x3a: {  	s3 =	sadd.s32 @!p2 s3, s14;
	s2 =	simm.s32 @!p3 $0x0;
	s0 =	sadd.s32 @!p2 $0xA948, s0  }
0x3b: {  	[tilespmem:s0], [sflag:$0xA] =	stream.linear.gather @!p2 [hbm4b:s3+s4], s2, $0x38;
	[tilespmem:$0x1EF88] =	vst v63  }
0x3c: {  	s4 =	sadd.s32 $0xFFFFFFFF, s22  }
0x3d: {  	p2 =	sge.u32 s4, s13  }
0x3e: {  	p3 =	sgt.s32 @!p2 s20, $0xFEC0  }
0x3f: {  	s0 =	smov.u32 s20;
	s2 =	sshra.s32 @!p2 s20, $0x1F;
	p3 =	por !p3, p2  }
0x40: {  	s2 =	sand.u32 @!p2 s2, s20;
	s0 =	simm.s32 @p3 $0xFEC0  }
0x41: {  	s0 =	ssub.s32 @!p2 s0, s2  }
0x42: {  	s0 =	sadd.s32 @!p2 $0xFFFF0140, s0  }
0x43: {  	s2 =	sshll.u32 @!p2 s0, $0x2  }
0x44: {  	p3 =	sgt.s32 @!p2 s0, $0x13F;
	s0 =	ssub.s32 @!p2 $0x500, s2  }
0x45: {  	p3 =	por !p3, p2;
	s0 =	sshrl.u32 @!p2 s0, $0x2  }
0x46: {  	s3 =	simm.s32 @!p2 $0xA;
	s2 =	sand.u32 @!p2 $0x1, s4;
	s0 =	simm.s32 @!p3 $0x0  }
0x47: {  	s2 =	smul.u32 @!p2 $0x500, s2;
	_ =	swait.ge @!p2 [sflag:s3], s0  }
0x48: {  	s5 =	ssub.s32 @!p2 $0x0, s0;
	[sflag:s3] =	ssyncset.done @!p2 $0x0  }
0x49: {  	s2 =	sshrl.u32 @!p2 s2, $0x2;
	[sflag:s3] =	ssyncadd.s32 @!p2 s5;
	s3 =	sshrl.u32 @!p2 s20, $0x3  }
0x4a: {  	s2 =	sadd.s32 @!p2 $0xAD08, s2;
	s5 =	sand.u32 @!p2 $0x7, s20;
	s3 =	sadd.s32 @!p2 s3, s15  }
0x4b: {  	[tilespmem:s2], [sflag:$0xB] =	stream.linear.gather @!p2 [hbm4b:s3+s5], s0, $0x38;
	[tilespmem:$0x1EF88] =	vst v63  }
0x4c: {  	s0 =	ssub.s32 @!p2 $0x10000, s20  }
0x4d: {  	p3 =	slt.s32 @!p2 s0, $0x1  }
0x4e: {  	p3 =	por p2, p3  }
.Ltmp3:
0x4f: {  	_ = 	snop;
	(pc) =	sbr.rel @p3 .LBB2_9-.Ltmp3, $1  }
0x50: {  	_ =	sdelay $0x3  }
0x51: {  	s2 =	smulhi.u32 $0xAAAAAAAB, s4;
	_ =	sdelay $0x1  }
0x52: {  	s2 =	sshrl.u32 s2, $0x1  }
0x53: {  	s2 =	smul.u32 $0x3, s2;
	_ =	sdelay $0x1  }
0x54: {  	s2 =	ssub.s32 s4, s2  }
0x55: {  	s3 =	simm.s32 $0x1;
	s2 =	smul.u32 $0x500, s2  }
.Ltmp4:
0x56: {  	s3 =	simm.s32 @!p0 $0x0;
	(pc) =	sbr.rel .LBB2_6-.Ltmp4, $4  }
0x57: {  	s3 =	smul.u32 $0x28000, s3  }
0x58: {  	p3 =	slt.s32 @!p2 s0, $0x140;
	s2 =	sshrl.u32 s2, $0x2  }
0x59: {  	p2 =	por !p3, p2;
	s3 =	sshrl.u32 s3, $0x2;
	s2 =	sadd.s32 $0xA948, s2  }
0x5a: {  	s24 =	simm.s32 $0x0;
	s0 =	simm.s32 @p2 $0x140;
	s4 =	sadd.s32 $0xAF88, s3;
	v1 =	vmov s2  }
.LBB2_5:
0x5b: {  	p2 =	sge.s32 s24, s0  }
.Ltmp5:
0x5c: {  	_ = 	snop;
	(pc) =	sbr.rel @p2 .LBB2_9-.Ltmp5, $2  }
0x5d: {  	_ =	sdelay $0x2  }
0x5e: {  	s4 =	sadd.s32 $0x800, s4  }
.LBB2_6:
0x5f: {  	p2 =	sle.s32 s0, s24  }
.Ltmp6:
0x60: {  	_ = 	snop;
	(pc) =	sbr.rel @p2 .LBB2_5-.Ltmp6, $2  }
0x61: {  	_ =	sdelay $0x2  }
0x62: {  	s5 =	smov.u32 s24;
	s24 =	sadd.s32 $0x10, s24  }
0x63: {  	s2 =	ssub.s32 s0, s5  }
0x64: {  	p2 =	slt.s32 s2, $0x10  }
0x65: {  	s2 =	simm.s32 @!p2 $0x10  }
0x66: {  	v2 =	vmov s2  }
0x67: {  	vm0 =	vgt.s32 v2, v0;
	_ =	sdelay $0x5  }
0x68: {  	v2 =	vld.idx.msk [tilespmem:v1+s5+$0x0 ss:$0x1], vm0;
	_ =	sdelay $0x2  }
0x69: {  	p2 =	slt.s32 s24, s0;
	s2 =	smov.u32 s0  }
0x6a: {  	s3 =	smov.u32 s4;
	s25 =	simm.s32 $0x0;
	s2 =	smov.u32 @p2 s24  }
.LBB2_8:
0x6b: {  	(v2sf) =	vpush v2, s25;
	_ =	sdelay $0xc  }
0x6c: {  	s25 =	sadd.s32 $0x1, s25  }
0x6d: {  	s31 =	sadd.s32 s25, s5  }
0x6e: {  	p2 =	slt.s32 s31, s2;
	s9 =	spop (v2sf)  }
.Ltmp7:
0x6f: {  	s9 =	sshll.u32 s9, $0x4;
	(pc) =	sbr.rel @p2 .LBB2_8-.Ltmp7, $4  }
0x70: {  	s9 =	sand.u32 $0x1FFFFFF0, s9  }
0x71: {  	s9 =	sadd.s32 s6, s9  }
0x72: {  	[tilespmem:s3], [sflag:$0x9] =	stream.linear.gather [hbm4b:s9+s18], $0x40, $0x38;
	[tilespmem:$0x1EF88] =	vst v63  }
0x73: {  	s3 =	sadd.s32 $0x80, s3  }
.Ltmp8:
0x74: {  	_ = 	snop;
	(pc) =	sbr.rel .LBB2_5-.Ltmp8, $1  }
0x75: {  	_ =	sdelay $0x3  }
.LBB2_9:
0x76: {  	p2 =	slt.u32 s22, $0x2  }
.Ltmp9:
0x77: {  	_ = 	snop;
	(pc) =	sbr.rel @p2 .LBB2_27-.Ltmp9, $1  }
0x78: {  	_ =	sdelay $0x3  }
0x79: {  	p2 =	sgt.s32 s23, $0xFEC0  }
0x7a: {  	s0 =	smov.u32 s23;
	s2 =	sshra.s32 s23, $0x1F;
	s3 =	ssub.s32 $0x10000, s23  }
0x7b: {  	s0 =	simm.s32 @!p2 $0xFEC0;
	s2 =	sand.u32 s2, s23;
	p2 =	slt.s32 s3, $0x140  }
0x7c: {  	s0 =	ssub.s32 s0, s2;
	s3 =	simm.s32 @!p2 $0x140  }
0x7d: {  	s0 =	sadd.s32 $0xFFFF0140, s0;
	s10 =	sshll.u32 s3, $0x6  }
0x7e: {  	s26 =	simm.s32 $0x9;
	s24 =	sshll.u32 s0, $0x2;
	s2 =	sand.u32 $0x3FFFFFC0, s10  }
0x7f: {  	p2 =	sgt.s32 s0, $0x13F;
	s25 =	ssub.s32 $0x500, s24;
	_ =	swait.ge [sflag:s26], s2  }
0x80: {  	s2 =	ssub.s32 $0x0, s2;
	[sflag:s26] =	ssyncset.done $0x0;
	s0 =	sshrl.u32 s25, $0x2  }
0x81: {  	[sflag:s26] =	ssyncadd.s32 s2;
	s0 =	simm.s32 @p2 $0x0  }
0x82: {  	_ =	swait.ge [sflag:s11], s0  }
0x83: {  	s0 =	ssub.s32 $0x0, s0;
	[sflag:s11] =	ssyncset.done $0x0  }
0x84: {  	[sflag:s11] =	ssyncadd.s32 s0  }
0x85: {  	v1 =	vld [tilespmem:$0xA108];
	_ =	sdelay $0x4  }
0x86: {  	(v2sf) =	vpush v1, $0x0  }
0x87: {  	(v2sf) =	vpush v1, $0x1  }
0x88: {  	(v2sf) =	vpush v1, $0x2;
	_ =	sdelay $0x3  }
0x89: {  	s0 =	sadd.s32 $0x140, s23  }
0x8a: {  	s2 =	ssub.s32 $0x20000, s23;
	p2 =	slt.s32 s8, s0  }
0x8b: {  	s0 =	smov.u32 @p2 s8;
	p2 =	sgt.s32 s2, $0x0  }
0x8c: {  	s0 =	ssub.s32 s0, s23;
	s2 =	simm.s32 @!p2 $0x0  }
0x8d: {  	p2 =	slt.s32 s2, s0  }
0x8e: {  	s0 =	smov.u32 @p2 s2  }
0x8f: {  	s26 =	simm.s32 $0x1;
	p2 =	slt.s32 s0, $0x1  }
.Ltmp10:
0x90: {  	s26 =	simm.s32 @!p1 $0x0;
	(pc) =	sbr.rel @p2 .LBB2_14-.Ltmp10, $4  }
0x91: {  	s30 =	smul.u32 $0x500, s26  }
0x92: {  	s28 =	spop (v2sf)  }
0x93: {  	s31 =	sshrl.u32 s30, $0x2;
	s29 =	spop (v2sf)  }
0x94: {  	s24 =	sadd.s32 $0xAD08, s31;
	s23 =	spop (v2sf)  }
0x95: {  	s2 =	smin.u32 s0, $0x10  }
0x96: {  	v1 =	vmov s2  }
0x97: {  	p3 =	sgt.s32 s0, $0x10;
	vm1 =	vgt.u32 v1, v0  }
.Ltmp11:
0x98: {  	_ = 	snop;
	(pc) =	sbr.rel @!p3 .LBB2_13-.Ltmp11, $2  }
0x99: {  	_ =	sdelay $0x2  }
0x9a: {  	s5 =	simm.s32 $0x10;
	s25 =	sadd.s32 $0xFFFFFFF0, s0;
	s4 =	smov.u32 s24;
	vm0 =	vmmov vm1  }
.LBB2_12:
0x9b: {  	s2 =	smin.u32 s25, $0x10;
	s5 =	sadd.s32 $0x10, s5;
	v1 =	vld.msk [tilespmem:s4+$0x0 ss:$0x1], vm1  }
0x9c: {  	v2 =	vmov s2;
	p3 =	slt.s32 s5, s0  }
0x9d: {  	vm1 =	vgt.u32 v2, v0  }
.Ltmp12:
0x9e: {  	(pc) =	sbr.rel @p3 .LBB2_12-.Ltmp12, $3  }
0x9f: {  	_ =	sdelay $0x1  }
0xa0: {  	v1 =	vshll.u32 v1, $0x4  }
0xa1: {  	s25 =	sadd.s32 $0xFFFFFFF0, s25;
	[tilespmem:s4+$0x0] =	vst.msk vm0, v1;
	s4 =	sadd.s32 $0x10, s4;
	vm0 =	vmmov vm1  }
.LBB2_13:
0xa2: {  	_ =	sdelay $0x4  }
0xa3: {  	v1 =	vld.msk [tilespmem:s4+$0x0 ss:$0x1], vm1;
	_ =	sdelay $0x4  }
0xa4: {  	v1 =	vshll.u32 v1, $0x4  }
0xa5: {  	[tilespmem:s4+$0x0] =	vst.msk vm0, v1  }
.LBB2_14:
0xa6: {  	s2 =	sand.u32 $0x1, s22  }
0xa7: {  	s2 =	smul.u32 $0x140, s2  }
0xa8: {  	p3 =	sne.s32 s29, $0xFFFFFFFF  }
0xa9: {  	v1 =	vld.msk @!p3 [tilespmem:s2+$0xAD08], $0x1;
	_ =	sdelay $0x4  }
0xaa: {  	(v2sf) =	vpush @!p3 v1, $0x0;
	_ =	sdelay $0xc  }
.Ltmp13:
0xab: {  	_ = 	snop;
	(pc) =	sbr.rel @p2 .LBB2_25-.Ltmp13, $4  }
0xac: {  	_ = 	snop  }
0xad: {  	s30 =	spop @!p3 (v2sf)  }
0xae: {  	s23 =	simm.s32 @!p3 $0x0;
	s25 =	smov.u32 s30  }
0xaf: {  	[sflag:s19] =	ssyncpa.u1 $0x0;
	s30 =	smov.u32 @p3 s28;
	s25 =	smov.u32 @p3 s29  }
0xb0: {  	v1 =	vld.msk [tilespmem:s24+$0x0], $0x1;
	_ =	sdelay $0x4  }
0xb1: {  	(v2sf) =	vpush v1, $0x0;
	_ =	sdelay $0xe  }
0xb2: {  	s2 =	smul.u32 $0x28000, s26;
	s4 =	spop (v2sf)  }
0xb3: {  	s28 =	ssub.s32 $0x0, s0;
	p2 =	seq.s32 s30, s4  }
0xb4: {  	s0 =	sadd.s32 $0x1, s28;
	s2 =	sshrl.u32 s2, $0x2;
	p3 =	sgt.s32 @!p2 s30, $0x0  }
0xb5: {  	s26 =	sadd.s32 $0xAFA8, s2;
	s2 =	smov.u32 s30;
	p3 =	por !p3, p2  }
0xb6: {  	s2 =	simm.s32 @p3 $0x0;
	p3 =	seq.s32 s0, $0x0  }
.Ltmp14:
0xb7: {  	_ = 	snop;
	(pc) =	sbr.rel @p3 .LBB2_17-.Ltmp14, $4  }
0xb8: {  	_ = 	snop  }
0xb9: {  	s29 =	simm.s32 $0x0;
	s5 =	simm.s32 @!p2 $0x1;
	s3 =	smin.u32 @!p2 s2, $0xFFF8  }
0xba: {  	s31 =	sadd.s32 $0x1, s24;
	s5 =	smov.u32 @p2 s29;
	s9 =	sand.u32 @!p2 $0xFFF8, s3  }
0xbb: {  	s2 =	simm.s32 @!p2 $0x50C8;
	s3 =	sand.u32 @!p2 $0x7, s3;
	s9 =	sadd.s32 @!p2 s1, s9  }
.LBB2_16:
0xbc: {  	s10 =	smov.u32 s5  }
0xbd: {  	[tilespmem:s2], [sflag:$0x2] =	stream.linear.gather @!p2 [hbm4b:s9+s3], $0x40, $0x38;
	[tilespmem:$0x1EF88] =	vst v63  }
0xbe: {  	s0 =	sadd.s32 $0x1, s0;
	s3 =	smov.u32 s4;
	v1 =	vld.msk [tilespmem:s31+$0x0], $0x1  }
0xbf: {  	p3 =	seq.s32 s0, $0x0;
	_ =	sdelay $0x3  }
0xc0: {  	(v2sf) =	vpush v1, $0x0;
	_ =	sdelay $0xe  }
0xc1: {  	s4 =	spop (v2sf)  }
0xc2: {  	p2 =	seq.s32 s3, s4  }
0xc3: {  	p4 =	sgt.s32 @!p2 s3, $0x0;
	s2 =	sshll.u32 @!p2 s5, $0x8;
	s5 =	sadd.s32 @!p2 $0x1, s5  }
.Ltmp15:
0xc4: {  	p4 =	por !p4, p2;
	s2 =	sshra.s32 @!p2 s2, $0x2;
	(pc) =	sbr.rel @!p3 .LBB2_16-.Ltmp15, $4  }
0xc5: {  	s5 =	smov.u32 @p2 s10;
	s3 =	simm.s32 @p4 $0x0;
	s2 =	sadd.s32 @!p2 $0x50C8, s2  }
0xc6: {  	s3 =	smin.u32 @!p2 s3, $0xFFF8  }
0xc7: {  	s9 =	sand.u32 @!p2 $0xFFF8, s3;
	s3 =	sand.u32 @!p2 $0x7, s3  }
0xc8: {  	s31 =	sadd.s32 $0x1, s31;
	s9 =	sadd.s32 @!p2 s1, s9  }
.LBB2_17:
0xc9: {  	[tilespmem:s2], [sflag:$0x2] =	stream.linear.gather @!p2 [hbm4b:s9+s3], $0x40, $0x38;
	[tilespmem:$0x1EF88] =	vst v63  }
.Ltmp16:
0xca: {  	s0 =	sshll.u32 s5, $0x6;
	(pc) =	sbr.rel .LBB2_18-.Ltmp16, $4  }
0xcb: {  	s31 =	simm.s32 $0x2;
	s0 =	sand.u32 $0x3FFFFFC0, s0  }
0xcc: {  	_ =	swait.ge [sflag:s31], s0  }
0xcd: {  	s0 =	ssub.s32 $0x0, s0;
	[sflag:s31] =	ssyncset.done $0x0  }
0xce: {  	[sflag:s31] =	ssyncadd.s32 s0;
	s0 =	simm.s32 $0x0  }
.LBB2_19:
0xcf: {  	v1 =	vld [tilespmem:s26+$0xFFFFFFE0];
	_ =	sdelay $0x4  }
0xd0: {  	[tilespmem:s4+$0x88] =	vst.add.f32.msk $0xffff, v1  }
0xd1: {  	v1 =	vld [tilespmem:s26+$0xFFFFFFF0];
	_ =	sdelay $0x4  }
0xd2: {  	[tilespmem:s4+$0x98] =	vst.add.f32.msk $0xffff, v1  }
0xd3: {  	v1 =	vld [tilespmem:s26+$0x0];
	_ =	sdelay $0x4  }
0xd4: {  	[tilespmem:s4+$0xA8] =	vst.add.f32.msk $0xffff, v1  }
0xd5: {  	v1 =	vld [tilespmem:s26+$0x10];
	_ =	sdelay $0x4  }
0xd6: {  	[tilespmem:s4+$0xB8] =	vst.add.f32.msk $0xffff, v1  }
.LBB2_23:
0xd7: {  	s28 =	sadd.s32 $0x1, s28  }
0xd8: {  	p2 =	seq.s32 s28, $0x0  }
.Ltmp17:
0xd9: {  	_ = 	snop;
	(pc) =	sbr.rel @p2 .LBB2_24-.Ltmp17, $2  }
0xda: {  	_ =	sdelay $0x2  }
0xdb: {  	s26 =	sadd.s32 $0x80, s26;
	s24 =	sadd.s32 $0x1, s24;
	s30 =	smov.u32 s31  }
.LBB2_18:
0xdc: {  	v1 =	vld.msk [tilespmem:s24+$0x0], $0x1;
	_ =	sdelay $0x4  }
0xdd: {  	(v2sf) =	vpush v1, $0x0;
	_ =	sdelay $0xe  }
0xde: {  	s31 =	spop (v2sf)  }
0xdf: {  	p2 =	sne.s32 s30, s31  }
.Ltmp18:
0xe0: {  	_ = 	snop;
	(pc) =	sbr.rel @!p2 .LBB2_19-.Ltmp18, $3  }
0xe1: {  	_ =	sdelay $0x1  }
0xe2: {  	s2 =	sshll.u32 s23, $0x8  }
0xe3: {  	s4 =	sshra.s32 s2, $0x2  }
0xe4: {  	p2 =	seq.s32 s30, s25  }
.Ltmp19:
0xe5: {  	_ = 	snop;
	(pc) =	sbr.rel @!p2 .LBB2_21-.Ltmp19, $1  }
0xe6: {  	_ =	sdelay $0x3  }
.Ltmp20:
0xe7: {  	s2 =	sadd.s32 $0x88, s4;
	(pc) =	sbr.rel .LBB2_22-.Ltmp20, $4  }
0xe8: {  	[spmem:s16] =	stream.linear.scatter [tilespmem:s2], [sflag:$0x1], $0x40, $0x38;
	[tilespmem:$0x1EF88] =	vst v63  }
0xe9: {  	_ =	swait.ge [sflag:s12], $0x40  }
0xea: {  	[sflag:s12] =	ssyncset.done $0x0  }
0xeb: {  	[sflag:s12] =	ssyncadd.s32 $0xFFFFFFC0  }
.LBB2_21:
0xec: {  	s2 =	sshll.u32 s29, $0x8  }
0xed: {  	s2 =	sshra.s32 s2, $0x2  }
0xee: {  	v1 =	vld [tilespmem:s2+$0x50C8];
	_ =	sdelay $0x4  }
0xef: {  	[tilespmem:s4+$0x88] =	vst.add.f32.msk $0xffff, v1  }
0xf0: {  	v1 =	vld [tilespmem:s2+$0x50D8];
	_ =	sdelay $0x4  }
0xf1: {  	[tilespmem:s4+$0x98] =	vst.add.f32.msk $0xffff, v1  }
0xf2: {  	v1 =	vld [tilespmem:s2+$0x50E8];
	_ =	sdelay $0x4  }
0xf3: {  	[tilespmem:s4+$0xA8] =	vst.add.f32.msk $0xffff, v1  }
0xf4: {  	v1 =	vld [tilespmem:s2+$0x50F8];
	_ =	sdelay $0x2  }
0xf5: {  	p2 =	sgt.u32 s30, $0xFFF8  }
0xf6: {  	s2 =	sand.u32 @!p2 $0xFFF8, s30  }
0xf7: {  	s3 =	sadd.s32 $0x88, s4;
	s2 =	sadd.s32 @!p2 s1, s2;
	[tilespmem:s4+$0xB8] =	vst.add.f32.msk $0xffff, v1;
	s4 =	sand.u32 @!p2 $0x7, s30  }
0xf8: {  	[hbm4b:s2+s4] =	stream.linear.scatter @!p2 [tilespmem:s3], [sflag:$0xC], $0x40, $0x38;
	[tilespmem:$0x1EF88] =	vst v63  }
0xf9: {  	s2 =	simm.s32 $0x0  }
0xfa: {  	s2 =	simm.s32 @!p2 $0x100  }
0xfb: {  	s0 =	sadd.s32 s2, s0  }
.LBB2_22:
0xfc: {  	s2 =	sadd.s32 $0x1, s23  }
0xfd: {  	s3 =	smulhi.u32 $0xCCCCCCCD, s2;
	_ =	sdelay $0x1  }
0xfe: {  	v1 =	vld [tilespmem:s26+$0xFFFFFFE0];
	s3 =	sshrl.u32 s3, $0x8  }
0xff: {  	s3 =	smul.u32 $0x140, s3;
	_ =	sdelay $0x1  }
0x100: {  	s23 =	ssub.s32 s2, s3  }
0x101: {  	s2 =	sshll.u32 s23, $0x6  }
0x102: {  	[tilespmem:s2+$0x88] =	vst v1  }
0x103: {  	v1 =	vld [tilespmem:s26+$0xFFFFFFF0];
	_ =	sdelay $0x4  }
0x104: {  	[tilespmem:s2+$0x98] =	vst v1  }
0x105: {  	v1 =	vld [tilespmem:s26+$0x0];
	_ =	sdelay $0x4  }
0x106: {  	[tilespmem:s2+$0xA8] =	vst v1  }
0x107: {  	v1 =	vld [tilespmem:s26+$0x10]  }
.Ltmp21:
0x108: {  	_ = 	snop;
	(pc) =	sbr.rel .LBB2_23-.Ltmp21, $2  }
0x109: {  	_ =	sdelay $0x2  }
0x10a: {  	s29 =	sadd.s32 $0x1, s29;
	[tilespmem:s2+$0xB8] =	vst v1  }
.LBB2_25:
.Ltmp22:
0x10b: {  	(pc) =	sbr.rel .LBB2_26-.Ltmp22, $4  }
0x10c: {  	_ = 	snop  }
0x10d: {  	s0 =	simm.s32 $0x2  }
0x10e: {  	_ =	swait.ge [sflag:s0], $0x0  }
0x10f: {  	s31 =	smov.u32 s30;
	[sflag:s0] =	ssyncset.done $0x0;
	s0 =	simm.s32 $0x0  }
.LBB2_28:
0x110: {  	_ =	sfence.sel $0x180000  }
0x111: {  	s0 =	simm.s32 $0x9;
	[bflag:$0x0] =	sbarrier.arrive $0xFFFF  }
0x112: {  	s24 =	simm.s32 $0xA;
	[sflag:s0] =	ssyncpa.u1 $0x1  }
0x113: {  	s25 =	simm.s32 $0xB;
	[sflag:s24] =	ssyncpa.u1 $0x1  }
0x114: {  	s26 =	simm.s32 $0x2;
	[sflag:s25] =	ssyncpa.u1 $0x1  }
0x115: {  	[sflag:s26] =	ssyncpa.u1 $0x1  }
0x116: {  	v0 =	vld [tilespmem:$0xA108];
	_ =	sdelay $0x4  }
0x117: {  	(v2sf) =	vpush v0, $0x0  }
0x118: {  	(v2sf) =	vpush v0, $0x1;
	_ =	sdelay $0x1  }
0x119: {  	(v2sf) =	vpush v0, $0x2;
	_ =	sdelay $0xb  }
0x11a: {  	s0 =	spop (v2sf)  }
0x11b: {  	s2 =	spop (v2sf)  }
0x11c: {  	s3 =	smov.u32 s0;
	p0 =	sne.s32 s0, s2  }
0x11d: {  	s4 =	spop (v2sf);
	s3 =	simm.s32 @!p0 $0xFFFFFFFF  }
0x11e: {  	v2 =	vimm.s32 $0x1;
	v3 =	vlaneseq.u32;
	p0 =	seq.s32 s4, $0xFFFFFFFF;
	v1 =	vmov s3  }
0x11f: {  	s15 =	stileid.u32;
	v0 =	vperm.xlane v0, v2;
	p1 =	sne.s32 @!p0 s0, s2;
	v1 =	vperm.xlane v1, v3  }
0x120: {  	vm0 =	vcmask $0x3F04;
	s6 =	simm.s32 $0xA108;
	s0 =	simm.s32 @!p0 $0x1;
	p1 =	por !p1, p0  }
0x121: {  	s3 =	sshll.u32 s15, $0x1;
	s2 =	sshll.u32 @!p0 s4, $0x8;
	s0 =	simm.s32 @p1 $0x0;
	v0 =	vsel vm0, v1, v0  }
0x122: {  	s5 =	sor.u32 $0x800, s3;
	s2 =	sshra.s32 @!p0 s2, $0x2;
	s0 =	sor.u32 @!p0 s0, s3;
	[tilespmem:$0xA108] =	vst v0  }
0x123: {  	[spmem:s5] =	stream.linear.scatter [tilespmem:s6], [sflag:$0x1], $0x2, $0x38;
	[tilespmem:$0x1EF88] =	vst v63  }
0x124: {  	s2 =	sadd.s32 @!p0 $0x88, s2;
	s0 =	sshll.u32 @!p0 s0, $0x6  }
0x125: {  	[spmem:s0] =	stream.linear.scatter @!p0 [tilespmem:s2], [sflag:$0x1], $0x40, $0x38;
	[tilespmem:$0x1EF88] =	vst v63  }
0x126: {  	s0 =	simm.s32 @!p0 $0x42  }
0x127: {  	s28 =	simm.s32 $0x1;
	s0 =	simm.s32 @p0 $0x2  }
0x128: {  	_ =	swait.ge [sflag:s28], s0  }
0x129: {  	s0 =	ssub.s32 $0x0, s0;
	[sflag:s28] =	ssyncset.done $0x0  }
0x12a: {  	p0 =	sne.s32 s15, $0x0;
	[sflag:s28] =	ssyncadd.s32 s0  }
.Ltmp23:
0x12b: {  	_ =	sfence.stream.spmem;
	(pc) =	sbr.rel @p0 .LBB2_45-.Ltmp23, $4  }
0x12c: {  	s29 =	simm.s32 $0x3;
	[bflag:$0x0] =	sbarrier.arrive $0xFFFF  }
0x12d: {  	s30 =	simm.s32 $0x4;
	[sflag:s29] =	ssyncpa.u1 $0x1  }
0x12e: {  	s31 =	simm.s32 $0x3C;
	[sflag:s30] =	ssyncpa.u1 $0x1  }
0x12f: {  	s14 =	rddreg [dreg:$0x4];
	[sflag:s31] =	ssyncpa.u1 $0x1  }
0x130: {  	_ =	sfence.stream.spmem;
	s0 =	simm.s32 $0x5  }
0x131: {  	s2 =	simm.s32 $0x800;
	s3 =	simm.s32 $0xA118;
	[sflag:s0] =	ssyncpa.u1 $0x0  }
0x132: {  	[tilespmem:s3], [sflag:$0x5] =	stream.linear.gather [spmem:s2], $0x20, $0x38;
	[tilespmem:$0x1EF88] =	vst v63  }
0x133: {  	s26 =	simm.s32 $0x0;
	s28 =	simm.s32 $0xA138  }
0x134: {  	[tilespmem:s28], [sflag:$0x5] =	stream.linear.gather [spmem:s26], $0x800, $0x38;
	[tilespmem:$0x1EF88] =	vst v63  }
0x135: {  	_ =	swait.ge [sflag:s0], $0x820  }
0x136: {  	[sflag:s0] =	ssyncset.done $0x0  }
0x137: {  	s29 =	simm.s32 $0x0;
	[sflag:s0] =	ssyncadd.s32 $0xFFFFF7E0  }
0x138: {  	v0 =	vld.msk [tilespmem:s29+$0xA118], $0x1;
	_ =	sdelay $0x1  }
0x139: {  	s30 =	simm.s32 $0x1  }
0x13a: {  	v1 =	vld.msk [tilespmem:s30+$0xA118], $0x1;
	_ =	sdelay $0x1  }
0x13b: {  	(v2sf) =	vpush v0, $0x0;
	_ =	sdelay $0x2  }
0x13c: {  	(v2sf) =	vpush v1, $0x0;
	_ =	sdelay $0x2  }
0x13d: {  	s31 =	simm.s32 $0x2  }
0x13e: {  	v0 =	vld.msk [tilespmem:s31+$0xA118], $0x1;
	_ =	sdelay $0x2  }
0x13f: {  	s4 =	simm.s32 $0xFFFFFFFF;
	s2 =	simm.s32 $0xFFFFFFFF;
	s0 =	simm.s32 $0xC  }
.LBB2_30:
0x140: {  	s3 =	smov.u32 s4;
	s5 =	smov.u32 s2  }
0x141: {  	s2 =	sshra.s32 s0, $0x2;
	p1 =	sne.s32 s0, $0x7C;
	s0 =	sadd.s32 $0x4, s0;
	(v2sf) =	vpush v0, $0x0  }
0x142: {  	v0 =	vld.msk [tilespmem:s2+$0xA118], $0x1  }
.Ltmp24:
0x143: {  	(pc) =	sbr.rel @p1 .LBB2_30-.Ltmp24, $4  }
0x144: {  	s4 =	spop (v2sf)  }
0x145: {  	p2 =	sne.s32 s5, $0xFFFFFFFF;
	s2 =	smov.u32 s4  }
0x146: {  	p3 =	seq.s32 s4, $0xFFFFFFFF;
	s2 =	smov.u32 @p2 s5  }
0x147: {  	s4 =	smov.u32 @p3 s3;
	s2 =	smov.u32 @p3 s5  }
0x148: {  	(v2sf) =	vpush v0, $0x0;
	_ =	sdelay $0x8  }
0x149: {  	s0 =	spop (v2sf)  }
0x14a: {  	p1 =	sne.s32 s2, $0xFFFFFFFF;
	s3 =	smov.u32 s0  }
0x14b: {  	s9 =	simm.s32 $0x6;
	p2 =	seq.s32 s0, $0xFFFFFFFF;
	s3 =	smov.u32 @p1 s2  }
0x14c: {  	s6 =	simm.s32 $0x0;
	s3 =	smov.u32 @p2 s2;
	s2 =	spop (v2sf)  }
0x14d: {  	s0 =	smov.u32 @p2 s4;
	p1 =	sne.s32 s3, $0xFFFFFFFF;
	s5 =	smov.u32 s2  }
.Ltmp25:
0x14e: {  	p2 =	seq.s32 s2, $0xFFFFFFFF;
	s5 =	smov.u32 @p1 s3;
	(pc) =	sbr.rel .LBB2_32-.Ltmp25, $4  }
0x14f: {  	s10 =	simm.s32 $0xA0C8;
	s5 =	smov.u32 @p2 s3;
	s7 =	spop (v2sf)  }
0x150: {  	s11 =	simm.s32 $0x0;
	p1 =	sne.s32 s5, $0xFFFFFFFF;
	s8 =	smov.u32 s7  }
0x151: {  	s2 =	smov.u32 @p2 s0;
	p2 =	seq.s32 s7, $0xFFFFFFFF;
	s8 =	smov.u32 @p1 s5  }
0x152: {  	[sflag:s9] =	ssyncpa.u1 $0x0;
	s7 =	smov.u32 @p2 s2;
	s8 =	smov.u32 @p2 s5  }
.LBB2_38:
0x153: {  	p1 =	sgt.u32 s12, $0xFFF8  }
0x154: {  	p2 =	seq.s32 @!p1 s12, s8  }
0x155: {  	p1 =	por p1, p2  }
0x156: {  	p2 =	sne.s32 @!p1 s12, s7  }
0x157: {  	p1 =	por p1, !p2  }
0x158: {  	s0 =	sshll.u32 @p1 s11, $0x8  }
0x159: {  	s0 =	sand.u32 @!p1 $0xFFF8, s12  }
0x15a: {  	s2 =	sand.u32 @!p1 $0x7, s12;
	s0 =	sadd.s32 @!p1 s1, s0  }
0x15b: {  	[tilespmem:s10], [sflag:$0x6] =	stream.linear.gather @!p1 [hbm4b:s0+s2], $0x40, $0x38;
	[tilespmem:$0x1EF88] =	vst v63  }
0x15c: {  	_ =	swait.ge @!p1 [sflag:s9], $0x40  }
0x15d: {  	[sflag:s9] =	ssyncset.done @!p1 $0x0  }
0x15e: {  	[sflag:s9] =	ssyncadd.s32 @!p1 $0xFFFFFFC0  }
0x15f: {  	v1 =	vld @!p1 [tilespmem:$0xA0C8];
	_ =	sdelay $0x2  }
0x160: {  	s0 =	sshll.u32 @!p1 s11, $0x8  }
0x161: {  	s2 =	sshrl.u32 @!p1 s0, $0x2  }
0x162: {  	[tilespmem:s2+$0xA138] =	vst.add.f32.msk @!p1 $0xffff, v1  }
0x163: {  	v1 =	vld @!p1 [tilespmem:$0xA0D8];
	_ =	sdelay $0x4  }
0x164: {  	[tilespmem:s2+$0xA148] =	vst.add.f32.msk @!p1 $0xffff, v1  }
0x165: {  	v1 =	vld @!p1 [tilespmem:$0xA0E8];
	_ =	sdelay $0x4  }
0x166: {  	[tilespmem:s2+$0xA158] =	vst.add.f32.msk @!p1 $0xffff, v1  }
0x167: {  	v1 =	vld @!p1 [tilespmem:$0xA0F8];
	_ =	sdelay $0x4  }
0x168: {  	[tilespmem:s2+$0xA168] =	vst.add.f32.msk @!p1 $0xffff, v1  }
0x169: {  	s0 =	sshrl.u32 s0, $0x2;
	[tilespmem:s6+$0xA118] =	vst.msk $0x1, v0  }
0x16a: {  	v0 =	vld [tilespmem:s0+$0xA138];
	_ =	sdelay $0x2  }
0x16b: {  	s31 =	sshll.u32 s6, $0x8  }
0x16c: {  	s2 =	sshra.s32 s31, $0x2  }
0x16d: {  	[tilespmem:s2+$0xA138] =	vst v0  }
0x16e: {  	v0 =	vld [tilespmem:s0+$0xA148];
	_ =	sdelay $0x4  }
0x16f: {  	[tilespmem:s2+$0xA148] =	vst v0  }
0x170: {  	v0 =	vld [tilespmem:s0+$0xA158];
	_ =	sdelay $0x4  }
0x171: {  	[tilespmem:s2+$0xA158] =	vst v0  }
0x172: {  	v0 =	vld [tilespmem:s0+$0xA168];
	_ =	sdelay $0x4  }
0x173: {  	s6 =	sadd.s32 $0x1, s6;
	[tilespmem:s2+$0xA168] =	vst v0  }
.LBB2_39:
0x174: {  	s11 =	sadd.s32 $0x1, s11  }
0x175: {  	p1 =	sne.s32 s11, $0x20  }
.Ltmp26:
0x176: {  	_ = 	snop;
	(pc) =	sbr.rel @!p1 .LBB2_40-.Ltmp26, $1  }
0x177: {  	_ =	sdelay $0x3  }
.LBB2_32:
0x178: {  	v0 =	vld.msk [tilespmem:s11+$0xA118], $0x1;
	_ =	sdelay $0x4  }
0x179: {  	(v2sf) =	vpush v0, $0x0;
	_ =	sdelay $0xe  }
0x17a: {  	s12 =	spop (v2sf)  }
0x17b: {  	p1 =	seq.s32 s12, $0xFFFFFFFF  }
.Ltmp27:
0x17c: {  	_ = 	snop;
	(pc) =	sbr.rel @p1 .LBB2_39-.Ltmp27, $1  }
0x17d: {  	_ =	sdelay $0x3  }
0x17e: {  	p1 =	slt.s32 s6, $0x1  }
.Ltmp28:
0x17f: {  	_ = 	snop;
	(pc) =	sbr.rel @p1 .LBB2_38-.Ltmp28, $1  }
0x180: {  	_ =	sdelay $0x3  }
0x181: {  	s0 =	simm.s32 $0xA118;
	p1 =	por $0x0, $0x0  }
0x182: {  	v1 =	vld.msk @!p1 [tilespmem:s0+$0x0], $0x1;
	_ =	sdelay $0x4  }
0x183: {  	(v2sf) =	vpush @!p1 v1, $0x0;
	_ =	sdelay $0xd  }
0x184: {  	p3 =	sne.s32 s6, $0x1  }
.Ltmp29:
0x185: {  	s2 =	spop @!p1 (v2sf);
	(pc) =	sbr.rel @!p3 .LBB2_36-.Ltmp29, $4  }
0x186: {  	p2 =	seq.s32 @!p1 s12, s2  }
0x187: {  	s13 =	simm.s32 $0x0;
	p2 =	por !p2, p1  }
0x188: {  	s2 =	simm.s32 $0xFFFFFFFF;
	s13 =	simm.s32 @p2 $0xFFFFFFFF  }
0x189: {  	s4 =	simm.s32 $0x1;
	s13 =	smov.u32 @p1 s2  }
.LBB2_35:
0x18a: {  	s2 =	smov.u32 s13;
	p1 =	sne.s32 s13, $0xFFFFFFFF  }
0x18b: {  	s0 =	sadd.s32 $0x1, s0;
	s13 =	smov.u32 s4;
	s4 =	sadd.s32 $0x1, s4  }
0x18c: {  	p2 =	sne.s32 s6, s4;
	v1 =	vld.msk @!p1 [tilespmem:s0+$0x0], $0x1;
	_ =	sdelay $0x4  }
0x18d: {  	(v2sf) =	vpush @!p1 v1, $0x0;
	_ =	sdelay $0xe  }
.Ltmp30:
0x18e: {  	s3 =	spop @!p1 (v2sf);
	(pc) =	sbr.rel @p2 .LBB2_35-.Ltmp30, $4  }
0x18f: {  	p3 =	seq.s32 @!p1 s12, s3  }
0x190: {  	p3 =	por !p3, p1  }
0x191: {  	s13 =	simm.s32 @p3 $0xFFFFFFFF  }
0x192: {  	s13 =	smov.u32 @p1 s2  }
.LBB2_36:
0x193: {  	p1 =	seq.s32 s13, $0xFFFFFFFF  }
.Ltmp31:
0x194: {  	_ = 	snop;
	(pc) =	sbr.rel @p1 .LBB2_38-.Ltmp31, $1  }
0x195: {  	_ =	sdelay $0x3  }
0x196: {  	s0 =	sshll.u32 s11, $0x6  }
0x197: {  	s0 =	sand.u32 $0x3FFFFFC0, s0  }
0x198: {  	v0 =	vld [tilespmem:s0+$0xA138];
	_ =	sdelay $0x2  }
0x199: {  	s2 =	sshll.u32 s13, $0x8  }
0x19a: {  	s2 =	sshra.s32 s2, $0x2  }
0x19b: {  	[tilespmem:s2+$0xA138] =	vst.add.f32.msk $0xffff, v0  }
0x19c: {  	v0 =	vld [tilespmem:s0+$0xA148];
	_ =	sdelay $0x4  }
0x19d: {  	[tilespmem:s2+$0xA148] =	vst.add.f32.msk $0xffff, v0  }
0x19e: {  	v0 =	vld [tilespmem:s0+$0xA158];
	_ =	sdelay $0x4  }
0x19f: {  	[tilespmem:s2+$0xA158] =	vst.add.f32.msk $0xffff, v0  }
0x1a0: {  	v0 =	vld [tilespmem:s0+$0xA168]  }
.Ltmp32:
0x1a1: {  	_ = 	snop;
	(pc) =	sbr.rel .LBB2_39-.Ltmp32, $2  }
0x1a2: {  	_ =	sdelay $0x2  }
0x1a3: {  	[tilespmem:s2+$0xA168] =	vst.add.f32.msk $0xffff, v0  }
.LBB2_40:
0x1a4: {  	s0 =	simm.s32 $0x6;
	p1 =	seq.s32 s6, $0x0  }
0x1a5: {  	[sflag:s0] =	ssyncpa.u1 $0x1;
	v0 =	vimm.s32 @p1 $0xFFFFFFFF  }
0x1a6: {  	s0 =	sadd.s32 $0xFFFFFFFF, s6;
	[tilespmem:$0xA938] =	vst @p1 v0  }
0x1a7: {  	v0 =	vld.msk @!p1 [tilespmem:s0+$0xA118], $0x1;
	_ =	sdelay $0x1  }
0x1a8: {  	v1 =	vld.msk @!p1 [tilespmem:$0xA118], $0x1;
	_ =	sdelay $0x2  }
0x1a9: {  	p2 =	seq.s32 @!p1 s0, $0x0;
	v0 =	vbroadcast @!p1 v0, $0x0  }
0x1aa: {  	vm0 =	vmmov @!p1 $0x1;
	p2 =	por !p2, p1  }
0x1ab: {  	v1 =	vnsel @!p1 vm0, $0xFFFFFFFF, v1;
	vm0 =	vcmask @!p1 $0x308;
	v0 =	vpsel !p2, $0xFFFFFFFF, v0  }
0x1ac: {  	p2 =	sne.s32 @!p1 s8, s7;
	v0 =	vsel @!p1 vm0, v1, v0  }
0x1ad: {  	s2 =	simm.s32 @!p1 $0xA138;
	s3 =	simm.s32 @!p1 $0x0;
	p3 =	por !p2, p1;
	[tilespmem:$0xA938] =	vst @!p1 v0  }
0x1ae: {  	[spmem:s3] =	stream.linear.scatter @!p1 [tilespmem:s2], [sflag:$0x1], $0x40, $0x38;
	[tilespmem:$0x1EF88] =	vst v63  }
0x1af: {  	s2 =	sshll.u32 @!p3 s0, $0x8  }
0x1b0: {  	s2 =	sshra.s32 @!p3 s2, $0x2  }
0x1b1: {  	s3 =	simm.s32 @!p3 $0x40;
	s2 =	sadd.s32 @!p3 $0xA138, s2  }
0x1b2: {  	[spmem:s3] =	stream.linear.scatter @!p3 [tilespmem:s2], [sflag:$0x1], $0x40, $0x38;
	[tilespmem:$0x1EF88] =	vst v63  }
0x1b3: {  	s2 =	simm.s32 @!p3 $0x1  }
0x1b4: {  	_ =	swait.ge @!p3 [sflag:s2], $0x80  }
0x1b5: {  	p1 =	por p2, p1;
	[sflag:s2] =	ssyncset.done @!p3 $0x0  }
0x1b6: {  	[sflag:s2] =	ssyncadd.s32 @!p3 $0xFFFFFF80;
	s2 =	simm.s32 @!p1 $0x1  }
0x1b7: {  	_ =	swait.ge @!p1 [sflag:s2], $0x40  }
0x1b8: {  	s29 =	simm.s32 $0xA938;
	[sflag:s2] =	ssyncset.done @!p1 $0x0  }
0x1b9: {  	s30 =	simm.s32 $0x800;
	s31 =	simm.s32 $0x1;
	[sflag:s2] =	ssyncadd.s32 @!p1 $0xFFFFFFC0  }
0x1ba: {  	[spmem:s30] =	stream.linear.scatter [tilespmem:s29], [sflag:$0x1], $0x10, $0x38;
	[tilespmem:$0x1EF88] =	vst v63  }
0x1bb: {  	_ =	swait.ge [sflag:s31], $0x10  }
0x1bc: {  	[sflag:s31] =	ssyncset.done $0x0  }
0x1bd: {  	p1 =	seq.s32 s14, $0x0;
	s9 =	rddreg [dreg:$0x1];
	[sflag:s31] =	ssyncadd.s32 $0xFFFFFFF0  }
0x1be: {  	s3 =	sshll.u32 @p1 s9, $0xE;
	s8 =	rddreg [dreg:$0x2]  }
0x1bf: {  	s2 =	sadd.s32 @p1 $0x15C3C, s3;
	s3 =	sshll.u32 @p1 s8, $0x11  }
0x1c0: {  	_ =	sfence.stream.spmem;
	s2 =	sor.u32 @p1 s3, s2  }
0x1c1: {  	[sflag:s2] =	ssyncadd.remote.s32 @p1 $0x1;
	s2 =	simm.s32 @p1 $0x4  }
0x1c2: {  	s4 =	simm.s32 @!p1 $0x3C;
	s3 =	sand.u32 $0xFFFFFFFE, s9;
	_ =	swait.ge @p1 [sflag:s2], $0x12  }
0x1c3: {  	s5 =	simm.s32 @!p1 $0x0;
	s3 =	sadd.s32 @!p1 $0x4, s3;
	[sflag:s2] =	ssyncset.done @p1 $0x0  }
0x1c4: {  	s7 =	simm.s32 @!p1 $0x80;
	[sflag:s2] =	ssyncadd.s32 @p1 $0xFFFFFFEE;
	s2 =	sshll.u32 @!p1 s3, $0x1A  }
0x1c5: {  	s3 =	sshll.u32 @!p1 s3, $0xD;
	s2 =	sor.u32 @!p1 s2, s8;
	_ =	swait.eq @!p1 [sflag:s4], $0x1  }
0x1c6: {  	s3 =	sor.u32 @!p1 $0x1C04, s3;
	s4 =	simm.s32 @!p1 $0x1C03;
	s2 =	sor.u32 @!p1 $0x80004000, s2  }
0x1c7: {  	[spmem:s7], [sflag:s3] =	dma.general @!p1 [spmem:s5], [sflag:s4], length:$0x10, [dreg:$0x0], stride_count:$0x0, ici_dest:s2, dma_misc:DstOpCode:WRITE  }
0x1c8: {  	p2 =	slt.s32 s0, $0x2;
	s5 =	simm.s32 @!p1 $0x100;
	s7 =	simm.s32 @!p1 $0x102  }
0x1c9: {  	[spmem:s7], [sflag:s3] =	dma.general @!p1 [spmem:s5], [sflag:s4], length:$0x2, [dreg:$0x0], stride_count:$0x0, ici_dest:s2, dma_misc:DstOpCode:WRITE  }
.Ltmp33:
0x1ca: {  	s2 =	simm.s32 @!p1 $0x3;
	(pc) =	sbr.rel @p2 .LBB2_44-.Ltmp33, $4  }
0x1cb: {  	s3 =	sshll.u32 @!p1 s9, $0xE;
	_ =	swait.ge @!p1 [sflag:s2], $0x12  }
0x1cc: {  	s4 =	sshll.u32 @!p1 s8, $0x11;
	s3 =	sadd.s32 @!p1 $0x11C3C, s3;
	[sflag:s2] =	ssyncset.done @!p1 $0x0  }
0x1cd: {  	[sflag:s2] =	ssyncadd.s32 @!p1 $0xFFFFFFEE;
	s2 =	sor.u32 @!p1 s4, s3  }
0x1ce: {  	s0 =	simm.s32 $0x0;
	[sflag:s2] =	ssyncadd.remote.s32 @!p1 $0xFFFFFFFF  }
0x1cf: {  	s0 =	simm.s32 $0xA119  }
0x1d0: {  	v0 =	vld.msk [tilespmem:s0+$0x0], $0x1;
	_ =	sdelay $0x4  }
0x1d1: {  	(v2sf) =	vpush v0, $0x0;
	_ =	sdelay $0xd  }
0x1d2: {  	s3 =	sadd.s32 $0xFFFFFFFE, s6  }
0x1d3: {  	s4 =	sadd.s32 $0xFFFFFFFF, s3;
	s2 =	spop (v2sf)  }
0x1d4: {  	p2 =	sne.s32 s4, $0x0;
	p1 =	sgt.u32 s2, $0xFFF8  }
.Ltmp34:
0x1d5: {  	s5 =	sand.u32 @!p1 $0xFFF8, s2;
	(pc) =	sbr.rel @!p2 .LBB2_43-.Ltmp34, $4  }
0x1d6: {  	s0 =	simm.s32 $0xA178;
	s2 =	sand.u32 @!p1 $0x7, s2;
	s3 =	sadd.s32 @!p1 s1, s5  }
0x1d7: {  	[hbm4b:s3+s2] =	stream.linear.scatter @!p1 [tilespmem:s0], [sflag:$0x5], $0x40, $0x38;
	[tilespmem:$0x1EF88] =	vst v63  }
0x1d8: {  	s2 =	simm.s32 $0x0  }
0x1d9: {  	s6 =	simm.s32 $0xA11A;
	s5 =	simm.s32 $0x0;
	s2 =	simm.s32 @!p1 $0x100  }
.LBB2_42:
0x1da: {  	v0 =	vld.msk [tilespmem:s6+$0x0], $0x1;
	s4 =	sadd.s32 $0xFFFFFFFF, s4;
	s5 =	sadd.s32 s5, s2  }
0x1db: {  	p1 =	sne.s32 s4, $0x0;
	_ =	sdelay $0x3  }
0x1dc: {  	(v2sf) =	vpush v0, $0x0;
	_ =	sdelay $0xe  }
.Ltmp35:
0x1dd: {  	s3 =	spop (v2sf);
	(pc) =	sbr.rel @p1 .LBB2_42-.Ltmp35, $4  }
0x1de: {  	s2 =	simm.s32 $0x0;
	p2 =	sgt.u32 s3, $0xFFF8  }
0x1df: {  	s0 =	sadd.s32 $0x40, s0;
	s2 =	simm.s32 @!p2 $0x100;
	s7 =	sand.u32 @!p2 $0xFFF8, s3  }
0x1e0: {  	s6 =	sadd.s32 $0x1, s6;
	s3 =	sand.u32 @!p2 $0x7, s3;
	s7 =	sadd.s32 @!p2 s1, s7  }
0x1e1: {  	[hbm4b:s7+s3] =	stream.linear.scatter @!p2 [tilespmem:s0], [sflag:$0x5], $0x40, $0x38;
	[tilespmem:$0x1EF88] =	vst v63  }
.LBB2_43:
0x1e2: {  	s0 =	sadd.s32 s5, s2  }
0x1e3: {  	s0 =	sshrl.u32 s0, $0x2  }
.LBB2_44:
0x1e4: {  	s2 =	simm.s32 $0x5  }
0x1e5: {  	_ =	swait.ge [sflag:s2], s0  }
0x1e6: {  	s31 =	ssub.s32 $0x0, s0;
	[sflag:s2] =	ssyncset.done $0x0  }
0x1e7: {  	[sflag:s2] =	ssyncadd.s32 s31  }
0x1e8: {  	[sflag:s2] =	ssyncpa.u1 $0x1  }
.LBB2_45:
0x1e9: {  	s0 =	sor.u32 s14, s15  }
0x1ea: {  	p1 =	sne.s32 s0, $0x0  }
.Ltmp36:
0x1eb: {  	_ = 	snop;
	(pc) =	sbr.rel @p1 .LBB2_60-.Ltmp36, $3  }
0x1ec: {  	_ =	sdelay $0x1  }
0x1ed: {  	[bflag:$0x0] =	sbarrier.arrive $0xFFFF  }
0x1ee: {  	_ =	sfence  }
0x1ef: {  	s0 =	simm.s32 $0x7  }
0x1f0: {  	s2 =	simm.s32 $0x800;
	s3 =	simm.s32 $0xA118;
	[sflag:s0] =	ssyncpa.u1 $0x0  }
0x1f1: {  	[tilespmem:s3], [sflag:$0x7] =	stream.linear.gather [spmem:s2], $0x20, $0x38;
	[tilespmem:$0x1EF88] =	vst v63  }
0x1f2: {  	s30 =	simm.s32 $0xA138;
	s2 =	simm.s32 $0x0  }
0x1f3: {  	[tilespmem:s30], [sflag:$0x7] =	stream.linear.gather [spmem:s2], $0x800, $0x38;
	[tilespmem:$0x1EF88] =	vst v63  }
.Ltmp37:
0x1f4: {  	_ = 	snop;
	(pc) =	sbr.rel .LBB2_47-.Ltmp37, $4  }
0x1f5: {  	_ =	swait.ge [sflag:s0], $0x820  }
0x1f6: {  	[sflag:s0] =	ssyncset.done $0x0  }
0x1f7: {  	s31 =	simm.s32 $0x8;
	[sflag:s0] =	ssyncadd.s32 $0xFFFFF7E0  }
0x1f8: {  	s3 =	simm.s32 $0x0;
	[sflag:s31] =	ssyncpa.u1 $0x0  }
.LBB2_53:
0x1f9: {  	p1 =	slt.u32 s0, $0xFFF9  }
0x1fa: {  	s4 =	sand.u32 @p1 $0xFFF8, s0  }
0x1fb: {  	s0 =	sand.u32 @p1 $0x7, s0;
	s5 =	simm.s32 @p1 $0xA0C8;
	s4 =	sadd.s32 @p1 s1, s4  }
0x1fc: {  	[tilespmem:s5], [sflag:$0x8] =	stream.linear.gather @p1 [hbm4b:s4+s0], $0x40, $0x38;
	[tilespmem:$0x1EF88] =	vst v63  }
0x1fd: {  	s0 =	simm.s32 @p1 $0x8  }
0x1fe: {  	_ =	swait.ge @p1 [sflag:s0], $0x40  }
0x1ff: {  	[sflag:s0] =	ssyncset.done @p1 $0x0  }
0x200: {  	[sflag:s0] =	ssyncadd.s32 @p1 $0xFFFFFFC0  }
0x201: {  	v1 =	vld @p1 [tilespmem:$0xA0C8];
	_ =	sdelay $0x2  }
0x202: {  	s0 =	sshll.u32 @p1 s3, $0x8  }
0x203: {  	s4 =	sshrl.u32 @p1 s0, $0x2  }
0x204: {  	[tilespmem:s4+$0xA138] =	vst.add.f32.msk @p1 $0xffff, v1  }
0x205: {  	v1 =	vld @p1 [tilespmem:$0xA0D8];
	_ =	sdelay $0x4  }
0x206: {  	[tilespmem:s4+$0xA148] =	vst.add.f32.msk @p1 $0xffff, v1  }
0x207: {  	v1 =	vld @p1 [tilespmem:$0xA0E8];
	_ =	sdelay $0x4  }
0x208: {  	[tilespmem:s4+$0xA158] =	vst.add.f32.msk @p1 $0xffff, v1  }
0x209: {  	v1 =	vld @p1 [tilespmem:$0xA0F8];
	_ =	sdelay $0x3  }
0x20a: {  	s5 =	sshll.u32 @!p1 s3, $0x8  }
0x20b: {  	s5 =	smov.u32 @p1 s0;
	[tilespmem:s4+$0xA168] =	vst.add.f32.msk @p1 $0xffff, v1  }
0x20c: {  	s0 =	sshrl.u32 s5, $0x2;
	[tilespmem:s2+$0xA118] =	vst.msk $0x1, v0  }
0x20d: {  	v0 =	vld [tilespmem:s0+$0xA138];
	_ =	sdelay $0x2  }
0x20e: {  	s31 =	sshll.u32 s2, $0x8  }
0x20f: {  	s4 =	sshra.s32 s31, $0x2  }
0x210: {  	[tilespmem:s4+$0xA138] =	vst v0  }
0x211: {  	v0 =	vld [tilespmem:s0+$0xA148];
	_ =	sdelay $0x4  }
0x212: {  	[tilespmem:s4+$0xA148] =	vst v0  }
0x213: {  	v0 =	vld [tilespmem:s0+$0xA158];
	_ =	sdelay $0x4  }
0x214: {  	[tilespmem:s4+$0xA158] =	vst v0  }
0x215: {  	v0 =	vld [tilespmem:s0+$0xA168];
	_ =	sdelay $0x4  }
0x216: {  	s2 =	sadd.s32 $0x1, s2;
	[tilespmem:s4+$0xA168] =	vst v0  }
.LBB2_54:
0x217: {  	s3 =	sadd.s32 $0x1, s3  }
0x218: {  	p1 =	sne.s32 s3, $0x20  }
.Ltmp38:
0x219: {  	_ = 	snop;
	(pc) =	sbr.rel @!p1 .LBB2_55-.Ltmp38, $1  }
0x21a: {  	_ =	sdelay $0x3  }
.LBB2_47:
0x21b: {  	v0 =	vld.msk [tilespmem:s3+$0xA118], $0x1;
	_ =	sdelay $0x4  }
0x21c: {  	(v2sf) =	vpush v0, $0x0;
	_ =	sdelay $0xe  }
0x21d: {  	s0 =	spop (v2sf)  }
0x21e: {  	p1 =	seq.s32 s0, $0xFFFFFFFF  }
.Ltmp39:
0x21f: {  	_ = 	snop;
	(pc) =	sbr.rel @p1 .LBB2_54-.Ltmp39, $1  }
0x220: {  	_ =	sdelay $0x3  }
0x221: {  	p1 =	slt.s32 s2, $0x1  }
.Ltmp40:
0x222: {  	_ = 	snop;
	(pc) =	sbr.rel @p1 .LBB2_53-.Ltmp40, $1  }
0x223: {  	_ =	sdelay $0x3  }
0x224: {  	s4 =	simm.s32 $0xA118;
	p1 =	por $0x0, $0x0  }
0x225: {  	v1 =	vld.msk @!p1 [tilespmem:s4+$0x0], $0x1;
	_ =	sdelay $0x4  }
0x226: {  	(v2sf) =	vpush @!p1 v1, $0x0;
	_ =	sdelay $0xd  }
0x227: {  	p3 =	sne.s32 s2, $0x1  }
.Ltmp41:
0x228: {  	s5 =	spop @!p1 (v2sf);
	(pc) =	sbr.rel @!p3 .LBB2_51-.Ltmp41, $4  }
0x229: {  	p2 =	seq.s32 @!p1 s0, s5  }
0x22a: {  	s5 =	simm.s32 $0x0;
	p2 =	por !p2, p1  }
0x22b: {  	s7 =	simm.s32 $0xFFFFFFFF;
	s5 =	simm.s32 @p2 $0xFFFFFFFF  }
0x22c: {  	s6 =	simm.s32 $0x1;
	s5 =	smov.u32 @p1 s7  }
.LBB2_50:
0x22d: {  	s7 =	smov.u32 s5;
	p1 =	sne.s32 s5, $0xFFFFFFFF  }
0x22e: {  	s4 =	sadd.s32 $0x1, s4;
	s5 =	smov.u32 s6;
	s6 =	sadd.s32 $0x1, s6  }
0x22f: {  	p2 =	sne.s32 s2, s6;
	v1 =	vld.msk @!p1 [tilespmem:s4+$0x0], $0x1;
	_ =	sdelay $0x4  }
0x230: {  	(v2sf) =	vpush @!p1 v1, $0x0;
	_ =	sdelay $0xe  }
.Ltmp42:
0x231: {  	s8 =	spop @!p1 (v2sf);
	(pc) =	sbr.rel @p2 .LBB2_50-.Ltmp42, $4  }
0x232: {  	p3 =	seq.s32 @!p1 s0, s8  }
0x233: {  	p3 =	por !p3, p1  }
0x234: {  	s5 =	simm.s32 @p3 $0xFFFFFFFF  }
0x235: {  	s5 =	smov.u32 @p1 s7  }
.LBB2_51:
0x236: {  	p1 =	seq.s32 s5, $0xFFFFFFFF  }
.Ltmp43:
0x237: {  	_ = 	snop;
	(pc) =	sbr.rel @p1 .LBB2_53-.Ltmp43, $1  }
0x238: {  	_ =	sdelay $0x3  }
0x239: {  	s0 =	sshll.u32 s3, $0x6  }
0x23a: {  	s0 =	sand.u32 $0x3FFFFFC0, s0  }
0x23b: {  	v0 =	vld [tilespmem:s0+$0xA138];
	_ =	sdelay $0x2  }
0x23c: {  	s4 =	sshll.u32 s5, $0x8  }
0x23d: {  	s4 =	sshra.s32 s4, $0x2  }
0x23e: {  	[tilespmem:s4+$0xA138] =	vst.add.f32.msk $0xffff, v0  }
0x23f: {  	v0 =	vld [tilespmem:s0+$0xA148];
	_ =	sdelay $0x4  }
0x240: {  	[tilespmem:s4+$0xA148] =	vst.add.f32.msk $0xffff, v0  }
0x241: {  	v0 =	vld [tilespmem:s0+$0xA158];
	_ =	sdelay $0x4  }
0x242: {  	[tilespmem:s4+$0xA158] =	vst.add.f32.msk $0xffff, v0  }
0x243: {  	v0 =	vld [tilespmem:s0+$0xA168]  }
.Ltmp44:
0x244: {  	_ = 	snop;
	(pc) =	sbr.rel .LBB2_54-.Ltmp44, $2  }
0x245: {  	_ =	sdelay $0x2  }
0x246: {  	[tilespmem:s4+$0xA168] =	vst.add.f32.msk $0xffff, v0  }
.LBB2_55:
0x247: {  	p1 =	slt.s32 s2, $0x1  }
.Ltmp45:
0x248: {  	_ = 	snop;
	(pc) =	sbr.rel @p1 .LBB2_59-.Ltmp45, $3  }
0x249: {  	_ =	sdelay $0x1  }
0x24a: {  	s0 =	simm.s32 $0x8  }
0x24b: {  	[sflag:s0] =	ssyncpa.u1 $0x1;
	s0 =	simm.s32 $0x0  }
0x24c: {  	s3 =	simm.s32 $0xA118  }
0x24d: {  	v0 =	vld.msk [tilespmem:s3+$0x0], $0x1;
	_ =	sdelay $0x4  }
0x24e: {  	(v2sf) =	vpush v0, $0x0;
	_ =	sdelay $0xe  }
0x24f: {  	s2 =	sadd.s32 $0xFFFFFFFF, s2;
	s4 =	spop (v2sf)  }
0x250: {  	p2 =	sne.s32 s2, $0x0;
	p1 =	sgt.u32 s4, $0xFFF8  }
.Ltmp46:
0x251: {  	s5 =	sand.u32 @!p1 $0xFFF8, s4;
	(pc) =	sbr.rel @!p2 .LBB2_58-.Ltmp46, $4  }
0x252: {  	s3 =	simm.s32 $0xA138;
	s4 =	sand.u32 @!p1 $0x7, s4;
	s5 =	sadd.s32 @!p1 s1, s5  }
0x253: {  	[hbm4b:s5+s4] =	stream.linear.scatter @!p1 [tilespmem:s3], [sflag:$0x7], $0x40, $0x38;
	[tilespmem:$0x1EF88] =	vst v63  }
0x254: {  	s5 =	simm.s32 $0x0  }
0x255: {  	s4 =	simm.s32 $0xA119;
	s5 =	simm.s32 @!p1 $0x100  }
.LBB2_57:
0x256: {  	v0 =	vld.msk [tilespmem:s4+$0x0], $0x1;
	s2 =	sadd.s32 $0xFFFFFFFF, s2;
	s0 =	sadd.s32 s0, s5  }
0x257: {  	p1 =	sne.s32 s2, $0x0;
	_ =	sdelay $0x3  }
0x258: {  	(v2sf) =	vpush v0, $0x0;
	_ =	sdelay $0xe  }
.Ltmp47:
0x259: {  	s6 =	spop (v2sf);
	(pc) =	sbr.rel @p1 .LBB2_57-.Ltmp47, $4  }
0x25a: {  	s5 =	simm.s32 $0x0;
	p2 =	sgt.u32 s6, $0xFFF8  }
0x25b: {  	s3 =	sadd.s32 $0x40, s3;
	s5 =	simm.s32 @!p2 $0x100;
	s7 =	sand.u32 @!p2 $0xFFF8, s6  }
0x25c: {  	s4 =	sadd.s32 $0x1, s4;
	s6 =	sand.u32 @!p2 $0x7, s6;
	s7 =	sadd.s32 @!p2 s1, s7  }
0x25d: {  	[hbm4b:s7+s6] =	stream.linear.scatter @!p2 [tilespmem:s3], [sflag:$0x7], $0x40, $0x38;
	[tilespmem:$0x1EF88] =	vst v63  }
.LBB2_58:
0x25e: {  	s0 =	sadd.s32 s0, s5  }
0x25f: {  	s0 =	sshrl.u32 s0, $0x2  }
.LBB2_59:
0x260: {  	s1 =	simm.s32 $0x7  }
0x261: {  	_ =	swait.ge [sflag:s1], s0  }
0x262: {  	s31 =	ssub.s32 $0x0, s0;
	[sflag:s1] =	ssyncset.done $0x0  }
0x263: {  	[sflag:s1] =	ssyncadd.s32 s31  }
0x264: {  	[sflag:s1] =	ssyncpa.u1 $0x1  }
.LBB2_60:
0x265: {  	_ =	sfence;
	s0 =	simm.s32 $0x1  }
0x266: {  	[sflag:s0] =	ssyncpa.u1 $0x1  }
0x267: {  	_ =	strace $0x90000056  }
0x268: {  	[bflag:$0x2] =	sbarrier.arrive $0xFFFF  }
0x269: {  	s0 =	rddreg [dreg:$0x3]  }
0x26a: {  	s0 =	sadd.s32 @!p0 $0x100000, s0  }
0x26b: {  	[sflag:s0] =	ssyncadd.tile.s32 @!p0 $0x1;
	_ =	shalt  }
.Lfunc_end2:
_tile_overlayer_lowered:
.L_overlay_start_2:
0x26c: {  	(tag) =	ssettag $0x2  }
0x26d: {  	s0 =	rddreg [dreg:$0x0];
	s2 =	stileid.u32  }
0x26e: {  	s1 =	rddreg [dreg:$0x1];
	p0 =	sne.s32 s2, $0x0  }
0x26f: {  	s3 =	rddreg [dreg:$0x2];
	[bflag:$0x3] =	sbarrier.arrive $0xFFFF;
	s2 =	simm.s32 @!p0 $0x1C01  }
0x270: {  	[timem:s3], [sflag:s2] =	dma.local @!p0 [hbm:s0], s1  }
0x271: {  	s0 =	simm.s32 @!p0 $0x1  }
0x272: {  	_ =	swait.ge @!p0 [sflag:s0], s1  }
0x273: {  	s1 =	ssub.s32 @!p0 $0x0, s1;
	[sflag:s0] =	ssyncset.done @!p0 $0x0  }
0x274: {  	[sflag:s0] =	ssyncadd.s32 @!p0 s1  }
0x275: {  	[bflag:$0x3] =	sbarrier.arrive $0xFFFF  }
0x276: {  	_ =	shalt  }

// kernel: scatter_offload_async_start.4
scs
__scs_entry_jumppad:
0x0: {  	(pc) =	sbr.rel $0x88, $3  }
0x1: {  	(tag) =	ssettag $0x0;
	lr =	simm.s32 $0x1  }
0x2: {  	[smem:$0x3F98] =	sst lr;
	_ =	strace $0xD0000000  }
0x3: {  	_ = 	snop  }
0x4: {  	_ = 	snop  }
0x5: {  	_ = 	snop  }
0x6: {  	_ = 	snop  }
0x7: {  	_ = 	snop  }
__scs_overlays_trampoline_lowered:
0x8: {  	[smem:$0x3FA7] =	sst s0  }
0x9: {  	[smem:$0x3FA8] =	sst s1  }
0xa: {  	[smem:$0x3FA9] =	sst s2  }
0xb: {  	[smem:$0x3FAA] =	sst s3  }
0xc: {  	[smem:$0x3FAB] =	sst s4  }
0xd: {  	[smem:$0x3FAC] =	sst s5  }
0xe: {  	[smem:$0x3FAD] =	sst s6  }
0xf: {  	[smem:$0x3FAE] =	sst s7  }
0x10: {  	[smem:$0x3FAF] =	sst s8  }
0x11: {  	[smem:$0x3FB0] =	sst s9;
	s0 =	simm.s32 @!p0 $0x0  }
0x12: {  	s1 =	sld [smem:$0x3F96];
	s0 =	simm.s32 @p0 $0x1  }
0x13: {  	[smem:$0x3FB1] =	sst s0;
	s0 =	simm.s32 @!p1 $0x0  }
0x14: {  	s2 =	sld [smem:$0x3F95];
	s0 =	simm.s32 @p1 $0x1  }
0x15: {  	[smem:$0x3FB2] =	sst s0;
	s0 =	simm.s32 @!p2 $0x0  }
0x16: {  	s3 =	sld [smem:$0x3FDB];
	s0 =	simm.s32 @p2 $0x1  }
0x17: {  	s4 =	simm.s32 $0x1BF5;
	[smem:$0x3FB4] =	sst s0  }
0x18: {  	s0 =	sld [smem:$0x3F97];
	_ =	swait.ge [sflag:s4], $0x0  }
0x19: {  	s7 =	sld [smem:$0x3F98]  }
0x1a: {  	s8 =	sadd.s32 $0xFFFFE003, lr  }
0x1b: {  	s9 =	sadd.s32 $0xFFFFFEF7, lr;
	s5 =	simm.s32 $0xFFFFFFFF;
	p2 =	slt.u32 s8, $0xFFFFF086  }
0x1c: {  	p1 =	slt.u32 s9, $0xF7A;
	s5 =	simm.s32 @!p2 $0x0  }
0x1d: {  	s5 =	simm.s32 @p1 $0x1;
	p0 =	seq.s32 s7, s2  }
0x1e: {  	s7 =	smul.u32 @!p0 $0xF7A, s2;
	p2 =	seq.s32 @!p0 s5, $0x0  }
0x1f: {  	s9 =	smul.u32 $0xF7A, s1;
	s8 =	simm.s32 @!p0 $0x1BF5;
	p2 =	por !p2, p0  }
0x20: {  	[sflag:s8] =	ssyncset.s32 @!p0 $0xFFFFF086;
	s6 =	sadd.s32 @!p0 s3, s7;
	s7 =	simm.s32 @!p0 $0x108  }
0x21: {  	s3 =	sadd.s32 s3, s9;
	s6 =	sadd.s32 @!p0 $0x88, s6;
	s7 =	simm.s32 @p2 $0x1082  }
0x22: {  	[simem:s7], [sflag:s8] =	dma.local @!p0 [hbm:s6], $0xF7A  }
0x23: {  	s9 =	sor.u32 $0xD0000000, s2;
	s6 =	simm.s32 $0x108;
	_ =	swait.ge @!p0 [sflag:s8], $0x0  }
0x24: {  	s3 =	sadd.s32 $0x88, s3;
	s6 =	simm.s32 @!p1 $0x1082;
	[sflag:s4] =	ssyncset.s32 $0xFFFFF086  }
0x25: {  	[simem:s6], [sflag:s4] =	dma.local [hbm:s3], $0xF7A  }
0x26: {  	[smem:$0x3F98] =	sst s1;
	(tag) =	ssettag s2;
	_ =	strace s9  }
0x27: {  	s1 =	sld [smem:$0x3FA8]  }
0x28: {  	s2 =	sld [smem:$0x3FA9]  }
0x29: {  	s4 =	sld [smem:$0x3FAB]  }
0x2a: {  	p0 =	seq.s32 s5, $0x0;
	s5 =	sld [smem:$0x3FAC]  }
0x2b: {  	s6 =	sld [smem:$0x3FAD]  }
0x2c: {  	s7 =	sld [smem:$0x3FAE]  }
0x2d: {  	s3 =	simm.s32 $0x108;
	s8 =	sld [smem:$0x3FAF]  }
0x2e: {  	s3 =	simm.s32 @!p0 $0x1082;
	s9 =	sld [smem:$0x3FB0]  }
0x2f: {  	lr =	sadd.s32 s0, s3;
	s0 =	sld [smem:$0x3FA7]  }
0x30: {  	s3 =	sld [smem:$0x3FAA]  }
0x31: {  	[smem:$0x3FB3] =	sst s10  }
0x32: {  	s10 =	sld [smem:$0x3FB1];
	_ =	sdelay $0x3  }
0x33: {  	p0 =	seq.s32 s10, $0x1;
	s10 =	sld [smem:$0x3FB3];
	_ =	sdelay $0x3  }
0x34: {  	[smem:$0x3FB3] =	sst s10  }
0x35: {  	s10 =	sld [smem:$0x3FB2];
	_ =	sdelay $0x3  }
0x36: {  	p1 =	seq.s32 s10, $0x1;
	s10 =	sld [smem:$0x3FB3];
	_ =	sdelay $0x3  }
0x37: {  	[smem:$0x3FB3] =	sst s10  }
0x38: {  	s10 =	sld [smem:$0x3FB4]  }
0x39: {  	_ = 	snop;
	(pc) =	sbr.ind lr, $3  }
0x3a: {  	_ = 	snop  }
0x3b: {  	_ = 	snop  }
0x3c: {  	p2 =	seq.s32 s10, $0x1;
	s10 =	sld [smem:$0x3FB3]  }
0x3d: {  	_ =	shalt  }
0x3e: {  	_ =	shalt  }
0x3f: {  	_ =	shalt  }
0x40: {  	_ =	shalt  }
0x41: {  	_ =	shalt  }
0x42: {  	_ =	shalt  }
0x43: {  	_ =	shalt  }
0x44: {  	_ =	shalt  }
0x45: {  	_ =	shalt  }
0x46: {  	_ =	shalt  }
0x47: {  	_ =	shalt  }
0x48: {  	_ =	shalt  }
0x49: {  	_ =	shalt  }
0x4a: {  	_ =	shalt  }
0x4b: {  	_ =	shalt  }
0x4c: {  	_ =	shalt  }
0x4d: {  	_ =	shalt  }
0x4e: {  	_ =	shalt  }
0x4f: {  	_ =	shalt  }
0x50: {  	_ =	shalt  }
0x51: {  	_ =	shalt  }
0x52: {  	_ =	shalt  }
0x53: {  	_ =	shalt  }
0x54: {  	_ =	shalt  }
0x55: {  	_ =	shalt  }
0x56: {  	_ =	shalt  }
0x57: {  	_ =	shalt  }
0x58: {  	_ =	shalt  }
0x59: {  	_ =	shalt  }
0x5a: {  	_ =	shalt  }
0x5b: {  	_ =	shalt  }
0x5c: {  	_ =	shalt  }
0x5d: {  	_ =	shalt  }
0x5e: {  	_ =	shalt  }
0x5f: {  	_ =	shalt  }
0x60: {  	_ =	shalt  }
0x61: {  	_ =	shalt  }
0x62: {  	_ =	shalt  }
0x63: {  	_ =	shalt  }
0x64: {  	_ =	shalt  }
0x65: {  	_ =	shalt  }
0x66: {  	_ =	shalt  }
0x67: {  	_ =	shalt  }
0x68: {  	_ =	shalt  }
0x69: {  	_ =	shalt  }
0x6a: {  	_ =	shalt  }
0x6b: {  	_ =	shalt  }
0x6c: {  	_ =	shalt  }
0x6d: {  	_ =	shalt  }
0x6e: {  	_ =	shalt  }
0x6f: {  	_ =	shalt  }
0x70: {  	_ =	shalt  }
0x71: {  	_ =	shalt  }
0x72: {  	_ =	shalt  }
0x73: {  	_ =	shalt  }
0x74: {  	_ =	shalt  }
0x75: {  	_ =	shalt  }
0x76: {  	_ =	shalt  }
0x77: {  	_ =	shalt  }
0x78: {  	_ =	shalt  }
0x79: {  	_ =	shalt  }
0x7a: {  	_ =	shalt  }
0x7b: {  	_ =	shalt  }
0x7c: {  	_ =	shalt  }
0x7d: {  	_ =	shalt  }
0x7e: {  	_ =	shalt  }
0x7f: {  	_ =	shalt  }
0x80: {  	_ =	shalt  }
0x81: {  	_ =	shalt  }
0x82: {  	_ =	shalt  }
0x83: {  	_ =	shalt  }
0x84: {  	_ =	shalt  }
0x85: {  	_ =	shalt  }
0x86: {  	_ =	shalt  }
0x87: {  	_ =	shalt  }
.Lfunc_end0:
.L_simem_size_0:
called_computation.4_lowered:
.L_overlay_start_0:
0x88: {  	s0 =	sld [smem:$0x3FD9]  }
0x89: {  	s1 =	sld [smem:$0x3FFE];
	_ =	sdelay $0x3  }
0x8a: {  	s0 =	sadd.s32 s1, s0  }
0x8b: {  	[smem:$0x3FBF] =	sst s0  }
0x8c: {  	_ = 	snop  }
0x8d: {  	(tm) =	ssettm $0x1  }
0x8e: {  	s15 =	sld [smem:$0x3FFB];
	_ =	sdelay $0x3  }
0x8f: {  	_ =	strace s15  }
0x90: {  	s0 =	sld [smem:$0x3FFC];
	_ =	sdelay $0x3  }
0x91: {  	_ =	strace s0  }
0x92: {  	s0 =	sld [smem:$0x3FFD];
	_ =	sdelay $0x3  }
0x93: {  	_ =	strace s0  }
0x94: {  	_ =	strace $0x8FFFFFFF  }
0x95: {  	s16 =	sld [smem:$0x3FDB];
	_ =	sdelay $0x1  }
0x96: {  	s17 =	simm.s32 $_scs_section_size  }
0x97: {  	s2 =	simm.s32 $_size__tile_overlayer_lowered;
	s3 =	simm.s32 $_tile_overlayer_lowered  }
0x98: {  	s20 =	simm.s32 $0x1BFF;
	s19 =	sshll.u32 s3, $0x1;
	s0 =	sadd.s32 s17, s16  }
0x99: {  	s4 =	simm.s32 $0x0;
	s18 =	sshll.u32 s2, $0x1;
	s2 =	sadd.s32 s19, s0  }
0x9a: {  	[timem:s4], [sflag:s20] =	dma.local [hbm:s2], s18  }
0x9b: {  	_ =	swait.ge [sflag:s20], s18  }
0x9c: {  	s1 =	ssub.s32 $0x0, s18;
	[sflag:s20] =	ssyncset.done $0x0  }
0x9d: {  	[sflag:s20] =	ssyncadd.s32 s1;
	_ =	sdelay $0x1  }
0x9e: {  	s21 =	simm.s32 $0x1B8B  }
0x9f: {  	_ =	swait.ge [sflag:s21], $0x1  }
0xa0: {  	[sflag:s21] =	ssyncset.done $0x0  }
0xa1: {  	s23 =	simm.s32 $0x1B8E;
	s22 =	sld [smem:$0x3FFE];
	[sflag:s21] =	ssyncadd.s32 $0xFFFFFFFF  }
0xa2: {  	s24 =	simm.s32 $execute0_lowered;
	[smem:$0x3FD2] =	sst s23  }
0xa3: {  	s2 =	sshll.u32 s24, $0x1;
	_ =	strace $0x80000052;
	[dreg:$0x1] =	wrdreg $0xFFFFFFFF  }
0xa4: {  	s25 =	simm.s32 $_size_execute0_lowered;
	s0 =	sadd.s32 s0, s2;
	[dreg:$0x0] =	wrdreg $0x0  }
0xa5: {  	s2 =	sshll.u32 s25, $0x1;
	[dreg:$0x2] =	wrdreg s0  }
0xa6: {  	[dreg:$0x3] =	wrdreg s2  }
0xa7: {  	[dreg:$0x4] =	wrdreg $0xC0  }
0xa8: {  	_ =	task [dreg:s4], $0x5FFFF  }
0xa9: {  	[dreg:$0x1] =	wrdreg $0xFFFFFFFF  }
0xaa: {  	[dreg:$0x0] =	wrdreg $0x60  }
0xab: {  	[dreg:$0x2] =	wrdreg s22  }
0xac: {  	[dreg:$0x3] =	wrdreg $0xA  }
0xad: {  	_ =	task.clear_ibuf [dreg:s4], $0x4FFFF;
	_ =	strace $0x90000052  }
0xae: {  	s26 =	simm.s32 $0xA;
	_ =	strace $0x80000054  }
0xaf: {  	_ =	swait.ge [sflag:s26], $0x1  }
0xb0: {  	[sflag:s26] =	ssyncadd.s32 $0xFFFFFFFF  }
0xb1: {  	_ =	strace $0x90000054  }
0xb2: {  	_ =	sfence  }
0xb3: {  	s28 =	sld [smem:$0x0];
	_ =	sdelay $0x1  }
0xb4: {  	s29 =	srdreg.scid  }
0xb5: {  	s30 =	sshll.u32 s29, $0xD;
	s31 =	sshrl.u32 s29, $0x2  }
0xb6: {  	s1 =	sand.u32 $0x1, s29;
	s2 =	sand.u32 $0x4000, s30;
	s0 =	sadd.s32 s31, s28  }
0xb7: {  	s1 =	sor.u32 s2, s1;
	s0 =	sshll.u32 s0, $0x11  }
0xb8: {  	s0 =	sor.u32 s0, s1  }
0xb9: {  	s0 =	sadd.s32 $0x8F2B, s0  }
0xba: {  	[sflag:s0] =	ssyncadd.remote.s32 $0x1  }
0xbb: {  	_ =	sfence.sel $0xFFFF  }
0xbc: {  	[dreg:$0x0] =	wrdreg $0xFFFFFFFF;
	(pc) =	sbr.abs _section_cstart, $3  }
0xbd: {  	[dreg:$0x1] =	wrdreg $0xFFFFFFFF  }
0xbe: {  	_ =	task.clear_ibuf [dreg:s4], $0x2FFFF;
	_ =	strace $0x9FFFFFFF  }
0xbf: {  	(tm) =	ssettm $0x7FFFFFFF  }
tec
execute0_lowered:
.L_overlay_start_1:
0x0: {  	(tag) =	ssettag $0x1  }
0x1: {  	s0 =	rddreg [dreg:$0x0];
	_ =	strace $0x80000053;
	s2 =	simm.s32 $0x1  }
0x2: {  	v1 =	vimm.s32 $0xFFFFFFFF;
	[sflag:s2] =	ssyncpa.u1 $0x0  }
0x3: {  	[tilespmem:$0x10] =	vst v1  }
0x4: {  	v0 =	vimm.f32 $0.0e+00;
	[tilespmem:$0x20] =	vst v1  }
0x5: {  	[tilespmem:$0x30] =	vst v0  }
0x6: {  	[tilespmem:$0x40] =	vst v0  }
0x7: {  	s30 =	simm.s32 $0x2;
	s3 =	stileid.u32;
	s6 =	simm.s32 $0x7;
	[tilespmem:$0x50] =	vst v0  }
0x8: {  	s8 =	simm.s32 $0x8;
	s31 =	simm.s32 $0x9;
	s14 =	simm.s32 $0x0;
	[tilespmem:$0x60] =	vst v1  }
0x9: {  	s15 =	simm.s32 $0x60F0;
	s16 =	simm.s32 $0xF0;
	p0 =	por $0x0, $0x0;
	[tilespmem:$0x70] =	vst v1  }
0xa: {  	s17 =	simm.s32 $0xFFFFC100;
	s18 =	simm.s32 $0xFFFFFFFE;
	s19 =	simm.s32 $0xF;
	[tilespmem:$0x80] =	vst v1  }
0xb: {  	s20 =	simm.s32 $0x30;
	s23 =	simm.s32 $0x0;
	s21 =	simm.s32 $0x0;
	v1 =	vimm.s32 $0x0;
	[tilespmem:$0xB0] =	vst v0  }
.Ltmp0:
0xc: {  	s1 =	sadd.s32 $0x29AC00, s0;
	s4 =	sadd.s32 $0x1400, s0;
	[tilespmem:$0x90] =	vst v1;
	(pc) =	sbr.rel .LBB2_1-.Ltmp0, $4  }
0xd: {  	s5 =	sadd.s32 $0x5AC00, s0;
	s7 =	sshll.u32 s3, $0xE;
	[tilespmem:$0xA0] =	vst v1;
	[sflag:s30] =	ssyncpa.u1 $0x0  }
0xe: {  	s9 =	sshll.u32 s3, $0x1;
	s12 =	sshllo.u32 s3, $0x1;
	[sflag:s6] =	ssyncpa.u1 $0x0  }
0xf: {  	vm0 =	vmmov $0xffff;
	v2 =	vlaneseq.u32;
	s10 =	sadd.s32 $0x4000, s7;
	s11 =	sor.u32 $0x81, s9;
	[sflag:s8] =	ssyncpa.u1 $0x0  }
0x10: {  	vm1 =	vmxor vm1, vm1;
	vm2 =	vmmov $0x1;
	vm3 =	vcmask $0x3F3C;
	s13 =	sor.u32 $0x80, s9;
	s22 =	smov.u32 s7;
	[sflag:s31] =	ssyncpa.u1 $0x0  }
.LBB2_10:
0x11: {  	p1 =	slt.u32 s21, $0x3  }
0x12: {  	s0 =	simm.s32 @!p1 $0x2  }
0x13: {  	_ =	swait.ge @!p1 [sflag:s0], $0x2000  }
0x14: {  	[sflag:s0] =	ssyncset.done @!p1 $0x0  }
0x15: {  	[sflag:s0] =	ssyncadd.s32 @!p1 $0xFFFFE000;
	s0 =	simm.s32 @!p1 $0x9  }
0x16: {  	_ =	swait.ge @!p1 [sflag:s0], $0x10  }
0x17: {  	s21 =	sadd.s32 $0x1, s21;
	[sflag:s0] =	ssyncset.done @!p1 $0x0  }
0x18: {  	[sflag:s0] =	ssyncadd.s32 @!p1 $0xFFFFFFF0;
	p1 =	sne.s32 s21, $0x5  }
.Ltmp1:
0x19: {  	_ = 	snop;
	(pc) =	sbr.rel @!p1 .LBB2_11-.Ltmp1, $4  }
0x1a: {  	s23 =	sadd.s32 $0x2000, s22;
	s24 =	smov.u32 s7  }
0x1b: {  	s15 =	sadd.s32 $0x2000, s15;
	s16 =	sadd.s32 $0x2000, s16;
	p2 =	slt.s32 s23, s10  }
0x1c: {  	p0 =	por !p0, !p0;
	s17 =	sadd.s32 $0x2000, s17;
	s24 =	smov.u32 @p2 s23  }
0x1d: {  	s18 =	sadd.s32 $0x1, s18;
	s23 =	smov.u32 s22;
	s22 =	smov.u32 s24  }
.LBB2_1:
0x1e: {  	p1 =	sgt.u32 s21, $0x1  }
0x1f: {  	s0 =	sshll.u32 @!p1 s21, $0xD  }
0x20: {  	s24 =	sshrl.u32 @!p1 s22, $0x3;
	s0 =	sand.u32 @!p1 $0x3FFFE000, s0  }
0x21: {  	s25 =	sand.u32 @!p1 $0x7, s22;
	s24 =	sadd.s32 @!p1 s4, s24;
	s0 =	sor.u32 @!p1 $0x100, s0  }
0x22: {  	[tilespmem:s0], [sflag:$0x7] =	stream.linear.gather @!p1 [hbm4b:s24+s25], $0x2000, $0x38;
	[tilespmem:$0x12120] =	vst v63  }
0x23: {  	s0 =	sadd.s32 $0xFFFFFFFF, s21  }
0x24: {  	p1 =	sgt.u32 s0, $0x1  }
.Ltmp2:
0x25: {  	_ = 	snop;
	(pc) =	sbr.rel @p1 .LBB2_5-.Ltmp2, $1  }
0x26: {  	_ =	sdelay $0x3  }
0x27: {  	_ =	swait.ge [sflag:s6], $0x2000;
	s24 =	sshll.u32 s0, $0xD  }
0x28: {  	[sflag:s6] =	ssyncset.done $0x0;
	s0 =	sor.u32 $0x100, s24  }
0x29: {  	[sflag:s6] =	ssyncadd.s32 $0xFFFFE000;
	(ifvalue) =	ssetifvalue $0xFFFFFFFF;
	v3 =	vld.msk [tilespmem:s0+$0x0 ss:$0x1], $0xffff;
	_ =	sdelay $0x2  }
0x2a: {  	p1 =	sne.s32 s21, $0x1  }
0x2b: {  	v4 =	vimm.s32 @!p1 $0x0  }
0x2c: {  	v4 =	vperm.xlane @!p1 v3, v4  }
0x2d: {  	s31 =	sshll.u32 s21, $0x4;
	vm4 =	vlt.u32 v3, $0x1000000  }
0x2e: {  	s0 =	sand.u32 $0x10, s31;
	v3 =	vnsel vm4, $0xFFFFFFFE, v3;
	vm4 =	vlt.u32 @!p1 v4, $0x1000000  }
0x2f: {  	[tilespmem:s0+$0x60] =	vst v3;
	v3 =	vnsel @!p1 vm4, $0xFFFFFFFE, v4  }
0x30: {  	[tilespmem:$0x80] =	vst @!p1 v3  }
0x31: {  	v3 =	vld.msk [tilespmem:s16+$0x0 ss:$0x1], $0xffff;
	_ =	sdelay $0x4  }
0x32: {  	(xrf1) =	vunique.msk.u32 $0xffff, v3;
	_ =	sdelay $0xd  }
0x33: {  	v4 =	vimm.s32 $0xFFFFFFFF;
	v5, _, _ =	vpop (xrf1)  }
0x34: {  	vm5 =	vne.s32 v3, v4;
	vm4 =	veq.s32 v5, v2  }
0x35: {  	vm6 =	vlt.u32 v3, $0x1000000;
	vm4 =	vmand vm5, vm4  }
0x36: {  	vm4 =	vmand vm6, vm4  }
0x37: {  	v4 =	vnsel vm4, $0xFFFFFFFF, v3;
	_ =	sdelay $0x3  }
0x38: {  	(ifvalue) =	ssetifvalue $0xFFFFFFFF  }
0x39: {  	v3 =	vperm.xlane v3, v1;
	[tilespmem:s15], [sflag:$0x8] =	stream.indirect_vreg.gather [hbm4b:s1+s14], $0x1, v4, vm0, $0x4038;
	v4 =	vnsel vm6, $0xFFFFFFFE, v4;
	[tilespmem:$0x12120] =	vst v63  }
0x3a: {  	s25 =	simm.s32 $0x0;
	s26 =	sadd.s32 $0xFFFFFFF0, s16;
	s0 =	smov.u32 s15;
	[tilespmem:s16+$0x0] =	vst v4  }
.LBB2_3:
0x3b: {  	v4 =	vld.msk [tilespmem:s26+$0x0 ss:$0x1], $0xffff;
	s25 =	sadd.s32 $0x10, s25;
	v5 =	vmov v3;
	s28 =	smov.u32 s26  }
0x3c: {  	p1 =	slt.u32 s25, $0x1FF0;
	_ =	sdelay $0x4  }
0x3d: {  	v3 =	vperm.xlane v4, v1;
	(xrf1) =	vunique.msk.u32 $0xffff, v4;
	_ =	sdelay $0xd  }
0x3e: {  	v6, _, _ =	vpop (xrf1)  }
0x3f: {  	vm5 =	vne.s32 v4, v5;
	vm4 =	veq.s32 v6, v2  }
0x40: {  	vm6 =	vlt.u32 v4, $0x1000000;
	vm4 =	vmand vm5, vm4  }
0x41: {  	vm4 =	vmand vm6, vm4  }
0x42: {  	v4 =	vnsel vm4, $0xFFFFFFFF, v4  }
.Ltmp3:
0x43: {  	v5 =	vnsel vm6, $0xFFFFFFFE, v4;
	(pc) =	sbr.rel @p1 .LBB2_3-.Ltmp3, $3  }
0x44: {  	_ =	sdelay $0x1  }
0x45: {  	s26 =	sadd.s32 $0xFFFFFFF0, s26;
	s0 =	sadd.s32 $0xFFFFFFF0, s0;
	(ifvalue) =	ssetifvalue $0xFFFFFFFF  }
0x46: {  	[tilespmem:s0], [sflag:$0x8] =	stream.indirect_vreg.gather [hbm4b:s1+s14], $0x1, v4, vm0, $0x4038;
	[tilespmem:s28+$0x0] =	vst v5  }
0x47: {  	s0 =	sshrl.u32 s23, $0x3  }
0x48: {  	s31 =	sadd.s32 $0xA100, s24;
	s0 =	sadd.s32 s5, s0  }
0x49: {  	[tilespmem:s31], [sflag:$0x8] =	stream.linear.gather [hbm:s0], $0x2000, $0x38;
	[tilespmem:$0x12120] =	vst v63  }
.LBB2_5:
0x4a: {  	p1 =	sgt.u32 s21, $0x4  }
.Ltmp4:
0x4b: {  	_ = 	snop;
	(pc) =	sbr.rel @p1 .LBB2_7-.Ltmp4, $1  }
0x4c: {  	_ =	sdelay $0x3  }
0x4d: {  	s0 =	sshll.u32 s2, s21  }
0x4e: {  	s0 =	sand.u32 $0x13, s0  }
0x4f: {  	p1 =	sne.s32 s0, $0x0  }
.Ltmp5:
0x50: {  	_ = 	snop;
	(pc) =	sbr.rel @p1 .LBB2_10-.Ltmp5, $1  }
0x51: {  	_ =	sdelay $0x3  }
.LBB2_7:
0x52: {  	s0 =	sadd.s32 $0xFFFFFFFE, s21  }
0x53: {  	s23 =	smulhi.u32 $0xAAAAAAAB, s0;
	_ =	sdelay $0x1  }
0x54: {  	s23 =	sshrl.u32 s23, $0x1  }
0x55: {  	s23 =	smul.u32 $0x3, s23;
	_ =	sdelay $0x1  }
0x56: {  	_ =	swait.ge [sflag:s8], $0x4000;
	s0 =	ssub.s32 s0, s23  }
0x57: {  	p1 =	sne.s32 s21, $0x3;
	[sflag:s8] =	ssyncset.done $0x0;
	s0 =	sshll.u32 s0, $0xD  }
0x58: {  	[sflag:s8] =	ssyncadd.s32 $0xFFFFC000;
	s23 =	sadd.s32 @!p1 $0x20FF, s0  }
0x59: {  	[spmem:s11] =	stream.linear.scatter @!p1 [tilespmem:s23], [sflag:$0x1], $0x1, $0x38;
	[tilespmem:$0x12120] =	vst v63  }
0x5a: {  	s23 =	simm.s32 @!p1 $0x1  }
0x5b: {  	_ =	swait.ge @!p1 [sflag:s23], $0x1  }
0x5c: {  	s24 =	sshll.u32 s21, $0x4;
	[sflag:s23] =	ssyncset.done @!p1 $0x0  }
0x5d: {  	[sflag:s23] =	ssyncadd.s32 @!p1 $0xFFFFFFFF;
	s23 =	sand.u32 $0x10, s24  }
0x5e: {  	v4 =	vld [tilespmem:s23+$0x10];
	s29 =	sxor.u32 $0x10, s23  }
0x5f: {  	v5 =	vld [tilespmem:s29+$0x60]  }
0x60: {  	v3 =	vld [tilespmem:$0x80];
	_ =	sdelay $0x2  }
0x61: {  	(v2sf) =	vpush v4, $0x0  }
0x62: {  	(v2sf) =	vpush v5, $0x0  }
0x63: {  	(v2sf) =	vpush v3, $0x0;
	_ =	sdelay $0xc  }
0x64: {  	s24 =	spop (v2sf)  }
0x65: {  	s26 =	spop (v2sf)  }
0x66: {  	s25 =	spop (v2sf)  }
0x67: {  	p2 =	seq.s32 s24, s26;
	p3 =	seq.s32 s25, s24  }
0x68: {  	p3 =	por p2, p3  }
0x69: {  	v4 =	vpsel p3, $0xFFFFFFFF, v4  }
0x6a: {  	s24 =	sand.u32 $0x1, s21;
	[tilespmem:s23+$0x10] =	vst.msk $0x1, v4  }
0x6b: {  	s26 =	sshll.u32 s24, $0xD;
	v4 =	vld [tilespmem:$0x30]  }
0x6c: {  	v5 =	vld [tilespmem:s26+$0xA100]  }
0x6d: {  	v6 =	vld [tilespmem:s23+$0x40];
	_ =	sdelay $0x3  }
0x6e: {  	vm4 =	vmmov vm1;
	v5 =	vadd.f32 v5, v4  }
0x6f: {  	vm5 =	vmmov vm2;
	vm4 =	vmmov @p2 vm2;
	s24 =	sshll.u32 s24, $0x4;
	v4 =	vadd.f32 v6, v4  }
0x70: {  	vm5 =	vmmov @p3 vm1;
	s24 =	sor.u32 $0x12100, s24;
	[tilespmem:s26+$0xA100] =	vst.msk vm4, v5  }
0x71: {  	[tilespmem:s24+$0x0] =	vst.msk vm5, v4  }
0x72: {  	v4 =	vld [tilespmem:s26+$0x80F0];
	_ =	sdelay $0x3  }
0x73: {  	v5 =	vimm.f32 $0.0e+00  }
0x74: {  	v4 =	vshift.insert v4, v5, s19  }
0x75: {  	s28 =	sor.u32 $0x40, s29  }
0x76: {  	[tilespmem:s28+$0x0] =	vst.msk $0x1, v4  }
0x77: {  	[tilespmem:s26+$0x80FF] =	vst.msk $0x1, v5  }
0x78: {  	v4 =	vld [tilespmem:s0+$0x20F0];
	_ =	sdelay $0x1  }
0x79: {  	s0 =	smulhi.u32 $0xAAAAAAAB, s18;
	_ =	sdelay $0x1  }
0x7a: {  	s28 =	simm.s32 $0x1;
	s0 =	sshrl.u32 s0, $0x1  }
0x7b: {  	s28 =	simm.s32 @!p0 $0x0;
	s0 =	smul.u32 $0xFFFE8000, s0;
	v4 =	vshift.insert v4, v1, s19  }
0x7c: {  	s30 =	sshll.u32 s28, $0xD  }
0x7d: {  	s28 =	sadd.s32 $0xA100, s30;
	s0 =	sshra.s32 s0, $0x2;
	[tilespmem:s29+$0x10] =	vst.msk $0x1, v4  }
0x7e: {  	s0 =	sadd.s32 s0, s17;
	v6 =	vld [tilespmem:s28+$0x0]  }
0x7f: {  	v7 =	vld [tilespmem:s0+$0x0];
	_ =	sdelay $0x3  }
0x80: {  	v5 =	vadd.f32 v6, v5  }
0x81: {  	vm4 =	vne.s32 v7, $0xFFFFFFFF  }
0x82: {  	(xrf2) =	vadd.seg.scan.f32 vm4, v5;
	_ =	sdelay $0x3  }
0x83: {  	s29 =	sadd.s32 $0x6100, s30;
	v5 =	vperm.xlane v4, v1  }
0x84: {  	v6 =	vld [tilespmem:s29+$0x0]  }
0x85: {  	vm5 =	veq.s32 v7, v3;
	vm6 =	veq.s32 v7, v5  }
0x86: {  	vm7 =	vgt.u32 v7, $0xFFFFFFFD;
	vm6 =	vmor vm6, vm5  }
0x87: {  	vm6 =	vmor vm6, vm7  }
0x88: {  	v9 =	vld [tilespmem:$0xA0];
	v7 =	vsel vm6, $0xFFFFFFFF, v7  }
0x89: {  	v10 =	vld [tilespmem:$0x90];
	v6 =	vsel vm5, $0x0, v6;
	v8, _, _ =	vpop (xrf2)  }
0x8a: {  	v6 =	vadd.f32 v8, v6  }
0x8b: {  	s30 =	sadd.s32 $0xE100, s30  }
0x8c: {  	vm4 =	vmand vm4, vm3;
	[tilespmem:s30+$0x0] =	vst v6;
	(ifvalue) =	ssetifvalue $0xFFFFFFFF  }
0x8d: {  	vm6 =	veq.s32 v9, $0x1;
	[hbm4b:s1+s14] =	stream.indirect_vreg.scatter [tilespmem:s30], [sflag:$0x2], $0x1, v7, vm0, $0x4038;
	v7 =	vsel vm4, $0x0, v8;
	[tilespmem:$0x12120] =	vst v63  }
0x8e: {  	s31 =	simm.s32 $0x0;
	s0 =	sadd.s32 $0x10, s0;
	vm4 =	vmor vm6, vm5;
	v6 =	vsel vm5, v8, v10;
	v7 =	vshift.insert v7, v0, s19  }
.LBB2_8:
0x8f: {  	v8 =	vld [tilespmem:s0+$0x0];
	s28 =	sadd.s32 $0x10, s28  }
0x90: {  	s29 =	sadd.s32 $0x10, s29;
	v9 =	vld [tilespmem:s28+$0x0]  }
0x91: {  	s31 =	sadd.s32 $0x10, s31;
	v10 =	vld [tilespmem:s29+$0x0]  }
0x92: {  	p2 =	slt.u32 s31, $0x1FF0;
	_ =	sdelay $0x2  }
0x93: {  	v7 =	vadd.f32 v9, v7  }
0x94: {  	vm5 =	vne.s32 v8, $0xFFFFFFFF  }
0x95: {  	vm6 =	vmand vm5, vm3;
	(xrf2) =	vadd.seg.scan.f32 vm5, v7;
	_ =	sdelay $0x5  }
0x96: {  	vm7 =	veq.s32 v8, v5;
	vm5 =	veq.s32 v8, v3  }
0x97: {  	vm8 =	vgt.u32 v8, $0xFFFFFFFD;
	vm4 =	vmor vm4, vm5;
	vm7 =	vmor vm7, vm5  }
0x98: {  	vm7 =	vmor vm7, vm8  }
0x99: {  	v8 =	vsel vm7, $0xFFFFFFFF, v8  }
.Ltmp6:
0x9a: {  	v7 =	vsel vm5, $0x0, v10;
	v9, _, _ =	vpop (xrf2);
	(pc) =	sbr.rel @p2 .LBB2_8-.Ltmp6, $4  }
0x9b: {  	v6 =	vsel vm5, v9, v6;
	v10 =	vadd.f32 v9, v7;
	v7 =	vsel vm6, $0x0, v9  }
0x9c: {  	s30 =	sadd.s32 $0x10, s30;
	v7 =	vshift.insert v7, v0, s19  }
0x9d: {  	s0 =	sadd.s32 $0x10, s0;
	[tilespmem:s30+$0x0] =	vst v10;
	(ifvalue) =	ssetifvalue $0xFFFFFFFF  }
0x9e: {  	[hbm4b:s1+s14] =	stream.indirect_vreg.scatter [tilespmem:s30], [sflag:$0x2], $0x1, v8, vm0, $0x4038;
	[tilespmem:$0x12120] =	vst v63  }
0x9f: {  	v3 =	vld [tilespmem:s26+$0x100F0];
	_ =	sdelay $0x4  }
0xa0: {  	v3 =	vshift.insert v3, v0, s19;
	_ =	sdelay $0x1  }
0xa1: {  	[tilespmem:s20+$0x0] =	vst.msk $0x1, v3  }
0xa2: {  	v3 =	vsel vm4, $0x1, v1;
	[tilespmem:$0x90] =	vst v6  }
0xa3: {  	s0 =	sadd.s32 @!p1 $0x100FF, s26;
	[tilespmem:$0xA0] =	vst v3  }
0xa4: {  	[spmem:s12] =	stream.linear.scatter @!p1 [tilespmem:s0], [sflag:$0x1], $0x1, $0x38;
	[tilespmem:$0x12120] =	vst v63  }
0xa5: {  	s0 =	simm.s32 @!p1 $0x1  }
0xa6: {  	v3 =	vmctz.xlane @!p1 vm4;
	_ =	swait.ge @!p1 [sflag:s0], $0x1  }
0xa7: {  	(v2sf) =	vpush @!p1 v4, $0x0  }
0xa8: {  	(v2sf) =	vpush @!p1 v3, $0x0;
	_ =	sdelay $0xd  }
0xa9: {  	s26 =	spop @!p1 (v2sf)  }
0xaa: {  	s28 =	spop @!p1 (v2sf)  }
0xab: {  	p2 =	sne.s32 @!p1 s25, s26;
	p3 =	slt.s32 @!p1 s28, $0xF  }
0xac: {  	[sflag:s0] =	ssyncset.done @!p1 $0x0;
	p2 =	por p2, p1;
	p3 =	por !p3, p1  }
0xad: {  	[sflag:s0] =	ssyncadd.s32 @!p1 $0xFFFFFFFF;
	v3 =	vimm.s32 @!p2 $0xFFFFFFFF;
	s28 =	simm.s32 @p3 $0xF  }
0xae: {  	[tilespmem:$0x80] =	vst @!p2 v3;
	s25 =	sadd.s32 @!p1 $0x90, s28  }
0xaf: {  	[spmem:s9] =	stream.linear.scatter @!p1 [tilespmem:s25], [sflag:$0x1], $0x1, $0x38;
	[tilespmem:$0x12120] =	vst v63  }
0xb0: {  	_ =	swait.ge @!p1 [sflag:s0], $0x1  }
0xb1: {  	[sflag:s0] =	ssyncset.done @!p1 $0x0  }
0xb2: {  	s25 =	simm.s32 @!p1 $0x80;
	[sflag:s0] =	ssyncadd.s32 @!p1 $0xFFFFFFFF  }
0xb3: {  	[spmem:s13] =	stream.linear.scatter @!p1 [tilespmem:s25], [sflag:$0x1], $0x1, $0x38;
	[tilespmem:$0x12120] =	vst v63  }
0xb4: {  	_ =	swait.ge @!p1 [sflag:s0], $0x1  }
0xb5: {  	[sflag:s0] =	ssyncset.done @!p1 $0x0  }
0xb6: {  	[sflag:s0] =	ssyncadd.s32 @!p1 $0xFFFFFFFF;
	(ifvalue) =	ssetifvalue $0xFFFFFFFF;
	v3 =	vld [tilespmem:s23+$0x10];
	_ =	sdelay $0x3  }
.Ltmp7:
0xb7: {  	_ = 	snop;
	(pc) =	sbr.rel .LBB2_10-.Ltmp7, $3  }
0xb8: {  	_ =	sdelay $0x1  }
0xb9: {  	(ifvalue) =	ssetifvalue $0xFFFFFFFF  }
0xba: {  	[hbm4b:s1+s14] =	stream.indirect_vreg.scatter [tilespmem:s24], [sflag:$0x9], $0x1, v3, vm0, $0x4038;
	[tilespmem:$0x12120] =	vst v63  }
.LBB2_11:
0xbb: {  	_ =	sfence.sel $0x180000  }
0xbc: {  	s0 =	simm.s32 $0x7;
	[bflag:$0x0] =	sbarrier.arrive $0xFFFF  }
0xbd: {  	s26 =	simm.s32 $0x8;
	[sflag:s0] =	ssyncpa.u1 $0x1  }
0xbe: {  	s28 =	simm.s32 $0x9;
	[sflag:s26] =	ssyncpa.u1 $0x1  }
0xbf: {  	[sflag:s28] =	ssyncpa.u1 $0x1  }
0xc0: {  	_ =	sfence.stream.spmem  }
0xc1: {  	s29 =	simm.s32 $0x3;
	[bflag:$0x0] =	sbarrier.arrive $0xFFFF  }
0xc2: {  	s30 =	simm.s32 $0x4;
	[sflag:s29] =	ssyncpa.u1 $0x1  }
0xc3: {  	s31 =	simm.s32 $0x3C;
	[sflag:s30] =	ssyncpa.u1 $0x1  }
0xc4: {  	p0 =	sne.s32 s3, $0x0;
	[sflag:s31] =	ssyncpa.u1 $0x1  }
0xc5: {  	s0 =	simm.s32 @p0 $0x1;
	_ =	sfence @p0  }
0xc6: {  	[sflag:s0] =	ssyncpa.u1 @p0 $0x1;
	s0 =	simm.s32 @p0 $0x2  }
0xc7: {  	[sflag:s0] =	ssyncpa.u1 @p0 $0x1  }
0xc8: {  	_ =	strace @p0 $0x90000053  }
0xc9: {  	[bflag:$0x2] =	sbarrier.arrive @p0 $0xFFFF  }
0xca: {  	_ =	shalt @p0  }
.LBB2_12:
0xcb: {  	_ =	sfence.stream.spmem;
	s0 =	simm.s32 $0x5  }
0xcc: {  	s2 =	simm.s32 $0x80;
	s3 =	simm.s32 $0xC0;
	[sflag:s0] =	ssyncpa.u1 $0x0  }
0xcd: {  	[tilespmem:s3], [sflag:$0x5] =	stream.linear.gather [spmem:s2], $0x20, $0x38;
	[tilespmem:$0x12120] =	vst v63  }
0xce: {  	s2 =	simm.s32 $0x0;
	s3 =	simm.s32 $0xE0  }
0xcf: {  	[tilespmem:s3], [sflag:$0x5] =	stream.linear.gather [spmem:s2], $0x20, $0x38;
	[tilespmem:$0x12120] =	vst v63  }
.Ltmp8:
0xd0: {  	_ = 	snop;
	(pc) =	sbr.rel .LBB2_13-.Ltmp8, $4  }
0xd1: {  	_ =	swait.ge [sflag:s0], $0x40  }
0xd2: {  	[sflag:s0] =	ssyncset.done $0x0  }
0xd3: {  	s31 =	simm.s32 $0x6;
	[sflag:s0] =	ssyncadd.s32 $0xFFFFFFC0  }
0xd4: {  	s4 =	simm.s32 $0x0;
	[sflag:s31] =	ssyncpa.u1 $0x0  }
.LBB2_18:
0xd5: {  	p0 =	sgt.u32 s5, $0xFFFFFF  }
0xd6: {  	s0 =	sshrl.u32 @!p0 s5, $0x3  }
0xd7: {  	s5 =	sand.u32 @!p0 $0x7, s5;
	s6 =	simm.s32 @!p0 $0xB0;
	s0 =	sadd.s32 @!p0 s1, s0  }
0xd8: {  	[tilespmem:s6], [sflag:$0x6] =	stream.linear.gather @!p0 [hbm4b:s0+s5], $0x1, $0x38;
	[tilespmem:$0x12120] =	vst v63  }
0xd9: {  	s0 =	simm.s32 @!p0 $0x6  }
0xda: {  	_ =	swait.ge @!p0 [sflag:s0], $0x1  }
0xdb: {  	[sflag:s0] =	ssyncset.done @!p0 $0x0  }
0xdc: {  	[sflag:s0] =	ssyncadd.s32 @!p0 $0xFFFFFFFF  }
0xdd: {  	v2 =	vmov @!p0 s4;
	v1 =	vld.msk @!p0 [tilespmem:$0xB0], $0x1;
	_ =	sdelay $0x3  }
0xde: {  	s0 =	simm.s32 @!p0 $0xE0  }
0xdf: {  	[tilespmem:v2+s0+$0x0], v1 =	vst.idx.ret.add.f32.msk @!p0 $0x1, v1  }
0xe0: {  	[tilespmem:s2+$0xC0] =	vst.msk $0x1, v0  }
0xe1: {  	v0 =	vld.msk [tilespmem:s4+$0xE0], $0x1;
	_ =	sdelay $0x4  }
0xe2: {  	[tilespmem:s2+$0xE0] =	vst.msk $0x1, v0;
	s2 =	sadd.s32 $0x1, s2  }
.LBB2_20:
0xe3: {  	s4 =	sadd.s32 $0x1, s4  }
0xe4: {  	p0 =	sne.s32 s4, $0x20  }
.Ltmp9:
0xe5: {  	_ = 	snop;
	(pc) =	sbr.rel @!p0 .LBB2_21-.Ltmp9, $1  }
0xe6: {  	_ =	sdelay $0x3  }
.LBB2_13:
0xe7: {  	v0 =	vld.msk [tilespmem:s4+$0xC0], $0x1;
	_ =	sdelay $0x4  }
0xe8: {  	(v2sf) =	vpush v0, $0x0;
	_ =	sdelay $0xe  }
0xe9: {  	s5 =	spop (v2sf)  }
0xea: {  	p0 =	seq.s32 s5, $0xFFFFFFFF  }
.Ltmp10:
0xeb: {  	_ = 	snop;
	(pc) =	sbr.rel @p0 .LBB2_20-.Ltmp10, $1  }
0xec: {  	_ =	sdelay $0x3  }
0xed: {  	p0 =	slt.s32 s2, $0x1  }
.Ltmp11:
0xee: {  	_ = 	snop;
	(pc) =	sbr.rel @p0 .LBB2_18-.Ltmp11, $1  }
0xef: {  	_ =	sdelay $0x3  }
0xf0: {  	s6 =	simm.s32 $0xC0;
	p0 =	por $0x0, $0x0  }
0xf1: {  	v1 =	vld.msk @!p0 [tilespmem:s6+$0x0], $0x1;
	_ =	sdelay $0x4  }
0xf2: {  	(v2sf) =	vpush @!p0 v1, $0x0;
	_ =	sdelay $0xd  }
0xf3: {  	p2 =	sne.s32 s2, $0x1  }
.Ltmp12:
0xf4: {  	s0 =	spop @!p0 (v2sf);
	(pc) =	sbr.rel @!p2 .LBB2_17-.Ltmp12, $4  }
0xf5: {  	p1 =	seq.s32 @!p0 s5, s0  }
0xf6: {  	s0 =	simm.s32 $0x0;
	p1 =	por !p1, p0  }
0xf7: {  	s8 =	simm.s32 $0xFFFFFFFF;
	s0 =	simm.s32 @p1 $0xFFFFFFFF  }
0xf8: {  	s7 =	simm.s32 $0x1;
	s0 =	smov.u32 @p0 s8  }
.LBB2_16:
0xf9: {  	s8 =	smov.u32 s0;
	p0 =	sne.s32 s0, $0xFFFFFFFF  }
0xfa: {  	s6 =	sadd.s32 $0x1, s6;
	s0 =	smov.u32 s7;
	s7 =	sadd.s32 $0x1, s7  }
0xfb: {  	p1 =	sne.s32 s2, s7;
	v1 =	vld.msk @!p0 [tilespmem:s6+$0x0], $0x1;
	_ =	sdelay $0x4  }
0xfc: {  	(v2sf) =	vpush @!p0 v1, $0x0;
	_ =	sdelay $0xe  }
.Ltmp13:
0xfd: {  	s9 =	spop @!p0 (v2sf);
	(pc) =	sbr.rel @p1 .LBB2_16-.Ltmp13, $4  }
0xfe: {  	p2 =	seq.s32 @!p0 s5, s9  }
0xff: {  	p2 =	por !p2, p0  }
0x100: {  	s0 =	simm.s32 @p2 $0xFFFFFFFF  }
0x101: {  	s0 =	smov.u32 @p0 s8  }
.LBB2_17:
0x102: {  	p0 =	sne.s32 s0, $0xFFFFFFFF  }
.Ltmp14:
0x103: {  	_ = 	snop;
	(pc) =	sbr.rel @!p0 .LBB2_18-.Ltmp14, $1  }
0x104: {  	_ =	sdelay $0x3  }
0x105: {  	v0 =	vld.msk [tilespmem:s4+$0xE0], $0x1;
	v1 =	vmov s0  }
.Ltmp15:
0x106: {  	_ = 	snop;
	(pc) =	sbr.rel .LBB2_20-.Ltmp15, $2  }
0x107: {  	_ =	sdelay $0x2  }
0x108: {  	[tilespmem:v1+s3+$0x0], v0 =	vst.idx.ret.add.f32.msk $0x1, v0  }
.LBB2_21:
0x109: {  	p0 =	slt.s32 s2, $0x1  }
.Ltmp16:
0x10a: {  	_ = 	snop;
	(pc) =	sbr.rel @p0 .LBB2_25-.Ltmp16, $3  }
0x10b: {  	_ =	sdelay $0x1  }
0x10c: {  	s0 =	simm.s32 $0x6  }
0x10d: {  	s3 =	simm.s32 $0x0;
	[sflag:s0] =	ssyncpa.u1 $0x1  }
0x10e: {  	s0 =	simm.s32 $0xC0  }
0x10f: {  	v0 =	vld.msk [tilespmem:s0+$0x0], $0x1;
	_ =	sdelay $0x4  }
0x110: {  	(v2sf) =	vpush v0, $0x0;
	_ =	sdelay $0xe  }
0x111: {  	s2 =	sadd.s32 $0xFFFFFFFF, s2;
	s4 =	spop (v2sf)  }
0x112: {  	p1 =	sne.s32 s2, $0x0;
	p0 =	sgt.u32 s4, $0xFFFFFF  }
.Ltmp17:
0x113: {  	s5 =	sshrl.u32 @!p0 s4, $0x3;
	(pc) =	sbr.rel @!p1 .LBB2_24-.Ltmp17, $4  }
0x114: {  	s0 =	simm.s32 $0xE0;
	s4 =	sand.u32 @!p0 $0x7, s4;
	s5 =	sadd.s32 @!p0 s1, s5  }
0x115: {  	[hbm4b:s5+s4] =	stream.linear.scatter @!p0 [tilespmem:s0], [sflag:$0x5], $0x1, $0x38;
	[tilespmem:$0x12120] =	vst v63  }
0x116: {  	s5 =	simm.s32 $0x0  }
0x117: {  	s4 =	simm.s32 $0xC1;
	s5 =	simm.s32 @!p0 $0x4  }
.LBB2_23:
0x118: {  	v0 =	vld.msk [tilespmem:s4+$0x0], $0x1;
	s2 =	sadd.s32 $0xFFFFFFFF, s2;
	s3 =	sadd.s32 s3, s5  }
0x119: {  	p0 =	sne.s32 s2, $0x0;
	_ =	sdelay $0x3  }
0x11a: {  	(v2sf) =	vpush v0, $0x0;
	_ =	sdelay $0xe  }
.Ltmp18:
0x11b: {  	s6 =	spop (v2sf);
	(pc) =	sbr.rel @p0 .LBB2_23-.Ltmp18, $4  }
0x11c: {  	s5 =	simm.s32 $0x0;
	p1 =	sgt.u32 s6, $0xFFFFFF  }
0x11d: {  	s0 =	sadd.s32 $0x1, s0;
	s5 =	simm.s32 @!p1 $0x4;
	s7 =	sshrl.u32 @!p1 s6, $0x3  }
0x11e: {  	s4 =	sadd.s32 $0x1, s4;
	s6 =	sand.u32 @!p1 $0x7, s6;
	s7 =	sadd.s32 @!p1 s1, s7  }
0x11f: {  	[hbm4b:s7+s6] =	stream.linear.scatter @!p1 [tilespmem:s0], [sflag:$0x5], $0x1, $0x38;
	[tilespmem:$0x12120] =	vst v63  }
.LBB2_24:
0x120: {  	s0 =	sadd.s32 s3, s5  }
0x121: {  	s3 =	sshrl.u32 s0, $0x2  }
.LBB2_25:
0x122: {  	s0 =	simm.s32 $0x5  }
0x123: {  	_ =	swait.ge [sflag:s0], s3  }
0x124: {  	s1 =	ssub.s32 $0x0, s3;
	[sflag:s0] =	ssyncset.done $0x0  }
0x125: {  	[sflag:s0] =	ssyncadd.s32 s1  }
0x126: {  	[sflag:s0] =	ssyncpa.u1 $0x1  }
0x127: {  	s29 =	simm.s32 $0x1;
	_ =	sfence  }
0x128: {  	s30 =	simm.s32 $0x2;
	[sflag:s29] =	ssyncpa.u1 $0x1  }
0x129: {  	[sflag:s30] =	ssyncpa.u1 $0x1  }
0x12a: {  	_ =	strace $0x90000053  }
0x12b: {  	[bflag:$0x2] =	sbarrier.arrive $0xFFFF  }
0x12c: {  	s31 =	rddreg [dreg:$0x1]  }
0x12d: {  	s0 =	sadd.s32 $0x100000, s31  }
0x12e: {  	[sflag:s0] =	ssyncadd.tile.s32 $0x1;
	_ =	shalt  }
.Lfunc_end2:
_tile_overlayer_lowered:
.L_overlay_start_2:
0x12f: {  	(tag) =	ssettag $0x2  }
0x130: {  	s0 =	rddreg [dreg:$0x0];
	s2 =	stileid.u32  }
0x131: {  	s1 =	rddreg [dreg:$0x1];
	p0 =	sne.s32 s2, $0x0  }
0x132: {  	s3 =	rddreg [dreg:$0x2];
	[bflag:$0x3] =	sbarrier.arrive $0xFFFF;
	s2 =	simm.s32 @!p0 $0x1C01  }
0x133: {  	[timem:s3], [sflag:s2] =	dma.local @!p0 [hbm:s0], s1  }
0x134: {  	s0 =	simm.s32 @!p0 $0x1  }
0x135: {  	_ =	swait.ge @!p0 [sflag:s0], s1  }
0x136: {  	s1 =	ssub.s32 @!p0 $0x0, s1;
	[sflag:s0] =	ssyncset.done @!p0 $0x0  }
0x137: {  	[sflag:s0] =	ssyncadd.s32 @!p0 s1  }
0x138: {  	[bflag:$0x3] =	sbarrier.arrive $0xFFFF  }
0x139: {  	_ =	shalt  }

// kernel: scatter_offload_async_start
scs
__scs_entry_jumppad:
0x0: {  	(pc) =	sbr.rel $0x88, $3  }
0x1: {  	(tag) =	ssettag $0x0;
	lr =	simm.s32 $0x1  }
0x2: {  	[smem:$0x3F98] =	sst lr;
	_ =	strace $0xD0000000  }
0x3: {  	_ = 	snop  }
0x4: {  	_ = 	snop  }
0x5: {  	_ = 	snop  }
0x6: {  	_ = 	snop  }
0x7: {  	_ = 	snop  }
__scs_overlays_trampoline_lowered:
0x8: {  	[smem:$0x3FA7] =	sst s0  }
0x9: {  	[smem:$0x3FA8] =	sst s1  }
0xa: {  	[smem:$0x3FA9] =	sst s2  }
0xb: {  	[smem:$0x3FAA] =	sst s3  }
0xc: {  	[smem:$0x3FAB] =	sst s4  }
0xd: {  	[smem:$0x3FAC] =	sst s5  }
0xe: {  	[smem:$0x3FAD] =	sst s6  }
0xf: {  	[smem:$0x3FAE] =	sst s7  }
0x10: {  	[smem:$0x3FAF] =	sst s8  }
0x11: {  	[smem:$0x3FB0] =	sst s9;
	s0 =	simm.s32 @!p0 $0x0  }
0x12: {  	s1 =	sld [smem:$0x3F96];
	s0 =	simm.s32 @p0 $0x1  }
0x13: {  	[smem:$0x3FB1] =	sst s0;
	s0 =	simm.s32 @!p1 $0x0  }
0x14: {  	s2 =	sld [smem:$0x3F95];
	s0 =	simm.s32 @p1 $0x1  }
0x15: {  	[smem:$0x3FB2] =	sst s0;
	s0 =	simm.s32 @!p2 $0x0  }
0x16: {  	s3 =	sld [smem:$0x3FDB];
	s0 =	simm.s32 @p2 $0x1  }
0x17: {  	s4 =	simm.s32 $0x1BF5;
	[smem:$0x3FB4] =	sst s0  }
0x18: {  	s0 =	sld [smem:$0x3F97];
	_ =	swait.ge [sflag:s4], $0x0  }
0x19: {  	s7 =	sld [smem:$0x3F98]  }
0x1a: {  	s8 =	sadd.s32 $0xFFFFE003, lr  }
0x1b: {  	s9 =	sadd.s32 $0xFFFFFEF7, lr;
	s5 =	simm.s32 $0xFFFFFFFF;
	p2 =	slt.u32 s8, $0xFFFFF086  }
0x1c: {  	p1 =	slt.u32 s9, $0xF7A;
	s5 =	simm.s32 @!p2 $0x0  }
0x1d: {  	s5 =	simm.s32 @p1 $0x1;
	p0 =	seq.s32 s7, s2  }
0x1e: {  	s7 =	smul.u32 @!p0 $0xF7A, s2;
	p2 =	seq.s32 @!p0 s5, $0x0  }
0x1f: {  	s9 =	smul.u32 $0xF7A, s1;
	s8 =	simm.s32 @!p0 $0x1BF5;
	p2 =	por !p2, p0  }
0x20: {  	[sflag:s8] =	ssyncset.s32 @!p0 $0xFFFFF086;
	s6 =	sadd.s32 @!p0 s3, s7;
	s7 =	simm.s32 @!p0 $0x108  }
0x21: {  	s3 =	sadd.s32 s3, s9;
	s6 =	sadd.s32 @!p0 $0x88, s6;
	s7 =	simm.s32 @p2 $0x1082  }
0x22: {  	[simem:s7], [sflag:s8] =	dma.local @!p0 [hbm:s6], $0xF7A  }
0x23: {  	s9 =	sor.u32 $0xD0000000, s2;
	s6 =	simm.s32 $0x108;
	_ =	swait.ge @!p0 [sflag:s8], $0x0  }
0x24: {  	s3 =	sadd.s32 $0x88, s3;
	s6 =	simm.s32 @!p1 $0x1082;
	[sflag:s4] =	ssyncset.s32 $0xFFFFF086  }
0x25: {  	[simem:s6], [sflag:s4] =	dma.local [hbm:s3], $0xF7A  }
0x26: {  	[smem:$0x3F98] =	sst s1;
	(tag) =	ssettag s2;
	_ =	strace s9  }
0x27: {  	s1 =	sld [smem:$0x3FA8]  }
0x28: {  	s2 =	sld [smem:$0x3FA9]  }
0x29: {  	s4 =	sld [smem:$0x3FAB]  }
0x2a: {  	p0 =	seq.s32 s5, $0x0;
	s5 =	sld [smem:$0x3FAC]  }
0x2b: {  	s6 =	sld [smem:$0x3FAD]  }
0x2c: {  	s7 =	sld [smem:$0x3FAE]  }
0x2d: {  	s3 =	simm.s32 $0x108;
	s8 =	sld [smem:$0x3FAF]  }
0x2e: {  	s3 =	simm.s32 @!p0 $0x1082;
	s9 =	sld [smem:$0x3FB0]  }
0x2f: {  	lr =	sadd.s32 s0, s3;
	s0 =	sld [smem:$0x3FA7]  }
0x30: {  	s3 =	sld [smem:$0x3FAA]  }
0x31: {  	[smem:$0x3FB3] =	sst s10  }
0x32: {  	s10 =	sld [smem:$0x3FB1];
	_ =	sdelay $0x3  }
0x33: {  	p0 =	seq.s32 s10, $0x1;
	s10 =	sld [smem:$0x3FB3];
	_ =	sdelay $0x3  }
0x34: {  	[smem:$0x3FB3] =	sst s10  }
0x35: {  	s10 =	sld [smem:$0x3FB2];
	_ =	sdelay $0x3  }
0x36: {  	p1 =	seq.s32 s10, $0x1;
	s10 =	sld [smem:$0x3FB3];
	_ =	sdelay $0x3  }
0x37: {  	[smem:$0x3FB3] =	sst s10  }
0x38: {  	s10 =	sld [smem:$0x3FB4]  }
0x39: {  	_ = 	snop;
	(pc) =	sbr.ind lr, $3  }
0x3a: {  	_ = 	snop  }
0x3b: {  	_ = 	snop  }
0x3c: {  	p2 =	seq.s32 s10, $0x1;
	s10 =	sld [smem:$0x3FB3]  }
0x3d: {  	_ =	shalt  }
0x3e: {  	_ =	shalt  }
0x3f: {  	_ =	shalt  }
0x40: {  	_ =	shalt  }
0x41: {  	_ =	shalt  }
0x42: {  	_ =	shalt  }
0x43: {  	_ =	shalt  }
0x44: {  	_ =	shalt  }
0x45: {  	_ =	shalt  }
0x46: {  	_ =	shalt  }
0x47: {  	_ =	shalt  }
0x48: {  	_ =	shalt  }
0x49: {  	_ =	shalt  }
0x4a: {  	_ =	shalt  }
0x4b: {  	_ =	shalt  }
0x4c: {  	_ =	shalt  }
0x4d: {  	_ =	shalt  }
0x4e: {  	_ =	shalt  }
0x4f: {  	_ =	shalt  }
0x50: {  	_ =	shalt  }
0x51: {  	_ =	shalt  }
0x52: {  	_ =	shalt  }
0x53: {  	_ =	shalt  }
0x54: {  	_ =	shalt  }
0x55: {  	_ =	shalt  }
0x56: {  	_ =	shalt  }
0x57: {  	_ =	shalt  }
0x58: {  	_ =	shalt  }
0x59: {  	_ =	shalt  }
0x5a: {  	_ =	shalt  }
0x5b: {  	_ =	shalt  }
0x5c: {  	_ =	shalt  }
0x5d: {  	_ =	shalt  }
0x5e: {  	_ =	shalt  }
0x5f: {  	_ =	shalt  }
0x60: {  	_ =	shalt  }
0x61: {  	_ =	shalt  }
0x62: {  	_ =	shalt  }
0x63: {  	_ =	shalt  }
0x64: {  	_ =	shalt  }
0x65: {  	_ =	shalt  }
0x66: {  	_ =	shalt  }
0x67: {  	_ =	shalt  }
0x68: {  	_ =	shalt  }
0x69: {  	_ =	shalt  }
0x6a: {  	_ =	shalt  }
0x6b: {  	_ =	shalt  }
0x6c: {  	_ =	shalt  }
0x6d: {  	_ =	shalt  }
0x6e: {  	_ =	shalt  }
0x6f: {  	_ =	shalt  }
0x70: {  	_ =	shalt  }
0x71: {  	_ =	shalt  }
0x72: {  	_ =	shalt  }
0x73: {  	_ =	shalt  }
0x74: {  	_ =	shalt  }
0x75: {  	_ =	shalt  }
0x76: {  	_ =	shalt  }
0x77: {  	_ =	shalt  }
0x78: {  	_ =	shalt  }
0x79: {  	_ =	shalt  }
0x7a: {  	_ =	shalt  }
0x7b: {  	_ =	shalt  }
0x7c: {  	_ =	shalt  }
0x7d: {  	_ =	shalt  }
0x7e: {  	_ =	shalt  }
0x7f: {  	_ =	shalt  }
0x80: {  	_ =	shalt  }
0x81: {  	_ =	shalt  }
0x82: {  	_ =	shalt  }
0x83: {  	_ =	shalt  }
0x84: {  	_ =	shalt  }
0x85: {  	_ =	shalt  }
0x86: {  	_ =	shalt  }
0x87: {  	_ =	shalt  }
.Lfunc_end0:
.L_simem_size_0:
called_computation_lowered:
.L_overlay_start_0:
0x88: {  	s2 =	sld [smem:$0x3FD9]  }
0x89: {  	s3 =	sld [smem:$0x3FFE];
	_ =	sdelay $0x1  }
0x8a: {  	s1 =	srdreg.scid  }
0x8b: {  	s0 =	sand.u32 $0x1, s1  }
0x8c: {  	s15 =	sshll.u32 s0, $0xA;
	s2 =	sadd.s32 s3, s2  }
0x8d: {  	s2 =	sadd.s32 s2, s15  }
0x8e: {  	[smem:$0x3FBF] =	sst s2  }
0x8f: {  	_ = 	snop  }
0x90: {  	(tm) =	ssettm $0x1  }
0x91: {  	s16 =	sld [smem:$0x3FFB];
	_ =	sdelay $0x3  }
0x92: {  	_ =	strace s16  }
0x93: {  	s2 =	sld [smem:$0x3FFC];
	_ =	sdelay $0x3  }
0x94: {  	_ =	strace s2  }
0x95: {  	s2 =	sld [smem:$0x3FFD];
	_ =	sdelay $0x3  }
0x96: {  	_ =	strace s2  }
0x97: {  	_ =	strace $0x8FFFFFFF  }
0x98: {  	s17 =	sld [smem:$0x3FDB];
	_ =	sdelay $0x1  }
0x99: {  	s18 =	simm.s32 $_scs_section_size  }
0x9a: {  	s4 =	simm.s32 $_size__tile_overlayer_lowered;
	s5 =	simm.s32 $_tile_overlayer_lowered  }
0x9b: {  	s21 =	simm.s32 $0x1BFF;
	s20 =	sshll.u32 s5, $0x1;
	s2 =	sadd.s32 s18, s17  }
0x9c: {  	s6 =	simm.s32 $0x0;
	s19 =	sshll.u32 s4, $0x1;
	s4 =	sadd.s32 s20, s2  }
0x9d: {  	[timem:s6], [sflag:s21] =	dma.local [hbm:s4], s19  }
0x9e: {  	_ =	swait.ge [sflag:s21], s19  }
0x9f: {  	s3 =	ssub.s32 $0x0, s19;
	[sflag:s21] =	ssyncset.done $0x0  }
0xa0: {  	[sflag:s21] =	ssyncadd.s32 s3;
	_ =	sdelay $0x1  }
0xa1: {  	s22 =	simm.s32 $0x1B8B  }
0xa2: {  	_ =	swait.ge [sflag:s22], $0x1  }
0xa3: {  	[sflag:s22] =	ssyncset.done $0x0  }
0xa4: {  	s23 =	sld [smem:$0x3FFE];
	[sflag:s22] =	ssyncadd.s32 $0xFFFFFFFF  }
0xa5: {  	s25 =	simm.s32 $0x1B8E;
	s24 =	sld [smem:$0x0]  }
0xa6: {  	s26 =	simm.s32 $execute0_lowered;
	[smem:$0x3FD2] =	sst s25  }
0xa7: {  	s5 =	sshll.u32 s26, $0x1;
	_ =	strace $0x80000046;
	[dreg:$0x1] =	wrdreg $0xFFFFFFFF  }
0xa8: {  	s28 =	simm.s32 $_size_execute0_lowered;
	s2 =	sadd.s32 s2, s5;
	[dreg:$0x0] =	wrdreg $0x0  }
0xa9: {  	s5 =	sshll.u32 s28, $0x1;
	[dreg:$0x2] =	wrdreg s2  }
0xaa: {  	[dreg:$0x3] =	wrdreg s5  }
0xab: {  	[dreg:$0x4] =	wrdreg $0xC0  }
0xac: {  	_ =	task [dreg:s6], $0x5FFFF  }
0xad: {  	[dreg:$0x1] =	wrdreg $0xFFFFFFFF  }
0xae: {  	[dreg:$0x0] =	wrdreg $0x60  }
0xaf: {  	[dreg:$0x2] =	wrdreg s23  }
0xb0: {  	[dreg:$0x3] =	wrdreg s1  }
0xb1: {  	[dreg:$0x4] =	wrdreg s24  }
0xb2: {  	[dreg:$0x5] =	wrdreg $0x9  }
0xb3: {  	_ =	task.clear_ibuf [dreg:s6], $0x6FFFF;
	_ =	strace $0x90000046  }
0xb4: {  	s29 =	simm.s32 $0x9;
	_ =	strace $0x80000048  }
0xb5: {  	_ =	swait.ge [sflag:s29], $0x1  }
0xb6: {  	[sflag:s29] =	ssyncadd.s32 $0xFFFFFFFF  }
0xb7: {  	_ =	strace $0x90000048  }
0xb8: {  	_ =	sfence  }
0xb9: {  	s30 =	sld [smem:$0x0];
	_ =	sdelay $0x2  }
0xba: {  	s31 =	sshll.u32 s1, $0xD;
	s1 =	sshrl.u32 s1, $0x2  }
0xbb: {  	s3 =	sand.u32 $0x4000, s31;
	s1 =	sadd.s32 s1, s30  }
0xbc: {  	s0 =	sor.u32 s3, s0;
	s1 =	sshll.u32 s1, $0x11  }
0xbd: {  	s0 =	sor.u32 s1, s0  }
0xbe: {  	s0 =	sadd.s32 $0x8F2B, s0  }
0xbf: {  	[sflag:s0] =	ssyncadd.remote.s32 $0x1  }
0xc0: {  	_ =	sfence.sel $0xFFFF  }
0xc1: {  	[dreg:$0x0] =	wrdreg $0xFFFFFFFF;
	(pc) =	sbr.abs _section_cstart, $3  }
0xc2: {  	[dreg:$0x1] =	wrdreg $0xFFFFFFFF  }
0xc3: {  	_ =	task.clear_ibuf [dreg:s6], $0x2FFFF;
	_ =	strace $0x9FFFFFFF  }
0xc4: {  	(tm) =	ssettm $0x7FFFFFFF  }
0xc5: {  	_ =	shalt  }
tec
execute0_lowered:
.L_overlay_start_1:
0x0: {  	(tag) =	ssettag $0x1  }
0x1: {  	s4 =	rddreg [dreg:$0x0]  }
0x2: {  	s2 =	rddreg [dreg:$0x1];
	_ =	strace $0x80000047;
	s0 =	simm.s32 $0x1  }
0x3: {  	v0 =	vimm.s32 $0x0;
	[sflag:s0] =	ssyncpa.u1 $0x0  }
0x4: {  	[tilespmem:$0x128] =	vst v0  }
0x5: {  	[tilespmem:$0x138] =	vst v0  }
0x6: {  	[tilespmem:$0x148] =	vst v0  }
0x7: {  	[tilespmem:$0x158] =	vst v0  }
0x8: {  	[tilespmem:$0x168] =	vst v0  }
0x9: {  	[tilespmem:$0x178] =	vst v0  }
0xa: {  	[tilespmem:$0x188] =	vst v0  }
0xb: {  	[tilespmem:$0x198] =	vst v0  }
0xc: {  	[tilespmem:$0x1A8] =	vst v0  }
0xd: {  	[tilespmem:$0x1B8] =	vst v0  }
0xe: {  	[tilespmem:$0x1C8] =	vst v0  }
0xf: {  	[tilespmem:$0x1D8] =	vst v0  }
0x10: {  	[tilespmem:$0x1E8] =	vst v0  }
0x11: {  	[tilespmem:$0x1F8] =	vst v0  }
0x12: {  	[tilespmem:$0x208] =	vst v0  }
0x13: {  	[tilespmem:$0x218] =	vst v0  }
0x14: {  	[tilespmem:$0x228] =	vst v0  }
0x15: {  	[tilespmem:$0x238] =	vst v0  }
0x16: {  	[tilespmem:$0x248] =	vst v0  }
0x17: {  	[tilespmem:$0x258] =	vst v0  }
0x18: {  	[tilespmem:$0x268] =	vst v0  }
0x19: {  	[tilespmem:$0x278] =	vst v0  }
0x1a: {  	[tilespmem:$0x288] =	vst v0  }
0x1b: {  	[tilespmem:$0x298] =	vst v0  }
0x1c: {  	[tilespmem:$0x2A8] =	vst v0  }
0x1d: {  	[tilespmem:$0x2B8] =	vst v0  }
0x1e: {  	[tilespmem:$0x2C8] =	vst v0  }
0x1f: {  	[tilespmem:$0x2D8] =	vst v0  }
0x20: {  	[tilespmem:$0x2E8] =	vst v0  }
0x21: {  	[tilespmem:$0x2F8] =	vst v0  }
0x22: {  	[tilespmem:$0x308] =	vst v0  }
0x23: {  	[tilespmem:$0x318] =	vst v0  }
0x24: {  	[tilespmem:$0x328] =	vst v0  }
0x25: {  	[tilespmem:$0x338] =	vst v0  }
0x26: {  	[tilespmem:$0x348] =	vst v0  }
0x27: {  	[tilespmem:$0x358] =	vst v0  }
0x28: {  	[tilespmem:$0x368] =	vst v0  }
0x29: {  	[tilespmem:$0x378] =	vst v0  }
0x2a: {  	[tilespmem:$0x388] =	vst v0  }
0x2b: {  	[tilespmem:$0x398] =	vst v0  }
0x2c: {  	[tilespmem:$0x3A8] =	vst v0  }
0x2d: {  	[tilespmem:$0x3B8] =	vst v0  }
0x2e: {  	[tilespmem:$0x3C8] =	vst v0  }
0x2f: {  	[tilespmem:$0x3D8] =	vst v0  }
0x30: {  	[tilespmem:$0x3E8] =	vst v0  }
0x31: {  	[tilespmem:$0x3F8] =	vst v0  }
0x32: {  	[tilespmem:$0x408] =	vst v0  }
0x33: {  	[tilespmem:$0x418] =	vst v0  }
0x34: {  	[tilespmem:$0x428] =	vst v0  }
0x35: {  	[tilespmem:$0x438] =	vst v0  }
0x36: {  	[tilespmem:$0x448] =	vst v0  }
0x37: {  	[tilespmem:$0x458] =	vst v0  }
0x38: {  	[tilespmem:$0x468] =	vst v0  }
0x39: {  	[tilespmem:$0x478] =	vst v0  }
0x3a: {  	[tilespmem:$0x488] =	vst v0  }
0x3b: {  	[tilespmem:$0x498] =	vst v0  }
0x3c: {  	[tilespmem:$0x4A8] =	vst v0  }
0x3d: {  	[tilespmem:$0x4B8] =	vst v0  }
0x3e: {  	[tilespmem:$0x4C8] =	vst v0  }
0x3f: {  	[tilespmem:$0x4D8] =	vst v0  }
0x40: {  	[tilespmem:$0x4E8] =	vst v0  }
0x41: {  	[tilespmem:$0x4F8] =	vst v0  }
0x42: {  	[tilespmem:$0x508] =	vst v0  }
0x43: {  	[tilespmem:$0x518] =	vst v0  }
0x44: {  	[tilespmem:$0x528] =	vst v0  }
0x45: {  	[tilespmem:$0x538] =	vst v0  }
0x46: {  	[tilespmem:$0x548] =	vst v0  }
0x47: {  	[tilespmem:$0x558] =	vst v0  }
0x48: {  	[tilespmem:$0x568] =	vst v0  }
0x49: {  	[tilespmem:$0x578] =	vst v0  }
0x4a: {  	[tilespmem:$0x588] =	vst v0  }
0x4b: {  	[tilespmem:$0x598] =	vst v0  }
0x4c: {  	[tilespmem:$0x5A8] =	vst v0  }
0x4d: {  	[tilespmem:$0x5B8] =	vst v0  }
0x4e: {  	[tilespmem:$0x5C8] =	vst v0  }
0x4f: {  	[tilespmem:$0x5D8] =	vst v0  }
0x50: {  	[tilespmem:$0x5E8] =	vst v0  }
0x51: {  	[tilespmem:$0x5F8] =	vst v0  }
0x52: {  	[tilespmem:$0x608] =	vst v0  }
0x53: {  	[tilespmem:$0x618] =	vst v0  }
0x54: {  	[tilespmem:$0x628] =	vst v0  }
0x55: {  	[tilespmem:$0x638] =	vst v0  }
0x56: {  	[tilespmem:$0x648] =	vst v0  }
0x57: {  	[tilespmem:$0x658] =	vst v0  }
0x58: {  	[tilespmem:$0x668] =	vst v0  }
0x59: {  	[tilespmem:$0x678] =	vst v0  }
0x5a: {  	[tilespmem:$0x688] =	vst v0  }
0x5b: {  	[tilespmem:$0x698] =	vst v0  }
0x5c: {  	[tilespmem:$0x6A8] =	vst v0  }
0x5d: {  	[tilespmem:$0x6B8] =	vst v0  }
0x5e: {  	[tilespmem:$0x6C8] =	vst v0  }
0x5f: {  	[tilespmem:$0x6D8] =	vst v0  }
0x60: {  	[tilespmem:$0x6E8] =	vst v0  }
0x61: {  	[tilespmem:$0x6F8] =	vst v0  }
0x62: {  	[tilespmem:$0x708] =	vst v0  }
0x63: {  	[tilespmem:$0x718] =	vst v0  }
0x64: {  	[tilespmem:$0x728] =	vst v0  }
0x65: {  	[tilespmem:$0x738] =	vst v0  }
0x66: {  	[tilespmem:$0x748] =	vst v0  }
0x67: {  	[tilespmem:$0x758] =	vst v0  }
0x68: {  	[tilespmem:$0x768] =	vst v0  }
0x69: {  	[tilespmem:$0x778] =	vst v0  }
0x6a: {  	[tilespmem:$0x788] =	vst v0  }
0x6b: {  	[tilespmem:$0x798] =	vst v0  }
0x6c: {  	[tilespmem:$0x7A8] =	vst v0  }
0x6d: {  	[tilespmem:$0x7B8] =	vst v0  }
0x6e: {  	[tilespmem:$0x7C8] =	vst v0  }
0x6f: {  	[tilespmem:$0x7D8] =	vst v0  }
0x70: {  	[tilespmem:$0x7E8] =	vst v0  }
0x71: {  	[tilespmem:$0x7F8] =	vst v0  }
0x72: {  	[tilespmem:$0x808] =	vst v0  }
0x73: {  	[tilespmem:$0x818] =	vst v0  }
0x74: {  	[tilespmem:$0x828] =	vst v0  }
0x75: {  	[tilespmem:$0x838] =	vst v0  }
0x76: {  	[tilespmem:$0x848] =	vst v0  }
0x77: {  	[tilespmem:$0x858] =	vst v0  }
0x78: {  	[tilespmem:$0x868] =	vst v0  }
0x79: {  	[tilespmem:$0x878] =	vst v0  }
0x7a: {  	[tilespmem:$0x888] =	vst v0  }
0x7b: {  	[tilespmem:$0x898] =	vst v0  }
0x7c: {  	[tilespmem:$0x8A8] =	vst v0  }
0x7d: {  	[tilespmem:$0x8B8] =	vst v0  }
0x7e: {  	[tilespmem:$0x8C8] =	vst v0  }
0x7f: {  	[tilespmem:$0x8D8] =	vst v0  }
0x80: {  	[tilespmem:$0x8E8] =	vst v0  }
0x81: {  	[tilespmem:$0x8F8] =	vst v0  }
0x82: {  	[tilespmem:$0x908] =	vst v0  }
0x83: {  	[tilespmem:$0x918] =	vst v0  }
0x84: {  	[tilespmem:$0x928] =	vst v0  }
0x85: {  	[tilespmem:$0x938] =	vst v0  }
0x86: {  	[tilespmem:$0x948] =	vst v0  }
0x87: {  	[tilespmem:$0x958] =	vst v0  }
0x88: {  	[tilespmem:$0x968] =	vst v0  }
0x89: {  	[tilespmem:$0x978] =	vst v0  }
0x8a: {  	[tilespmem:$0x988] =	vst v0  }
0x8b: {  	[tilespmem:$0x998] =	vst v0  }
0x8c: {  	[tilespmem:$0x9A8] =	vst v0  }
0x8d: {  	[tilespmem:$0x9B8] =	vst v0  }
0x8e: {  	[tilespmem:$0x9C8] =	vst v0  }
0x8f: {  	[tilespmem:$0x9D8] =	vst v0  }
0x90: {  	[tilespmem:$0x9E8] =	vst v0  }
0x91: {  	[tilespmem:$0x9F8] =	vst v0  }
0x92: {  	[tilespmem:$0xA08] =	vst v0  }
0x93: {  	[tilespmem:$0xA18] =	vst v0  }
0x94: {  	[tilespmem:$0xA28] =	vst v0  }
0x95: {  	[tilespmem:$0xA38] =	vst v0  }
0x96: {  	[tilespmem:$0xA48] =	vst v0  }
0x97: {  	[tilespmem:$0xA58] =	vst v0  }
0x98: {  	[tilespmem:$0xA68] =	vst v0  }
0x99: {  	[tilespmem:$0xA78] =	vst v0  }
0x9a: {  	[tilespmem:$0xA88] =	vst v0  }
0x9b: {  	[tilespmem:$0xA98] =	vst v0  }
0x9c: {  	[tilespmem:$0xAA8] =	vst v0  }
0x9d: {  	[tilespmem:$0xAB8] =	vst v0  }
0x9e: {  	[tilespmem:$0xAC8] =	vst v0  }
0x9f: {  	[tilespmem:$0xAD8] =	vst v0  }
0xa0: {  	[tilespmem:$0xAE8] =	vst v0  }
0xa1: {  	[tilespmem:$0xAF8] =	vst v0  }
0xa2: {  	[tilespmem:$0xB08] =	vst v0  }
0xa3: {  	[tilespmem:$0xB18] =	vst v0  }
0xa4: {  	[tilespmem:$0xB28] =	vst v0  }
0xa5: {  	[tilespmem:$0xB38] =	vst v0  }
0xa6: {  	[tilespmem:$0xB48] =	vst v0  }
0xa7: {  	[tilespmem:$0xB58] =	vst v0  }
0xa8: {  	[tilespmem:$0xB68] =	vst v0  }
0xa9: {  	[tilespmem:$0xB78] =	vst v0  }
0xaa: {  	[tilespmem:$0xB88] =	vst v0  }
0xab: {  	[tilespmem:$0xB98] =	vst v0  }
0xac: {  	[tilespmem:$0xBA8] =	vst v0  }
0xad: {  	[tilespmem:$0xBB8] =	vst v0  }
0xae: {  	[tilespmem:$0xBC8] =	vst v0  }
0xaf: {  	[tilespmem:$0xBD8] =	vst v0  }
0xb0: {  	[tilespmem:$0xBE8] =	vst v0  }
0xb1: {  	[tilespmem:$0xBF8] =	vst v0  }
0xb2: {  	[tilespmem:$0xC08] =	vst v0  }
0xb3: {  	[tilespmem:$0xC18] =	vst v0  }
0xb4: {  	[tilespmem:$0xC28] =	vst v0  }
0xb5: {  	[tilespmem:$0xC38] =	vst v0  }
0xb6: {  	[tilespmem:$0xC48] =	vst v0  }
0xb7: {  	[tilespmem:$0xC58] =	vst v0  }
0xb8: {  	[tilespmem:$0xC68] =	vst v0  }
0xb9: {  	[tilespmem:$0xC78] =	vst v0  }
0xba: {  	[tilespmem:$0xC88] =	vst v0  }
0xbb: {  	[tilespmem:$0xC98] =	vst v0  }
0xbc: {  	[tilespmem:$0xCA8] =	vst v0  }
0xbd: {  	[tilespmem:$0xCB8] =	vst v0  }
0xbe: {  	[tilespmem:$0xCC8] =	vst v0  }
0xbf: {  	[tilespmem:$0xCD8] =	vst v0  }
0xc0: {  	[tilespmem:$0xCE8] =	vst v0  }
0xc1: {  	[tilespmem:$0xCF8] =	vst v0  }
0xc2: {  	[tilespmem:$0xD08] =	vst v0  }
0xc3: {  	[tilespmem:$0xD18] =	vst v0  }
0xc4: {  	[tilespmem:$0xD28] =	vst v0  }
0xc5: {  	[tilespmem:$0xD38] =	vst v0  }
0xc6: {  	[tilespmem:$0xD48] =	vst v0  }
0xc7: {  	[tilespmem:$0xD58] =	vst v0  }
0xc8: {  	[tilespmem:$0xD68] =	vst v0  }
0xc9: {  	[tilespmem:$0xD78] =	vst v0  }
0xca: {  	[tilespmem:$0xD88] =	vst v0  }
0xcb: {  	[tilespmem:$0xD98] =	vst v0  }
0xcc: {  	[tilespmem:$0xDA8] =	vst v0  }
0xcd: {  	[tilespmem:$0xDB8] =	vst v0  }
0xce: {  	[tilespmem:$0xDC8] =	vst v0  }
0xcf: {  	[tilespmem:$0xDD8] =	vst v0  }
0xd0: {  	[tilespmem:$0xDE8] =	vst v0  }
0xd1: {  	[tilespmem:$0xDF8] =	vst v0  }
0xd2: {  	[tilespmem:$0xE08] =	vst v0  }
0xd3: {  	[tilespmem:$0xE18] =	vst v0  }
0xd4: {  	[tilespmem:$0xE28] =	vst v0  }
0xd5: {  	[tilespmem:$0xE38] =	vst v0  }
0xd6: {  	[tilespmem:$0xE48] =	vst v0  }
0xd7: {  	[tilespmem:$0xE58] =	vst v0  }
0xd8: {  	[tilespmem:$0xE68] =	vst v0  }
0xd9: {  	[tilespmem:$0xE78] =	vst v0  }
0xda: {  	[tilespmem:$0xE88] =	vst v0  }
0xdb: {  	[tilespmem:$0xE98] =	vst v0  }
0xdc: {  	[tilespmem:$0xEA8] =	vst v0  }
0xdd: {  	[tilespmem:$0xEB8] =	vst v0  }
0xde: {  	[tilespmem:$0xEC8] =	vst v0  }
0xdf: {  	[tilespmem:$0xED8] =	vst v0  }
0xe0: {  	[tilespmem:$0xEE8] =	vst v0  }
0xe1: {  	[tilespmem:$0xEF8] =	vst v0  }
0xe2: {  	[tilespmem:$0xF08] =	vst v0  }
0xe3: {  	[tilespmem:$0xF18] =	vst v0  }
0xe4: {  	[tilespmem:$0xF28] =	vst v0  }
0xe5: {  	[tilespmem:$0xF38] =	vst v0  }
0xe6: {  	[tilespmem:$0xF48] =	vst v0  }
0xe7: {  	[tilespmem:$0xF58] =	vst v0  }
0xe8: {  	[tilespmem:$0xF68] =	vst v0  }
0xe9: {  	[tilespmem:$0xF78] =	vst v0  }
0xea: {  	[tilespmem:$0xF88] =	vst v0  }
0xeb: {  	[tilespmem:$0xF98] =	vst v0  }
0xec: {  	[tilespmem:$0xFA8] =	vst v0  }
0xed: {  	[tilespmem:$0xFB8] =	vst v0  }
0xee: {  	[tilespmem:$0xFC8] =	vst v0  }
0xef: {  	[tilespmem:$0xFD8] =	vst v0  }
0xf0: {  	[tilespmem:$0xFE8] =	vst v0  }
0xf1: {  	[tilespmem:$0xFF8] =	vst v0  }
0xf2: {  	[tilespmem:$0x1008] =	vst v0  }
0xf3: {  	[tilespmem:$0x1018] =	vst v0  }
0xf4: {  	[tilespmem:$0x1028] =	vst v0  }
0xf5: {  	[tilespmem:$0x1038] =	vst v0  }
0xf6: {  	[tilespmem:$0x1048] =	vst v0  }
0xf7: {  	[tilespmem:$0x1058] =	vst v0  }
0xf8: {  	[tilespmem:$0x1068] =	vst v0  }
0xf9: {  	[tilespmem:$0x1078] =	vst v0  }
0xfa: {  	[tilespmem:$0x1088] =	vst v0  }
0xfb: {  	[tilespmem:$0x1098] =	vst v0  }
0xfc: {  	[tilespmem:$0x10A8] =	vst v0  }
0xfd: {  	[tilespmem:$0x10B8] =	vst v0  }
0xfe: {  	[tilespmem:$0x10C8] =	vst v0  }
0xff: {  	[tilespmem:$0x10D8] =	vst v0  }
0x100: {  	[tilespmem:$0x10E8] =	vst v0  }
0x101: {  	[tilespmem:$0x10F8] =	vst v0  }
0x102: {  	[tilespmem:$0x1108] =	vst v0  }
0x103: {  	[tilespmem:$0x1478] =	vst v0  }
0x104: {  	[tilespmem:$0x1118] =	vst v0  }
0x105: {  	[tilespmem:$0x1128] =	vst v0  }
0x106: {  	[tilespmem:$0x1138] =	vst v0  }
0x107: {  	[tilespmem:$0x1148] =	vst v0  }
0x108: {  	[tilespmem:$0x1158] =	vst v0  }
0x109: {  	[tilespmem:$0x1168] =	vst v0  }
0x10a: {  	[tilespmem:$0x1178] =	vst v0  }
0x10b: {  	[tilespmem:$0x1188] =	vst v0  }
0x10c: {  	[tilespmem:$0x1198] =	vst v0  }
0x10d: {  	[tilespmem:$0x11A8] =	vst v0  }
0x10e: {  	[tilespmem:$0x11B8] =	vst v0  }
0x10f: {  	[tilespmem:$0x11C8] =	vst v0  }
0x110: {  	[tilespmem:$0x11D8] =	vst v0  }
0x111: {  	[tilespmem:$0x11E8] =	vst v0  }
0x112: {  	[tilespmem:$0x11F8] =	vst v0  }
0x113: {  	[tilespmem:$0x1208] =	vst v0  }
0x114: {  	[tilespmem:$0x1218] =	vst v0  }
0x115: {  	[tilespmem:$0x1228] =	vst v0  }
0x116: {  	[tilespmem:$0x1238] =	vst v0  }
0x117: {  	[tilespmem:$0x1248] =	vst v0  }
0x118: {  	[tilespmem:$0x1258] =	vst v0  }
0x119: {  	[tilespmem:$0x1268] =	vst v0  }
0x11a: {  	[tilespmem:$0x1278] =	vst v0  }
0x11b: {  	[tilespmem:$0x1288] =	vst v0  }
0x11c: {  	[tilespmem:$0x1298] =	vst v0  }
0x11d: {  	[tilespmem:$0x12A8] =	vst v0  }
0x11e: {  	[tilespmem:$0x12B8] =	vst v0  }
0x11f: {  	[tilespmem:$0x12C8] =	vst v0  }
0x120: {  	[tilespmem:$0x12D8] =	vst v0  }
0x121: {  	[tilespmem:$0x12E8] =	vst v0  }
0x122: {  	[tilespmem:$0x12F8] =	vst v0  }
0x123: {  	[tilespmem:$0x1308] =	vst v0  }
0x124: {  	[tilespmem:$0x1318] =	vst v0  }
0x125: {  	[tilespmem:$0x1328] =	vst v0  }
0x126: {  	[tilespmem:$0x1338] =	vst v0  }
0x127: {  	[tilespmem:$0x1348] =	vst v0  }
0x128: {  	[tilespmem:$0x1358] =	vst v0  }
0x129: {  	[tilespmem:$0x1368] =	vst v0  }
0x12a: {  	[tilespmem:$0x1378] =	vst v0  }
0x12b: {  	[tilespmem:$0x1388] =	vst v0  }
0x12c: {  	[tilespmem:$0x1398] =	vst v0  }
0x12d: {  	[tilespmem:$0x13A8] =	vst v0  }
0x12e: {  	[tilespmem:$0x13B8] =	vst v0  }
0x12f: {  	[tilespmem:$0x13C8] =	vst v0  }
0x130: {  	[tilespmem:$0x13D8] =	vst v0  }
0x131: {  	[tilespmem:$0x13E8] =	vst v0  }
0x132: {  	[tilespmem:$0x13F8] =	vst v0  }
0x133: {  	[tilespmem:$0x1408] =	vst v0  }
0x134: {  	[tilespmem:$0x1418] =	vst v0  }
0x135: {  	[tilespmem:$0x1428] =	vst v0  }
0x136: {  	[tilespmem:$0x1438] =	vst v0  }
0x137: {  	[tilespmem:$0x1448] =	vst v0  }
0x138: {  	[tilespmem:$0x1458] =	vst v0  }
0x139: {  	[tilespmem:$0x1468] =	vst v0  }
0x13a: {  	[tilespmem:$0x1488] =	vst v0  }
0x13b: {  	[tilespmem:$0x1498] =	vst v0  }
0x13c: {  	[tilespmem:$0x14A8] =	vst v0  }
0x13d: {  	[tilespmem:$0x14B8] =	vst v0  }
0x13e: {  	[tilespmem:$0x14C8] =	vst v0  }
0x13f: {  	[tilespmem:$0x14D8] =	vst v0  }
0x140: {  	[tilespmem:$0x14E8] =	vst v0  }
0x141: {  	[tilespmem:$0x14F8] =	vst v0  }
0x142: {  	[tilespmem:$0x1508] =	vst v0  }
0x143: {  	[tilespmem:$0x1518] =	vst v0  }
0x144: {  	[tilespmem:$0x1528] =	vst v0  }
0x145: {  	[tilespmem:$0x1538] =	vst v0  }
0x146: {  	[tilespmem:$0x1548] =	vst v0  }
0x147: {  	[tilespmem:$0x1558] =	vst v0  }
0x148: {  	[tilespmem:$0x1568] =	vst v0  }
0x149: {  	[tilespmem:$0x1578] =	vst v0  }
0x14a: {  	[tilespmem:$0x1588] =	vst v0  }
0x14b: {  	[tilespmem:$0x1598] =	vst v0  }
0x14c: {  	[tilespmem:$0x15A8] =	vst v0  }
0x14d: {  	[tilespmem:$0x15B8] =	vst v0  }
0x14e: {  	[tilespmem:$0x15C8] =	vst v0  }
0x14f: {  	[tilespmem:$0x15D8] =	vst v0  }
0x150: {  	[tilespmem:$0x15E8] =	vst v0  }
0x151: {  	[tilespmem:$0x15F8] =	vst v0  }
0x152: {  	[tilespmem:$0x1608] =	vst v0  }
0x153: {  	[tilespmem:$0x1618] =	vst v0  }
0x154: {  	[tilespmem:$0x1628] =	vst v0  }
0x155: {  	[tilespmem:$0x1638] =	vst v0  }
0x156: {  	[tilespmem:$0x1648] =	vst v0  }
0x157: {  	[tilespmem:$0x1658] =	vst v0  }
0x158: {  	[tilespmem:$0x1668] =	vst v0  }
0x159: {  	[tilespmem:$0x1678] =	vst v0  }
0x15a: {  	[tilespmem:$0x1688] =	vst v0  }
0x15b: {  	[tilespmem:$0x1698] =	vst v0  }
0x15c: {  	[tilespmem:$0x16A8] =	vst v0  }
0x15d: {  	[tilespmem:$0x16B8] =	vst v0  }
0x15e: {  	[tilespmem:$0x16C8] =	vst v0  }
0x15f: {  	[tilespmem:$0x16D8] =	vst v0  }
0x160: {  	[tilespmem:$0x16E8] =	vst v0  }
0x161: {  	[tilespmem:$0x16F8] =	vst v0  }
0x162: {  	[tilespmem:$0x1708] =	vst v0  }
0x163: {  	[tilespmem:$0x1718] =	vst v0  }
0x164: {  	[tilespmem:$0x1728] =	vst v0  }
0x165: {  	[tilespmem:$0x1738] =	vst v0  }
0x166: {  	[tilespmem:$0x1748] =	vst v0  }
0x167: {  	[tilespmem:$0x1758] =	vst v0  }
0x168: {  	[tilespmem:$0x1768] =	vst v0  }
0x169: {  	[tilespmem:$0x1778] =	vst v0  }
0x16a: {  	[tilespmem:$0x1788] =	vst v0  }
0x16b: {  	[tilespmem:$0x1798] =	vst v0  }
0x16c: {  	[tilespmem:$0x17A8] =	vst v0  }
0x16d: {  	[tilespmem:$0x17B8] =	vst v0  }
0x16e: {  	[tilespmem:$0x17C8] =	vst v0  }
0x16f: {  	[tilespmem:$0x17D8] =	vst v0  }
0x170: {  	[tilespmem:$0x17E8] =	vst v0  }
0x171: {  	[tilespmem:$0x17F8] =	vst v0  }
0x172: {  	[tilespmem:$0x1808] =	vst v0  }
0x173: {  	[tilespmem:$0x1818] =	vst v0  }
0x174: {  	[tilespmem:$0x1828] =	vst v0  }
0x175: {  	[tilespmem:$0x1838] =	vst v0  }
0x176: {  	[tilespmem:$0x1848] =	vst v0  }
0x177: {  	[tilespmem:$0x1858] =	vst v0  }
0x178: {  	[tilespmem:$0x1868] =	vst v0  }
0x179: {  	[tilespmem:$0x1878] =	vst v0  }
0x17a: {  	[tilespmem:$0x1888] =	vst v0  }
0x17b: {  	[tilespmem:$0x1898] =	vst v0  }
0x17c: {  	[tilespmem:$0x18A8] =	vst v0  }
0x17d: {  	[tilespmem:$0x18B8] =	vst v0  }
0x17e: {  	[tilespmem:$0x18C8] =	vst v0  }
0x17f: {  	[tilespmem:$0x18D8] =	vst v0  }
0x180: {  	[tilespmem:$0x18E8] =	vst v0  }
0x181: {  	[tilespmem:$0x18F8] =	vst v0  }
0x182: {  	[tilespmem:$0x1908] =	vst v0  }
0x183: {  	[tilespmem:$0x1918] =	vst v0  }
0x184: {  	[tilespmem:$0x1928] =	vst v0  }
0x185: {  	[tilespmem:$0x1938] =	vst v0  }
0x186: {  	[tilespmem:$0x1948] =	vst v0  }
0x187: {  	[tilespmem:$0x1958] =	vst v0  }
0x188: {  	[tilespmem:$0x1968] =	vst v0  }
0x189: {  	[tilespmem:$0x1978] =	vst v0  }
0x18a: {  	[tilespmem:$0x1988] =	vst v0  }
0x18b: {  	[tilespmem:$0x1998] =	vst v0  }
0x18c: {  	[tilespmem:$0x19A8] =	vst v0  }
0x18d: {  	[tilespmem:$0x19B8] =	vst v0  }
0x18e: {  	[tilespmem:$0x19C8] =	vst v0  }
0x18f: {  	[tilespmem:$0x19D8] =	vst v0  }
0x190: {  	[tilespmem:$0x19E8] =	vst v0  }
0x191: {  	[tilespmem:$0x19F8] =	vst v0  }
0x192: {  	[tilespmem:$0x1A08] =	vst v0  }
0x193: {  	[tilespmem:$0x1A18] =	vst v0  }
0x194: {  	[tilespmem:$0x1A28] =	vst v0  }
0x195: {  	[tilespmem:$0x1A38] =	vst v0  }
0x196: {  	[tilespmem:$0x1A48] =	vst v0  }
0x197: {  	[tilespmem:$0x1A58] =	vst v0  }
0x198: {  	[tilespmem:$0x1A68] =	vst v0  }
0x199: {  	[tilespmem:$0x1A78] =	vst v0  }
0x19a: {  	[tilespmem:$0x1A88] =	vst v0  }
0x19b: {  	[tilespmem:$0x1A98] =	vst v0  }
0x19c: {  	[tilespmem:$0x1AA8] =	vst v0  }
0x19d: {  	[tilespmem:$0x1AB8] =	vst v0  }
0x19e: {  	[tilespmem:$0x1AC8] =	vst v0  }
0x19f: {  	[tilespmem:$0x1AD8] =	vst v0  }
0x1a0: {  	[tilespmem:$0x1AE8] =	vst v0  }
0x1a1: {  	[tilespmem:$0x1AF8] =	vst v0  }
0x1a2: {  	[tilespmem:$0x1B08] =	vst v0  }
0x1a3: {  	[tilespmem:$0x1B18] =	vst v0  }
0x1a4: {  	[tilespmem:$0x1B28] =	vst v0  }
0x1a5: {  	[tilespmem:$0x1B38] =	vst v0  }
0x1a6: {  	[tilespmem:$0x1B48] =	vst v0  }
0x1a7: {  	[tilespmem:$0x1B58] =	vst v0  }
0x1a8: {  	[tilespmem:$0x1B68] =	vst v0  }
0x1a9: {  	[tilespmem:$0x1B78] =	vst v0  }
0x1aa: {  	[tilespmem:$0x1B88] =	vst v0  }
0x1ab: {  	[tilespmem:$0x1B98] =	vst v0  }
0x1ac: {  	[tilespmem:$0x1BA8] =	vst v0  }
0x1ad: {  	[tilespmem:$0x1BB8] =	vst v0  }
0x1ae: {  	[tilespmem:$0x1BC8] =	vst v0  }
0x1af: {  	[tilespmem:$0x1BD8] =	vst v0  }
0x1b0: {  	[tilespmem:$0x1BE8] =	vst v0  }
0x1b1: {  	[tilespmem:$0x1BF8] =	vst v0  }
0x1b2: {  	[tilespmem:$0x1C08] =	vst v0  }
0x1b3: {  	[tilespmem:$0x1C18] =	vst v0  }
0x1b4: {  	[tilespmem:$0x1C28] =	vst v0  }
0x1b5: {  	[tilespmem:$0x1C38] =	vst v0  }
0x1b6: {  	[tilespmem:$0x1C48] =	vst v0  }
0x1b7: {  	[tilespmem:$0x1C58] =	vst v0  }
0x1b8: {  	[tilespmem:$0x1C68] =	vst v0  }
0x1b9: {  	[tilespmem:$0x1C78] =	vst v0  }
0x1ba: {  	[tilespmem:$0x1C88] =	vst v0  }
0x1bb: {  	[tilespmem:$0x1C98] =	vst v0  }
0x1bc: {  	[tilespmem:$0x1CA8] =	vst v0  }
0x1bd: {  	[tilespmem:$0x1CB8] =	vst v0  }
0x1be: {  	[tilespmem:$0x1CC8] =	vst v0  }
0x1bf: {  	[tilespmem:$0x1CD8] =	vst v0  }
0x1c0: {  	[tilespmem:$0x1CE8] =	vst v0  }
0x1c1: {  	[tilespmem:$0x1CF8] =	vst v0  }
0x1c2: {  	[tilespmem:$0x1D08] =	vst v0  }
0x1c3: {  	[tilespmem:$0x1D18] =	vst v0  }
0x1c4: {  	[tilespmem:$0x1D28] =	vst v0  }
0x1c5: {  	[tilespmem:$0x1D38] =	vst v0  }
0x1c6: {  	[tilespmem:$0x1D48] =	vst v0  }
0x1c7: {  	[tilespmem:$0x1D58] =	vst v0  }
0x1c8: {  	[tilespmem:$0x1D68] =	vst v0  }
0x1c9: {  	[tilespmem:$0x1D78] =	vst v0  }
0x1ca: {  	[tilespmem:$0x1D88] =	vst v0  }
0x1cb: {  	[tilespmem:$0x1D98] =	vst v0  }
0x1cc: {  	[tilespmem:$0x1DA8] =	vst v0  }
0x1cd: {  	[tilespmem:$0x1DB8] =	vst v0  }
0x1ce: {  	[tilespmem:$0x1DC8] =	vst v0  }
0x1cf: {  	[tilespmem:$0x1DD8] =	vst v0  }
0x1d0: {  	[tilespmem:$0x1DE8] =	vst v0  }
0x1d1: {  	[tilespmem:$0x1DF8] =	vst v0  }
0x1d2: {  	[tilespmem:$0x1E08] =	vst v0  }
0x1d3: {  	[tilespmem:$0x1E18] =	vst v0  }
0x1d4: {  	[tilespmem:$0x1E28] =	vst v0  }
0x1d5: {  	[tilespmem:$0x1E38] =	vst v0  }
0x1d6: {  	[tilespmem:$0x1E48] =	vst v0  }
0x1d7: {  	[tilespmem:$0x1E58] =	vst v0  }
0x1d8: {  	[tilespmem:$0x1E68] =	vst v0  }
0x1d9: {  	[tilespmem:$0x1E78] =	vst v0  }
0x1da: {  	[tilespmem:$0x1E88] =	vst v0  }
0x1db: {  	[tilespmem:$0x1E98] =	vst v0  }
0x1dc: {  	[tilespmem:$0x1EA8] =	vst v0  }
0x1dd: {  	[tilespmem:$0x1EB8] =	vst v0  }
0x1de: {  	[tilespmem:$0x1EC8] =	vst v0  }
0x1df: {  	[tilespmem:$0x1ED8] =	vst v0  }
0x1e0: {  	[tilespmem:$0x1EE8] =	vst v0  }
0x1e1: {  	[tilespmem:$0x1EF8] =	vst v0  }
0x1e2: {  	[tilespmem:$0x1F08] =	vst v0  }
0x1e3: {  	[tilespmem:$0x1F18] =	vst v0  }
0x1e4: {  	[tilespmem:$0x1F28] =	vst v0  }
0x1e5: {  	[tilespmem:$0x1F38] =	vst v0  }
0x1e6: {  	[tilespmem:$0x1F48] =	vst v0  }
0x1e7: {  	[tilespmem:$0x1F58] =	vst v0  }
0x1e8: {  	[tilespmem:$0x1F68] =	vst v0  }
0x1e9: {  	[tilespmem:$0x1F78] =	vst v0  }
0x1ea: {  	[tilespmem:$0x1F88] =	vst v0  }
0x1eb: {  	[tilespmem:$0x1F98] =	vst v0  }
0x1ec: {  	[tilespmem:$0x1FA8] =	vst v0  }
0x1ed: {  	[tilespmem:$0x1FB8] =	vst v0  }
0x1ee: {  	[tilespmem:$0x1FC8] =	vst v0  }
0x1ef: {  	[tilespmem:$0x1FD8] =	vst v0  }
0x1f0: {  	[tilespmem:$0x1FE8] =	vst v0  }
0x1f1: {  	[tilespmem:$0x1FF8] =	vst v0  }
0x1f2: {  	[tilespmem:$0x2008] =	vst v0  }
0x1f3: {  	[tilespmem:$0x2018] =	vst v0  }
0x1f4: {  	[tilespmem:$0x2028] =	vst v0  }
0x1f5: {  	[tilespmem:$0x2038] =	vst v0  }
0x1f6: {  	[tilespmem:$0x2048] =	vst v0  }
0x1f7: {  	[tilespmem:$0x2058] =	vst v0  }
0x1f8: {  	[tilespmem:$0x2068] =	vst v0  }
0x1f9: {  	[tilespmem:$0x2078] =	vst v0  }
0x1fa: {  	[tilespmem:$0x2088] =	vst v0  }
0x1fb: {  	[tilespmem:$0x2098] =	vst v0  }
0x1fc: {  	[tilespmem:$0x20A8] =	vst v0  }
0x1fd: {  	[tilespmem:$0x20B8] =	vst v0  }
0x1fe: {  	[tilespmem:$0x20C8] =	vst v0  }
0x1ff: {  	[tilespmem:$0x20D8] =	vst v0  }
0x200: {  	[tilespmem:$0x20E8] =	vst v0  }
0x201: {  	[tilespmem:$0x20F8] =	vst v0  }
0x202: {  	[tilespmem:$0x2108] =	vst v0  }
0x203: {  	[tilespmem:$0x2118] =	vst v0  }
0x204: {  	[tilespmem:$0x2128] =	vst v0  }
0x205: {  	[tilespmem:$0x2138] =	vst v0  }
0x206: {  	[tilespmem:$0x2148] =	vst v0  }
0x207: {  	[tilespmem:$0x2158] =	vst v0  }
0x208: {  	[tilespmem:$0x2168] =	vst v0  }
0x209: {  	[tilespmem:$0x2178] =	vst v0  }
0x20a: {  	[tilespmem:$0x2188] =	vst v0  }
0x20b: {  	[tilespmem:$0x2198] =	vst v0  }
0x20c: {  	[tilespmem:$0x21A8] =	vst v0  }
0x20d: {  	[tilespmem:$0x21B8] =	vst v0  }
0x20e: {  	[tilespmem:$0x21C8] =	vst v0  }
0x20f: {  	[tilespmem:$0x21D8] =	vst v0  }
0x210: {  	[tilespmem:$0x21E8] =	vst v0  }
0x211: {  	[tilespmem:$0x21F8] =	vst v0  }
0x212: {  	[tilespmem:$0x2208] =	vst v0  }
0x213: {  	[tilespmem:$0x2218] =	vst v0  }
0x214: {  	[tilespmem:$0x2228] =	vst v0  }
0x215: {  	[tilespmem:$0x2238] =	vst v0  }
0x216: {  	[tilespmem:$0x2248] =	vst v0  }
0x217: {  	[tilespmem:$0x2258] =	vst v0  }
0x218: {  	[tilespmem:$0x2268] =	vst v0  }
0x219: {  	[tilespmem:$0x2278] =	vst v0  }
0x21a: {  	[tilespmem:$0x2288] =	vst v0  }
0x21b: {  	[tilespmem:$0x2298] =	vst v0  }
0x21c: {  	[tilespmem:$0x22A8] =	vst v0  }
0x21d: {  	[tilespmem:$0x22B8] =	vst v0  }
0x21e: {  	[tilespmem:$0x22C8] =	vst v0  }
0x21f: {  	[tilespmem:$0x22D8] =	vst v0  }
0x220: {  	[tilespmem:$0x22E8] =	vst v0  }
0x221: {  	[tilespmem:$0x22F8] =	vst v0  }
0x222: {  	[tilespmem:$0x2308] =	vst v0  }
0x223: {  	[tilespmem:$0x2318] =	vst v0  }
0x224: {  	[tilespmem:$0x2328] =	vst v0  }
0x225: {  	[tilespmem:$0x2338] =	vst v0  }
0x226: {  	[tilespmem:$0x2348] =	vst v0  }
0x227: {  	[tilespmem:$0x2358] =	vst v0  }
0x228: {  	[tilespmem:$0x2368] =	vst v0  }
0x229: {  	[tilespmem:$0x2378] =	vst v0  }
0x22a: {  	[tilespmem:$0x2388] =	vst v0  }
0x22b: {  	[tilespmem:$0x2398] =	vst v0  }
0x22c: {  	[tilespmem:$0x23A8] =	vst v0  }
0x22d: {  	[tilespmem:$0x23B8] =	vst v0  }
0x22e: {  	[tilespmem:$0x23C8] =	vst v0  }
0x22f: {  	[tilespmem:$0x23D8] =	vst v0  }
0x230: {  	[tilespmem:$0x23E8] =	vst v0  }
0x231: {  	[tilespmem:$0x23F8] =	vst v0  }
0x232: {  	[tilespmem:$0x2408] =	vst v0  }
0x233: {  	[tilespmem:$0x2418] =	vst v0  }
0x234: {  	[tilespmem:$0x2428] =	vst v0  }
0x235: {  	[tilespmem:$0x2438] =	vst v0  }
0x236: {  	[tilespmem:$0x2448] =	vst v0  }
0x237: {  	[tilespmem:$0x2458] =	vst v0  }
0x238: {  	[tilespmem:$0x2468] =	vst v0  }
0x239: {  	[tilespmem:$0x2478] =	vst v0  }
0x23a: {  	[tilespmem:$0x33A8] =	vst v0  }
0x23b: {  	[tilespmem:$0x33B8] =	vst v0  }
0x23c: {  	[tilespmem:$0x2488] =	vst v0  }
0x23d: {  	[tilespmem:$0x2498] =	vst v0  }
0x23e: {  	[tilespmem:$0x24A8] =	vst v0  }
0x23f: {  	[tilespmem:$0x24B8] =	vst v0  }
0x240: {  	[tilespmem:$0x24C8] =	vst v0  }
0x241: {  	[tilespmem:$0x24D8] =	vst v0  }
0x242: {  	[tilespmem:$0x24E8] =	vst v0  }
0x243: {  	[tilespmem:$0x24F8] =	vst v0  }
0x244: {  	[tilespmem:$0x2508] =	vst v0  }
0x245: {  	[tilespmem:$0x2518] =	vst v0  }
0x246: {  	[tilespmem:$0x2528] =	vst v0  }
0x247: {  	[tilespmem:$0x2538] =	vst v0  }
0x248: {  	[tilespmem:$0x2548] =	vst v0  }
0x249: {  	[tilespmem:$0x2558] =	vst v0  }
0x24a: {  	[tilespmem:$0x2568] =	vst v0  }
0x24b: {  	[tilespmem:$0x2578] =	vst v0  }
0x24c: {  	[tilespmem:$0x2588] =	vst v0  }
0x24d: {  	[tilespmem:$0x2598] =	vst v0  }
0x24e: {  	[tilespmem:$0x25A8] =	vst v0  }
0x24f: {  	[tilespmem:$0x25B8] =	vst v0  }
0x250: {  	[tilespmem:$0x25C8] =	vst v0  }
0x251: {  	[tilespmem:$0x25D8] =	vst v0  }
0x252: {  	[tilespmem:$0x25E8] =	vst v0  }
0x253: {  	[tilespmem:$0x25F8] =	vst v0  }
0x254: {  	[tilespmem:$0x2608] =	vst v0  }
0x255: {  	[tilespmem:$0x2618] =	vst v0  }
0x256: {  	[tilespmem:$0x2628] =	vst v0  }
0x257: {  	[tilespmem:$0x2638] =	vst v0  }
0x258: {  	[tilespmem:$0x2648] =	vst v0  }
0x259: {  	[tilespmem:$0x2658] =	vst v0  }
0x25a: {  	[tilespmem:$0x2668] =	vst v0  }
0x25b: {  	[tilespmem:$0x2678] =	vst v0  }
0x25c: {  	[tilespmem:$0x2688] =	vst v0  }
0x25d: {  	[tilespmem:$0x2698] =	vst v0  }
0x25e: {  	[tilespmem:$0x26A8] =	vst v0  }
0x25f: {  	[tilespmem:$0x26B8] =	vst v0  }
0x260: {  	[tilespmem:$0x26C8] =	vst v0  }
0x261: {  	[tilespmem:$0x26D8] =	vst v0  }
0x262: {  	[tilespmem:$0x26E8] =	vst v0  }
0x263: {  	[tilespmem:$0x26F8] =	vst v0  }
0x264: {  	[tilespmem:$0x2708] =	vst v0  }
0x265: {  	[tilespmem:$0x2718] =	vst v0  }
0x266: {  	[tilespmem:$0x2728] =	vst v0  }
0x267: {  	[tilespmem:$0x2738] =	vst v0  }
0x268: {  	[tilespmem:$0x2748] =	vst v0  }
0x269: {  	[tilespmem:$0x2758] =	vst v0  }
0x26a: {  	[tilespmem:$0x2768] =	vst v0  }
0x26b: {  	[tilespmem:$0x2778] =	vst v0  }
0x26c: {  	[tilespmem:$0x2788] =	vst v0  }
0x26d: {  	[tilespmem:$0x2798] =	vst v0  }
0x26e: {  	[tilespmem:$0x27A8] =	vst v0  }
0x26f: {  	[tilespmem:$0x27B8] =	vst v0  }
0x270: {  	[tilespmem:$0x27C8] =	vst v0  }
0x271: {  	[tilespmem:$0x27D8] =	vst v0  }
0x272: {  	[tilespmem:$0x27E8] =	vst v0  }
0x273: {  	[tilespmem:$0x27F8] =	vst v0  }
0x274: {  	[tilespmem:$0x2808] =	vst v0  }
0x275: {  	[tilespmem:$0x2818] =	vst v0  }
0x276: {  	[tilespmem:$0x2828] =	vst v0  }
0x277: {  	[tilespmem:$0x2838] =	vst v0  }
0x278: {  	[tilespmem:$0x2848] =	vst v0  }
0x279: {  	[tilespmem:$0x2858] =	vst v0  }
0x27a: {  	[tilespmem:$0x2868] =	vst v0  }
0x27b: {  	[tilespmem:$0x2878] =	vst v0  }
0x27c: {  	[tilespmem:$0x2888] =	vst v0  }
0x27d: {  	[tilespmem:$0x2898] =	vst v0  }
0x27e: {  	[tilespmem:$0x28A8] =	vst v0  }
0x27f: {  	[tilespmem:$0x28B8] =	vst v0  }
0x280: {  	[tilespmem:$0x28C8] =	vst v0  }
0x281: {  	[tilespmem:$0x28D8] =	vst v0  }
0x282: {  	[tilespmem:$0x28E8] =	vst v0  }
0x283: {  	[tilespmem:$0x28F8] =	vst v0  }
0x284: {  	[tilespmem:$0x2908] =	vst v0  }
0x285: {  	[tilespmem:$0x2918] =	vst v0  }
0x286: {  	[tilespmem:$0x2928] =	vst v0  }
0x287: {  	[tilespmem:$0x2938] =	vst v0  }
0x288: {  	[tilespmem:$0x2948] =	vst v0  }
0x289: {  	[tilespmem:$0x2958] =	vst v0  }
0x28a: {  	[tilespmem:$0x2968] =	vst v0  }
0x28b: {  	[tilespmem:$0x2978] =	vst v0  }
0x28c: {  	[tilespmem:$0x2988] =	vst v0  }
0x28d: {  	[tilespmem:$0x2998] =	vst v0  }
0x28e: {  	[tilespmem:$0x29A8] =	vst v0  }
0x28f: {  	[tilespmem:$0x29B8] =	vst v0  }
0x290: {  	[tilespmem:$0x29C8] =	vst v0  }
0x291: {  	[tilespmem:$0x29D8] =	vst v0  }
0x292: {  	[tilespmem:$0x29E8] =	vst v0  }
0x293: {  	[tilespmem:$0x29F8] =	vst v0  }
0x294: {  	[tilespmem:$0x2A08] =	vst v0  }
0x295: {  	[tilespmem:$0x2A18] =	vst v0  }
0x296: {  	[tilespmem:$0x2A28] =	vst v0  }
0x297: {  	[tilespmem:$0x2A38] =	vst v0  }
0x298: {  	[tilespmem:$0x2A48] =	vst v0  }
0x299: {  	[tilespmem:$0x2A58] =	vst v0  }
0x29a: {  	[tilespmem:$0x2A68] =	vst v0  }
0x29b: {  	[tilespmem:$0x2A78] =	vst v0  }
0x29c: {  	[tilespmem:$0x2A88] =	vst v0  }
0x29d: {  	[tilespmem:$0x2A98] =	vst v0  }
0x29e: {  	[tilespmem:$0x2AA8] =	vst v0  }
0x29f: {  	[tilespmem:$0x2AB8] =	vst v0  }
0x2a0: {  	[tilespmem:$0x2AC8] =	vst v0  }
0x2a1: {  	[tilespmem:$0x2AD8] =	vst v0  }
0x2a2: {  	[tilespmem:$0x2AE8] =	vst v0  }
0x2a3: {  	[tilespmem:$0x2AF8] =	vst v0  }
0x2a4: {  	[tilespmem:$0x2B08] =	vst v0  }
0x2a5: {  	[tilespmem:$0x2B18] =	vst v0  }
0x2a6: {  	[tilespmem:$0x2B28] =	vst v0  }
0x2a7: {  	[tilespmem:$0x2B38] =	vst v0  }
0x2a8: {  	[tilespmem:$0x2B48] =	vst v0  }
0x2a9: {  	[tilespmem:$0x2B58] =	vst v0  }
0x2aa: {  	[tilespmem:$0x2B68] =	vst v0  }
0x2ab: {  	[tilespmem:$0x2B78] =	vst v0  }
0x2ac: {  	[tilespmem:$0x2B88] =	vst v0  }
0x2ad: {  	[tilespmem:$0x2B98] =	vst v0  }
0x2ae: {  	[tilespmem:$0x2BA8] =	vst v0  }
0x2af: {  	[tilespmem:$0x2BB8] =	vst v0  }
0x2b0: {  	[tilespmem:$0x2BC8] =	vst v0  }
0x2b1: {  	[tilespmem:$0x2BD8] =	vst v0  }
0x2b2: {  	[tilespmem:$0x2BE8] =	vst v0  }
0x2b3: {  	[tilespmem:$0x2BF8] =	vst v0  }
0x2b4: {  	[tilespmem:$0x2C08] =	vst v0  }
0x2b5: {  	[tilespmem:$0x2C18] =	vst v0  }
0x2b6: {  	[tilespmem:$0x2C28] =	vst v0  }
0x2b7: {  	[tilespmem:$0x2C38] =	vst v0  }
0x2b8: {  	[tilespmem:$0x2C48] =	vst v0  }
0x2b9: {  	[tilespmem:$0x2C58] =	vst v0  }
0x2ba: {  	[tilespmem:$0x2C68] =	vst v0  }
0x2bb: {  	[tilespmem:$0x2C78] =	vst v0  }
0x2bc: {  	[tilespmem:$0x2C88] =	vst v0  }
0x2bd: {  	[tilespmem:$0x2C98] =	vst v0  }
0x2be: {  	[tilespmem:$0x2CA8] =	vst v0  }
0x2bf: {  	[tilespmem:$0x2CB8] =	vst v0  }
0x2c0: {  	[tilespmem:$0x2CC8] =	vst v0  }
0x2c1: {  	[tilespmem:$0x2CD8] =	vst v0  }
0x2c2: {  	[tilespmem:$0x2CE8] =	vst v0  }
0x2c3: {  	[tilespmem:$0x2CF8] =	vst v0  }
0x2c4: {  	[tilespmem:$0x2D08] =	vst v0  }
0x2c5: {  	[tilespmem:$0x2D18] =	vst v0  }
0x2c6: {  	[tilespmem:$0x2D28] =	vst v0  }
0x2c7: {  	[tilespmem:$0x2D38] =	vst v0  }
0x2c8: {  	[tilespmem:$0x2D48] =	vst v0  }
0x2c9: {  	[tilespmem:$0x2D58] =	vst v0  }
0x2ca: {  	[tilespmem:$0x2D68] =	vst v0  }
0x2cb: {  	[tilespmem:$0x2D78] =	vst v0  }
0x2cc: {  	[tilespmem:$0x2D88] =	vst v0  }
0x2cd: {  	[tilespmem:$0x2D98] =	vst v0  }
0x2ce: {  	[tilespmem:$0x2DA8] =	vst v0  }
0x2cf: {  	[tilespmem:$0x2DB8] =	vst v0  }
0x2d0: {  	[tilespmem:$0x2DC8] =	vst v0  }
0x2d1: {  	[tilespmem:$0x2DD8] =	vst v0  }
0x2d2: {  	[tilespmem:$0x2DE8] =	vst v0  }
0x2d3: {  	[tilespmem:$0x2DF8] =	vst v0  }
0x2d4: {  	[tilespmem:$0x2E08] =	vst v0  }
0x2d5: {  	[tilespmem:$0x2E18] =	vst v0  }
0x2d6: {  	[tilespmem:$0x2E28] =	vst v0  }
0x2d7: {  	[tilespmem:$0x2E38] =	vst v0  }
0x2d8: {  	[tilespmem:$0x2E48] =	vst v0  }
0x2d9: {  	[tilespmem:$0x2E58] =	vst v0  }
0x2da: {  	[tilespmem:$0x2E68] =	vst v0  }
0x2db: {  	[tilespmem:$0x2E78] =	vst v0  }
0x2dc: {  	[tilespmem:$0x2E88] =	vst v0  }
0x2dd: {  	[tilespmem:$0x2E98] =	vst v0  }
0x2de: {  	[tilespmem:$0x2EA8] =	vst v0  }
0x2df: {  	[tilespmem:$0x2EB8] =	vst v0  }
0x2e0: {  	[tilespmem:$0x2EC8] =	vst v0  }
0x2e1: {  	[tilespmem:$0x2ED8] =	vst v0  }
0x2e2: {  	[tilespmem:$0x2EE8] =	vst v0  }
0x2e3: {  	[tilespmem:$0x2EF8] =	vst v0  }
0x2e4: {  	[tilespmem:$0x2F08] =	vst v0  }
0x2e5: {  	[tilespmem:$0x2F18] =	vst v0  }
0x2e6: {  	[tilespmem:$0x2F28] =	vst v0  }
0x2e7: {  	[tilespmem:$0x2F38] =	vst v0  }
0x2e8: {  	[tilespmem:$0x2F48] =	vst v0  }
0x2e9: {  	[tilespmem:$0x2F58] =	vst v0  }
0x2ea: {  	[tilespmem:$0x2F68] =	vst v0  }
0x2eb: {  	[tilespmem:$0x2F78] =	vst v0  }
0x2ec: {  	[tilespmem:$0x2F88] =	vst v0  }
0x2ed: {  	[tilespmem:$0x2F98] =	vst v0  }
0x2ee: {  	[tilespmem:$0x2FA8] =	vst v0  }
0x2ef: {  	[tilespmem:$0x2FB8] =	vst v0  }
0x2f0: {  	[tilespmem:$0x2FC8] =	vst v0  }
0x2f1: {  	[tilespmem:$0x2FD8] =	vst v0  }
0x2f2: {  	[tilespmem:$0x2FE8] =	vst v0  }
0x2f3: {  	[tilespmem:$0x2FF8] =	vst v0  }
0x2f4: {  	[tilespmem:$0x3008] =	vst v0  }
0x2f5: {  	[tilespmem:$0x3018] =	vst v0  }
0x2f6: {  	[tilespmem:$0x3028] =	vst v0  }
0x2f7: {  	[tilespmem:$0x3038] =	vst v0  }
0x2f8: {  	[tilespmem:$0x3048] =	vst v0  }
0x2f9: {  	[tilespmem:$0x3058] =	vst v0  }
0x2fa: {  	[tilespmem:$0x3068] =	vst v0  }
0x2fb: {  	[tilespmem:$0x3078] =	vst v0  }
0x2fc: {  	[tilespmem:$0x3088] =	vst v0  }
0x2fd: {  	[tilespmem:$0x3098] =	vst v0  }
0x2fe: {  	[tilespmem:$0x30A8] =	vst v0  }
0x2ff: {  	[tilespmem:$0x30B8] =	vst v0  }
0x300: {  	[tilespmem:$0x30C8] =	vst v0  }
0x301: {  	[tilespmem:$0x30D8] =	vst v0  }
0x302: {  	[tilespmem:$0x30E8] =	vst v0  }
0x303: {  	[tilespmem:$0x30F8] =	vst v0  }
0x304: {  	[tilespmem:$0x3108] =	vst v0  }
0x305: {  	[tilespmem:$0x3118] =	vst v0  }
0x306: {  	[tilespmem:$0x3128] =	vst v0  }
0x307: {  	[tilespmem:$0x3138] =	vst v0  }
0x308: {  	[tilespmem:$0x3148] =	vst v0  }
0x309: {  	[tilespmem:$0x3158] =	vst v0  }
0x30a: {  	[tilespmem:$0x3168] =	vst v0  }
0x30b: {  	[tilespmem:$0x3178] =	vst v0  }
0x30c: {  	[tilespmem:$0x3188] =	vst v0  }
0x30d: {  	[tilespmem:$0x3198] =	vst v0  }
0x30e: {  	[tilespmem:$0x31A8] =	vst v0  }
0x30f: {  	[tilespmem:$0x31B8] =	vst v0  }
0x310: {  	[tilespmem:$0x31C8] =	vst v0  }
0x311: {  	[tilespmem:$0x31D8] =	vst v0  }
0x312: {  	[tilespmem:$0x31E8] =	vst v0  }
0x313: {  	[tilespmem:$0x31F8] =	vst v0  }
0x314: {  	[tilespmem:$0x3208] =	vst v0  }
0x315: {  	[tilespmem:$0x3218] =	vst v0  }
0x316: {  	[tilespmem:$0x3228] =	vst v0  }
0x317: {  	[tilespmem:$0x3238] =	vst v0  }
0x318: {  	[tilespmem:$0x3248] =	vst v0  }
0x319: {  	[tilespmem:$0x3258] =	vst v0  }
0x31a: {  	[tilespmem:$0x3268] =	vst v0  }
0x31b: {  	[tilespmem:$0x3278] =	vst v0  }
0x31c: {  	[tilespmem:$0x3288] =	vst v0  }
0x31d: {  	[tilespmem:$0x3298] =	vst v0  }
0x31e: {  	[tilespmem:$0x32A8] =	vst v0  }
0x31f: {  	[tilespmem:$0x32B8] =	vst v0  }
0x320: {  	[tilespmem:$0x32C8] =	vst v0  }
0x321: {  	[tilespmem:$0x32D8] =	vst v0  }
0x322: {  	[tilespmem:$0x32E8] =	vst v0  }
0x323: {  	[tilespmem:$0x32F8] =	vst v0  }
0x324: {  	[tilespmem:$0x3308] =	vst v0  }
0x325: {  	[tilespmem:$0x3318] =	vst v0  }
0x326: {  	[tilespmem:$0x3328] =	vst v0  }
0x327: {  	[tilespmem:$0x3338] =	vst v0  }
0x328: {  	[tilespmem:$0x3348] =	vst v0  }
0x329: {  	[tilespmem:$0x3358] =	vst v0  }
0x32a: {  	[tilespmem:$0x3368] =	vst v0  }
0x32b: {  	[tilespmem:$0x3378] =	vst v0  }
0x32c: {  	[tilespmem:$0x3388] =	vst v0  }
0x32d: {  	[tilespmem:$0x3398] =	vst v0  }
0x32e: {  	[tilespmem:$0x33C8] =	vst v0  }
0x32f: {  	[tilespmem:$0x33D8] =	vst v0  }
0x330: {  	[tilespmem:$0x33E8] =	vst v0  }
0x331: {  	[tilespmem:$0x33F8] =	vst v0  }
0x332: {  	[tilespmem:$0x3408] =	vst v0  }
0x333: {  	[tilespmem:$0x3418] =	vst v0  }
0x334: {  	[tilespmem:$0x3428] =	vst v0  }
0x335: {  	[tilespmem:$0x3438] =	vst v0  }
0x336: {  	[tilespmem:$0x3448] =	vst v0  }
0x337: {  	[tilespmem:$0x3458] =	vst v0  }
0x338: {  	[tilespmem:$0x3468] =	vst v0  }
0x339: {  	[tilespmem:$0x3478] =	vst v0  }
0x33a: {  	[tilespmem:$0x3488] =	vst v0  }
0x33b: {  	[tilespmem:$0x3498] =	vst v0  }
0x33c: {  	[tilespmem:$0x34A8] =	vst v0  }
0x33d: {  	[tilespmem:$0x34B8] =	vst v0  }
0x33e: {  	[tilespmem:$0x34C8] =	vst v0  }
0x33f: {  	[tilespmem:$0x34D8] =	vst v0  }
0x340: {  	[tilespmem:$0x34E8] =	vst v0  }
0x341: {  	[tilespmem:$0x34F8] =	vst v0  }
0x342: {  	[tilespmem:$0x3508] =	vst v0  }
0x343: {  	[tilespmem:$0x3518] =	vst v0  }
0x344: {  	[tilespmem:$0x3528] =	vst v0  }
0x345: {  	[tilespmem:$0x3538] =	vst v0  }
0x346: {  	[tilespmem:$0x3548] =	vst v0  }
0x347: {  	[tilespmem:$0x3558] =	vst v0  }
0x348: {  	[tilespmem:$0x3568] =	vst v0  }
0x349: {  	[tilespmem:$0x3578] =	vst v0  }
0x34a: {  	[tilespmem:$0x3588] =	vst v0  }
0x34b: {  	[tilespmem:$0x3598] =	vst v0  }
0x34c: {  	[tilespmem:$0x35A8] =	vst v0  }
0x34d: {  	[tilespmem:$0x35B8] =	vst v0  }
0x34e: {  	[tilespmem:$0x35C8] =	vst v0  }
0x34f: {  	[tilespmem:$0x35D8] =	vst v0  }
0x350: {  	[tilespmem:$0x35E8] =	vst v0  }
0x351: {  	[tilespmem:$0x35F8] =	vst v0  }
0x352: {  	[tilespmem:$0x3608] =	vst v0  }
0x353: {  	[tilespmem:$0x3618] =	vst v0  }
0x354: {  	[tilespmem:$0x3628] =	vst v0  }
0x355: {  	[tilespmem:$0x3638] =	vst v0  }
0x356: {  	[tilespmem:$0x3648] =	vst v0  }
0x357: {  	[tilespmem:$0x3658] =	vst v0  }
0x358: {  	[tilespmem:$0x3668] =	vst v0  }
0x359: {  	[tilespmem:$0x3678] =	vst v0  }
0x35a: {  	[tilespmem:$0x3688] =	vst v0  }
0x35b: {  	[tilespmem:$0x3698] =	vst v0  }
0x35c: {  	[tilespmem:$0x36A8] =	vst v0  }
0x35d: {  	[tilespmem:$0x36B8] =	vst v0  }
0x35e: {  	[tilespmem:$0x36C8] =	vst v0  }
0x35f: {  	[tilespmem:$0x36D8] =	vst v0  }
0x360: {  	[tilespmem:$0x36E8] =	vst v0  }
0x361: {  	[tilespmem:$0x36F8] =	vst v0  }
0x362: {  	[tilespmem:$0x3708] =	vst v0  }
0x363: {  	[tilespmem:$0x3718] =	vst v0  }
0x364: {  	[tilespmem:$0x3728] =	vst v0  }
0x365: {  	[tilespmem:$0x3738] =	vst v0  }
0x366: {  	[tilespmem:$0x3748] =	vst v0  }
0x367: {  	[tilespmem:$0x3758] =	vst v0  }
0x368: {  	[tilespmem:$0x3768] =	vst v0  }
0x369: {  	[tilespmem:$0x3778] =	vst v0  }
0x36a: {  	[tilespmem:$0x3788] =	vst v0  }
0x36b: {  	[tilespmem:$0x3798] =	vst v0  }
0x36c: {  	[tilespmem:$0x37A8] =	vst v0  }
0x36d: {  	[tilespmem:$0x37B8] =	vst v0  }
0x36e: {  	[tilespmem:$0x37C8] =	vst v0  }
0x36f: {  	[tilespmem:$0x37D8] =	vst v0  }
0x370: {  	[tilespmem:$0x37E8] =	vst v0  }
0x371: {  	[tilespmem:$0x37F8] =	vst v0  }
0x372: {  	[tilespmem:$0x3808] =	vst v0  }
0x373: {  	[tilespmem:$0x3818] =	vst v0  }
0x374: {  	[tilespmem:$0x3828] =	vst v0  }
0x375: {  	[tilespmem:$0x3838] =	vst v0  }
0x376: {  	[tilespmem:$0x3848] =	vst v0  }
0x377: {  	[tilespmem:$0x3858] =	vst v0  }
0x378: {  	[tilespmem:$0x3868] =	vst v0  }
0x379: {  	[tilespmem:$0x3878] =	vst v0  }
0x37a: {  	[tilespmem:$0x3888] =	vst v0  }
0x37b: {  	[tilespmem:$0x3898] =	vst v0  }
0x37c: {  	[tilespmem:$0x38A8] =	vst v0  }
0x37d: {  	[tilespmem:$0x38B8] =	vst v0  }
0x37e: {  	[tilespmem:$0x38C8] =	vst v0  }
0x37f: {  	[tilespmem:$0x38D8] =	vst v0  }
0x380: {  	[tilespmem:$0x38E8] =	vst v0  }
0x381: {  	[tilespmem:$0x38F8] =	vst v0  }
0x382: {  	[tilespmem:$0x3908] =	vst v0  }
0x383: {  	[tilespmem:$0x3918] =	vst v0  }
0x384: {  	[tilespmem:$0x3928] =	vst v0  }
0x385: {  	[tilespmem:$0x3938] =	vst v0  }
0x386: {  	[tilespmem:$0x3948] =	vst v0  }
0x387: {  	[tilespmem:$0x3958] =	vst v0  }
0x388: {  	[tilespmem:$0x3968] =	vst v0  }
0x389: {  	[tilespmem:$0x3978] =	vst v0  }
0x38a: {  	[tilespmem:$0x3988] =	vst v0  }
0x38b: {  	[tilespmem:$0x3998] =	vst v0  }
0x38c: {  	[tilespmem:$0x39A8] =	vst v0  }
0x38d: {  	[tilespmem:$0x39B8] =	vst v0  }
0x38e: {  	[tilespmem:$0x39C8] =	vst v0  }
0x38f: {  	[tilespmem:$0x39D8] =	vst v0  }
0x390: {  	[tilespmem:$0x39E8] =	vst v0  }
0x391: {  	[tilespmem:$0x39F8] =	vst v0  }
0x392: {  	[tilespmem:$0x3A08] =	vst v0  }
0x393: {  	[tilespmem:$0x3A18] =	vst v0  }
0x394: {  	[tilespmem:$0x3A28] =	vst v0  }
0x395: {  	[tilespmem:$0x3A38] =	vst v0  }
0x396: {  	[tilespmem:$0x3A48] =	vst v0  }
0x397: {  	[tilespmem:$0x3A58] =	vst v0  }
0x398: {  	[tilespmem:$0x3A68] =	vst v0  }
0x399: {  	[tilespmem:$0x3A78] =	vst v0  }
0x39a: {  	[tilespmem:$0x3A88] =	vst v0  }
0x39b: {  	[tilespmem:$0x3A98] =	vst v0  }
0x39c: {  	[tilespmem:$0x3AA8] =	vst v0  }
0x39d: {  	[tilespmem:$0x3AB8] =	vst v0  }
0x39e: {  	[tilespmem:$0x3AC8] =	vst v0  }
0x39f: {  	[tilespmem:$0x3AD8] =	vst v0  }
0x3a0: {  	[tilespmem:$0x3AE8] =	vst v0  }
0x3a1: {  	[tilespmem:$0x3AF8] =	vst v0  }
0x3a2: {  	[tilespmem:$0x3B08] =	vst v0  }
0x3a3: {  	[tilespmem:$0x3B18] =	vst v0  }
0x3a4: {  	[tilespmem:$0x3B28] =	vst v0  }
0x3a5: {  	[tilespmem:$0x3B38] =	vst v0  }
0x3a6: {  	[tilespmem:$0x3B48] =	vst v0  }
0x3a7: {  	[tilespmem:$0x3B58] =	vst v0  }
0x3a8: {  	[tilespmem:$0x3B68] =	vst v0  }
0x3a9: {  	[tilespmem:$0x3B78] =	vst v0  }
0x3aa: {  	[tilespmem:$0x3B88] =	vst v0  }
0x3ab: {  	[tilespmem:$0x3B98] =	vst v0  }
0x3ac: {  	[tilespmem:$0x3BA8] =	vst v0  }
0x3ad: {  	[tilespmem:$0x3BB8] =	vst v0  }
0x3ae: {  	[tilespmem:$0x3BC8] =	vst v0  }
0x3af: {  	[tilespmem:$0x3BD8] =	vst v0  }
0x3b0: {  	[tilespmem:$0x3BE8] =	vst v0  }
0x3b1: {  	[tilespmem:$0x3BF8] =	vst v0  }
0x3b2: {  	[tilespmem:$0x3C08] =	vst v0  }
0x3b3: {  	[tilespmem:$0x3C18] =	vst v0  }
0x3b4: {  	[tilespmem:$0x3C28] =	vst v0  }
0x3b5: {  	[tilespmem:$0x3C38] =	vst v0  }
0x3b6: {  	[tilespmem:$0x3C48] =	vst v0  }
0x3b7: {  	[tilespmem:$0x3C58] =	vst v0  }
0x3b8: {  	[tilespmem:$0x3C68] =	vst v0  }
0x3b9: {  	[tilespmem:$0x3C78] =	vst v0  }
0x3ba: {  	[tilespmem:$0x3C88] =	vst v0  }
0x3bb: {  	[tilespmem:$0x3C98] =	vst v0  }
0x3bc: {  	[tilespmem:$0x3CA8] =	vst v0  }
0x3bd: {  	[tilespmem:$0x3CB8] =	vst v0  }
0x3be: {  	[tilespmem:$0x3CC8] =	vst v0  }
0x3bf: {  	[tilespmem:$0x3CD8] =	vst v0  }
0x3c0: {  	[tilespmem:$0x3CE8] =	vst v0  }
0x3c1: {  	[tilespmem:$0x3CF8] =	vst v0  }
0x3c2: {  	[tilespmem:$0x3D08] =	vst v0  }
0x3c3: {  	[tilespmem:$0x3D18] =	vst v0  }
0x3c4: {  	[tilespmem:$0x3D28] =	vst v0  }
0x3c5: {  	[tilespmem:$0x3D38] =	vst v0  }
0x3c6: {  	[tilespmem:$0x3D48] =	vst v0  }
0x3c7: {  	[tilespmem:$0x3D58] =	vst v0  }
0x3c8: {  	[tilespmem:$0x3D68] =	vst v0  }
0x3c9: {  	[tilespmem:$0x3D78] =	vst v0  }
0x3ca: {  	[tilespmem:$0x3D88] =	vst v0  }
0x3cb: {  	[tilespmem:$0x3D98] =	vst v0  }
0x3cc: {  	[tilespmem:$0x3DA8] =	vst v0  }
0x3cd: {  	[tilespmem:$0x3DB8] =	vst v0  }
0x3ce: {  	[tilespmem:$0x3DC8] =	vst v0  }
0x3cf: {  	[tilespmem:$0x3DD8] =	vst v0  }
0x3d0: {  	[tilespmem:$0x3DE8] =	vst v0  }
0x3d1: {  	[tilespmem:$0x3DF8] =	vst v0  }
0x3d2: {  	[tilespmem:$0x3E08] =	vst v0  }
0x3d3: {  	[tilespmem:$0x3E18] =	vst v0  }
0x3d4: {  	[tilespmem:$0x3E28] =	vst v0  }
0x3d5: {  	[tilespmem:$0x3E38] =	vst v0  }
0x3d6: {  	[tilespmem:$0x3E48] =	vst v0  }
0x3d7: {  	[tilespmem:$0x3E58] =	vst v0  }
0x3d8: {  	[tilespmem:$0x3E68] =	vst v0  }
0x3d9: {  	[tilespmem:$0x3E78] =	vst v0  }
0x3da: {  	[tilespmem:$0x3E88] =	vst v0  }
0x3db: {  	[tilespmem:$0x3E98] =	vst v0  }
0x3dc: {  	[tilespmem:$0x3EA8] =	vst v0  }
0x3dd: {  	[tilespmem:$0x3EB8] =	vst v0  }
0x3de: {  	[tilespmem:$0x3EC8] =	vst v0  }
0x3df: {  	[tilespmem:$0x3ED8] =	vst v0  }
0x3e0: {  	[tilespmem:$0x3EE8] =	vst v0  }
0x3e1: {  	[tilespmem:$0x3EF8] =	vst v0  }
0x3e2: {  	[tilespmem:$0x3F08] =	vst v0  }
0x3e3: {  	[tilespmem:$0x3F18] =	vst v0  }
0x3e4: {  	[tilespmem:$0x3F28] =	vst v0  }
0x3e5: {  	[tilespmem:$0x3F38] =	vst v0  }
0x3e6: {  	[tilespmem:$0x3F48] =	vst v0  }
0x3e7: {  	[tilespmem:$0x3F58] =	vst v0  }
0x3e8: {  	[tilespmem:$0x3F68] =	vst v0  }
0x3e9: {  	[tilespmem:$0x3F78] =	vst v0  }
0x3ea: {  	[tilespmem:$0x3F88] =	vst v0  }
0x3eb: {  	[tilespmem:$0x3F98] =	vst v0  }
0x3ec: {  	[tilespmem:$0x3FA8] =	vst v0  }
0x3ed: {  	[tilespmem:$0x3FB8] =	vst v0  }
0x3ee: {  	[tilespmem:$0x3FC8] =	vst v0  }
0x3ef: {  	[tilespmem:$0x3FD8] =	vst v0  }
0x3f0: {  	[tilespmem:$0x3FE8] =	vst v0  }
0x3f1: {  	[tilespmem:$0x3FF8] =	vst v0  }
0x3f2: {  	[tilespmem:$0x4008] =	vst v0  }
0x3f3: {  	[tilespmem:$0x4018] =	vst v0  }
0x3f4: {  	[tilespmem:$0x4028] =	vst v0  }
0x3f5: {  	[tilespmem:$0x4038] =	vst v0  }
0x3f6: {  	[tilespmem:$0x4048] =	vst v0  }
0x3f7: {  	[tilespmem:$0x4058] =	vst v0  }
0x3f8: {  	[tilespmem:$0x4068] =	vst v0  }
0x3f9: {  	[tilespmem:$0x4078] =	vst v0  }
0x3fa: {  	[tilespmem:$0x4088] =	vst v0  }
0x3fb: {  	[tilespmem:$0x4098] =	vst v0  }
0x3fc: {  	[tilespmem:$0x40A8] =	vst v0  }
0x3fd: {  	[tilespmem:$0x40B8] =	vst v0  }
0x3fe: {  	[tilespmem:$0x40C8] =	vst v0  }
0x3ff: {  	[tilespmem:$0x40D8] =	vst v0  }
0x400: {  	[tilespmem:$0x40E8] =	vst v0  }
0x401: {  	[tilespmem:$0x40F8] =	vst v0  }
0x402: {  	[tilespmem:$0x4108] =	vst v0  }
0x403: {  	[tilespmem:$0x4118] =	vst v0  }
0x404: {  	[tilespmem:$0x4128] =	vst v0  }
0x405: {  	[tilespmem:$0x4138] =	vst v0  }
0x406: {  	[tilespmem:$0x4148] =	vst v0  }
0x407: {  	[tilespmem:$0x4158] =	vst v0  }
0x408: {  	[tilespmem:$0x4168] =	vst v0  }
0x409: {  	[tilespmem:$0x4178] =	vst v0  }
0x40a: {  	[tilespmem:$0x4188] =	vst v0  }
0x40b: {  	[tilespmem:$0x4198] =	vst v0  }
0x40c: {  	[tilespmem:$0x41A8] =	vst v0  }
0x40d: {  	[tilespmem:$0x41B8] =	vst v0  }
0x40e: {  	[tilespmem:$0x41C8] =	vst v0  }
0x40f: {  	[tilespmem:$0x41D8] =	vst v0  }
0x410: {  	[tilespmem:$0x41E8] =	vst v0  }
0x411: {  	[tilespmem:$0x41F8] =	vst v0  }
0x412: {  	[tilespmem:$0x4208] =	vst v0  }
0x413: {  	[tilespmem:$0x4218] =	vst v0  }
0x414: {  	[tilespmem:$0x4228] =	vst v0  }
0x415: {  	[tilespmem:$0x4238] =	vst v0  }
0x416: {  	[tilespmem:$0x4248] =	vst v0  }
0x417: {  	[tilespmem:$0x4258] =	vst v0  }
0x418: {  	[tilespmem:$0x4268] =	vst v0  }
0x419: {  	[tilespmem:$0x4278] =	vst v0  }
0x41a: {  	[tilespmem:$0x4288] =	vst v0  }
0x41b: {  	[tilespmem:$0x4298] =	vst v0  }
0x41c: {  	[tilespmem:$0x42A8] =	vst v0  }
0x41d: {  	[tilespmem:$0x42B8] =	vst v0  }
0x41e: {  	[tilespmem:$0x42C8] =	vst v0  }
0x41f: {  	[tilespmem:$0x42D8] =	vst v0  }
0x420: {  	[tilespmem:$0x42E8] =	vst v0  }
0x421: {  	[tilespmem:$0x42F8] =	vst v0  }
0x422: {  	[tilespmem:$0x4308] =	vst v0  }
0x423: {  	[tilespmem:$0x4318] =	vst v0  }
0x424: {  	[tilespmem:$0x4328] =	vst v0  }
0x425: {  	[tilespmem:$0x4338] =	vst v0  }
0x426: {  	[tilespmem:$0x4348] =	vst v0  }
0x427: {  	[tilespmem:$0x4358] =	vst v0  }
0x428: {  	[tilespmem:$0x4368] =	vst v0  }
0x429: {  	[tilespmem:$0x4378] =	vst v0  }
0x42a: {  	[tilespmem:$0x4388] =	vst v0  }
0x42b: {  	[tilespmem:$0x4398] =	vst v0  }
0x42c: {  	[tilespmem:$0x43A8] =	vst v0  }
0x42d: {  	[tilespmem:$0x43C8] =	vst v0  }
0x42e: {  	[tilespmem:$0x4478] =	vst v0  }
0x42f: {  	[tilespmem:$0x52A8] =	vst v0  }
0x430: {  	[tilespmem:$0x43F8] =	vst v0  }
0x431: {  	[tilespmem:$0x4408] =	vst v0  }
0x432: {  	[tilespmem:$0x5298] =	vst v0  }
0x433: {  	[tilespmem:$0x5288] =	vst v0  }
0x434: {  	[tilespmem:$0x5278] =	vst v0  }
0x435: {  	[tilespmem:$0x5268] =	vst v0  }
0x436: {  	[tilespmem:$0x5258] =	vst v0  }
0x437: {  	[tilespmem:$0x5248] =	vst v0  }
0x438: {  	[tilespmem:$0x5238] =	vst v0  }
0x439: {  	[tilespmem:$0x5228] =	vst v0  }
0x43a: {  	[tilespmem:$0x5218] =	vst v0  }
0x43b: {  	[tilespmem:$0x5208] =	vst v0  }
0x43c: {  	[tilespmem:$0x51F8] =	vst v0  }
0x43d: {  	[tilespmem:$0x51E8] =	vst v0  }
0x43e: {  	[tilespmem:$0x51D8] =	vst v0  }
0x43f: {  	[tilespmem:$0x51C8] =	vst v0  }
0x440: {  	[tilespmem:$0x51B8] =	vst v0  }
0x441: {  	[tilespmem:$0x51A8] =	vst v0  }
0x442: {  	[tilespmem:$0x5198] =	vst v0  }
0x443: {  	[tilespmem:$0x5188] =	vst v0  }
0x444: {  	[tilespmem:$0x5178] =	vst v0  }
0x445: {  	[tilespmem:$0x5168] =	vst v0  }
0x446: {  	[tilespmem:$0x5158] =	vst v0  }
0x447: {  	[tilespmem:$0x5148] =	vst v0  }
0x448: {  	[tilespmem:$0x5138] =	vst v0  }
0x449: {  	[tilespmem:$0x5128] =	vst v0  }
0x44a: {  	[tilespmem:$0x5118] =	vst v0  }
0x44b: {  	[tilespmem:$0x5108] =	vst v0  }
0x44c: {  	[tilespmem:$0x50F8] =	vst v0  }
0x44d: {  	[tilespmem:$0x50E8] =	vst v0  }
0x44e: {  	[tilespmem:$0x50D8] =	vst v0  }
0x44f: {  	[tilespmem:$0x50C8] =	vst v0  }
0x450: {  	[tilespmem:$0x50B8] =	vst v0  }
0x451: {  	[tilespmem:$0x50A8] =	vst v0  }
0x452: {  	[tilespmem:$0x5098] =	vst v0  }
0x453: {  	[tilespmem:$0x5088] =	vst v0  }
0x454: {  	[tilespmem:$0x5078] =	vst v0  }
0x455: {  	[tilespmem:$0x5068] =	vst v0  }
0x456: {  	[tilespmem:$0x5058] =	vst v0  }
0x457: {  	[tilespmem:$0x5048] =	vst v0  }
0x458: {  	[tilespmem:$0x5038] =	vst v0  }
0x459: {  	[tilespmem:$0x5028] =	vst v0  }
0x45a: {  	[tilespmem:$0x5018] =	vst v0  }
0x45b: {  	[tilespmem:$0x5008] =	vst v0  }
0x45c: {  	[tilespmem:$0x4FF8] =	vst v0  }
0x45d: {  	[tilespmem:$0x4FE8] =	vst v0  }
0x45e: {  	[tilespmem:$0x4FD8] =	vst v0  }
0x45f: {  	[tilespmem:$0x4FC8] =	vst v0  }
0x460: {  	[tilespmem:$0x4FB8] =	vst v0  }
0x461: {  	[tilespmem:$0x4FA8] =	vst v0  }
0x462: {  	[tilespmem:$0x4F98] =	vst v0  }
0x463: {  	[tilespmem:$0x4F88] =	vst v0  }
0x464: {  	[tilespmem:$0x4F78] =	vst v0  }
0x465: {  	[tilespmem:$0x4F68] =	vst v0  }
0x466: {  	[tilespmem:$0x4F58] =	vst v0  }
0x467: {  	[tilespmem:$0x4F48] =	vst v0  }
0x468: {  	[tilespmem:$0x4F38] =	vst v0  }
0x469: {  	[tilespmem:$0x4F28] =	vst v0  }
0x46a: {  	[tilespmem:$0x4F18] =	vst v0  }
0x46b: {  	[tilespmem:$0x4F08] =	vst v0  }
0x46c: {  	[tilespmem:$0x4EF8] =	vst v0  }
0x46d: {  	[tilespmem:$0x4EE8] =	vst v0  }
0x46e: {  	[tilespmem:$0x4ED8] =	vst v0  }
0x46f: {  	[tilespmem:$0x4EC8] =	vst v0  }
0x470: {  	[tilespmem:$0x4EB8] =	vst v0  }
0x471: {  	[tilespmem:$0x4EA8] =	vst v0  }
0x472: {  	[tilespmem:$0x4E98] =	vst v0  }
0x473: {  	[tilespmem:$0x4E88] =	vst v0  }
0x474: {  	[tilespmem:$0x4E78] =	vst v0  }
0x475: {  	[tilespmem:$0x4E68] =	vst v0  }
0x476: {  	[tilespmem:$0x4E58] =	vst v0  }
0x477: {  	[tilespmem:$0x4E48] =	vst v0  }
0x478: {  	[tilespmem:$0x4E38] =	vst v0  }
0x479: {  	[tilespmem:$0x4E28] =	vst v0  }
0x47a: {  	[tilespmem:$0x4E18] =	vst v0  }
0x47b: {  	[tilespmem:$0x4E08] =	vst v0  }
0x47c: {  	[tilespmem:$0x4DF8] =	vst v0  }
0x47d: {  	[tilespmem:$0x4DE8] =	vst v0  }
0x47e: {  	[tilespmem:$0x4DD8] =	vst v0  }
0x47f: {  	[tilespmem:$0x4DC8] =	vst v0  }
0x480: {  	[tilespmem:$0x4DB8] =	vst v0  }
0x481: {  	[tilespmem:$0x4DA8] =	vst v0  }
0x482: {  	[tilespmem:$0x4D98] =	vst v0  }
0x483: {  	[tilespmem:$0x4D88] =	vst v0  }
0x484: {  	[tilespmem:$0x4D78] =	vst v0  }
0x485: {  	[tilespmem:$0x4D68] =	vst v0  }
0x486: {  	[tilespmem:$0x4D58] =	vst v0  }
0x487: {  	[tilespmem:$0x4D48] =	vst v0  }
0x488: {  	[tilespmem:$0x4D38] =	vst v0  }
0x489: {  	[tilespmem:$0x4D28] =	vst v0  }
0x48a: {  	[tilespmem:$0x4D18] =	vst v0  }
0x48b: {  	[tilespmem:$0x4D08] =	vst v0  }
0x48c: {  	[tilespmem:$0x4CF8] =	vst v0  }
0x48d: {  	[tilespmem:$0x4CE8] =	vst v0  }
0x48e: {  	[tilespmem:$0x4CD8] =	vst v0  }
0x48f: {  	[tilespmem:$0x4CC8] =	vst v0  }
0x490: {  	[tilespmem:$0x4CB8] =	vst v0  }
0x491: {  	[tilespmem:$0x4CA8] =	vst v0  }
0x492: {  	[tilespmem:$0x4C98] =	vst v0  }
0x493: {  	[tilespmem:$0x4C88] =	vst v0  }
0x494: {  	[tilespmem:$0x4C78] =	vst v0  }
0x495: {  	[tilespmem:$0x4C68] =	vst v0  }
0x496: {  	[tilespmem:$0x4C58] =	vst v0  }
0x497: {  	[tilespmem:$0x4C48] =	vst v0  }
0x498: {  	[tilespmem:$0x4C38] =	vst v0  }
0x499: {  	[tilespmem:$0x4C28] =	vst v0  }
0x49a: {  	[tilespmem:$0x4C18] =	vst v0  }
0x49b: {  	[tilespmem:$0x4C08] =	vst v0  }
0x49c: {  	[tilespmem:$0x4BF8] =	vst v0  }
0x49d: {  	[tilespmem:$0x4BE8] =	vst v0  }
0x49e: {  	[tilespmem:$0x4BD8] =	vst v0  }
0x49f: {  	[tilespmem:$0x4BC8] =	vst v0  }
0x4a0: {  	[tilespmem:$0x4BB8] =	vst v0  }
0x4a1: {  	[tilespmem:$0x4BA8] =	vst v0  }
0x4a2: {  	[tilespmem:$0x4B98] =	vst v0  }
0x4a3: {  	[tilespmem:$0x4B88] =	vst v0  }
0x4a4: {  	[tilespmem:$0x4B78] =	vst v0  }
0x4a5: {  	[tilespmem:$0x4B68] =	vst v0  }
0x4a6: {  	[tilespmem:$0x4B58] =	vst v0  }
0x4a7: {  	[tilespmem:$0x4B48] =	vst v0  }
0x4a8: {  	[tilespmem:$0x4B38] =	vst v0  }
0x4a9: {  	[tilespmem:$0x4B28] =	vst v0  }
0x4aa: {  	[tilespmem:$0x4B18] =	vst v0  }
0x4ab: {  	[tilespmem:$0x4B08] =	vst v0  }
0x4ac: {  	[tilespmem:$0x4AF8] =	vst v0  }
0x4ad: {  	[tilespmem:$0x4AE8] =	vst v0  }
0x4ae: {  	[tilespmem:$0x4AD8] =	vst v0  }
0x4af: {  	[tilespmem:$0x4AC8] =	vst v0  }
0x4b0: {  	[tilespmem:$0x4AB8] =	vst v0  }
0x4b1: {  	[tilespmem:$0x4AA8] =	vst v0  }
0x4b2: {  	[tilespmem:$0x4A98] =	vst v0  }
0x4b3: {  	[tilespmem:$0x4A88] =	vst v0  }
0x4b4: {  	[tilespmem:$0x4A78] =	vst v0  }
0x4b5: {  	[tilespmem:$0x4A68] =	vst v0  }
0x4b6: {  	[tilespmem:$0x4A58] =	vst v0  }
0x4b7: {  	[tilespmem:$0x4A48] =	vst v0  }
0x4b8: {  	[tilespmem:$0x4A38] =	vst v0  }
0x4b9: {  	[tilespmem:$0x4A28] =	vst v0  }
0x4ba: {  	[tilespmem:$0x4A18] =	vst v0  }
0x4bb: {  	[tilespmem:$0x4A08] =	vst v0  }
0x4bc: {  	[tilespmem:$0x49F8] =	vst v0  }
0x4bd: {  	[tilespmem:$0x49E8] =	vst v0  }
0x4be: {  	[tilespmem:$0x49D8] =	vst v0  }
0x4bf: {  	[tilespmem:$0x49C8] =	vst v0  }
0x4c0: {  	[tilespmem:$0x49B8] =	vst v0  }
0x4c1: {  	[tilespmem:$0x49A8] =	vst v0  }
0x4c2: {  	[tilespmem:$0x4998] =	vst v0  }
0x4c3: {  	[tilespmem:$0x4988] =	vst v0  }
0x4c4: {  	[tilespmem:$0x4978] =	vst v0  }
0x4c5: {  	[tilespmem:$0x4968] =	vst v0  }
0x4c6: {  	[tilespmem:$0x4958] =	vst v0  }
0x4c7: {  	[tilespmem:$0x4948] =	vst v0  }
0x4c8: {  	[tilespmem:$0x4938] =	vst v0  }
0x4c9: {  	[tilespmem:$0x4928] =	vst v0  }
0x4ca: {  	[tilespmem:$0x4918] =	vst v0  }
0x4cb: {  	[tilespmem:$0x4908] =	vst v0  }
0x4cc: {  	[tilespmem:$0x48F8] =	vst v0  }
0x4cd: {  	[tilespmem:$0x48E8] =	vst v0  }
0x4ce: {  	[tilespmem:$0x48D8] =	vst v0  }
0x4cf: {  	[tilespmem:$0x48C8] =	vst v0  }
0x4d0: {  	[tilespmem:$0x48B8] =	vst v0  }
0x4d1: {  	[tilespmem:$0x48A8] =	vst v0  }
0x4d2: {  	[tilespmem:$0x4898] =	vst v0  }
0x4d3: {  	[tilespmem:$0x4888] =	vst v0  }
0x4d4: {  	[tilespmem:$0x4878] =	vst v0  }
0x4d5: {  	[tilespmem:$0x4868] =	vst v0  }
0x4d6: {  	[tilespmem:$0x4858] =	vst v0  }
0x4d7: {  	[tilespmem:$0x4848] =	vst v0  }
0x4d8: {  	[tilespmem:$0x4838] =	vst v0  }
0x4d9: {  	[tilespmem:$0x4828] =	vst v0  }
0x4da: {  	[tilespmem:$0x4818] =	vst v0  }
0x4db: {  	[tilespmem:$0x4808] =	vst v0  }
0x4dc: {  	[tilespmem:$0x47F8] =	vst v0  }
0x4dd: {  	[tilespmem:$0x47E8] =	vst v0  }
0x4de: {  	[tilespmem:$0x47D8] =	vst v0  }
0x4df: {  	[tilespmem:$0x47C8] =	vst v0  }
0x4e0: {  	[tilespmem:$0x47B8] =	vst v0  }
0x4e1: {  	[tilespmem:$0x47A8] =	vst v0  }
0x4e2: {  	[tilespmem:$0x4798] =	vst v0  }
0x4e3: {  	[tilespmem:$0x4788] =	vst v0  }
0x4e4: {  	[tilespmem:$0x4778] =	vst v0  }
0x4e5: {  	[tilespmem:$0x4768] =	vst v0  }
0x4e6: {  	[tilespmem:$0x4758] =	vst v0  }
0x4e7: {  	[tilespmem:$0x4748] =	vst v0  }
0x4e8: {  	[tilespmem:$0x4738] =	vst v0  }
0x4e9: {  	[tilespmem:$0x4728] =	vst v0  }
0x4ea: {  	[tilespmem:$0x4718] =	vst v0  }
0x4eb: {  	[tilespmem:$0x4708] =	vst v0  }
0x4ec: {  	[tilespmem:$0x46F8] =	vst v0  }
0x4ed: {  	[tilespmem:$0x46E8] =	vst v0  }
0x4ee: {  	[tilespmem:$0x46D8] =	vst v0  }
0x4ef: {  	[tilespmem:$0x46C8] =	vst v0  }
0x4f0: {  	[tilespmem:$0x46B8] =	vst v0  }
0x4f1: {  	[tilespmem:$0x46A8] =	vst v0  }
0x4f2: {  	[tilespmem:$0x4698] =	vst v0  }
0x4f3: {  	[tilespmem:$0x4688] =	vst v0  }
0x4f4: {  	[tilespmem:$0x4678] =	vst v0  }
0x4f5: {  	[tilespmem:$0x4668] =	vst v0  }
0x4f6: {  	[tilespmem:$0x4658] =	vst v0  }
0x4f7: {  	[tilespmem:$0x4648] =	vst v0  }
0x4f8: {  	[tilespmem:$0x4638] =	vst v0  }
0x4f9: {  	[tilespmem:$0x4628] =	vst v0  }
0x4fa: {  	[tilespmem:$0x4618] =	vst v0  }
0x4fb: {  	[tilespmem:$0x4608] =	vst v0  }
0x4fc: {  	[tilespmem:$0x45F8] =	vst v0  }
0x4fd: {  	[tilespmem:$0x45E8] =	vst v0  }
0x4fe: {  	[tilespmem:$0x45D8] =	vst v0  }
0x4ff: {  	[tilespmem:$0x45C8] =	vst v0  }
0x500: {  	[tilespmem:$0x45B8] =	vst v0  }
0x501: {  	[tilespmem:$0x45A8] =	vst v0  }
0x502: {  	[tilespmem:$0x4598] =	vst v0  }
0x503: {  	[tilespmem:$0x4588] =	vst v0  }
0x504: {  	[tilespmem:$0x4578] =	vst v0  }
0x505: {  	[tilespmem:$0x4568] =	vst v0  }
0x506: {  	[tilespmem:$0x4558] =	vst v0  }
0x507: {  	[tilespmem:$0x4548] =	vst v0  }
0x508: {  	[tilespmem:$0x4538] =	vst v0  }
0x509: {  	[tilespmem:$0x4528] =	vst v0  }
0x50a: {  	[tilespmem:$0x4518] =	vst v0  }
0x50b: {  	[tilespmem:$0x4508] =	vst v0  }
0x50c: {  	[tilespmem:$0x44F8] =	vst v0  }
0x50d: {  	[tilespmem:$0x44E8] =	vst v0  }
0x50e: {  	s10 =	stileid.u32;
	[tilespmem:$0x44D8] =	vst v0  }
0x50f: {  	s25 =	smul.u32 $0x1C, s10;
	[tilespmem:$0x44C8] =	vst v0  }
0x510: {  	s1 =	smin.u32 s10, $0x8;
	[tilespmem:$0x44B8] =	vst v0  }
0x511: {  	[tilespmem:$0x44A8] =	vst v0;
	s0 =	sadd.s32 s1, s25  }
0x512: {  	p0 =	slt.u32 s10, $0x8;
	[tilespmem:$0x4498] =	vst v0;
	s1 =	simm.s32 $0x1050;
	s8 =	smul.u32 $0x90, s0  }
0x513: {  	[tilespmem:$0x4488] =	vst v0;
	s1 =	simm.s32 @!p0 $0xFC0  }
0x514: {  	s6 =	simm.s32 $0x2;
	[tilespmem:$0x4458] =	vst v0;
	s0 =	sadd.s32 s1, s8  }
0x515: {  	s7 =	simm.s32 $0x9;
	s29 =	simm.s32 $0xA;
	[tilespmem:$0x4468] =	vst v0;
	s9 =	smin.u32 s0, $0x10000  }
0x516: {  	s30 =	simm.s32 $0xB;
	s24 =	simm.s32 $0x0;
	[tilespmem:$0x4448] =	vst v0;
	s0 =	ssub.s32 s9, s8  }
0x517: {  	p1 =	por $0x0, $0x0;
	s18 =	simm.s32 $0x80;
	[tilespmem:$0x43D8] =	vst v0;
	p0 =	sgt.s32 s0, $0x0  }
0x518: {  	s19 =	simm.s32 $0x400;
	s20 =	simm.s32 $0xC;
	[tilespmem:$0x4438] =	vst v0;
	s0 =	simm.s32 @!p0 $0x0  }
0x519: {  	s21 =	simm.s32 $0x0;
	s2 =	sand.u32 $0x1, s2;
	[tilespmem:$0x4428] =	vst v0;
	s26 =	smulhi.u32 $0x38E38E39, s0  }
0x51a: {  	s23 =	simm.s32 $0x0;
	s5 =	sadd.s32 $0x1A400, s4;
	[tilespmem:$0x4418] =	vst v0;
	[dreg:$0x4] =	wrdreg s2  }
0x51b: {  	s2 =	sshll.u32 s2, $0xD;
	s31 =	smul.u32 $0x480, s10;
	[tilespmem:$0x43E8] =	vst v0;
	s1 =	sshrl.u32 s26, $0x5  }
0x51c: {  	[tilespmem:$0x43B8] =	vst v0;
	[sflag:s6] =	ssyncpa.u1 $0x0;
	v0 =	vimm.s32 $0xFFFFFFFF;
	s2 =	sadd.s32 s2, s4;
	s28 =	smul.u32 $0x90, s1  }
.Ltmp0:
0x51d: {  	[tilespmem:$0xA448] =	vst v0;
	[sflag:s7] =	ssyncpa.u1 $0x0;
	s4 =	sadd.s32 $0x21A400, s4;
	(pc) =	sbr.rel .LBB2_1-.Ltmp0, $4  }
0x51e: {  	s16 =	sshrl.u32 s31, $0x2;
	p0 =	sne.s32 s0, s28;
	s0 =	simm.s32 $0x1  }
0x51f: {  	[sflag:s29] =	ssyncpa.u1 $0x0;
	s12 =	sadd.s32 $0x16400, s2;
	s0 =	simm.s32 @!p0 $0x0  }
0x520: {  	s17 =	sadd.s32 $0x12400, s2;
	[sflag:s30] =	ssyncpa.u1 $0x0;
	s13 =	sadd.s32 s0, s1  }
0x521: {  	v0 =	vlaneseq.u32;
	s22 =	smov.u32 s8;
	p0 =	por $0x1, $0x1;
	s15 =	sadd.s32 $0x1, s13  }
.LBB2_22:
0x522: {  	s1 =	sshrl.u32 s1, $0x2  }
.LBB2_24:
0x523: {  	_ =	swait.ge [sflag:s20], s1  }
0x524: {  	s31 =	ssub.s32 $0x0, s1;
	v1 =	vmov s26;
	vm0 =	veq.s32 v0, $0x0;
	[sflag:s20] =	ssyncset.done $0x0  }
0x525: {  	vm15 =	veq.s32 v0, $0x2;
	v1 =	vsel vm0, s0, v1;
	[sflag:s20] =	ssyncadd.s32 s31  }
0x526: {  	v1 =	vsel vm15, s24, v1;
	[sflag:s20] =	ssyncpa.u1 $0x1  }
0x527: {  	[tilespmem:$0xA448] =	vst v1  }
.LBB2_25:
0x528: {  	s0 =	sadd.s32 $0x90, s22  }
0x529: {  	s1 =	smov.u32 s8;
	p2 =	slt.s32 s0, s9  }
0x52a: {  	s1 =	smov.u32 @p2 s0;
	p2 =	sne.s32 s23, s15  }
.Ltmp1:
0x52b: {  	_ = 	snop;
	(pc) =	sbr.rel @!p2 .LBB2_26-.Ltmp1, $4  }
0x52c: {  	_ = 	snop  }
0x52d: {  	s24 =	smov.u32 s21  }
0x52e: {  	s31 =	sadd.s32 $0x1, s23;
	s21 =	smov.u32 s22;
	p0 =	por !p0, !p0  }
0x52f: {  	p1 =	por !p1, !p1;
	s23 =	smov.u32 s31;
	s22 =	smov.u32 s1  }
.LBB2_1:
0x530: {  	p2 =	sge.u32 s23, s13  }
0x531: {  	s0 =	smulhi.u32 @!p2 $0xAAAAAAAB, s23  }
0x532: {  	s1 =	smov.u32 s22;
	p3 =	sgt.s32 @!p2 s22, $0xFF70  }
0x533: {  	s2 =	sshra.s32 @!p2 s22, $0x1F;
	p3 =	por !p3, p2;
	s0 =	sshrl.u32 @!p2 s0, $0x1  }
0x534: {  	s2 =	sand.u32 @!p2 s2, s22;
	s1 =	simm.s32 @p3 $0xFF70;
	s0 =	smul.u32 @!p2 $0x3, s0  }
0x535: {  	s1 =	ssub.s32 @!p2 s1, s2  }
0x536: {  	s1 =	sadd.s32 @!p2 $0xFFFF0090, s1;
	s0 =	ssub.s32 @!p2 s23, s0  }
0x537: {  	s2 =	sshll.u32 @!p2 s1, $0x2;
	p3 =	sgt.s32 @!p2 s1, $0x8F;
	s0 =	smul.u32 @!p2 $0x240, s0  }
0x538: {  	s6 =	sand.u32 @!p2 $0x7, s22;
	s1 =	ssub.s32 @!p2 $0x240, s2;
	p3 =	por !p3, p2  }
0x539: {  	s2 =	sshrl.u32 @!p2 s22, $0x3;
	s1 =	sshrl.u32 @!p2 s1, $0x2;
	s0 =	sshrl.u32 @!p2 s0, $0x2  }
0x53a: {  	s2 =	sadd.s32 @!p2 s2, s12;
	s1 =	simm.s32 @!p3 $0x0;
	s0 =	sadd.s32 @!p2 $0xB688, s0  }
0x53b: {  	[tilespmem:s0], [sflag:$0xA] =	stream.linear.gather @!p2 [hbm4b:s2+s6], s1, $0x38;
	[tilespmem:$0x1D958] =	vst v63  }
0x53c: {  	s1 =	sadd.s32 $0xFFFFFFFF, s23  }
0x53d: {  	p2 =	sge.u32 s1, s13  }
0x53e: {  	p3 =	sgt.s32 @!p2 s21, $0xFF70  }
0x53f: {  	s0 =	smov.u32 s21;
	s2 =	sshra.s32 @!p2 s21, $0x1F;
	p3 =	por !p3, p2  }
0x540: {  	s2 =	sand.u32 @!p2 s2, s21;
	s0 =	simm.s32 @p3 $0xFF70  }
0x541: {  	s0 =	ssub.s32 @!p2 s0, s2  }
0x542: {  	s0 =	sadd.s32 @!p2 $0xFFFF0090, s0  }
0x543: {  	s2 =	sshll.u32 @!p2 s0, $0x2  }
0x544: {  	p3 =	sgt.s32 @!p2 s0, $0x8F;
	s0 =	ssub.s32 @!p2 $0x240, s2  }
0x545: {  	p3 =	por !p3, p2;
	s0 =	sshrl.u32 @!p2 s0, $0x2  }
0x546: {  	s6 =	simm.s32 @!p2 $0xA;
	s2 =	sand.u32 @!p2 $0x1, s1;
	s0 =	simm.s32 @!p3 $0x0  }
0x547: {  	s2 =	smul.u32 @!p2 $0x240, s2;
	_ =	swait.ge @!p2 [sflag:s6], s0  }
0x548: {  	s7 =	ssub.s32 @!p2 $0x0, s0;
	[sflag:s6] =	ssyncset.done @!p2 $0x0  }
0x549: {  	s2 =	sshrl.u32 @!p2 s2, $0x2;
	[sflag:s6] =	ssyncadd.s32 @!p2 s7;
	s6 =	sshrl.u32 @!p2 s21, $0x3  }
0x54a: {  	s2 =	sadd.s32 @!p2 $0xB838, s2;
	s7 =	sand.u32 @!p2 $0x7, s21;
	s6 =	sadd.s32 @!p2 s6, s17  }
0x54b: {  	[tilespmem:s2], [sflag:$0xB] =	stream.linear.gather @!p2 [hbm4b:s6+s7], s0, $0x38;
	[tilespmem:$0x1D958] =	vst v63  }
0x54c: {  	s0 =	ssub.s32 @!p2 $0x10000, s21  }
0x54d: {  	p3 =	slt.s32 @!p2 s0, $0x1  }
0x54e: {  	p3 =	por p2, p3  }
.Ltmp2:
0x54f: {  	_ = 	snop;
	(pc) =	sbr.rel @p3 .LBB2_7-.Ltmp2, $1  }
0x550: {  	_ =	sdelay $0x3  }
0x551: {  	s2 =	smulhi.u32 $0xAAAAAAAB, s1;
	_ =	sdelay $0x1  }
0x552: {  	s2 =	sshrl.u32 s2, $0x1  }
0x553: {  	s2 =	smul.u32 $0x3, s2;
	_ =	sdelay $0x1  }
0x554: {  	s29 =	ssub.s32 s1, s2  }
0x555: {  	s6 =	simm.s32 $0x1;
	s1 =	smul.u32 $0x240, s29  }
.Ltmp3:
0x556: {  	s6 =	simm.s32 @!p0 $0x0;
	(pc) =	sbr.rel .LBB2_4-.Ltmp3, $4  }
0x557: {  	s30 =	smul.u32 $0x24000, s6  }
0x558: {  	p3 =	slt.s32 @!p2 s0, $0x90;
	s1 =	sshrl.u32 s1, $0x2  }
0x559: {  	p2 =	por !p3, p2;
	s2 =	sshrl.u32 s30, $0x2;
	s31 =	sadd.s32 $0xB688, s1  }
0x55a: {  	s0 =	simm.s32 @p2 $0x90;
	s1 =	sadd.s32 $0xB958, s2;
	s2 =	simm.s32 $0x0;
	v1 =	vmov s31  }
.LBB2_3:
0x55b: {  	p2 =	sge.s32 s2, s0  }
.Ltmp4:
0x55c: {  	_ = 	snop;
	(pc) =	sbr.rel @p2 .LBB2_7-.Ltmp4, $2  }
0x55d: {  	_ =	sdelay $0x2  }
0x55e: {  	s1 =	sadd.s32 $0x1000, s1  }
.LBB2_4:
0x55f: {  	p2 =	sle.s32 s0, s2  }
.Ltmp5:
0x560: {  	_ = 	snop;
	(pc) =	sbr.rel @p2 .LBB2_3-.Ltmp5, $2  }
0x561: {  	_ =	sdelay $0x2  }
0x562: {  	s7 =	smov.u32 s2;
	s2 =	sadd.s32 $0x10, s2  }
0x563: {  	s6 =	ssub.s32 s0, s7  }
0x564: {  	p2 =	slt.s32 s6, $0x10  }
0x565: {  	s6 =	simm.s32 @!p2 $0x10  }
0x566: {  	v2 =	vmov s6  }
0x567: {  	vm0 =	vgt.s32 v2, v0;
	_ =	sdelay $0x5  }
0x568: {  	v2 =	vld.idx.msk [tilespmem:v1+s7+$0x0 ss:$0x1], vm0;
	_ =	sdelay $0x2  }
0x569: {  	p2 =	slt.s32 s2, s0;
	s6 =	smov.u32 s0  }
0x56a: {  	s10 =	smov.u32 s1;
	s25 =	simm.s32 $0x0;
	s6 =	smov.u32 @p2 s2  }
.LBB2_6:
0x56b: {  	(v2sf) =	vpush v2, s25;
	_ =	sdelay $0xe  }
0x56c: {  	s25 =	sadd.s32 $0x1, s25;
	s11 =	spop (v2sf)  }
0x56d: {  	s31 =	sadd.s32 s25, s7;
	s26 =	sshll.u32 s11, $0x8;
	s11 =	sshll.u32 s11, $0x7  }
0x56e: {  	p2 =	slt.s32 s31, s6;
	s26 =	sand.u32 $0xFFFFF800, s26;
	s11 =	sand.u32 $0x380, s11  }
.Ltmp6:
0x56f: {  	s11 =	sor.u32 s11, s26;
	(pc) =	sbr.rel @p2 .LBB2_6-.Ltmp6, $4  }
0x570: {  	s11 =	sshrl.u32 s11, $0x3  }
0x571: {  	s11 =	sadd.s32 s4, s11  }
0x572: {  	[tilespmem:s10], [sflag:$0x9] =	stream.strided.gather [hbm4b:s11+s18], $0x100, s19, s18, $0x38;
	[tilespmem:$0x1D958] =	vst v63  }
0x573: {  	s10 =	sadd.s32 $0x100, s10  }
.Ltmp7:
0x574: {  	_ = 	snop;
	(pc) =	sbr.rel .LBB2_3-.Ltmp7, $1  }
0x575: {  	_ =	sdelay $0x3  }
.LBB2_7:
0x576: {  	p2 =	slt.u32 s23, $0x2  }
.Ltmp8:
0x577: {  	_ = 	snop;
	(pc) =	sbr.rel @p2 .LBB2_25-.Ltmp8, $1  }
0x578: {  	_ =	sdelay $0x3  }
0x579: {  	p2 =	sgt.s32 s24, $0xFF70  }
0x57a: {  	s0 =	smov.u32 s24;
	s1 =	sshra.s32 s24, $0x1F;
	s2 =	ssub.s32 $0x10000, s24  }
0x57b: {  	s0 =	simm.s32 @!p2 $0xFF70;
	s1 =	sand.u32 s1, s24;
	p2 =	slt.s32 s2, $0x90  }
0x57c: {  	s0 =	ssub.s32 s0, s1;
	s2 =	simm.s32 @!p2 $0x90  }
0x57d: {  	s0 =	sadd.s32 $0xFFFF0090, s0;
	s14 =	sshll.u32 s2, $0x8  }
0x57e: {  	s29 =	simm.s32 $0x9;
	s25 =	sshll.u32 s0, $0x2;
	s1 =	sand.u32 $0x3FFFFF00, s14  }
0x57f: {  	p2 =	sgt.s32 s0, $0x8F;
	s26 =	ssub.s32 $0x240, s25;
	_ =	swait.ge [sflag:s29], s1  }
0x580: {  	s1 =	ssub.s32 $0x0, s1;
	[sflag:s29] =	ssyncset.done $0x0;
	s0 =	sshrl.u32 s26, $0x2  }
0x581: {  	s30 =	simm.s32 $0xB;
	[sflag:s29] =	ssyncadd.s32 s1;
	s0 =	simm.s32 @p2 $0x0  }
0x582: {  	_ =	swait.ge [sflag:s30], s0  }
0x583: {  	s0 =	ssub.s32 $0x0, s0;
	[sflag:s30] =	ssyncset.done $0x0  }
0x584: {  	[sflag:s30] =	ssyncadd.s32 s0  }
0x585: {  	v1 =	vld [tilespmem:$0xA448];
	_ =	sdelay $0x4  }
0x586: {  	(v2sf) =	vpush v1, $0x0  }
0x587: {  	(v2sf) =	vpush v1, $0x1  }
0x588: {  	(v2sf) =	vpush v1, $0x2;
	_ =	sdelay $0x3  }
0x589: {  	s0 =	sadd.s32 $0x90, s24  }
0x58a: {  	s6 =	ssub.s32 $0x20000, s24;
	p2 =	slt.s32 s9, s0  }
0x58b: {  	s0 =	smov.u32 @p2 s9;
	p2 =	sgt.s32 s6, $0x0  }
0x58c: {  	s0 =	ssub.s32 s0, s24;
	s6 =	simm.s32 @!p2 $0x0  }
0x58d: {  	p2 =	slt.s32 s6, s0  }
0x58e: {  	s0 =	smov.u32 @p2 s6  }
0x58f: {  	s1 =	simm.s32 $0x1;
	p2 =	slt.s32 s0, $0x1  }
.Ltmp9:
0x590: {  	s1 =	simm.s32 @!p1 $0x0;
	(pc) =	sbr.rel @p2 .LBB2_12-.Ltmp9, $4  }
0x591: {  	s7 =	smul.u32 $0x240, s1  }
0x592: {  	s2 =	spop (v2sf)  }
0x593: {  	s31 =	sshrl.u32 s7, $0x2;
	s28 =	spop (v2sf)  }
0x594: {  	s25 =	sadd.s32 $0xB838, s31;
	s24 =	spop (v2sf)  }
0x595: {  	s6 =	smin.u32 s0, $0x10  }
0x596: {  	v1 =	vmov s6  }
0x597: {  	vm1 =	vgt.u32 v1, v0  }
0x598: {  	p3 =	sgt.s32 s0, $0x10  }
.Ltmp10:
0x599: {  	_ = 	snop;
	(pc) =	sbr.rel @!p3 .LBB2_11-.Ltmp10, $2  }
0x59a: {  	_ =	sdelay $0x2  }
0x59b: {  	s26 =	simm.s32 $0x10;
	s29 =	sadd.s32 $0xFFFFFFF0, s0;
	s7 =	smov.u32 s25;
	vm0 =	vmmov vm1;
	v1 =	vld.msk [tilespmem:s25+$0x0 ss:$0x1], vm1  }
.LBB2_10:
0x59c: {  	s6 =	smin.u32 s29, $0x10;
	s26 =	sadd.s32 $0x10, s26  }
0x59d: {  	v2 =	vmov s6;
	p3 =	slt.s32 s26, s0  }
0x59e: {  	vm1 =	vgt.u32 v2, v0;
	_ =	sdelay $0x1  }
0x59f: {  	v2 =	vshll.u32 v1, $0x5;
	v1 =	vshll.u32 v1, $0x4  }
.Ltmp11:
0x5a0: {  	v2 =	vand.u32 $0xFFFFFF00, v2;
	v1 =	vand.u32 $0x70, v1;
	(pc) =	sbr.rel @p3 .LBB2_10-.Ltmp11, $4  }
0x5a1: {  	v1 =	vor.u32 v1, v2  }
0x5a2: {  	[tilespmem:s7+$0x0] =	vst.msk vm0, v1;
	s7 =	sadd.s32 $0x10, s7;
	vm0 =	vmmov vm1  }
0x5a3: {  	v1 =	vld.msk [tilespmem:s7+$0x0 ss:$0x1], vm1  }
0x5a4: {  	s29 =	sadd.s32 $0xFFFFFFF0, s29  }
.LBB2_11:
0x5a5: {  	_ =	sdelay $0x3  }
0x5a6: {  	v2 =	vshll.u32 v1, $0x5;
	v1 =	vshll.u32 v1, $0x4  }
0x5a7: {  	v2 =	vand.u32 $0xFFFFFF00, v2;
	v1 =	vand.u32 $0x70, v1  }
0x5a8: {  	v1 =	vor.u32 v1, v2  }
0x5a9: {  	[tilespmem:s7+$0x0] =	vst.msk vm0, v1  }
.LBB2_12:
0x5aa: {  	s6 =	sand.u32 $0x1, s23  }
0x5ab: {  	s6 =	smul.u32 $0x90, s6  }
0x5ac: {  	p3 =	sne.s32 s28, $0xFFFFFFFF  }
0x5ad: {  	v1 =	vld.msk @!p3 [tilespmem:s6+$0xB838], $0x1;
	_ =	sdelay $0x4  }
0x5ae: {  	(v2sf) =	vpush @!p3 v1, $0x0;
	_ =	sdelay $0xc  }
.Ltmp12:
0x5af: {  	_ = 	snop;
	(pc) =	sbr.rel @p2 .LBB2_23-.Ltmp12, $4  }
0x5b0: {  	_ = 	snop  }
0x5b1: {  	s31 =	spop @!p3 (v2sf)  }
0x5b2: {  	s24 =	simm.s32 @!p3 $0x0;
	s26 =	smov.u32 s31  }
0x5b3: {  	[sflag:s20] =	ssyncpa.u1 $0x0;
	s31 =	smov.u32 @p3 s2;
	s26 =	smov.u32 @p3 s28  }
0x5b4: {  	v1 =	vld.msk [tilespmem:s25+$0x0], $0x1;
	_ =	sdelay $0x4  }
0x5b5: {  	(v2sf) =	vpush v1, $0x0;
	_ =	sdelay $0xd  }
0x5b6: {  	s3 =	smov.u32 s8;
	s8 =	smov.u32 s15  }
0x5b7: {  	s15 =	smov.u32 s12;
	s1 =	smul.u32 $0x24000, s1;
	s2 =	spop (v2sf)  }
0x5b8: {  	s28 =	simm.s32 $0x0;
	s7 =	smov.u32 s31;
	p2 =	seq.s32 s31, s2  }
0x5b9: {  	s30 =	ssub.s32 $0x0, s0;
	p3 =	sgt.s32 @!p2 s31, $0x0;
	s6 =	smul.u32 @!p2 $0x240, s28  }
0x5ba: {  	s0 =	sadd.s32 $0x1, s30;
	s1 =	sshrl.u32 s1, $0x2;
	p3 =	por !p3, p2  }
0x5bb: {  	s29 =	sadd.s32 $0xB998, s1;
	s7 =	simm.s32 @p3 $0x0;
	s1 =	sshra.s32 @!p2 s6, $0x2  }
0x5bc: {  	p3 =	seq.s32 s0, $0x0;
	s6 =	smin.u32 @!p2 s7, $0x1FF7F;
	s7 =	simm.s32 @!p2 $0x1  }
.Ltmp13:
0x5bd: {  	s10 =	sadd.s32 @!p2 $0x52B8, s1;
	s11 =	sand.u32 @!p2 $0x1FFF8, s6;
	(pc) =	sbr.rel @p3 .LBB2_15-.Ltmp13, $4  }
0x5be: {  	s12 =	sadd.s32 @!p2 $0x80, s6;
	s6 =	sand.u32 @!p2 $0x7, s6;
	s11 =	sadd.s32 @!p2 s5, s11  }
0x5bf: {  	[tilespmem:s10], [sflag:$0x2] =	stream.linear.gather @!p2 [hbm4b:s11+s6], $0x80, $0x38;
	[tilespmem:$0x1D958] =	vst v63  }
0x5c0: {  	s7 =	smov.u32 @p2 s28;
	s11 =	sand.u32 @!p2 $0x3FFF8, s12  }
0x5c1: {  	s10 =	sadd.s32 @!p2 $0x5338, s1;
	s1 =	sadd.s32 $0x1, s25;
	s11 =	sadd.s32 @!p2 s5, s11  }
.LBB2_14:
0x5c2: {  	s12 =	smov.u32 s7  }
0x5c3: {  	[tilespmem:s10], [sflag:$0x2] =	stream.linear.gather @!p2 [hbm4b:s11+s6], $0x1, $0x38;
	[tilespmem:$0x1D958] =	vst v63  }
0x5c4: {  	s0 =	sadd.s32 $0x1, s0;
	s6 =	smov.u32 s2;
	v1 =	vld.msk [tilespmem:s1+$0x0], $0x1  }
0x5c5: {  	p3 =	seq.s32 s0, $0x0;
	_ =	sdelay $0x3  }
0x5c6: {  	(v2sf) =	vpush v1, $0x0;
	_ =	sdelay $0xe  }
0x5c7: {  	s2 =	spop (v2sf)  }
0x5c8: {  	p2 =	seq.s32 s6, s2  }
0x5c9: {  	p4 =	sgt.s32 @!p2 s6, $0x0;
	s10 =	smul.u32 @!p2 $0x240, s7;
	s7 =	sadd.s32 @!p2 $0x1, s7  }
0x5ca: {  	p4 =	por !p4, p2;
	s7 =	smov.u32 @p2 s12  }
0x5cb: {  	s6 =	simm.s32 @p4 $0x0;
	s10 =	sshra.s32 @!p2 s10, $0x2  }
.Ltmp14:
0x5cc: {  	s6 =	smin.u32 @!p2 s6, $0x1FF7F;
	s11 =	sadd.s32 @!p2 $0x52B8, s10;
	(pc) =	sbr.rel @!p3 .LBB2_14-.Ltmp14, $4  }
0x5cd: {  	s10 =	sadd.s32 @!p2 $0x5338, s10;
	s12 =	sand.u32 @!p2 $0x1FFF8, s6;
	s14 =	sadd.s32 @!p2 $0x80, s6  }
0x5ce: {  	s6 =	sand.u32 @!p2 $0x7, s6;
	s12 =	sadd.s32 @!p2 s5, s12;
	s14 =	sand.u32 @!p2 $0x3FFF8, s14  }
0x5cf: {  	[tilespmem:s11], [sflag:$0x2] =	stream.linear.gather @!p2 [hbm4b:s12+s6], $0x80, $0x38;
	[tilespmem:$0x1D958] =	vst v63  }
0x5d0: {  	s1 =	sadd.s32 $0x1, s1;
	s11 =	sadd.s32 @!p2 s5, s14  }
.LBB2_15:
0x5d1: {  	s0 =	smul.u32 $0x204, s7  }
0x5d2: {  	[tilespmem:s10], [sflag:$0x2] =	stream.linear.gather @!p2 [hbm4b:s11+s6], $0x1, $0x38;
	[tilespmem:$0x1D958] =	vst v63  }
.Ltmp15:
0x5d3: {  	_ = 	snop;
	(pc) =	sbr.rel .LBB2_16-.Ltmp15, $4  }
0x5d4: {  	s1 =	simm.s32 $0x2;
	s0 =	sshrl.u32 s0, $0x2  }
0x5d5: {  	s12 =	smov.u32 s15;
	s15 =	smov.u32 s8;
	_ =	swait.ge [sflag:s1], s0  }
0x5d6: {  	s8 =	smov.u32 s3;
	s0 =	ssub.s32 $0x0, s0;
	[sflag:s1] =	ssyncset.done $0x0  }
0x5d7: {  	s3 =	simm.s32 $0x1;
	[sflag:s1] =	ssyncadd.s32 s0;
	s1 =	simm.s32 $0x0  }
.LBB2_17:
0x5d8: {  	v1 =	vld [tilespmem:s29+$0xFFFFFFC0];
	_ =	sdelay $0x4  }
0x5d9: {  	[tilespmem:s2+$0x128] =	vst.add.f32.msk $0xffff, v1  }
0x5da: {  	v1 =	vld [tilespmem:s29+$0xFFFFFFD0];
	_ =	sdelay $0x4  }
0x5db: {  	[tilespmem:s2+$0x138] =	vst.add.f32.msk $0xffff, v1  }
0x5dc: {  	v1 =	vld [tilespmem:s29+$0xFFFFFFE0];
	_ =	sdelay $0x4  }
0x5dd: {  	[tilespmem:s2+$0x148] =	vst.add.f32.msk $0xffff, v1  }
0x5de: {  	v1 =	vld [tilespmem:s29+$0xFFFFFFF0];
	_ =	sdelay $0x4  }
0x5df: {  	[tilespmem:s2+$0x158] =	vst.add.f32.msk $0xffff, v1  }
0x5e0: {  	v1 =	vld [tilespmem:s29+$0x0];
	_ =	sdelay $0x4  }
0x5e1: {  	[tilespmem:s2+$0x168] =	vst.add.f32.msk $0xffff, v1  }
0x5e2: {  	v1 =	vld [tilespmem:s29+$0x10];
	_ =	sdelay $0x4  }
0x5e3: {  	[tilespmem:s2+$0x178] =	vst.add.f32.msk $0xffff, v1  }
0x5e4: {  	v1 =	vld [tilespmem:s29+$0x20];
	_ =	sdelay $0x4  }
0x5e5: {  	[tilespmem:s2+$0x188] =	vst.add.f32.msk $0xffff, v1  }
0x5e6: {  	v1 =	vld [tilespmem:s29+$0x30];
	_ =	sdelay $0x4  }
0x5e7: {  	[tilespmem:s2+$0x198] =	vst.add.f32.msk $0xffff, v1  }
0x5e8: {  	v1 =	vld.msk [tilespmem:s29+$0x40], $0x1;
	_ =	sdelay $0x4  }
0x5e9: {  	[tilespmem:s2+$0x1A8] =	vst.add.f32.msk $0x1, v1  }
.LBB2_21:
0x5ea: {  	s30 =	sadd.s32 $0x1, s30  }
0x5eb: {  	p2 =	seq.s32 s30, $0x0  }
.Ltmp16:
0x5ec: {  	_ = 	snop;
	(pc) =	sbr.rel @p2 .LBB2_22-.Ltmp16, $2  }
0x5ed: {  	_ =	sdelay $0x2  }
0x5ee: {  	s25 =	sadd.s32 $0x1, s25;
	s29 =	sadd.s32 $0x100, s29;
	s31 =	smov.u32 s0  }
.LBB2_16:
0x5ef: {  	v1 =	vld.msk [tilespmem:s25+$0x0], $0x1;
	_ =	sdelay $0x4  }
0x5f0: {  	(v2sf) =	vpush v1, $0x0;
	_ =	sdelay $0xe  }
0x5f1: {  	s0 =	spop (v2sf)  }
0x5f2: {  	p2 =	sne.s32 s31, s0  }
.Ltmp17:
0x5f3: {  	_ = 	snop;
	(pc) =	sbr.rel @!p2 .LBB2_17-.Ltmp17, $3  }
0x5f4: {  	_ = 	snop  }
0x5f5: {  	s2 =	smul.u32 $0x240, s24;
	_ =	sdelay $0x1  }
0x5f6: {  	s2 =	sshra.s32 s2, $0x2  }
0x5f7: {  	p2 =	seq.s32 s31, s26  }
.Ltmp18:
0x5f8: {  	_ = 	snop;
	(pc) =	sbr.rel @!p2 .LBB2_19-.Ltmp18, $1  }
0x5f9: {  	_ =	sdelay $0x3  }
.Ltmp19:
0x5fa: {  	s2 =	sadd.s32 $0x128, s2;
	(pc) =	sbr.rel .LBB2_20-.Ltmp19, $4  }
0x5fb: {  	[spmem:s16] =	stream.linear.scatter [tilespmem:s2], [sflag:$0x1], $0x81, $0x38;
	[tilespmem:$0x1D958] =	vst v63  }
0x5fc: {  	_ =	swait.ge [sflag:s3], $0x81  }
0x5fd: {  	[sflag:s3] =	ssyncset.done $0x0  }
0x5fe: {  	[sflag:s3] =	ssyncadd.s32 $0xFFFFFF7F  }
.LBB2_19:
0x5ff: {  	s6 =	smul.u32 $0x240, s28;
	_ =	sdelay $0x1  }
0x600: {  	s6 =	sshra.s32 s6, $0x2  }
0x601: {  	v1 =	vld [tilespmem:s6+$0x52B8];
	_ =	sdelay $0x4  }
0x602: {  	[tilespmem:s2+$0x128] =	vst.add.f32.msk $0xffff, v1  }
0x603: {  	v1 =	vld [tilespmem:s6+$0x52C8];
	_ =	sdelay $0x4  }
0x604: {  	[tilespmem:s2+$0x138] =	vst.add.f32.msk $0xffff, v1  }
0x605: {  	v1 =	vld [tilespmem:s6+$0x52D8];
	_ =	sdelay $0x4  }
0x606: {  	[tilespmem:s2+$0x148] =	vst.add.f32.msk $0xffff, v1  }
0x607: {  	v1 =	vld [tilespmem:s6+$0x52E8];
	_ =	sdelay $0x4  }
0x608: {  	[tilespmem:s2+$0x158] =	vst.add.f32.msk $0xffff, v1  }
0x609: {  	v1 =	vld [tilespmem:s6+$0x52F8];
	_ =	sdelay $0x4  }
0x60a: {  	[tilespmem:s2+$0x168] =	vst.add.f32.msk $0xffff, v1  }
0x60b: {  	v1 =	vld [tilespmem:s6+$0x5308];
	_ =	sdelay $0x4  }
0x60c: {  	[tilespmem:s2+$0x178] =	vst.add.f32.msk $0xffff, v1  }
0x60d: {  	v1 =	vld [tilespmem:s6+$0x5318];
	_ =	sdelay $0x4  }
0x60e: {  	[tilespmem:s2+$0x188] =	vst.add.f32.msk $0xffff, v1  }
0x60f: {  	v1 =	vld [tilespmem:s6+$0x5328];
	_ =	sdelay $0x4  }
0x610: {  	[tilespmem:s2+$0x198] =	vst.add.f32.msk $0xffff, v1  }
0x611: {  	v1 =	vld.msk [tilespmem:s6+$0x5338], $0x1;
	_ =	sdelay $0x2  }
0x612: {  	p2 =	sgt.u32 s31, $0x1FF7F  }
0x613: {  	s6 =	sand.u32 @!p2 $0x1FFF8, s31  }
0x614: {  	s7 =	sadd.s32 $0x128, s2;
	s10 =	sand.u32 @!p2 $0x7, s31;
	s6 =	sadd.s32 @!p2 s5, s6;
	[tilespmem:s2+$0x1A8] =	vst.add.f32.msk $0x1, v1  }
0x615: {  	[hbm4b:s6+s10] =	stream.linear.scatter @!p2 [tilespmem:s7], [sflag:$0xC], $0x80, $0x38;
	[tilespmem:$0x1D958] =	vst v63  }
0x616: {  	s6 =	sadd.s32 @!p2 $0x80, s31  }
0x617: {  	s6 =	sand.u32 @!p2 $0x3FFF8, s6  }
0x618: {  	s2 =	sadd.s32 $0x1A8, s2;
	s6 =	sadd.s32 @!p2 s5, s6  }
0x619: {  	[hbm4b:s6+s10] =	stream.linear.scatter @!p2 [tilespmem:s2], [sflag:$0xC], $0x1, $0x38;
	[tilespmem:$0x1D958] =	vst v63  }
0x61a: {  	s2 =	simm.s32 $0x0  }
0x61b: {  	s2 =	simm.s32 @!p2 $0x204  }
0x61c: {  	s1 =	sadd.s32 s2, s1  }
.LBB2_20:
0x61d: {  	s2 =	sadd.s32 $0x1, s24  }
0x61e: {  	s6 =	smulhi.u32 $0x38E38E39, s2;
	_ =	sdelay $0x1  }
0x61f: {  	s6 =	sshrl.u32 s6, $0x5  }
0x620: {  	s6 =	smul.u32 $0x90, s6  }
0x621: {  	v1 =	vld [tilespmem:s29+$0xFFFFFFC0]  }
0x622: {  	s24 =	ssub.s32 s2, s6  }
0x623: {  	s2 =	smul.u32 $0x240, s24;
	_ =	sdelay $0x1  }
0x624: {  	s2 =	sshrl.u32 s2, $0x2  }
0x625: {  	[tilespmem:s2+$0x128] =	vst v1  }
0x626: {  	v1 =	vld [tilespmem:s29+$0xFFFFFFD0];
	_ =	sdelay $0x4  }
0x627: {  	[tilespmem:s2+$0x138] =	vst v1  }
0x628: {  	v1 =	vld [tilespmem:s29+$0xFFFFFFE0];
	_ =	sdelay $0x4  }
0x629: {  	[tilespmem:s2+$0x148] =	vst v1  }
0x62a: {  	v1 =	vld [tilespmem:s29+$0xFFFFFFF0];
	_ =	sdelay $0x4  }
0x62b: {  	[tilespmem:s2+$0x158] =	vst v1  }
0x62c: {  	v1 =	vld [tilespmem:s29+$0x0];
	_ =	sdelay $0x4  }
0x62d: {  	[tilespmem:s2+$0x168] =	vst v1  }
0x62e: {  	v1 =	vld [tilespmem:s29+$0x10];
	_ =	sdelay $0x4  }
0x62f: {  	[tilespmem:s2+$0x178] =	vst v1  }
0x630: {  	v1 =	vld [tilespmem:s29+$0x20];
	_ =	sdelay $0x4  }
0x631: {  	[tilespmem:s2+$0x188] =	vst v1  }
0x632: {  	v1 =	vld [tilespmem:s29+$0x30];
	_ =	sdelay $0x4  }
0x633: {  	[tilespmem:s2+$0x198] =	vst v1  }
0x634: {  	v1 =	vld.msk [tilespmem:s29+$0x40], $0x1  }
.Ltmp20:
0x635: {  	_ = 	snop;
	(pc) =	sbr.rel .LBB2_21-.Ltmp20, $2  }
0x636: {  	_ =	sdelay $0x2  }
0x637: {  	s28 =	sadd.s32 $0x1, s28;
	[tilespmem:s2+$0x1A8] =	vst.msk $0x1, v1  }
.LBB2_23:
.Ltmp21:
0x638: {  	(pc) =	sbr.rel .LBB2_24-.Ltmp21, $4  }
0x639: {  	_ = 	snop  }
0x63a: {  	s0 =	simm.s32 $0x2  }
0x63b: {  	_ =	swait.ge [sflag:s0], $0x0  }
0x63c: {  	s1 =	simm.s32 $0x0;
	[sflag:s0] =	ssyncset.done $0x0;
	s0 =	smov.u32 s31  }
.LBB2_26:
0x63d: {  	_ =	sfence.sel $0x180000  }
0x63e: {  	s0 =	simm.s32 $0x9;
	[bflag:$0x0] =	sbarrier.arrive $0xFFFF  }
0x63f: {  	s24 =	simm.s32 $0xA;
	[sflag:s0] =	ssyncpa.u1 $0x1  }
0x640: {  	s25 =	simm.s32 $0xB;
	[sflag:s24] =	ssyncpa.u1 $0x1  }
0x641: {  	s26 =	simm.s32 $0x2;
	[sflag:s25] =	ssyncpa.u1 $0x1  }
0x642: {  	[sflag:s26] =	ssyncpa.u1 $0x1  }
0x643: {  	v0 =	vld [tilespmem:$0xA448];
	_ =	sdelay $0x4  }
0x644: {  	(v2sf) =	vpush v0, $0x0  }
0x645: {  	(v2sf) =	vpush v0, $0x1  }
0x646: {  	(v2sf) =	vpush v0, $0x2;
	_ =	sdelay $0xc  }
0x647: {  	s0 =	spop (v2sf)  }
0x648: {  	s1 =	spop (v2sf)  }
0x649: {  	s2 =	smov.u32 s0;
	p0 =	sne.s32 s0, s1;
	s3 =	spop (v2sf)  }
0x64a: {  	s2 =	simm.s32 @!p0 $0xFFFFFFFF;
	p0 =	seq.s32 s3, $0xFFFFFFFF  }
0x64b: {  	v2 =	vimm.s32 $0x1;
	v3 =	vlaneseq.u32;
	v1 =	vmov s2;
	p1 =	sne.s32 @!p0 s0, s1  }
0x64c: {  	s14 =	stileid.u32;
	v0 =	vperm.xlane v0, v2;
	s0 =	simm.s32 @!p0 $0x1;
	v1 =	vperm.xlane v1, v3;
	p1 =	por !p1, p0  }
0x64d: {  	vm0 =	vcmask $0x3F04;
	s2 =	sshll.u32 s14, $0x1;
	s1 =	smul.u32 @!p0 $0x240, s3;
	s0 =	simm.s32 @p1 $0x0  }
0x64e: {  	s6 =	simm.s32 $0xA448;
	v0 =	vsel vm0, v1, v0;
	s0 =	sor.u32 @!p0 s0, s2  }
0x64f: {  	s4 =	sor.u32 $0x1200, s2;
	s1 =	sshra.s32 @!p0 s1, $0x2;
	[tilespmem:$0xA448] =	vst v0;
	s0 =	smul.u32 @!p0 $0x240, s0  }
0x650: {  	[spmem:s4] =	stream.linear.scatter [tilespmem:s6], [sflag:$0x1], $0x2, $0x38;
	[tilespmem:$0x1D958] =	vst v63  }
0x651: {  	s1 =	sadd.s32 @!p0 $0x128, s1;
	s0 =	sshrl.u32 @!p0 s0, $0x2  }
0x652: {  	[spmem:s0] =	stream.linear.scatter @!p0 [tilespmem:s1], [sflag:$0x1], $0x90, $0x38;
	[tilespmem:$0x1D958] =	vst v63  }
0x653: {  	s0 =	simm.s32 @!p0 $0x92  }
0x654: {  	s28 =	simm.s32 $0x1;
	s0 =	simm.s32 @p0 $0x2  }
0x655: {  	_ =	swait.ge [sflag:s28], s0  }
0x656: {  	s0 =	ssub.s32 $0x0, s0;
	[sflag:s28] =	ssyncset.done $0x0  }
0x657: {  	p0 =	sne.s32 s14, $0x0;
	[sflag:s28] =	ssyncadd.s32 s0  }
.Ltmp22:
0x658: {  	_ =	sfence.stream.spmem;
	(pc) =	sbr.rel @p0 .LBB2_43-.Ltmp22, $4  }
0x659: {  	s29 =	simm.s32 $0x3;
	[bflag:$0x0] =	sbarrier.arrive $0xFFFF  }
0x65a: {  	s30 =	simm.s32 $0x4;
	[sflag:s29] =	ssyncpa.u1 $0x1  }
0x65b: {  	s31 =	simm.s32 $0x3C;
	[sflag:s30] =	ssyncpa.u1 $0x1  }
0x65c: {  	s15 =	rddreg [dreg:$0x4];
	[sflag:s31] =	ssyncpa.u1 $0x1  }
0x65d: {  	_ =	sfence.stream.spmem;
	s0 =	simm.s32 $0x5  }
0x65e: {  	s1 =	simm.s32 $0x1200;
	s2 =	simm.s32 $0xA458;
	[sflag:s0] =	ssyncpa.u1 $0x0  }
0x65f: {  	[tilespmem:s2], [sflag:$0x5] =	stream.linear.gather [spmem:s1], $0x20, $0x38;
	[tilespmem:$0x1D958] =	vst v63  }
0x660: {  	s26 =	simm.s32 $0x0;
	s28 =	simm.s32 $0xA478  }
0x661: {  	[tilespmem:s28], [sflag:$0x5] =	stream.linear.gather [spmem:s26], $0x1200, $0x38;
	[tilespmem:$0x1D958] =	vst v63  }
0x662: {  	_ =	swait.ge [sflag:s0], $0x1220  }
0x663: {  	[sflag:s0] =	ssyncset.done $0x0  }
0x664: {  	s29 =	simm.s32 $0x0;
	[sflag:s0] =	ssyncadd.s32 $0xFFFFEDE0  }
0x665: {  	v0 =	vld.msk [tilespmem:s29+$0xA458], $0x1;
	_ =	sdelay $0x1  }
0x666: {  	s30 =	simm.s32 $0x1  }
0x667: {  	v1 =	vld.msk [tilespmem:s30+$0xA458], $0x1;
	_ =	sdelay $0x1  }
0x668: {  	(v2sf) =	vpush v0, $0x0;
	_ =	sdelay $0x2  }
0x669: {  	(v2sf) =	vpush v1, $0x0;
	_ =	sdelay $0x2  }
0x66a: {  	s31 =	simm.s32 $0x2  }
0x66b: {  	v0 =	vld.msk [tilespmem:s31+$0xA458], $0x1;
	_ =	sdelay $0x2  }
0x66c: {  	s1 =	simm.s32 $0xFFFFFFFF;
	s2 =	simm.s32 $0xFFFFFFFF;
	s0 =	simm.s32 $0xC  }
.LBB2_28:
0x66d: {  	s3 =	smov.u32 s2;
	s4 =	smov.u32 s1  }
0x66e: {  	s1 =	sshra.s32 s0, $0x2;
	p1 =	sne.s32 s0, $0x7C;
	s0 =	sadd.s32 $0x4, s0;
	(v2sf) =	vpush v0, $0x0  }
0x66f: {  	v0 =	vld.msk [tilespmem:s1+$0xA458], $0x1  }
.Ltmp23:
0x670: {  	(pc) =	sbr.rel @p1 .LBB2_28-.Ltmp23, $4  }
0x671: {  	s2 =	spop (v2sf)  }
0x672: {  	p2 =	sne.s32 s4, $0xFFFFFFFF;
	s1 =	smov.u32 s2  }
0x673: {  	p3 =	seq.s32 s2, $0xFFFFFFFF;
	s1 =	smov.u32 @p2 s4  }
0x674: {  	s2 =	smov.u32 @p3 s3;
	s1 =	smov.u32 @p3 s4  }
0x675: {  	(v2sf) =	vpush v0, $0x0;
	_ =	sdelay $0x8  }
0x676: {  	s0 =	spop (v2sf)  }
0x677: {  	p1 =	sne.s32 s1, $0xFFFFFFFF;
	s9 =	simm.s32 $0x6;
	s3 =	smov.u32 s0  }
0x678: {  	s10 =	simm.s32 $0xA3B8;
	p2 =	seq.s32 s0, $0xFFFFFFFF;
	s3 =	smov.u32 @p1 s1  }
0x679: {  	s11 =	simm.s32 $0xA438;
	s3 =	smov.u32 @p2 s1;
	s1 =	spop (v2sf)  }
0x67a: {  	s0 =	smov.u32 @p2 s2;
	p1 =	sne.s32 s3, $0xFFFFFFFF;
	s6 =	smov.u32 s1  }
.Ltmp24:
0x67b: {  	p2 =	seq.s32 s1, $0xFFFFFFFF;
	s6 =	smov.u32 @p1 s3;
	(pc) =	sbr.rel .LBB2_30-.Ltmp24, $4  }
0x67c: {  	s12 =	simm.s32 $0x0;
	s6 =	smov.u32 @p2 s3;
	s4 =	spop (v2sf)  }
0x67d: {  	[sflag:s9] =	ssyncpa.u1 $0x0;
	p1 =	sne.s32 s6, $0xFFFFFFFF;
	s8 =	smov.u32 s4  }
0x67e: {  	s1 =	smov.u32 @p2 s0;
	p2 =	seq.s32 s4, $0xFFFFFFFF;
	s8 =	smov.u32 @p1 s6  }
0x67f: {  	s3 =	simm.s32 $0x0;
	s4 =	smov.u32 @p2 s1;
	s8 =	smov.u32 @p2 s6  }
.LBB2_36:
0x680: {  	p1 =	sgt.u32 s0, $0x1FF7F  }
0x681: {  	p2 =	seq.s32 @!p1 s0, s8  }
0x682: {  	p1 =	por p1, p2  }
0x683: {  	p2 =	sne.s32 @!p1 s0, s4  }
0x684: {  	p1 =	por p1, !p2  }
0x685: {  	s0 =	smul.u32 @p1 $0x240, s12;
	_ =	sdelay $0x1  }
0x686: {  	s1 =	sand.u32 @!p1 $0x1FFF8, s0;
	s2 =	sand.u32 @!p1 $0x7, s0;
	s0 =	sadd.s32 @!p1 $0x80, s0  }
0x687: {  	s1 =	sadd.s32 @!p1 s5, s1;
	s0 =	sand.u32 @!p1 $0x3FFF8, s0  }
0x688: {  	[tilespmem:s10], [sflag:$0x6] =	stream.linear.gather @!p1 [hbm4b:s1+s2], $0x80, $0x38;
	[tilespmem:$0x1D958] =	vst v63  }
0x689: {  	s0 =	sadd.s32 @!p1 s5, s0  }
0x68a: {  	[tilespmem:s11], [sflag:$0x6] =	stream.linear.gather @!p1 [hbm4b:s0+s2], $0x1, $0x38;
	[tilespmem:$0x1D958] =	vst v63  }
0x68b: {  	_ =	swait.ge @!p1 [sflag:s9], $0x81  }
0x68c: {  	[sflag:s9] =	ssyncset.done @!p1 $0x0  }
0x68d: {  	[sflag:s9] =	ssyncadd.s32 @!p1 $0xFFFFFF7F  }
0x68e: {  	v1 =	vld @!p1 [tilespmem:$0xA3B8];
	_ =	sdelay $0x1  }
0x68f: {  	s0 =	smul.u32 @!p1 $0x240, s12;
	_ =	sdelay $0x1  }
0x690: {  	s1 =	sshra.s32 @!p1 s0, $0x2  }
0x691: {  	[tilespmem:s1+$0xA478] =	vst.add.f32.msk @!p1 $0xffff, v1  }
0x692: {  	v1 =	vld @!p1 [tilespmem:$0xA3C8];
	_ =	sdelay $0x4  }
0x693: {  	[tilespmem:s1+$0xA488] =	vst.add.f32.msk @!p1 $0xffff, v1  }
0x694: {  	v1 =	vld @!p1 [tilespmem:$0xA3D8];
	_ =	sdelay $0x4  }
0x695: {  	[tilespmem:s1+$0xA498] =	vst.add.f32.msk @!p1 $0xffff, v1  }
0x696: {  	v1 =	vld @!p1 [tilespmem:$0xA3E8];
	_ =	sdelay $0x4  }
0x697: {  	[tilespmem:s1+$0xA4A8] =	vst.add.f32.msk @!p1 $0xffff, v1  }
0x698: {  	v1 =	vld @!p1 [tilespmem:$0xA3F8];
	_ =	sdelay $0x4  }
0x699: {  	[tilespmem:s1+$0xA4B8] =	vst.add.f32.msk @!p1 $0xffff, v1  }
0x69a: {  	v1 =	vld @!p1 [tilespmem:$0xA408];
	_ =	sdelay $0x4  }
0x69b: {  	[tilespmem:s1+$0xA4C8] =	vst.add.f32.msk @!p1 $0xffff, v1  }
0x69c: {  	v1 =	vld @!p1 [tilespmem:$0xA418];
	_ =	sdelay $0x4  }
0x69d: {  	[tilespmem:s1+$0xA4D8] =	vst.add.f32.msk @!p1 $0xffff, v1  }
0x69e: {  	v1 =	vld @!p1 [tilespmem:$0xA428];
	_ =	sdelay $0x4  }
0x69f: {  	[tilespmem:s1+$0xA4E8] =	vst.add.f32.msk @!p1 $0xffff, v1  }
0x6a0: {  	v1 =	vld @!p1 [tilespmem:$0xA438];
	_ =	sdelay $0x4  }
0x6a1: {  	[tilespmem:s1+$0xA4F8] =	vst.add.f32.msk @!p1 $0xffff, v1  }
0x6a2: {  	s0 =	sshra.s32 s0, $0x2;
	[tilespmem:s3+$0xA458] =	vst.msk $0x1, v0  }
0x6a3: {  	v0 =	vld [tilespmem:s0+$0xA478];
	_ =	sdelay $0x1  }
0x6a4: {  	s31 =	smul.u32 $0x240, s3;
	_ =	sdelay $0x1  }
0x6a5: {  	s1 =	sshra.s32 s31, $0x2  }
0x6a6: {  	[tilespmem:s1+$0xA478] =	vst v0  }
0x6a7: {  	v0 =	vld [tilespmem:s0+$0xA488];
	_ =	sdelay $0x4  }
0x6a8: {  	[tilespmem:s1+$0xA488] =	vst v0  }
0x6a9: {  	v0 =	vld [tilespmem:s0+$0xA498];
	_ =	sdelay $0x4  }
0x6aa: {  	[tilespmem:s1+$0xA498] =	vst v0  }
0x6ab: {  	v0 =	vld [tilespmem:s0+$0xA4A8];
	_ =	sdelay $0x4  }
0x6ac: {  	[tilespmem:s1+$0xA4A8] =	vst v0  }
0x6ad: {  	v0 =	vld [tilespmem:s0+$0xA4B8];
	_ =	sdelay $0x4  }
0x6ae: {  	[tilespmem:s1+$0xA4B8] =	vst v0  }
0x6af: {  	v0 =	vld [tilespmem:s0+$0xA4C8];
	_ =	sdelay $0x4  }
0x6b0: {  	[tilespmem:s1+$0xA4C8] =	vst v0  }
0x6b1: {  	v0 =	vld [tilespmem:s0+$0xA4D8];
	_ =	sdelay $0x4  }
0x6b2: {  	[tilespmem:s1+$0xA4D8] =	vst v0  }
0x6b3: {  	v0 =	vld [tilespmem:s0+$0xA4E8];
	_ =	sdelay $0x4  }
0x6b4: {  	[tilespmem:s1+$0xA4E8] =	vst v0  }
0x6b5: {  	v0 =	vld [tilespmem:s0+$0xA4F8];
	_ =	sdelay $0x4  }
0x6b6: {  	s3 =	sadd.s32 $0x1, s3;
	[tilespmem:s1+$0xA4F8] =	vst v0  }
.LBB2_37:
0x6b7: {  	s12 =	sadd.s32 $0x1, s12  }
0x6b8: {  	p1 =	sne.s32 s12, $0x20  }
.Ltmp25:
0x6b9: {  	_ = 	snop;
	(pc) =	sbr.rel @!p1 .LBB2_38-.Ltmp25, $1  }
0x6ba: {  	_ =	sdelay $0x3  }
.LBB2_30:
0x6bb: {  	v0 =	vld.msk [tilespmem:s12+$0xA458], $0x1;
	_ =	sdelay $0x4  }
0x6bc: {  	(v2sf) =	vpush v0, $0x0;
	_ =	sdelay $0xe  }
0x6bd: {  	s0 =	spop (v2sf)  }
0x6be: {  	p1 =	seq.s32 s0, $0xFFFFFFFF  }
.Ltmp26:
0x6bf: {  	_ = 	snop;
	(pc) =	sbr.rel @p1 .LBB2_37-.Ltmp26, $1  }
0x6c0: {  	_ =	sdelay $0x3  }
0x6c1: {  	p1 =	slt.s32 s3, $0x1  }
.Ltmp27:
0x6c2: {  	_ = 	snop;
	(pc) =	sbr.rel @p1 .LBB2_36-.Ltmp27, $1  }
0x6c3: {  	_ =	sdelay $0x3  }
0x6c4: {  	s1 =	simm.s32 $0xA458;
	p1 =	por $0x0, $0x0  }
0x6c5: {  	v1 =	vld.msk @!p1 [tilespmem:s1+$0x0], $0x1;
	_ =	sdelay $0x4  }
0x6c6: {  	(v2sf) =	vpush @!p1 v1, $0x0;
	_ =	sdelay $0xd  }
0x6c7: {  	p3 =	sne.s32 s3, $0x1  }
.Ltmp28:
0x6c8: {  	s2 =	spop @!p1 (v2sf);
	(pc) =	sbr.rel @!p3 .LBB2_34-.Ltmp28, $4  }
0x6c9: {  	p2 =	seq.s32 @!p1 s0, s2  }
0x6ca: {  	s2 =	simm.s32 $0x0;
	p2 =	por !p2, p1  }
0x6cb: {  	s6 =	simm.s32 $0xFFFFFFFF;
	s2 =	simm.s32 @p2 $0xFFFFFFFF  }
0x6cc: {  	s13 =	simm.s32 $0x1;
	s2 =	smov.u32 @p1 s6  }
.LBB2_33:
0x6cd: {  	s6 =	smov.u32 s2;
	p1 =	sne.s32 s2, $0xFFFFFFFF  }
0x6ce: {  	s1 =	sadd.s32 $0x1, s1;
	s2 =	smov.u32 s13;
	s13 =	sadd.s32 $0x1, s13  }
0x6cf: {  	p2 =	sne.s32 s3, s13;
	v1 =	vld.msk @!p1 [tilespmem:s1+$0x0], $0x1;
	_ =	sdelay $0x4  }
0x6d0: {  	(v2sf) =	vpush @!p1 v1, $0x0;
	_ =	sdelay $0xe  }
.Ltmp29:
0x6d1: {  	s7 =	spop @!p1 (v2sf);
	(pc) =	sbr.rel @p2 .LBB2_33-.Ltmp29, $4  }
0x6d2: {  	p3 =	seq.s32 @!p1 s0, s7  }
0x6d3: {  	p3 =	por !p3, p1  }
0x6d4: {  	s2 =	simm.s32 @p3 $0xFFFFFFFF  }
0x6d5: {  	s2 =	smov.u32 @p1 s6  }
.LBB2_34:
0x6d6: {  	p1 =	seq.s32 s2, $0xFFFFFFFF  }
.Ltmp30:
0x6d7: {  	_ = 	snop;
	(pc) =	sbr.rel @p1 .LBB2_36-.Ltmp30, $1  }
0x6d8: {  	_ =	sdelay $0x3  }
0x6d9: {  	s0 =	smul.u32 $0x240, s12;
	_ =	sdelay $0x1  }
0x6da: {  	s0 =	sshra.s32 s0, $0x2  }
0x6db: {  	v0 =	vld [tilespmem:s0+$0xA478];
	_ =	sdelay $0x1  }
0x6dc: {  	s1 =	smul.u32 $0x240, s2;
	_ =	sdelay $0x1  }
0x6dd: {  	s1 =	sshra.s32 s1, $0x2  }
0x6de: {  	[tilespmem:s1+$0xA478] =	vst.add.f32.msk $0xffff, v0  }
0x6df: {  	v0 =	vld [tilespmem:s0+$0xA488];
	_ =	sdelay $0x4  }
0x6e0: {  	[tilespmem:s1+$0xA488] =	vst.add.f32.msk $0xffff, v0  }
0x6e1: {  	v0 =	vld [tilespmem:s0+$0xA498];
	_ =	sdelay $0x4  }
0x6e2: {  	[tilespmem:s1+$0xA498] =	vst.add.f32.msk $0xffff, v0  }
0x6e3: {  	v0 =	vld [tilespmem:s0+$0xA4A8];
	_ =	sdelay $0x4  }
0x6e4: {  	[tilespmem:s1+$0xA4A8] =	vst.add.f32.msk $0xffff, v0  }
0x6e5: {  	v0 =	vld [tilespmem:s0+$0xA4B8];
	_ =	sdelay $0x4  }
0x6e6: {  	[tilespmem:s1+$0xA4B8] =	vst.add.f32.msk $0xffff, v0  }
0x6e7: {  	v0 =	vld [tilespmem:s0+$0xA4C8];
	_ =	sdelay $0x4  }
0x6e8: {  	[tilespmem:s1+$0xA4C8] =	vst.add.f32.msk $0xffff, v0  }
0x6e9: {  	v0 =	vld [tilespmem:s0+$0xA4D8];
	_ =	sdelay $0x4  }
0x6ea: {  	[tilespmem:s1+$0xA4D8] =	vst.add.f32.msk $0xffff, v0  }
0x6eb: {  	v0 =	vld [tilespmem:s0+$0xA4E8];
	_ =	sdelay $0x4  }
0x6ec: {  	[tilespmem:s1+$0xA4E8] =	vst.add.f32.msk $0xffff, v0  }
0x6ed: {  	v0 =	vld [tilespmem:s0+$0xA4F8]  }
.Ltmp31:
0x6ee: {  	_ = 	snop;
	(pc) =	sbr.rel .LBB2_37-.Ltmp31, $2  }
0x6ef: {  	_ =	sdelay $0x2  }
0x6f0: {  	[tilespmem:s1+$0xA4F8] =	vst.add.f32.msk $0xffff, v0  }
.LBB2_38:
0x6f1: {  	s0 =	simm.s32 $0x6;
	p1 =	seq.s32 s3, $0x0  }
0x6f2: {  	[sflag:s0] =	ssyncpa.u1 $0x1;
	v0 =	vimm.s32 @p1 $0xFFFFFFFF  }
0x6f3: {  	s0 =	sadd.s32 $0xFFFFFFFF, s3;
	[tilespmem:$0xB678] =	vst @p1 v0  }
0x6f4: {  	v0 =	vld.msk @!p1 [tilespmem:s0+$0xA458], $0x1;
	_ =	sdelay $0x1  }
0x6f5: {  	v1 =	vld.msk @!p1 [tilespmem:$0xA458], $0x1;
	_ =	sdelay $0x2  }
0x6f6: {  	p2 =	seq.s32 @!p1 s0, $0x0;
	v0 =	vbroadcast @!p1 v0, $0x0  }
0x6f7: {  	vm0 =	vmmov @!p1 $0x1;
	p3 =	por !p2, p1  }
0x6f8: {  	p2 =	sne.s32 @!p1 s8, s4;
	v1 =	vnsel @!p1 vm0, $0xFFFFFFFF, v1;
	vm0 =	vcmask @!p1 $0x308;
	v0 =	vpsel !p3, $0xFFFFFFFF, v0  }
0x6f9: {  	p3 =	por !p2, p1;
	v0 =	vsel @!p1 vm0, v1, v0  }
0x6fa: {  	s1 =	simm.s32 @!p1 $0xA478;
	s2 =	simm.s32 @!p1 $0x0;
	s4 =	smul.u32 @!p3 $0x240, s0;
	[tilespmem:$0xB678] =	vst @!p1 v0  }
0x6fb: {  	[spmem:s2] =	stream.linear.scatter @!p1 [tilespmem:s1], [sflag:$0x1], $0x90, $0x38;
	[tilespmem:$0x1D958] =	vst v63  }
0x6fc: {  	s1 =	sshra.s32 @!p3 s4, $0x2  }
0x6fd: {  	s2 =	simm.s32 @!p3 $0x90;
	s1 =	sadd.s32 @!p3 $0xA478, s1  }
0x6fe: {  	[spmem:s2] =	stream.linear.scatter @!p3 [tilespmem:s1], [sflag:$0x1], $0x90, $0x38;
	[tilespmem:$0x1D958] =	vst v63  }
0x6ff: {  	s1 =	simm.s32 @!p3 $0x1  }
0x700: {  	_ =	swait.ge @!p3 [sflag:s1], $0x120  }
0x701: {  	p1 =	por p2, p1;
	[sflag:s1] =	ssyncset.done @!p3 $0x0  }
0x702: {  	[sflag:s1] =	ssyncadd.s32 @!p3 $0xFFFFFEE0;
	s1 =	simm.s32 @!p1 $0x1  }
0x703: {  	_ =	swait.ge @!p1 [sflag:s1], $0x90  }
0x704: {  	s29 =	simm.s32 $0xB678;
	[sflag:s1] =	ssyncset.done @!p1 $0x0  }
0x705: {  	s30 =	simm.s32 $0x1200;
	s31 =	simm.s32 $0x1;
	[sflag:s1] =	ssyncadd.s32 @!p1 $0xFFFFFF70  }
0x706: {  	[spmem:s30] =	stream.linear.scatter [tilespmem:s29], [sflag:$0x1], $0x10, $0x38;
	[tilespmem:$0x1D958] =	vst v63  }
0x707: {  	_ =	swait.ge [sflag:s31], $0x10  }
0x708: {  	[sflag:s31] =	ssyncset.done $0x0  }
0x709: {  	p1 =	seq.s32 s15, $0x0;
	s9 =	rddreg [dreg:$0x1];
	[sflag:s31] =	ssyncadd.s32 $0xFFFFFFF0  }
0x70a: {  	s2 =	sshll.u32 @p1 s9, $0xE;
	s8 =	rddreg [dreg:$0x2]  }
0x70b: {  	s1 =	sadd.s32 @p1 $0x15C3C, s2;
	s2 =	sshll.u32 @p1 s8, $0x11  }
0x70c: {  	_ =	sfence.stream.spmem;
	s1 =	sor.u32 @p1 s2, s1  }
0x70d: {  	[sflag:s1] =	ssyncadd.remote.s32 @p1 $0x1;
	s1 =	simm.s32 @p1 $0x4  }
0x70e: {  	s4 =	simm.s32 @!p1 $0x3C;
	s2 =	sand.u32 $0xFFFFFFFE, s9;
	_ =	swait.ge @p1 [sflag:s1], $0x26  }
0x70f: {  	s6 =	simm.s32 @!p1 $0x0;
	s2 =	sadd.s32 @!p1 $0x4, s2;
	[sflag:s1] =	ssyncset.done @p1 $0x0  }
0x710: {  	s7 =	simm.s32 @!p1 $0x120;
	[sflag:s1] =	ssyncadd.s32 @p1 $0xFFFFFFDA;
	s1 =	sshll.u32 @!p1 s2, $0x1A  }
0x711: {  	s2 =	sshll.u32 @!p1 s2, $0xD;
	s1 =	sor.u32 @!p1 s1, s8;
	_ =	swait.eq @!p1 [sflag:s4], $0x1  }
0x712: {  	s2 =	sor.u32 @!p1 $0x1C04, s2;
	s4 =	simm.s32 @!p1 $0x1C03;
	s1 =	sor.u32 @!p1 $0x80004000, s1  }
0x713: {  	[spmem:s7], [sflag:s2] =	dma.general @!p1 [spmem:s6], [sflag:s4], length:$0x24, [dreg:$0x0], stride_count:$0x0, ici_dest:s1, dma_misc:DstOpCode:WRITE  }
0x714: {  	p2 =	slt.s32 s0, $0x2;
	s6 =	simm.s32 @!p1 $0x240;
	s7 =	simm.s32 @!p1 $0x242  }
0x715: {  	[spmem:s7], [sflag:s2] =	dma.general @!p1 [spmem:s6], [sflag:s4], length:$0x2, [dreg:$0x0], stride_count:$0x0, ici_dest:s1, dma_misc:DstOpCode:WRITE  }
.Ltmp32:
0x716: {  	s1 =	simm.s32 @!p1 $0x3;
	(pc) =	sbr.rel @p2 .LBB2_42-.Ltmp32, $4  }
0x717: {  	s2 =	sshll.u32 @!p1 s9, $0xE;
	_ =	swait.ge @!p1 [sflag:s1], $0x26  }
0x718: {  	s4 =	sshll.u32 @!p1 s8, $0x11;
	s2 =	sadd.s32 @!p1 $0x11C3C, s2;
	[sflag:s1] =	ssyncset.done @!p1 $0x0  }
0x719: {  	[sflag:s1] =	ssyncadd.s32 @!p1 $0xFFFFFFDA;
	s1 =	sor.u32 @!p1 s4, s2  }
0x71a: {  	s0 =	simm.s32 $0x0;
	[sflag:s1] =	ssyncadd.remote.s32 @!p1 $0xFFFFFFFF  }
0x71b: {  	s0 =	simm.s32 $0xA459  }
0x71c: {  	v0 =	vld.msk [tilespmem:s0+$0x0], $0x1;
	_ =	sdelay $0x4  }
0x71d: {  	(v2sf) =	vpush v0, $0x0;
	_ =	sdelay $0xd  }
0x71e: {  	s31 =	sadd.s32 $0xFFFFFFFE, s3  }
0x71f: {  	s3 =	simm.s32 $0x0;
	s0 =	sadd.s32 $0xFFFFFFFF, s31;
	s2 =	spop (v2sf)  }
0x720: {  	s6 =	simm.s32 $0xA508;
	p1 =	sne.s32 s0, $0x0;
	p2 =	sgt.u32 s2, $0x1FF7F  }
.Ltmp33:
0x721: {  	s1 =	simm.s32 $0xA598;
	s4 =	sand.u32 @!p2 $0x1FFF8, s2;
	(pc) =	sbr.rel @!p1 .LBB2_41-.Ltmp33, $4  }
0x722: {  	s7 =	sadd.s32 @!p2 $0x80, s2;
	s3 =	simm.s32 @!p2 $0x204;
	s8 =	sadd.s32 @!p2 s5, s4  }
0x723: {  	s4 =	sand.u32 @!p2 $0x7, s2;
	s2 =	simm.s32 $0xA45A;
	s7 =	sand.u32 @!p2 $0x3FFF8, s7  }
0x724: {  	[hbm4b:s8+s4] =	stream.linear.scatter @!p2 [tilespmem:s6], [sflag:$0x5], $0x80, $0x38;
	[tilespmem:$0x1D958] =	vst v63  }
0x725: {  	s3 =	sadd.s32 $0x0, s3;
	s6 =	simm.s32 @!p2 $0xA588;
	s7 =	sadd.s32 @!p2 s5, s7  }
.LBB2_40:
0x726: {  	[hbm4b:s7+s4] =	stream.linear.scatter @!p2 [tilespmem:s6], [sflag:$0x5], $0x1, $0x38;
	[tilespmem:$0x1D958] =	vst v63  }
0x727: {  	s0 =	sadd.s32 $0xFFFFFFFF, s0;
	s6 =	smov.u32 s1;
	v0 =	vld.msk [tilespmem:s2+$0x0], $0x1  }
0x728: {  	p1 =	sne.s32 s0, $0x0;
	_ =	sdelay $0x3  }
0x729: {  	(v2sf) =	vpush v0, $0x0;
	_ =	sdelay $0xe  }
0x72a: {  	s1 =	sadd.s32 $0x90, s1;
	s8 =	simm.s32 $0x0;
	s4 =	spop (v2sf)  }
.Ltmp34:
0x72b: {  	s2 =	sadd.s32 $0x1, s2;
	p2 =	sgt.u32 s4, $0x1FF7F;
	(pc) =	sbr.rel @p1 .LBB2_40-.Ltmp34, $4  }
0x72c: {  	s8 =	simm.s32 @!p2 $0x204;
	s7 =	sand.u32 @!p2 $0x1FFF8, s4;
	s9 =	sadd.s32 @!p2 $0x80, s4  }
0x72d: {  	s4 =	sand.u32 @!p2 $0x7, s4;
	s7 =	sadd.s32 @!p2 s5, s7;
	s9 =	sand.u32 @!p2 $0x3FFF8, s9  }
0x72e: {  	[hbm4b:s7+s4] =	stream.linear.scatter @!p2 [tilespmem:s6], [sflag:$0x5], $0x80, $0x38;
	[tilespmem:$0x1D958] =	vst v63  }
0x72f: {  	s3 =	sadd.s32 s3, s8;
	s6 =	sadd.s32 @!p2 $0x80, s6;
	s7 =	sadd.s32 @!p2 s5, s9  }
.LBB2_41:
0x730: {  	[hbm4b:s7+s4] =	stream.linear.scatter @!p2 [tilespmem:s6], [sflag:$0x5], $0x1, $0x38;
	[tilespmem:$0x1D958] =	vst v63  }
0x731: {  	s0 =	sshrl.u32 s3, $0x2  }
.LBB2_42:
0x732: {  	s1 =	simm.s32 $0x5  }
0x733: {  	_ =	swait.ge [sflag:s1], s0  }
0x734: {  	s31 =	ssub.s32 $0x0, s0;
	[sflag:s1] =	ssyncset.done $0x0  }
0x735: {  	[sflag:s1] =	ssyncadd.s32 s31  }
0x736: {  	[sflag:s1] =	ssyncpa.u1 $0x1  }
.LBB2_43:
0x737: {  	s0 =	sor.u32 s15, s14  }
0x738: {  	p1 =	sne.s32 s0, $0x0  }
.Ltmp35:
0x739: {  	_ = 	snop;
	(pc) =	sbr.rel @p1 .LBB2_58-.Ltmp35, $3  }
0x73a: {  	_ =	sdelay $0x1  }
0x73b: {  	[bflag:$0x0] =	sbarrier.arrive $0xFFFF  }
0x73c: {  	_ =	sfence  }
0x73d: {  	s0 =	simm.s32 $0x7  }
0x73e: {  	s1 =	simm.s32 $0x1200;
	s2 =	simm.s32 $0xA458;
	[sflag:s0] =	ssyncpa.u1 $0x0  }
0x73f: {  	[tilespmem:s2], [sflag:$0x7] =	stream.linear.gather [spmem:s1], $0x20, $0x38;
	[tilespmem:$0x1D958] =	vst v63  }
0x740: {  	s30 =	simm.s32 $0xA478;
	s1 =	simm.s32 $0x0  }
0x741: {  	[tilespmem:s30], [sflag:$0x7] =	stream.linear.gather [spmem:s1], $0x1200, $0x38;
	[tilespmem:$0x1D958] =	vst v63  }
.Ltmp36:
0x742: {  	_ = 	snop;
	(pc) =	sbr.rel .LBB2_45-.Ltmp36, $4  }
0x743: {  	_ =	swait.ge [sflag:s0], $0x1220  }
0x744: {  	[sflag:s0] =	ssyncset.done $0x0  }
0x745: {  	s31 =	simm.s32 $0x8;
	[sflag:s0] =	ssyncadd.s32 $0xFFFFEDE0  }
0x746: {  	s2 =	simm.s32 $0x0;
	[sflag:s31] =	ssyncpa.u1 $0x0  }
.LBB2_51:
0x747: {  	p1 =	slt.u32 s0, $0x1FF80  }
0x748: {  	s3 =	sand.u32 @p1 $0x1FFF8, s0;
	s4 =	sand.u32 @p1 $0x7, s0;
	s0 =	sadd.s32 @p1 $0x80, s0  }
0x749: {  	s6 =	simm.s32 @p1 $0xA3B8;
	s3 =	sadd.s32 @p1 s5, s3;
	s0 =	sand.u32 @p1 $0x3FFF8, s0  }
0x74a: {  	[tilespmem:s6], [sflag:$0x8] =	stream.linear.gather @p1 [hbm4b:s3+s4], $0x80, $0x38;
	[tilespmem:$0x1D958] =	vst v63  }
0x74b: {  	s0 =	sadd.s32 @p1 s5, s0;
	s3 =	simm.s32 @p1 $0xA438  }
0x74c: {  	[tilespmem:s3], [sflag:$0x8] =	stream.linear.gather @p1 [hbm4b:s0+s4], $0x1, $0x38;
	[tilespmem:$0x1D958] =	vst v63  }
0x74d: {  	s0 =	simm.s32 @p1 $0x8  }
0x74e: {  	_ =	swait.ge @p1 [sflag:s0], $0x81  }
0x74f: {  	[sflag:s0] =	ssyncset.done @p1 $0x0  }
0x750: {  	[sflag:s0] =	ssyncadd.s32 @p1 $0xFFFFFF7F  }
0x751: {  	v1 =	vld @p1 [tilespmem:$0xA3B8];
	_ =	sdelay $0x1  }
0x752: {  	s0 =	smul.u32 @p1 $0x240, s2;
	_ =	sdelay $0x1  }
0x753: {  	s3 =	sshra.s32 @p1 s0, $0x2  }
0x754: {  	[tilespmem:s3+$0xA478] =	vst.add.f32.msk @p1 $0xffff, v1  }
0x755: {  	v1 =	vld @p1 [tilespmem:$0xA3C8];
	_ =	sdelay $0x4  }
0x756: {  	[tilespmem:s3+$0xA488] =	vst.add.f32.msk @p1 $0xffff, v1  }
0x757: {  	v1 =	vld @p1 [tilespmem:$0xA3D8];
	_ =	sdelay $0x4  }
0x758: {  	[tilespmem:s3+$0xA498] =	vst.add.f32.msk @p1 $0xffff, v1  }
0x759: {  	v1 =	vld @p1 [tilespmem:$0xA3E8];
	_ =	sdelay $0x4  }
0x75a: {  	[tilespmem:s3+$0xA4A8] =	vst.add.f32.msk @p1 $0xffff, v1  }
0x75b: {  	v1 =	vld @p1 [tilespmem:$0xA3F8];
	_ =	sdelay $0x4  }
0x75c: {  	[tilespmem:s3+$0xA4B8] =	vst.add.f32.msk @p1 $0xffff, v1  }
0x75d: {  	v1 =	vld @p1 [tilespmem:$0xA408];
	_ =	sdelay $0x4  }
0x75e: {  	[tilespmem:s3+$0xA4C8] =	vst.add.f32.msk @p1 $0xffff, v1  }
0x75f: {  	v1 =	vld @p1 [tilespmem:$0xA418];
	_ =	sdelay $0x4  }
0x760: {  	[tilespmem:s3+$0xA4D8] =	vst.add.f32.msk @p1 $0xffff, v1  }
0x761: {  	v1 =	vld @p1 [tilespmem:$0xA428];
	_ =	sdelay $0x4  }
0x762: {  	[tilespmem:s3+$0xA4E8] =	vst.add.f32.msk @p1 $0xffff, v1  }
0x763: {  	v1 =	vld @p1 [tilespmem:$0xA438];
	_ =	sdelay $0x2  }
0x764: {  	s4 =	smul.u32 @!p1 $0x240, s2;
	_ =	sdelay $0x1  }
0x765: {  	s4 =	smov.u32 @p1 s0;
	[tilespmem:s3+$0xA4F8] =	vst.add.f32.msk @p1 $0xffff, v1  }
0x766: {  	s0 =	sshra.s32 s4, $0x2;
	[tilespmem:s1+$0xA458] =	vst.msk $0x1, v0  }
0x767: {  	v0 =	vld [tilespmem:s0+$0xA478];
	_ =	sdelay $0x1  }
0x768: {  	s31 =	smul.u32 $0x240, s1;
	_ =	sdelay $0x1  }
0x769: {  	s3 =	sshra.s32 s31, $0x2  }
0x76a: {  	[tilespmem:s3+$0xA478] =	vst v0  }
0x76b: {  	v0 =	vld [tilespmem:s0+$0xA488];
	_ =	sdelay $0x4  }
0x76c: {  	[tilespmem:s3+$0xA488] =	vst v0  }
0x76d: {  	v0 =	vld [tilespmem:s0+$0xA498];
	_ =	sdelay $0x4  }
0x76e: {  	[tilespmem:s3+$0xA498] =	vst v0  }
0x76f: {  	v0 =	vld [tilespmem:s0+$0xA4A8];
	_ =	sdelay $0x4  }
0x770: {  	[tilespmem:s3+$0xA4A8] =	vst v0  }
0x771: {  	v0 =	vld [tilespmem:s0+$0xA4B8];
	_ =	sdelay $0x4  }
0x772: {  	[tilespmem:s3+$0xA4B8] =	vst v0  }
0x773: {  	v0 =	vld [tilespmem:s0+$0xA4C8];
	_ =	sdelay $0x4  }
0x774: {  	[tilespmem:s3+$0xA4C8] =	vst v0  }
0x775: {  	v0 =	vld [tilespmem:s0+$0xA4D8];
	_ =	sdelay $0x4  }
0x776: {  	[tilespmem:s3+$0xA4D8] =	vst v0  }
0x777: {  	v0 =	vld [tilespmem:s0+$0xA4E8];
	_ =	sdelay $0x4  }
0x778: {  	[tilespmem:s3+$0xA4E8] =	vst v0  }
0x779: {  	v0 =	vld [tilespmem:s0+$0xA4F8];
	_ =	sdelay $0x4  }
0x77a: {  	s1 =	sadd.s32 $0x1, s1;
	[tilespmem:s3+$0xA4F8] =	vst v0  }
.LBB2_52:
0x77b: {  	s2 =	sadd.s32 $0x1, s2  }
0x77c: {  	p1 =	sne.s32 s2, $0x20  }
.Ltmp37:
0x77d: {  	_ = 	snop;
	(pc) =	sbr.rel @!p1 .LBB2_53-.Ltmp37, $1  }
0x77e: {  	_ =	sdelay $0x3  }
.LBB2_45:
0x77f: {  	v0 =	vld.msk [tilespmem:s2+$0xA458], $0x1;
	_ =	sdelay $0x4  }
0x780: {  	(v2sf) =	vpush v0, $0x0;
	_ =	sdelay $0xe  }
0x781: {  	s0 =	spop (v2sf)  }
0x782: {  	p1 =	seq.s32 s0, $0xFFFFFFFF  }
.Ltmp38:
0x783: {  	_ = 	snop;
	(pc) =	sbr.rel @p1 .LBB2_52-.Ltmp38, $1  }
0x784: {  	_ =	sdelay $0x3  }
0x785: {  	p1 =	slt.s32 s1, $0x1  }
.Ltmp39:
0x786: {  	_ = 	snop;
	(pc) =	sbr.rel @p1 .LBB2_51-.Ltmp39, $1  }
0x787: {  	_ =	sdelay $0x3  }
0x788: {  	s3 =	simm.s32 $0xA458;
	p1 =	por $0x0, $0x0  }
0x789: {  	v1 =	vld.msk @!p1 [tilespmem:s3+$0x0], $0x1;
	_ =	sdelay $0x4  }
0x78a: {  	(v2sf) =	vpush @!p1 v1, $0x0;
	_ =	sdelay $0xd  }
0x78b: {  	p3 =	sne.s32 s1, $0x1  }
.Ltmp40:
0x78c: {  	s4 =	spop @!p1 (v2sf);
	(pc) =	sbr.rel @!p3 .LBB2_49-.Ltmp40, $4  }
0x78d: {  	p2 =	seq.s32 @!p1 s0, s4  }
0x78e: {  	s4 =	simm.s32 $0x0;
	p2 =	por !p2, p1  }
0x78f: {  	s7 =	simm.s32 $0xFFFFFFFF;
	s4 =	simm.s32 @p2 $0xFFFFFFFF  }
0x790: {  	s6 =	simm.s32 $0x1;
	s4 =	smov.u32 @p1 s7  }
.LBB2_48:
0x791: {  	s7 =	smov.u32 s4;
	p1 =	sne.s32 s4, $0xFFFFFFFF  }
0x792: {  	s3 =	sadd.s32 $0x1, s3;
	s4 =	smov.u32 s6;
	s6 =	sadd.s32 $0x1, s6  }
0x793: {  	p2 =	sne.s32 s1, s6;
	v1 =	vld.msk @!p1 [tilespmem:s3+$0x0], $0x1;
	_ =	sdelay $0x4  }
0x794: {  	(v2sf) =	vpush @!p1 v1, $0x0;
	_ =	sdelay $0xe  }
.Ltmp41:
0x795: {  	s8 =	spop @!p1 (v2sf);
	(pc) =	sbr.rel @p2 .LBB2_48-.Ltmp41, $4  }
0x796: {  	p3 =	seq.s32 @!p1 s0, s8  }
0x797: {  	p3 =	por !p3, p1  }
0x798: {  	s4 =	simm.s32 @p3 $0xFFFFFFFF  }
0x799: {  	s4 =	smov.u32 @p1 s7  }
.LBB2_49:
0x79a: {  	p1 =	seq.s32 s4, $0xFFFFFFFF  }
.Ltmp42:
0x79b: {  	_ = 	snop;
	(pc) =	sbr.rel @p1 .LBB2_51-.Ltmp42, $1  }
0x79c: {  	_ =	sdelay $0x3  }
0x79d: {  	s0 =	smul.u32 $0x240, s2;
	_ =	sdelay $0x1  }
0x79e: {  	s0 =	sshra.s32 s0, $0x2  }
0x79f: {  	v0 =	vld [tilespmem:s0+$0xA478];
	_ =	sdelay $0x1  }
0x7a0: {  	s3 =	smul.u32 $0x240, s4;
	_ =	sdelay $0x1  }
0x7a1: {  	s3 =	sshra.s32 s3, $0x2  }
0x7a2: {  	[tilespmem:s3+$0xA478] =	vst.add.f32.msk $0xffff, v0  }
0x7a3: {  	v0 =	vld [tilespmem:s0+$0xA488];
	_ =	sdelay $0x4  }
0x7a4: {  	[tilespmem:s3+$0xA488] =	vst.add.f32.msk $0xffff, v0  }
0x7a5: {  	v0 =	vld [tilespmem:s0+$0xA498];
	_ =	sdelay $0x4  }
0x7a6: {  	[tilespmem:s3+$0xA498] =	vst.add.f32.msk $0xffff, v0  }
0x7a7: {  	v0 =	vld [tilespmem:s0+$0xA4A8];
	_ =	sdelay $0x4  }
0x7a8: {  	[tilespmem:s3+$0xA4A8] =	vst.add.f32.msk $0xffff, v0  }
0x7a9: {  	v0 =	vld [tilespmem:s0+$0xA4B8];
	_ =	sdelay $0x4  }
0x7aa: {  	[tilespmem:s3+$0xA4B8] =	vst.add.f32.msk $0xffff, v0  }
0x7ab: {  	v0 =	vld [tilespmem:s0+$0xA4C8];
	_ =	sdelay $0x4  }
0x7ac: {  	[tilespmem:s3+$0xA4C8] =	vst.add.f32.msk $0xffff, v0  }
0x7ad: {  	v0 =	vld [tilespmem:s0+$0xA4D8];
	_ =	sdelay $0x4  }
0x7ae: {  	[tilespmem:s3+$0xA4D8] =	vst.add.f32.msk $0xffff, v0  }
0x7af: {  	v0 =	vld [tilespmem:s0+$0xA4E8];
	_ =	sdelay $0x4  }
0x7b0: {  	[tilespmem:s3+$0xA4E8] =	vst.add.f32.msk $0xffff, v0  }
0x7b1: {  	v0 =	vld [tilespmem:s0+$0xA4F8]  }
.Ltmp43:
0x7b2: {  	_ = 	snop;
	(pc) =	sbr.rel .LBB2_52-.Ltmp43, $2  }
0x7b3: {  	_ =	sdelay $0x2  }
0x7b4: {  	[tilespmem:s3+$0xA4F8] =	vst.add.f32.msk $0xffff, v0  }
.LBB2_53:
0x7b5: {  	p1 =	slt.s32 s1, $0x1  }
.Ltmp44:
0x7b6: {  	_ = 	snop;
	(pc) =	sbr.rel @p1 .LBB2_57-.Ltmp44, $3  }
0x7b7: {  	_ =	sdelay $0x1  }
0x7b8: {  	s0 =	simm.s32 $0x8  }
0x7b9: {  	s3 =	simm.s32 $0x0;
	[sflag:s0] =	ssyncpa.u1 $0x1  }
0x7ba: {  	s0 =	simm.s32 $0xA458  }
0x7bb: {  	v0 =	vld.msk [tilespmem:s0+$0x0], $0x1;
	_ =	sdelay $0x4  }
0x7bc: {  	(v2sf) =	vpush v0, $0x0;
	_ =	sdelay $0xe  }
0x7bd: {  	s0 =	sadd.s32 $0xFFFFFFFF, s1;
	s2 =	spop (v2sf)  }
0x7be: {  	s6 =	simm.s32 $0xA478;
	p1 =	sne.s32 s0, $0x0;
	p2 =	sgt.u32 s2, $0x1FF7F  }
.Ltmp45:
0x7bf: {  	s1 =	simm.s32 $0xA508;
	s4 =	sand.u32 @!p2 $0x1FFF8, s2;
	(pc) =	sbr.rel @!p1 .LBB2_56-.Ltmp45, $4  }
0x7c0: {  	s7 =	sadd.s32 @!p2 $0x80, s2;
	s3 =	simm.s32 @!p2 $0x204;
	s8 =	sadd.s32 @!p2 s5, s4  }
0x7c1: {  	s4 =	sand.u32 @!p2 $0x7, s2;
	s2 =	simm.s32 $0xA459;
	s7 =	sand.u32 @!p2 $0x3FFF8, s7  }
0x7c2: {  	[hbm4b:s8+s4] =	stream.linear.scatter @!p2 [tilespmem:s6], [sflag:$0x7], $0x80, $0x38;
	[tilespmem:$0x1D958] =	vst v63  }
0x7c3: {  	s3 =	sadd.s32 $0x0, s3;
	s6 =	simm.s32 @!p2 $0xA4F8;
	s7 =	sadd.s32 @!p2 s5, s7  }
.LBB2_55:
0x7c4: {  	[hbm4b:s7+s4] =	stream.linear.scatter @!p2 [tilespmem:s6], [sflag:$0x7], $0x1, $0x38;
	[tilespmem:$0x1D958] =	vst v63  }
0x7c5: {  	s0 =	sadd.s32 $0xFFFFFFFF, s0;
	s6 =	smov.u32 s1;
	v0 =	vld.msk [tilespmem:s2+$0x0], $0x1  }
0x7c6: {  	p1 =	sne.s32 s0, $0x0;
	_ =	sdelay $0x3  }
0x7c7: {  	(v2sf) =	vpush v0, $0x0;
	_ =	sdelay $0xe  }
0x7c8: {  	s1 =	sadd.s32 $0x90, s1;
	s8 =	simm.s32 $0x0;
	s4 =	spop (v2sf)  }
.Ltmp46:
0x7c9: {  	s2 =	sadd.s32 $0x1, s2;
	p2 =	sgt.u32 s4, $0x1FF7F;
	(pc) =	sbr.rel @p1 .LBB2_55-.Ltmp46, $4  }
0x7ca: {  	s8 =	simm.s32 @!p2 $0x204;
	s7 =	sand.u32 @!p2 $0x1FFF8, s4;
	s9 =	sadd.s32 @!p2 $0x80, s4  }
0x7cb: {  	s4 =	sand.u32 @!p2 $0x7, s4;
	s7 =	sadd.s32 @!p2 s5, s7;
	s9 =	sand.u32 @!p2 $0x3FFF8, s9  }
0x7cc: {  	[hbm4b:s7+s4] =	stream.linear.scatter @!p2 [tilespmem:s6], [sflag:$0x7], $0x80, $0x38;
	[tilespmem:$0x1D958] =	vst v63  }
0x7cd: {  	s3 =	sadd.s32 s3, s8;
	s6 =	sadd.s32 @!p2 $0x80, s6;
	s7 =	sadd.s32 @!p2 s5, s9  }
.LBB2_56:
0x7ce: {  	[hbm4b:s7+s4] =	stream.linear.scatter @!p2 [tilespmem:s6], [sflag:$0x7], $0x1, $0x38;
	[tilespmem:$0x1D958] =	vst v63  }
0x7cf: {  	s3 =	sshrl.u32 s3, $0x2  }
.LBB2_57:
0x7d0: {  	s0 =	simm.s32 $0x7  }
0x7d1: {  	_ =	swait.ge [sflag:s0], s3  }
0x7d2: {  	s1 =	ssub.s32 $0x0, s3;
	[sflag:s0] =	ssyncset.done $0x0  }
0x7d3: {  	[sflag:s0] =	ssyncadd.s32 s1  }
0x7d4: {  	[sflag:s0] =	ssyncpa.u1 $0x1  }
.LBB2_58:
0x7d5: {  	_ =	sfence;
	s0 =	simm.s32 $0x1  }
0x7d6: {  	[sflag:s0] =	ssyncpa.u1 $0x1  }
0x7d7: {  	_ =	strace $0x90000047  }
0x7d8: {  	[bflag:$0x2] =	sbarrier.arrive $0xFFFF  }
0x7d9: {  	s0 =	rddreg [dreg:$0x3]  }
0x7da: {  	s0 =	sadd.s32 @!p0 $0x100000, s0  }
0x7db: {  	[sflag:s0] =	ssyncadd.tile.s32 @!p0 $0x1;
	_ =	shalt  }
.Lfunc_end2:
_tile_overlayer_lowered:
.L_overlay_start_2:
0x7dc: {  	(tag) =	ssettag $0x2  }
0x7dd: {  	s0 =	rddreg [dreg:$0x0];
	s2 =	stileid.u32  }
0x7de: {  	s1 =	rddreg [dreg:$0x1];
	p0 =	sne.s32 s2, $0x0  }
0x7df: {  	s3 =	rddreg [dreg:$0x2];
	[bflag:$0x3] =	sbarrier.arrive $0xFFFF;
	s2 =	simm.s32 @!p0 $0x1C01  }
0x7e0: {  	[timem:s3], [sflag:s2] =	dma.local @!p0 [hbm:s0], s1  }
0x7e1: {  	s0 =	simm.s32 @!p0 $0x1  }
0x7e2: {  	_ =	swait.ge @!p0 [sflag:s0], s1  }
0x7e3: {  	s1 =	ssub.s32 @!p0 $0x0, s1;
	[sflag:s0] =	ssyncset.done @!p0 $0x0  }
0x7e4: {  	[sflag:s0] =	ssyncadd.s32 @!p0 s1  }
0x7e5: {  	[bflag:$0x3] =	sbarrier.arrive $0xFFFF  }
0x7e6: {  	_ =	shalt  }

</sc_bundles>
